<compile_context>
chip_gen: v7x
topology: tpu7x:2x2x1
jax: 0.10.2.dev20260603
libtpu: 0.0.44.dev20260713+nightly
codegen_flags: <defaults>
</compile_context>

<pallas_src>
import functools

import jax
import jax.numpy as jnp
from jax import lax
from jax.experimental import pallas as pl
from jax.experimental.pallas import tpu as pltpu
from jax.experimental.pallas import tpu_sc as plsc

N = 10000
D = 128
HD = D // 2
CW = 16
NC, NS = 2, 16
CHUNK = 250
NB = 16
BL = 1000
R0 = (N // NS) // 8 * 8
TAIL = N - NS * R0


def _sc_mesh():
    return plsc.VectorSubcoreMesh(
        core_axis_name="c", subcore_axis_name="s",
        num_cores=NC, num_subcores=NS)


def _make_sc_agg(n_edges, with_counts):
    ept = n_edges // NS
    nch = ept // CHUNK
    nblk = nch // NB
    nbuf = 4

    out_type = [jax.ShapeDtypeStruct((NC, N, HD), jnp.float32)]
    scratch = [
        pltpu.VMEM((NB, CHUNK), jnp.int32),
        pltpu.VMEM((NB, CHUNK), jnp.int32),
        [pltpu.VMEM((CHUNK, HD), jnp.float32) for _ in range(nbuf)],
        [pltpu.SemaphoreType.DMA for _ in range(nbuf)],
        [pltpu.SemaphoreType.DMA for _ in range(nbuf)],
        pltpu.VMEM_SHARED((N, HD), jnp.float32),
        pltpu.SemaphoreType.DMA,
    ]
    if with_counts:
        out_type.append(jax.ShapeDtypeStruct((NC * N, CW), jnp.float32))
        scratch += [
            pltpu.VMEM((CHUNK, CW), jnp.float32),
            pltpu.VMEM_SHARED((N, CW), jnp.float32),
        ]

    @functools.partial(pl.kernel,
                       out_type=tuple(out_type) if with_counts else out_type[0],
                       mesh=_sc_mesh(), scratch_types=scratch,
                       compiler_params=pltpu.CompilerParams(
                           use_tc_tiling_on_sc=False))
    def k(*refs):
        if with_counts:
            (table3, src4, dst4, zf, zc, ones_in, outf3, outc,
             srcv, dstv, rowb, gsem, ssem, accf, sem, onesv, accc) = refs
        else:
            (table3, src4, dst4, zf, outf3,
             srcv, dstv, rowb, gsem, ssem, accf, sem) = refs
        c = lax.axis_index("c")
        s = lax.axis_index("s")

        pltpu.sync_copy(zf.at[pl.ds(s * R0, R0)], accf.at[pl.ds(s * R0, R0)])
        if with_counts:
            pltpu.sync_copy(zc.at[pl.ds(s * R0, R0)],
                            accc.at[pl.ds(s * R0, R0)])
            pltpu.sync_copy(ones_in, onesv)

        @pl.when(s == NS - 1)
        def _():
            pltpu.sync_copy(zf.at[pl.ds(NS * R0, TAIL)],
                            accf.at[pl.ds(NS * R0, TAIL)])
            if with_counts:
                pltpu.sync_copy(zc.at[pl.ds(NS * R0, TAIL)],
                                accc.at[pl.ds(NS * R0, TAIL)])

        plsc.subcore_barrier()

        def blk(b, carry):
            pltpu.sync_copy(src4.at[s, b], srcv)
            pltpu.sync_copy(dst4.at[s, b], dstv)

            def start_g(q):
                return pltpu.async_copy(table3.at[c].at[srcv.at[q]],
                                        rowb[q % nbuf], gsem[q % nbuf])

            gd = [None] * NB
            for q in range(2):
                gd[q] = start_g(q)
            for j in range(NB):
                gd[j].wait()
                if j + 2 < NB:
                    gd[j + 2] = start_g(j + 2)
                pltpu.sync_copy(rowb[j % nbuf], accf.at[dstv.at[j]],
                                add=True)
                if with_counts:
                    @pl.when(c == j % 2)
                    def _():
                        pltpu.sync_copy(onesv, accc.at[dstv.at[j]],
                                        add=True)
            return carry

        lax.fori_loop(0, nblk, blk, 0)
        plsc.subcore_barrier()

        pltpu.sync_copy(accf.at[pl.ds(s * R0, R0)],
                        outf3.at[c].at[pl.ds(s * R0, R0)])
        if with_counts:
            pltpu.sync_copy(accc.at[pl.ds(s * R0, R0)],
                            outc.at[pl.ds(c * N + s * R0, R0)])

        @pl.when(s == NS - 1)
        def _():
            pltpu.sync_copy(accf.at[pl.ds(NS * R0, TAIL)],
                            outf3.at[c].at[pl.ds(NS * R0, TAIL)])
            if with_counts:
                pltpu.sync_copy(accc.at[pl.ds(NS * R0, TAIL)],
                                outc.at[pl.ds(c * N + NS * R0, TAIL)])

    return k


def _tc1_body(a3, c0, c1, xr, wl1a, wl1b, wr1, b1r, wl2a, wl2b, wr2, b2r,
              g3_ref, r2_ref):
    cnt = c0[...] + c1[...]
    rinv = 1.0 / jnp.maximum(cnt[:, 0:1], 1.0)
    h = jnp.dot(a3[0] * rinv, wl1a[...], preferred_element_type=jnp.float32)
    h += jnp.dot(a3[1] * rinv, wl1b[...], preferred_element_type=jnp.float32)
    h += jnp.dot(xr[...], wr1[...], preferred_element_type=jnp.float32)
    h = jnp.maximum(h + b1r[...], 0.0)
    g3_ref[0] = jnp.dot(h, wl2a[...], preferred_element_type=jnp.float32)
    g3_ref[1] = jnp.dot(h, wl2b[...], preferred_element_type=jnp.float32)
    r2_ref[...] = (jnp.dot(h, wr2[...], preferred_element_type=jnp.float32)
                   + b2r[...])


def _tc2_body(gs3, c0, c1, r2r, out_ref):
    cnt = c0[...] + c1[...]
    rinv = 1.0 / jnp.maximum(cnt[:, 0:1], 1.0)
    out_ref[:, 0:HD] = gs3[0] * rinv + r2r[:, 0:HD]
    out_ref[:, HD:D] = gs3[1] * rinv + r2r[:, HD:D]


def _half_spec():
    return pl.BlockSpec((2, BL, HD), lambda i: (0, i, 0))


def _cnt_spec(half):
    off = half * (N // BL)
    return pl.BlockSpec((BL, CW), lambda i, o=off: (i + o, 0))


def _full_spec(shape):
    n = len(shape)
    return pl.BlockSpec(shape, lambda i: (0,) * n)


def _row_spec():
    return pl.BlockSpec((BL, D), lambda i: (i, 0))


def kernel(x, edge_index, W_l1, W_r1, b1, W_l2, W_r2, b2):
    n_edges = edge_index.shape[1]
    nch = n_edges // NS // CHUNK
    nblk = nch // NB
    src4 = edge_index[0].reshape(NS, nblk, NB, CHUNK)
    dst4 = edge_index[1].reshape(NS, nblk, NB, CHUNK)
    x3 = x.reshape(N, 2, HD).transpose(1, 0, 2)
    zf = jnp.zeros((N, HD), jnp.float32)
    zc = jnp.zeros((N, CW), jnp.float32)
    ones_in = jnp.ones((CHUNK, CW), jnp.float32)
    b1r = b1.reshape(1, D)
    b2r = b2.reshape(1, D)
    wl1a, wl1b = W_l1[:HD], W_l1[HD:]
    wl2a, wl2b = W_l2[:, :HD], W_l2[:, HD:]

    agg3, cnts = _make_sc_agg(n_edges, True)(x3, src4, dst4, zf, zc, ones_in)

    grid = (N // BL,)
    g3, r2 = pl.pallas_call(
        _tc1_body,
        grid=grid,
        in_specs=[
            _half_spec(), _cnt_spec(0), _cnt_spec(1),
            _row_spec(),
            _full_spec((HD, D)), _full_spec((HD, D)), _full_spec((D, D)),
            _full_spec((1, D)),
            _full_spec((D, HD)), _full_spec((D, HD)), _full_spec((D, D)),
            _full_spec((1, D)),
        ],
        out_specs=[_half_spec(), _row_spec()],
        out_shape=[jax.ShapeDtypeStruct((2, N, HD), jnp.float32),
                   jax.ShapeDtypeStruct((N, D), jnp.float32)],
    )(agg3, cnts, cnts, x, wl1a, wl1b, W_r1, b1r, wl2a, wl2b, W_r2, b2r)

    gs3 = _make_sc_agg(n_edges, False)(g3, src4, dst4, zf)

    out = pl.pallas_call(
        _tc2_body,
        grid=grid,
        in_specs=[_half_spec(), _cnt_spec(0), _cnt_spec(1), _row_spec()],
        out_specs=_row_spec(),
        out_shape=jax.ShapeDtypeStruct((N, D), jnp.float32),
    )(gs3, cnts, cnts, r2)

    return out

# --- scband reference (transcript-rebuilt; emitter-appended) ---
"""Pipeline reference for scband-sage-2585570312619 (READ-ONLY COPY).

The authoritative reference and input builder live on the scoring server;
editing this copy changes nothing except your own understanding.
"""

import jax, jax.numpy as jnp
import numpy as np

N_NODES = 10000
N_EDGES = 320000
FEAT_DIM = 128
HIDDEN_DIM = 128


def sage_conv(x, edge_index, W_l, W_r, b):
    # PyG SAGEConv with mean aggregation:
    #   out_i = W_l @ mean_{j in N(i)} x_j + W_r @ x_i + b
    src = edge_index[0]
    dst = edge_index[1]
    msgs = x[src]  # gather neighbor features
    agg = jax.ops.segment_sum(msgs, dst, num_segments=N_NODES)
    cnt = jax.ops.segment_sum(jnp.ones((src.shape[0],), dtype=x.dtype), dst, num_segments=N_NODES)
    agg = agg / jnp.clip(cnt, 1.0, None)[:, None]
    return agg @ W_l + x @ W_r + b


def setup_inputs(seed: int = 0) -> dict:
    key = jax.random.key(seed)
    k1, k2, k3, k4, k5, k6, k7, k8 = jax.random.split(key, 8)
    x = jax.random.normal(k1, (N_NODES, FEAT_DIM), dtype=jnp.float32)
    edge_index = jax.random.randint(k2, (2, N_EDGES), 0, N_NODES, dtype=jnp.int32)
    s1 = 1.0 / np.sqrt(FEAT_DIM)
    s2 = 1.0 / np.sqrt(HIDDEN_DIM)
    W_l1 = jax.random.normal(k3, (FEAT_DIM, HIDDEN_DIM), dtype=jnp.float32) * s1
    W_r1 = jax.random.normal(k4, (FEAT_DIM, HIDDEN_DIM), dtype=jnp.float32) * s1
    b1 = jnp.zeros((HIDDEN_DIM,), dtype=jnp.float32)
    W_l2 = jax.random.normal(k5, (HIDDEN_DIM, FEAT_DIM), dtype=jnp.float32) * s2
    W_r2 = jax.random.normal(k6, (HIDDEN_DIM, FEAT_DIM), dtype=jnp.float32) * s2
    b2 = jnp.zeros((FEAT_DIM,), dtype=jnp.float32)
    return {"x": x, "edge_index": edge_index, "W_l1": W_l1, "W_r1": W_r1, "b1": b1,
            "W_l2": W_l2, "W_r2": W_r2, "b2": b2}


def reference(x, edge_index, W_l1, W_r1, b1, W_l2, W_r2, b2):
    # Layer 1 + ReLU (dropout is identity in eval mode)
    h = sage_conv(x, edge_index, W_l1, W_r1, b1)
    h = jax.nn.relu(h)
    # Layer 2
    out = sage_conv(h, edge_index, W_l2, W_r2, b2)
    return out

if __name__ == "__main__":
    import jax
    _d = setup_inputs()
    print(jax.jit(kernel)(*tuple(_d.values())))

</pallas_src>

<mosaic_0001>
#map = affine_map<(d0, d1) -> (0, 0, 0)>
#map1 = affine_map<(d0, d1) -> (0, 0, 0, 0)>
#map2 = affine_map<(d0, d1) -> (0, 0)>
module attributes {stable_mosaic.version = 14 : i64} {
  func.func @k(%arg0: i32, %arg1: i32, %arg2: memref<2x10000x64xf32, #tpu.memory_space<hbm>>, %arg3: memref<16x5x16x250xi32, #tpu.memory_space<hbm>>, %arg4: memref<16x5x16x250xi32, #tpu.memory_space<hbm>>, %arg5: memref<10000x64xf32, #tpu.memory_space<hbm>>, %arg6: memref<10000x16xf32, #tpu.memory_space<hbm>>, %arg7: memref<250x16xf32, #tpu.memory_space<hbm>>, %arg8: memref<2x10000x64xf32, #tpu.memory_space<hbm>>, %arg9: memref<20000x16xf32, #tpu.memory_space<hbm>>, %arg10: memref<16x250xi32, #tpu.memory_space<vmem>>, %arg11: memref<16x250xi32, #tpu.memory_space<vmem>>, %arg12: memref<250x64xf32, #tpu.memory_space<vmem>>, %arg13: memref<250x64xf32, #tpu.memory_space<vmem>>, %arg14: memref<250x64xf32, #tpu.memory_space<vmem>>, %arg15: memref<250x64xf32, #tpu.memory_space<vmem>>, %arg16: memref<!tpu.dma_semaphore, #tpu.memory_space<semaphore_mem>>, %arg17: memref<!tpu.dma_semaphore, #tpu.memory_space<semaphore_mem>>, %arg18: memref<!tpu.dma_semaphore, #tpu.memory_space<semaphore_mem>>, %arg19: memref<!tpu.dma_semaphore, #tpu.memory_space<semaphore_mem>>, %arg20: memref<!tpu.dma_semaphore, #tpu.memory_space<semaphore_mem>>, %arg21: memref<!tpu.dma_semaphore, #tpu.memory_space<semaphore_mem>>, %arg22: memref<!tpu.dma_semaphore, #tpu.memory_space<semaphore_mem>>, %arg23: memref<!tpu.dma_semaphore, #tpu.memory_space<semaphore_mem>>, %arg24: memref<10000x64xf32, #tpu.memory_space<vmem_shared>>, %arg25: memref<!tpu.dma_semaphore, #tpu.memory_space<semaphore_mem>>, %arg26: memref<250x16xf32, #tpu.memory_space<vmem>>, %arg27: memref<10000x16xf32, #tpu.memory_space<vmem_shared>>) attributes {dimension_semantics = [#tpu.dimension_semantics<core_parallel>, #tpu.dimension_semantics<subcore_parallel>], iteration_bounds = array<i64: 2, 16>, scalar_prefetch = 0 : i64, scratch_operands = 18 : i64, tpu.core_type = #tpu.core_type<sc_vector_subcore>, window_params = [{transform_indices = #map}, {transform_indices = #map1}, {transform_indices = #map1}, {transform_indices = #map2}, {transform_indices = #map2}, {transform_indices = #map2}, {transform_indices = #map}, {transform_indices = #map2}]} {
    %mul3A = arith.constant 624 : i32
    %mul3A_0 = arith.muli %arg1, %mul3A : i32
    %mul3A_1 = arith.constant 624 : i32
    %mul3A_2 = arith.muli %arg1, %mul3A_1 : i32
    "tpu.region"() ({
      %run_scoped3A = tpu.sem_alloc : memref<!tpu.dma_semaphore, #tpu.memory_space<semaphore_mem>>
      %dma_start3A = arith.constant 0 : i32
      %dma_start3A_30 = tpu.memref_slice %arg24[%mul3A_2, %dma_start3A] : memref<10000x64xf32, #tpu.memory_space<vmem_shared>> -> memref<624x64xf32, #tpu.memory_space<vmem_shared>>
      %dma_start3A_31 = arith.constant 0 : i32
      %dma_start3A_32 = tpu.memref_slice %arg5[%mul3A_0, %dma_start3A_31] : memref<10000x64xf32, #tpu.memory_space<hbm>> -> memref<624x64xf32, #tpu.memory_space<hbm>>
      tpu.enqueue_dma source(%dma_start3A_32 : memref<624x64xf32, #tpu.memory_space<hbm>>) target(%dma_start3A_30 : memref<624x64xf32, #tpu.memory_space<vmem_shared>>) target_semaphore(%run_scoped3A : memref<!tpu.dma_semaphore, #tpu.memory_space<semaphore_mem>>)
      %dma_wait3A = arith.constant 0 : i32
      %dma_wait3A_33 = tpu.memref_slice %arg24[%mul3A_2, %dma_wait3A] : memref<10000x64xf32, #tpu.memory_space<vmem_shared>> -> memref<624x64xf32, #tpu.memory_space<vmem_shared>>
      %dma_wait3A_34 = arith.constant 0 : i32
      %dma_wait3A_35 = tpu.memref_slice %arg5[%mul3A_0, %dma_wait3A_34] : memref<10000x64xf32, #tpu.memory_space<hbm>> -> memref<624x64xf32, #tpu.memory_space<hbm>>
      tpu.wait_dma2 semaphore(%run_scoped3A : memref<!tpu.dma_semaphore, #tpu.memory_space<semaphore_mem>>) src(%dma_wait3A_35 : memref<624x64xf32, #tpu.memory_space<hbm>>) dst(%dma_wait3A_33 : memref<624x64xf32, #tpu.memory_space<vmem_shared>>)
      tpu.yield
    }) : () -> ()
    %mul3A_3 = arith.constant 624 : i32
    %mul3A_4 = arith.muli %arg1, %mul3A_3 : i32
    %mul3A_5 = arith.constant 624 : i32
    %mul3A_6 = arith.muli %arg1, %mul3A_5 : i32
    "tpu.region"() ({
      %run_scoped3A = tpu.sem_alloc : memref<!tpu.dma_semaphore, #tpu.memory_space<semaphore_mem>>
      %dma_start3A = arith.constant 0 : i32
      %dma_start3A_30 = tpu.memref_slice %arg27[%mul3A_6, %dma_start3A] : memref<10000x16xf32, #tpu.memory_space<vmem_shared>> -> memref<624x16xf32, #tpu.memory_space<vmem_shared>>
      %dma_start3A_31 = arith.constant 0 : i32
      %dma_start3A_32 = tpu.memref_slice %arg6[%mul3A_4, %dma_start3A_31] : memref<10000x16xf32, #tpu.memory_space<hbm>> -> memref<624x16xf32, #tpu.memory_space<hbm>>
      tpu.enqueue_dma source(%dma_start3A_32 : memref<624x16xf32, #tpu.memory_space<hbm>>) target(%dma_start3A_30 : memref<624x16xf32, #tpu.memory_space<vmem_shared>>) target_semaphore(%run_scoped3A : memref<!tpu.dma_semaphore, #tpu.memory_space<semaphore_mem>>)
      %dma_wait3A = arith.constant 0 : i32
      %dma_wait3A_33 = tpu.memref_slice %arg27[%mul3A_6, %dma_wait3A] : memref<10000x16xf32, #tpu.memory_space<vmem_shared>> -> memref<624x16xf32, #tpu.memory_space<vmem_shared>>
      %dma_wait3A_34 = arith.constant 0 : i32
      %dma_wait3A_35 = tpu.memref_slice %arg6[%mul3A_4, %dma_wait3A_34] : memref<10000x16xf32, #tpu.memory_space<hbm>> -> memref<624x16xf32, #tpu.memory_space<hbm>>
      tpu.wait_dma2 semaphore(%run_scoped3A : memref<!tpu.dma_semaphore, #tpu.memory_space<semaphore_mem>>) src(%dma_wait3A_35 : memref<624x16xf32, #tpu.memory_space<hbm>>) dst(%dma_wait3A_33 : memref<624x16xf32, #tpu.memory_space<vmem_shared>>)
      tpu.yield
    }) : () -> ()
    "tpu.region"() ({
      %run_scoped3A = tpu.sem_alloc : memref<!tpu.dma_semaphore, #tpu.memory_space<semaphore_mem>>
      tpu.enqueue_dma source(%arg7 : memref<250x16xf32, #tpu.memory_space<hbm>>) target(%arg26 : memref<250x16xf32, #tpu.memory_space<vmem>>) target_semaphore(%run_scoped3A : memref<!tpu.dma_semaphore, #tpu.memory_space<semaphore_mem>>)
      tpu.wait_dma2 semaphore(%run_scoped3A : memref<!tpu.dma_semaphore, #tpu.memory_space<semaphore_mem>>) src(%arg7 : memref<250x16xf32, #tpu.memory_space<hbm>>) dst(%arg26 : memref<250x16xf32, #tpu.memory_space<vmem>>)
      tpu.yield
    }) : () -> ()
    %eq3A = arith.constant 15 : i32
    %eq3A_7 = arith.cmpi eq, %arg1, %eq3A : i32
    %convert_element_type3A = arith.extui %eq3A_7 : i1 to i32
    %cond3A = arith.constant 0 : i32
    %cond3A_8 = arith.cmpi ne, %convert_element_type3A, %cond3A : i32
    scf.if %cond3A_8 {
      "tpu.region"() ({
        %run_scoped3A = tpu.sem_alloc : memref<!tpu.dma_semaphore, #tpu.memory_space<semaphore_mem>>
        %dma_start3A = arith.constant 9984 : i32
        %dma_start3A_30 = arith.constant 0 : i32
        %dma_start3A_31 = tpu.memref_slice %arg24[%dma_start3A, %dma_start3A_30] : memref<10000x64xf32, #tpu.memory_space<vmem_shared>> -> memref<16x64xf32, #tpu.memory_space<vmem_shared>>
        %dma_start3A_32 = arith.constant 9984 : i32
        %dma_start3A_33 = arith.constant 0 : i32
        %dma_start3A_34 = tpu.memref_slice %arg5[%dma_start3A_32, %dma_start3A_33] : memref<10000x64xf32, #tpu.memory_space<hbm>> -> memref<16x64xf32, #tpu.memory_space<hbm>>
        tpu.enqueue_dma source(%dma_start3A_34 : memref<16x64xf32, #tpu.memory_space<hbm>>) target(%dma_start3A_31 : memref<16x64xf32, #tpu.memory_space<vmem_shared>>) target_semaphore(%run_scoped3A : memref<!tpu.dma_semaphore, #tpu.memory_space<semaphore_mem>>)
        %dma_wait3A = arith.constant 9984 : i32
        %dma_wait3A_35 = arith.constant 0 : i32
        %dma_wait3A_36 = tpu.memref_slice %arg24[%dma_wait3A, %dma_wait3A_35] : memref<10000x64xf32, #tpu.memory_space<vmem_shared>> -> memref<16x64xf32, #tpu.memory_space<vmem_shared>>
        %dma_wait3A_37 = arith.constant 9984 : i32
        %dma_wait3A_38 = arith.constant 0 : i32
        %dma_wait3A_39 = tpu.memref_slice %arg5[%dma_wait3A_37, %dma_wait3A_38] : memref<10000x64xf32, #tpu.memory_space<hbm>> -> memref<16x64xf32, #tpu.memory_space<hbm>>
        tpu.wait_dma2 semaphore(%run_scoped3A : memref<!tpu.dma_semaphore, #tpu.memory_space<semaphore_mem>>) src(%dma_wait3A_39 : memref<16x64xf32, #tpu.memory_space<hbm>>) dst(%dma_wait3A_36 : memref<16x64xf32, #tpu.memory_space<vmem_shared>>)
        tpu.yield
      }) : () -> ()
      "tpu.region"() ({
        %run_scoped3A = tpu.sem_alloc : memref<!tpu.dma_semaphore, #tpu.memory_space<semaphore_mem>>
        %dma_start3A = arith.constant 9984 : i32
        %dma_start3A_30 = arith.constant 0 : i32
        %dma_start3A_31 = tpu.memref_slice %arg27[%dma_start3A, %dma_start3A_30] : memref<10000x16xf32, #tpu.memory_space<vmem_shared>> -> memref<16x16xf32, #tpu.memory_space<vmem_shared>>
        %dma_start3A_32 = arith.constant 9984 : i32
        %dma_start3A_33 = arith.constant 0 : i32
        %dma_start3A_34 = tpu.memref_slice %arg6[%dma_start3A_32, %dma_start3A_33] : memref<10000x16xf32, #tpu.memory_space<hbm>> -> memref<16x16xf32, #tpu.memory_space<hbm>>
        tpu.enqueue_dma source(%dma_start3A_34 : memref<16x16xf32, #tpu.memory_space<hbm>>) target(%dma_start3A_31 : memref<16x16xf32, #tpu.memory_space<vmem_shared>>) target_semaphore(%run_scoped3A : memref<!tpu.dma_semaphore, #tpu.memory_space<semaphore_mem>>)
        %dma_wait3A = arith.constant 9984 : i32
        %dma_wait3A_35 = arith.constant 0 : i32
        %dma_wait3A_36 = tpu.memref_slice %arg27[%dma_wait3A, %dma_wait3A_35] : memref<10000x16xf32, #tpu.memory_space<vmem_shared>> -> memref<16x16xf32, #tpu.memory_space<vmem_shared>>
        %dma_wait3A_37 = arith.constant 9984 : i32
        %dma_wait3A_38 = arith.constant 0 : i32
        %dma_wait3A_39 = tpu.memref_slice %arg6[%dma_wait3A_37, %dma_wait3A_38] : memref<10000x16xf32, #tpu.memory_space<hbm>> -> memref<16x16xf32, #tpu.memory_space<hbm>>
        tpu.wait_dma2 semaphore(%run_scoped3A : memref<!tpu.dma_semaphore, #tpu.memory_space<semaphore_mem>>) src(%dma_wait3A_39 : memref<16x16xf32, #tpu.memory_space<hbm>>) dst(%dma_wait3A_36 : memref<16x16xf32, #tpu.memory_space<vmem_shared>>)
        tpu.yield
      }) : () -> ()
    } else {
    }
    %barrier3A = arith.constant 0 : index
    tpu.barrier barrier_id(%barrier3A)
    %scan3A = arith.constant 0 : i32
    %scan3A_9 = arith.constant 0 : i32
    %scan3A_10 = arith.constant 5 : i32
    %scan3A_11 = arith.addi %scan3A_9, %scan3A_10 : i32
    %scan3A_12 = arith.constant 1 : i32
    scf.for %scan3A_30 = %scan3A_9 to %scan3A_11 step %scan3A_12  : i32 {
      "tpu.region"() ({
        %run_scoped3A_476 = tpu.sem_alloc : memref<!tpu.dma_semaphore, #tpu.memory_space<semaphore_mem>>
        %dma_start3A_477 = arith.constant 0 : i32
        %dma_start3A_478 = arith.constant 0 : i32
        %dma_start3A_479 = tpu.memref_slice %arg3[%arg1, %scan3A_30, %dma_start3A_477, %dma_start3A_478] : memref<16x5x16x250xi32, #tpu.memory_space<hbm>> -> memref<1x1x16x250xi32, #tpu.memory_space<hbm>>
        %dma_start3A_480 = tpu.memref_squeeze %dma_start3A_479 : memref<1x1x16x250xi32, #tpu.memory_space<hbm>> -> memref<16x250xi32, #tpu.memory_space<hbm>>
        %dma_start3A_481 = arith.constant 0 : i32
        %dma_start3A_482 = arith.constant 0 : i32
        %dma_start3A_483 = tpu.memref_slice %arg3[%arg1, %scan3A_30, %dma_start3A_481, %dma_start3A_482] : memref<16x5x16x250xi32, #tpu.memory_space<hbm>> -> memref<1x1x16x250xi32, #tpu.memory_space<hbm>>
        %dma_start3A_484 = tpu.memref_squeeze %dma_start3A_483 : memref<1x1x16x250xi32, #tpu.memory_space<hbm>> -> memref<16x250xi32, #tpu.memory_space<hbm>>
        tpu.enqueue_dma source(%dma_start3A_484 : memref<16x250xi32, #tpu.memory_space<hbm>>) target(%arg10 : memref<16x250xi32, #tpu.memory_space<vmem>>) target_semaphore(%run_scoped3A_476 : memref<!tpu.dma_semaphore, #tpu.memory_space<semaphore_mem>>)
        %dma_wait3A_485 = arith.constant 0 : i32
        %dma_wait3A_486 = arith.constant 0 : i32
        %dma_wait3A_487 = tpu.memref_slice %arg3[%arg1, %scan3A_30, %dma_wait3A_485, %dma_wait3A_486] : memref<16x5x16x250xi32, #tpu.memory_space<hbm>> -> memref<1x1x16x250xi32, #tpu.memory_space<hbm>>
        %dma_wait3A_488 = tpu.memref_squeeze %dma_wait3A_487 : memref<1x1x16x250xi32, #tpu.memory_space<hbm>> -> memref<16x250xi32, #tpu.memory_space<hbm>>
        %dma_wait3A_489 = arith.constant 0 : i32
        %dma_wait3A_490 = arith.constant 0 : i32
        %dma_wait3A_491 = tpu.memref_slice %arg3[%arg1, %scan3A_30, %dma_wait3A_489, %dma_wait3A_490] : memref<16x5x16x250xi32, #tpu.memory_space<hbm>> -> memref<1x1x16x250xi32, #tpu.memory_space<hbm>>
        %dma_wait3A_492 = tpu.memref_squeeze %dma_wait3A_491 : memref<1x1x16x250xi32, #tpu.memory_space<hbm>> -> memref<16x250xi32, #tpu.memory_space<hbm>>
        tpu.wait_dma2 semaphore(%run_scoped3A_476 : memref<!tpu.dma_semaphore, #tpu.memory_space<semaphore_mem>>) src(%dma_wait3A_492 : memref<16x250xi32, #tpu.memory_space<hbm>>) dst(%arg10 : memref<16x250xi32, #tpu.memory_space<vmem>>)
        tpu.yield
      }) : () -> ()
      "tpu.region"() ({
        %run_scoped3A_476 = tpu.sem_alloc : memref<!tpu.dma_semaphore, #tpu.memory_space<semaphore_mem>>
        %dma_start3A_477 = arith.constant 0 : i32
        %dma_start3A_478 = arith.constant 0 : i32
        %dma_start3A_479 = tpu.memref_slice %arg4[%arg1, %scan3A_30, %dma_start3A_477, %dma_start3A_478] : memref<16x5x16x250xi32, #tpu.memory_space<hbm>> -> memref<1x1x16x250xi32, #tpu.memory_space<hbm>>
        %dma_start3A_480 = tpu.memref_squeeze %dma_start3A_479 : memref<1x1x16x250xi32, #tpu.memory_space<hbm>> -> memref<16x250xi32, #tpu.memory_space<hbm>>
        %dma_start3A_481 = arith.constant 0 : i32
        %dma_start3A_482 = arith.constant 0 : i32
        %dma_start3A_483 = tpu.memref_slice %arg4[%arg1, %scan3A_30, %dma_start3A_481, %dma_start3A_482] : memref<16x5x16x250xi32, #tpu.memory_space<hbm>> -> memref<1x1x16x250xi32, #tpu.memory_space<hbm>>
        %dma_start3A_484 = tpu.memref_squeeze %dma_start3A_483 : memref<1x1x16x250xi32, #tpu.memory_space<hbm>> -> memref<16x250xi32, #tpu.memory_space<hbm>>
        tpu.enqueue_dma source(%dma_start3A_484 : memref<16x250xi32, #tpu.memory_space<hbm>>) target(%arg11 : memref<16x250xi32, #tpu.memory_space<vmem>>) target_semaphore(%run_scoped3A_476 : memref<!tpu.dma_semaphore, #tpu.memory_space<semaphore_mem>>)
        %dma_wait3A_485 = arith.constant 0 : i32
        %dma_wait3A_486 = arith.constant 0 : i32
        %dma_wait3A_487 = tpu.memref_slice %arg4[%arg1, %scan3A_30, %dma_wait3A_485, %dma_wait3A_486] : memref<16x5x16x250xi32, #tpu.memory_space<hbm>> -> memref<1x1x16x250xi32, #tpu.memory_space<hbm>>
        %dma_wait3A_488 = tpu.memref_squeeze %dma_wait3A_487 : memref<1x1x16x250xi32, #tpu.memory_space<hbm>> -> memref<16x250xi32, #tpu.memory_space<hbm>>
        %dma_wait3A_489 = arith.constant 0 : i32
        %dma_wait3A_490 = arith.constant 0 : i32
        %dma_wait3A_491 = tpu.memref_slice %arg4[%arg1, %scan3A_30, %dma_wait3A_489, %dma_wait3A_490] : memref<16x5x16x250xi32, #tpu.memory_space<hbm>> -> memref<1x1x16x250xi32, #tpu.memory_space<hbm>>
        %dma_wait3A_492 = tpu.memref_squeeze %dma_wait3A_491 : memref<1x1x16x250xi32, #tpu.memory_space<hbm>> -> memref<16x250xi32, #tpu.memory_space<hbm>>
        tpu.wait_dma2 semaphore(%run_scoped3A_476 : memref<!tpu.dma_semaphore, #tpu.memory_space<semaphore_mem>>) src(%dma_wait3A_492 : memref<16x250xi32, #tpu.memory_space<hbm>>) dst(%arg11 : memref<16x250xi32, #tpu.memory_space<vmem>>)
        tpu.yield
      }) : () -> ()
      %dma_start3A = arith.constant 0 : i32
      %dma_start3A_31 = arith.constant 0 : i32
      %dma_start3A_32 = tpu.memref_slice %arg10[%dma_start3A, %dma_start3A_31] : memref<16x250xi32, #tpu.memory_space<vmem>> -> memref<1x250xi32, #tpu.memory_space<vmem>>
      %dma_start3A_33 = tpu.memref_squeeze %dma_start3A_32 : memref<1x250xi32, #tpu.memory_space<vmem>> -> memref<250xi32, #tpu.memory_space<vmem>>
      %dma_start3A_34 = arith.constant 0 : i32
      %dma_start3A_35 = arith.constant 0 : i32
      %dma_start3A_36 = tpu.memref_slice %arg2[%arg0, %dma_start3A_34, %dma_start3A_35] : memref<2x10000x64xf32, #tpu.memory_space<hbm>> -> memref<1x10000x64xf32, #tpu.memory_space<hbm>>
      %dma_start3A_37 = tpu.memref_squeeze %dma_start3A_36 : memref<1x10000x64xf32, #tpu.memory_space<hbm>> -> memref<10000x64xf32, #tpu.memory_space<hbm>>
      %dma_start3A_38 = arith.constant 0 : i32
      %dma_start3A_39 = arith.constant 0 : i32
      %dma_start3A_40 = tpu.memref_slice %dma_start3A_37[%dma_start3A_38, %dma_start3A_39] : memref<10000x64xf32, #tpu.memory_space<hbm>> -> memref<10000x64xf32, #tpu.memory_space<hbm>>
      tpu.enqueue_indirect_dma source(%dma_start3A_40 : memref<10000x64xf32, #tpu.memory_space<hbm>>) target(%arg12 : memref<250x64xf32, #tpu.memory_space<vmem>>) offsets(%dma_start3A_33 : memref<250xi32, #tpu.memory_space<vmem>>) semaphore(%arg16 : memref<!tpu.dma_semaphore, #tpu.memory_space<semaphore_mem>>)
      %dma_start3A_41 = arith.constant 1 : i32
      %dma_start3A_42 = arith.constant 0 : i32
      %dma_start3A_43 = tpu.memref_slice %arg10[%dma_start3A_41, %dma_start3A_42] : memref<16x250xi32, #tpu.memory_space<vmem>> -> memref<1x250xi32, #tpu.memory_space<vmem>>
      %dma_start3A_44 = tpu.memref_squeeze %dma_start3A_43 : memref<1x250xi32, #tpu.memory_space<vmem>> -> memref<250xi32, #tpu.memory_space<vmem>>
      %dma_start3A_45 = arith.constant 0 : i32
      %dma_start3A_46 = arith.constant 0 : i32
      %dma_start3A_47 = tpu.memref_slice %arg2[%arg0, %dma_start3A_45, %dma_start3A_46] : memref<2x10000x64xf32, #tpu.memory_space<hbm>> -> memref<1x10000x64xf32, #tpu.memory_space<hbm>>
      %dma_start3A_48 = tpu.memref_squeeze %dma_start3A_47 : memref<1x10000x64xf32, #tpu.memory_space<hbm>> -> memref<10000x64xf32, #tpu.memory_space<hbm>>
      %dma_start3A_49 = arith.constant 0 : i32
      %dma_start3A_50 = arith.constant 0 : i32
      %dma_start3A_51 = tpu.memref_slice %dma_start3A_48[%dma_start3A_49, %dma_start3A_50] : memref<10000x64xf32, #tpu.memory_space<hbm>> -> memref<10000x64xf32, #tpu.memory_space<hbm>>
      tpu.enqueue_indirect_dma source(%dma_start3A_51 : memref<10000x64xf32, #tpu.memory_space<hbm>>) target(%arg13 : memref<250x64xf32, #tpu.memory_space<vmem>>) offsets(%dma_start3A_44 : memref<250xi32, #tpu.memory_space<vmem>>) semaphore(%arg17 : memref<!tpu.dma_semaphore, #tpu.memory_space<semaphore_mem>>)
      %dma_wait3A = arith.constant 0 : i32
      %dma_wait3A_52 = arith.constant 0 : i32
      %dma_wait3A_53 = tpu.memref_slice %arg10[%dma_wait3A, %dma_wait3A_52] : memref<16x250xi32, #tpu.memory_space<vmem>> -> memref<1x250xi32, #tpu.memory_space<vmem>>
      %dma_wait3A_54 = tpu.memref_squeeze %dma_wait3A_53 : memref<1x250xi32, #tpu.memory_space<vmem>> -> memref<250xi32, #tpu.memory_space<vmem>>
      %dma_wait3A_55 = arith.constant 0 : i32
      %dma_wait3A_56 = arith.constant 0 : i32
      %dma_wait3A_57 = tpu.memref_slice %arg2[%arg0, %dma_wait3A_55, %dma_wait3A_56] : memref<2x10000x64xf32, #tpu.memory_space<hbm>> -> memref<1x10000x64xf32, #tpu.memory_space<hbm>>
      %dma_wait3A_58 = tpu.memref_squeeze %dma_wait3A_57 : memref<1x10000x64xf32, #tpu.memory_space<hbm>> -> memref<10000x64xf32, #tpu.memory_space<hbm>>
      %dma_wait3A_59 = arith.constant 0 : i32
      %dma_wait3A_60 = arith.constant 0 : i32
      %dma_wait3A_61 = tpu.memref_slice %dma_wait3A_58[%dma_wait3A_59, %dma_wait3A_60] : memref<10000x64xf32, #tpu.memory_space<hbm>> -> memref<10000x64xf32, #tpu.memory_space<hbm>>
      tpu.wait_indirect_dma semaphore(%arg16 : memref<!tpu.dma_semaphore, #tpu.memory_space<semaphore_mem>>) src(%dma_wait3A_61 : memref<10000x64xf32, #tpu.memory_space<hbm>>) dst(%arg12 : memref<250x64xf32, #tpu.memory_space<vmem>>)
      %dma_start3A_62 = arith.constant 2 : i32
      %dma_start3A_63 = arith.constant 0 : i32
      %dma_start3A_64 = tpu.memref_slice %arg10[%dma_start3A_62, %dma_start3A_63] : memref<16x250xi32, #tpu.memory_space<vmem>> -> memref<1x250xi32, #tpu.memory_space<vmem>>
      %dma_start3A_65 = tpu.memref_squeeze %dma_start3A_64 : memref<1x250xi32, #tpu.memory_space<vmem>> -> memref<250xi32, #tpu.memory_space<vmem>>
      %dma_start3A_66 = arith.constant 0 : i32
      %dma_start3A_67 = arith.constant 0 : i32
      %dma_start3A_68 = tpu.memref_slice %arg2[%arg0, %dma_start3A_66, %dma_start3A_67] : memref<2x10000x64xf32, #tpu.memory_space<hbm>> -> memref<1x10000x64xf32, #tpu.memory_space<hbm>>
      %dma_start3A_69 = tpu.memref_squeeze %dma_start3A_68 : memref<1x10000x64xf32, #tpu.memory_space<hbm>> -> memref<10000x64xf32, #tpu.memory_space<hbm>>
      %dma_start3A_70 = arith.constant 0 : i32
      %dma_start3A_71 = arith.constant 0 : i32
      %dma_start3A_72 = tpu.memref_slice %dma_start3A_69[%dma_start3A_70, %dma_start3A_71] : memref<10000x64xf32, #tpu.memory_space<hbm>> -> memref<10000x64xf32, #tpu.memory_space<hbm>>
      tpu.enqueue_indirect_dma source(%dma_start3A_72 : memref<10000x64xf32, #tpu.memory_space<hbm>>) target(%arg14 : memref<250x64xf32, #tpu.memory_space<vmem>>) offsets(%dma_start3A_65 : memref<250xi32, #tpu.memory_space<vmem>>) semaphore(%arg18 : memref<!tpu.dma_semaphore, #tpu.memory_space<semaphore_mem>>)
      %run_scoped3A = arith.constant 0 : i32
      "tpu.region"() ({
        %run_scoped3A_476 = tpu.sem_alloc : memref<!tpu.dma_semaphore, #tpu.memory_space<semaphore_mem>>
        %dma_start3A_477 = arith.constant 0 : i32
        %dma_start3A_478 = tpu.memref_slice %arg11[%run_scoped3A, %dma_start3A_477] : memref<16x250xi32, #tpu.memory_space<vmem>> -> memref<1x250xi32, #tpu.memory_space<vmem>>
        %dma_start3A_479 = tpu.memref_squeeze %dma_start3A_478 : memref<1x250xi32, #tpu.memory_space<vmem>> -> memref<250xi32, #tpu.memory_space<vmem>>
        %dma_start3A_480 = arith.constant 0 : i32
        %dma_start3A_481 = arith.constant 0 : i32
        %dma_start3A_482 = tpu.memref_slice %arg24[%dma_start3A_480, %dma_start3A_481] : memref<10000x64xf32, #tpu.memory_space<vmem_shared>> -> memref<10000x64xf32, #tpu.memory_space<vmem_shared>>
        tpu.enqueue_indirect_dma source(%arg12 : memref<250x64xf32, #tpu.memory_space<vmem>>) target(%dma_start3A_482 : memref<10000x64xf32, #tpu.memory_space<vmem_shared>>) offsets(%dma_start3A_479 : memref<250xi32, #tpu.memory_space<vmem>>) semaphore(%run_scoped3A_476 : memref<!tpu.dma_semaphore, #tpu.memory_space<semaphore_mem>>) {add = true}
        %dma_wait3A_483 = arith.constant 0 : i32
        %dma_wait3A_484 = tpu.memref_slice %arg11[%run_scoped3A, %dma_wait3A_483] : memref<16x250xi32, #tpu.memory_space<vmem>> -> memref<1x250xi32, #tpu.memory_space<vmem>>
        %dma_wait3A_485 = tpu.memref_squeeze %dma_wait3A_484 : memref<1x250xi32, #tpu.memory_space<vmem>> -> memref<250xi32, #tpu.memory_space<vmem>>
        %dma_wait3A_486 = arith.constant 0 : i32
        %dma_wait3A_487 = arith.constant 0 : i32
        %dma_wait3A_488 = tpu.memref_slice %arg24[%dma_wait3A_486, %dma_wait3A_487] : memref<10000x64xf32, #tpu.memory_space<vmem_shared>> -> memref<10000x64xf32, #tpu.memory_space<vmem_shared>>
        tpu.wait_indirect_dma semaphore(%run_scoped3A_476 : memref<!tpu.dma_semaphore, #tpu.memory_space<semaphore_mem>>) src(%arg12 : memref<250x64xf32, #tpu.memory_space<vmem>>) dst(%dma_wait3A_488 : memref<10000x64xf32, #tpu.memory_space<vmem_shared>>)
        tpu.yield
      }) : () -> ()
      %eq3A_73 = arith.constant 0 : i32
      %eq3A_74 = arith.cmpi eq, %arg0, %eq3A_73 : i32
      %convert_element_type3A_75 = arith.extui %eq3A_74 : i1 to i32
      %cond3A_76 = arith.constant 0 : i32
      %cond3A_77 = arith.cmpi ne, %convert_element_type3A_75, %cond3A_76 : i32
      scf.if %cond3A_77 {
        %run_scoped3A_476 = arith.constant 0 : i32
        "tpu.region"() ({
          %run_scoped3A_477 = tpu.sem_alloc : memref<!tpu.dma_semaphore, #tpu.memory_space<semaphore_mem>>
          %dma_start3A_478 = arith.constant 0 : i32
          %dma_start3A_479 = tpu.memref_slice %arg11[%run_scoped3A_476, %dma_start3A_478] : memref<16x250xi32, #tpu.memory_space<vmem>> -> memref<1x250xi32, #tpu.memory_space<vmem>>
          %dma_start3A_480 = tpu.memref_squeeze %dma_start3A_479 : memref<1x250xi32, #tpu.memory_space<vmem>> -> memref<250xi32, #tpu.memory_space<vmem>>
          %dma_start3A_481 = arith.constant 0 : i32
          %dma_start3A_482 = arith.constant 0 : i32
          %dma_start3A_483 = tpu.memref_slice %arg27[%dma_start3A_481, %dma_start3A_482] : memref<10000x16xf32, #tpu.memory_space<vmem_shared>> -> memref<10000x16xf32, #tpu.memory_space<vmem_shared>>
          tpu.enqueue_indirect_dma source(%arg26 : memref<250x16xf32, #tpu.memory_space<vmem>>) target(%dma_start3A_483 : memref<10000x16xf32, #tpu.memory_space<vmem_shared>>) offsets(%dma_start3A_480 : memref<250xi32, #tpu.memory_space<vmem>>) semaphore(%run_scoped3A_477 : memref<!tpu.dma_semaphore, #tpu.memory_space<semaphore_mem>>) {add = true}
          %dma_wait3A_484 = arith.constant 0 : i32
          %dma_wait3A_485 = tpu.memref_slice %arg11[%run_scoped3A_476, %dma_wait3A_484] : memref<16x250xi32, #tpu.memory_space<vmem>> -> memref<1x250xi32, #tpu.memory_space<vmem>>
          %dma_wait3A_486 = tpu.memref_squeeze %dma_wait3A_485 : memref<1x250xi32, #tpu.memory_space<vmem>> -> memref<250xi32, #tpu.memory_space<vmem>>
          %dma_wait3A_487 = arith.constant 0 : i32
          %dma_wait3A_488 = arith.constant 0 : i32
          %dma_wait3A_489 = tpu.memref_slice %arg27[%dma_wait3A_487, %dma_wait3A_488] : memref<10000x16xf32, #tpu.memory_space<vmem_shared>> -> memref<10000x16xf32, #tpu.memory_space<vmem_shared>>
          tpu.wait_indirect_dma semaphore(%run_scoped3A_477 : memref<!tpu.dma_semaphore, #tpu.memory_space<semaphore_mem>>) src(%arg26 : memref<250x16xf32, #tpu.memory_space<vmem>>) dst(%dma_wait3A_489 : memref<10000x16xf32, #tpu.memory_space<vmem_shared>>)
          tpu.yield
        }) : () -> ()
      } else {
      }
      %dma_wait3A_78 = arith.constant 1 : i32
      %dma_wait3A_79 = arith.constant 0 : i32
      %dma_wait3A_80 = tpu.memref_slice %arg10[%dma_wait3A_78, %dma_wait3A_79] : memref<16x250xi32, #tpu.memory_space<vmem>> -> memref<1x250xi32, #tpu.memory_space<vmem>>
      %dma_wait3A_81 = tpu.memref_squeeze %dma_wait3A_80 : memref<1x250xi32, #tpu.memory_space<vmem>> -> memref<250xi32, #tpu.memory_space<vmem>>
      %dma_wait3A_82 = arith.constant 0 : i32
      %dma_wait3A_83 = arith.constant 0 : i32
      %dma_wait3A_84 = tpu.memref_slice %arg2[%arg0, %dma_wait3A_82, %dma_wait3A_83] : memref<2x10000x64xf32, #tpu.memory_space<hbm>> -> memref<1x10000x64xf32, #tpu.memory_space<hbm>>
      %dma_wait3A_85 = tpu.memref_squeeze %dma_wait3A_84 : memref<1x10000x64xf32, #tpu.memory_space<hbm>> -> memref<10000x64xf32, #tpu.memory_space<hbm>>
      %dma_wait3A_86 = arith.constant 0 : i32
      %dma_wait3A_87 = arith.constant 0 : i32
      %dma_wait3A_88 = tpu.memref_slice %dma_wait3A_85[%dma_wait3A_86, %dma_wait3A_87] : memref<10000x64xf32, #tpu.memory_space<hbm>> -> memref<10000x64xf32, #tpu.memory_space<hbm>>
      tpu.wait_indirect_dma semaphore(%arg17 : memref<!tpu.dma_semaphore, #tpu.memory_space<semaphore_mem>>) src(%dma_wait3A_88 : memref<10000x64xf32, #tpu.memory_space<hbm>>) dst(%arg13 : memref<250x64xf32, #tpu.memory_space<vmem>>)
      %dma_start3A_89 = arith.constant 3 : i32
      %dma_start3A_90 = arith.constant 0 : i32
      %dma_start3A_91 = tpu.memref_slice %arg10[%dma_start3A_89, %dma_start3A_90] : memref<16x250xi32, #tpu.memory_space<vmem>> -> memref<1x250xi32, #tpu.memory_space<vmem>>
      %dma_start3A_92 = tpu.memref_squeeze %dma_start3A_91 : memref<1x250xi32, #tpu.memory_space<vmem>> -> memref<250xi32, #tpu.memory_space<vmem>>
      %dma_start3A_93 = arith.constant 0 : i32
      %dma_start3A_94 = arith.constant 0 : i32
      %dma_start3A_95 = tpu.memref_slice %arg2[%arg0, %dma_start3A_93, %dma_start3A_94] : memref<2x10000x64xf32, #tpu.memory_space<hbm>> -> memref<1x10000x64xf32, #tpu.memory_space<hbm>>
      %dma_start3A_96 = tpu.memref_squeeze %dma_start3A_95 : memref<1x10000x64xf32, #tpu.memory_space<hbm>> -> memref<10000x64xf32, #tpu.memory_space<hbm>>
      %dma_start3A_97 = arith.constant 0 : i32
      %dma_start3A_98 = arith.constant 0 : i32
      %dma_start3A_99 = tpu.memref_slice %dma_start3A_96[%dma_start3A_97, %dma_start3A_98] : memref<10000x64xf32, #tpu.memory_space<hbm>> -> memref<10000x64xf32, #tpu.memory_space<hbm>>
      tpu.enqueue_indirect_dma source(%dma_start3A_99 : memref<10000x64xf32, #tpu.memory_space<hbm>>) target(%arg15 : memref<250x64xf32, #tpu.memory_space<vmem>>) offsets(%dma_start3A_92 : memref<250xi32, #tpu.memory_space<vmem>>) semaphore(%arg19 : memref<!tpu.dma_semaphore, #tpu.memory_space<semaphore_mem>>)
      %run_scoped3A_100 = arith.constant 1 : i32
      "tpu.region"() ({
        %run_scoped3A_476 = tpu.sem_alloc : memref<!tpu.dma_semaphore, #tpu.memory_space<semaphore_mem>>
        %dma_start3A_477 = arith.constant 0 : i32
        %dma_start3A_478 = tpu.memref_slice %arg11[%run_scoped3A_100, %dma_start3A_477] : memref<16x250xi32, #tpu.memory_space<vmem>> -> memref<1x250xi32, #tpu.memory_space<vmem>>
        %dma_start3A_479 = tpu.memref_squeeze %dma_start3A_478 : memref<1x250xi32, #tpu.memory_space<vmem>> -> memref<250xi32, #tpu.memory_space<vmem>>
        %dma_start3A_480 = arith.constant 0 : i32
        %dma_start3A_481 = arith.constant 0 : i32
        %dma_start3A_482 = tpu.memref_slice %arg24[%dma_start3A_480, %dma_start3A_481] : memref<10000x64xf32, #tpu.memory_space<vmem_shared>> -> memref<10000x64xf32, #tpu.memory_space<vmem_shared>>
        tpu.enqueue_indirect_dma source(%arg13 : memref<250x64xf32, #tpu.memory_space<vmem>>) target(%dma_start3A_482 : memref<10000x64xf32, #tpu.memory_space<vmem_shared>>) offsets(%dma_start3A_479 : memref<250xi32, #tpu.memory_space<vmem>>) semaphore(%run_scoped3A_476 : memref<!tpu.dma_semaphore, #tpu.memory_space<semaphore_mem>>) {add = true}
        %dma_wait3A_483 = arith.constant 0 : i32
        %dma_wait3A_484 = tpu.memref_slice %arg11[%run_scoped3A_100, %dma_wait3A_483] : memref<16x250xi32, #tpu.memory_space<vmem>> -> memref<1x250xi32, #tpu.memory_space<vmem>>
        %dma_wait3A_485 = tpu.memref_squeeze %dma_wait3A_484 : memref<1x250xi32, #tpu.memory_space<vmem>> -> memref<250xi32, #tpu.memory_space<vmem>>
        %dma_wait3A_486 = arith.constant 0 : i32
        %dma_wait3A_487 = arith.constant 0 : i32
        %dma_wait3A_488 = tpu.memref_slice %arg24[%dma_wait3A_486, %dma_wait3A_487] : memref<10000x64xf32, #tpu.memory_space<vmem_shared>> -> memref<10000x64xf32, #tpu.memory_space<vmem_shared>>
        tpu.wait_indirect_dma semaphore(%run_scoped3A_476 : memref<!tpu.dma_semaphore, #tpu.memory_space<semaphore_mem>>) src(%arg13 : memref<250x64xf32, #tpu.memory_space<vmem>>) dst(%dma_wait3A_488 : memref<10000x64xf32, #tpu.memory_space<vmem_shared>>)
        tpu.yield
      }) : () -> ()
      %eq3A_101 = arith.constant 1 : i32
      %eq3A_102 = arith.cmpi eq, %arg0, %eq3A_101 : i32
      %convert_element_type3A_103 = arith.extui %eq3A_102 : i1 to i32
      %cond3A_104 = arith.constant 0 : i32
      %cond3A_105 = arith.cmpi ne, %convert_element_type3A_103, %cond3A_104 : i32
      scf.if %cond3A_105 {
        %run_scoped3A_476 = arith.constant 1 : i32
        "tpu.region"() ({
          %run_scoped3A_477 = tpu.sem_alloc : memref<!tpu.dma_semaphore, #tpu.memory_space<semaphore_mem>>
          %dma_start3A_478 = arith.constant 0 : i32
          %dma_start3A_479 = tpu.memref_slice %arg11[%run_scoped3A_476, %dma_start3A_478] : memref<16x250xi32, #tpu.memory_space<vmem>> -> memref<1x250xi32, #tpu.memory_space<vmem>>
          %dma_start3A_480 = tpu.memref_squeeze %dma_start3A_479 : memref<1x250xi32, #tpu.memory_space<vmem>> -> memref<250xi32, #tpu.memory_space<vmem>>
          %dma_start3A_481 = arith.constant 0 : i32
          %dma_start3A_482 = arith.constant 0 : i32
          %dma_start3A_483 = tpu.memref_slice %arg27[%dma_start3A_481, %dma_start3A_482] : memref<10000x16xf32, #tpu.memory_space<vmem_shared>> -> memref<10000x16xf32, #tpu.memory_space<vmem_shared>>
          tpu.enqueue_indirect_dma source(%arg26 : memref<250x16xf32, #tpu.memory_space<vmem>>) target(%dma_start3A_483 : memref<10000x16xf32, #tpu.memory_space<vmem_shared>>) offsets(%dma_start3A_480 : memref<250xi32, #tpu.memory_space<vmem>>) semaphore(%run_scoped3A_477 : memref<!tpu.dma_semaphore, #tpu.memory_space<semaphore_mem>>) {add = true}
          %dma_wait3A_484 = arith.constant 0 : i32
          %dma_wait3A_485 = tpu.memref_slice %arg11[%run_scoped3A_476, %dma_wait3A_484] : memref<16x250xi32, #tpu.memory_space<vmem>> -> memref<1x250xi32, #tpu.memory_space<vmem>>
          %dma_wait3A_486 = tpu.memref_squeeze %dma_wait3A_485 : memref<1x250xi32, #tpu.memory_space<vmem>> -> memref<250xi32, #tpu.memory_space<vmem>>
          %dma_wait3A_487 = arith.constant 0 : i32
          %dma_wait3A_488 = arith.constant 0 : i32
          %dma_wait3A_489 = tpu.memref_slice %arg27[%dma_wait3A_487, %dma_wait3A_488] : memref<10000x16xf32, #tpu.memory_space<vmem_shared>> -> memref<10000x16xf32, #tpu.memory_space<vmem_shared>>
          tpu.wait_indirect_dma semaphore(%run_scoped3A_477 : memref<!tpu.dma_semaphore, #tpu.memory_space<semaphore_mem>>) src(%arg26 : memref<250x16xf32, #tpu.memory_space<vmem>>) dst(%dma_wait3A_489 : memref<10000x16xf32, #tpu.memory_space<vmem_shared>>)
          tpu.yield
        }) : () -> ()
      } else {
      }
      %dma_wait3A_106 = arith.constant 2 : i32
      %dma_wait3A_107 = arith.constant 0 : i32
      %dma_wait3A_108 = tpu.memref_slice %arg10[%dma_wait3A_106, %dma_wait3A_107] : memref<16x250xi32, #tpu.memory_space<vmem>> -> memref<1x250xi32, #tpu.memory_space<vmem>>
      %dma_wait3A_109 = tpu.memref_squeeze %dma_wait3A_108 : memref<1x250xi32, #tpu.memory_space<vmem>> -> memref<250xi32, #tpu.memory_space<vmem>>
      %dma_wait3A_110 = arith.constant 0 : i32
      %dma_wait3A_111 = arith.constant 0 : i32
      %dma_wait3A_112 = tpu.memref_slice %arg2[%arg0, %dma_wait3A_110, %dma_wait3A_111] : memref<2x10000x64xf32, #tpu.memory_space<hbm>> -> memref<1x10000x64xf32, #tpu.memory_space<hbm>>
      %dma_wait3A_113 = tpu.memref_squeeze %dma_wait3A_112 : memref<1x10000x64xf32, #tpu.memory_space<hbm>> -> memref<10000x64xf32, #tpu.memory_space<hbm>>
      %dma_wait3A_114 = arith.constant 0 : i32
      %dma_wait3A_115 = arith.constant 0 : i32
      %dma_wait3A_116 = tpu.memref_slice %dma_wait3A_113[%dma_wait3A_114, %dma_wait3A_115] : memref<10000x64xf32, #tpu.memory_space<hbm>> -> memref<10000x64xf32, #tpu.memory_space<hbm>>
      tpu.wait_indirect_dma semaphore(%arg18 : memref<!tpu.dma_semaphore, #tpu.memory_space<semaphore_mem>>) src(%dma_wait3A_116 : memref<10000x64xf32, #tpu.memory_space<hbm>>) dst(%arg14 : memref<250x64xf32, #tpu.memory_space<vmem>>)
      %dma_start3A_117 = arith.constant 4 : i32
      %dma_start3A_118 = arith.constant 0 : i32
      %dma_start3A_119 = tpu.memref_slice %arg10[%dma_start3A_117, %dma_start3A_118] : memref<16x250xi32, #tpu.memory_space<vmem>> -> memref<1x250xi32, #tpu.memory_space<vmem>>
      %dma_start3A_120 = tpu.memref_squeeze %dma_start3A_119 : memref<1x250xi32, #tpu.memory_space<vmem>> -> memref<250xi32, #tpu.memory_space<vmem>>
      %dma_start3A_121 = arith.constant 0 : i32
      %dma_start3A_122 = arith.constant 0 : i32
      %dma_start3A_123 = tpu.memref_slice %arg2[%arg0, %dma_start3A_121, %dma_start3A_122] : memref<2x10000x64xf32, #tpu.memory_space<hbm>> -> memref<1x10000x64xf32, #tpu.memory_space<hbm>>
      %dma_start3A_124 = tpu.memref_squeeze %dma_start3A_123 : memref<1x10000x64xf32, #tpu.memory_space<hbm>> -> memref<10000x64xf32, #tpu.memory_space<hbm>>
      %dma_start3A_125 = arith.constant 0 : i32
      %dma_start3A_126 = arith.constant 0 : i32
      %dma_start3A_127 = tpu.memref_slice %dma_start3A_124[%dma_start3A_125, %dma_start3A_126] : memref<10000x64xf32, #tpu.memory_space<hbm>> -> memref<10000x64xf32, #tpu.memory_space<hbm>>
      tpu.enqueue_indirect_dma source(%dma_start3A_127 : memref<10000x64xf32, #tpu.memory_space<hbm>>) target(%arg12 : memref<250x64xf32, #tpu.memory_space<vmem>>) offsets(%dma_start3A_120 : memref<250xi32, #tpu.memory_space<vmem>>) semaphore(%arg16 : memref<!tpu.dma_semaphore, #tpu.memory_space<semaphore_mem>>)
      %run_scoped3A_128 = arith.constant 2 : i32
      "tpu.region"() ({
        %run_scoped3A_476 = tpu.sem_alloc : memref<!tpu.dma_semaphore, #tpu.memory_space<semaphore_mem>>
        %dma_start3A_477 = arith.constant 0 : i32
        %dma_start3A_478 = tpu.memref_slice %arg11[%run_scoped3A_128, %dma_start3A_477] : memref<16x250xi32, #tpu.memory_space<vmem>> -> memref<1x250xi32, #tpu.memory_space<vmem>>
        %dma_start3A_479 = tpu.memref_squeeze %dma_start3A_478 : memref<1x250xi32, #tpu.memory_space<vmem>> -> memref<250xi32, #tpu.memory_space<vmem>>
        %dma_start3A_480 = arith.constant 0 : i32
        %dma_start3A_481 = arith.constant 0 : i32
        %dma_start3A_482 = tpu.memref_slice %arg24[%dma_start3A_480, %dma_start3A_481] : memref<10000x64xf32, #tpu.memory_space<vmem_shared>> -> memref<10000x64xf32, #tpu.memory_space<vmem_shared>>
        tpu.enqueue_indirect_dma source(%arg14 : memref<250x64xf32, #tpu.memory_space<vmem>>) target(%dma_start3A_482 : memref<10000x64xf32, #tpu.memory_space<vmem_shared>>) offsets(%dma_start3A_479 : memref<250xi32, #tpu.memory_space<vmem>>) semaphore(%run_scoped3A_476 : memref<!tpu.dma_semaphore, #tpu.memory_space<semaphore_mem>>) {add = true}
        %dma_wait3A_483 = arith.constant 0 : i32
        %dma_wait3A_484 = tpu.memref_slice %arg11[%run_scoped3A_128, %dma_wait3A_483] : memref<16x250xi32, #tpu.memory_space<vmem>> -> memref<1x250xi32, #tpu.memory_space<vmem>>
        %dma_wait3A_485 = tpu.memref_squeeze %dma_wait3A_484 : memref<1x250xi32, #tpu.memory_space<vmem>> -> memref<250xi32, #tpu.memory_space<vmem>>
        %dma_wait3A_486 = arith.constant 0 : i32
        %dma_wait3A_487 = arith.constant 0 : i32
        %dma_wait3A_488 = tpu.memref_slice %arg24[%dma_wait3A_486, %dma_wait3A_487] : memref<10000x64xf32, #tpu.memory_space<vmem_shared>> -> memref<10000x64xf32, #tpu.memory_space<vmem_shared>>
        tpu.wait_indirect_dma semaphore(%run_scoped3A_476 : memref<!tpu.dma_semaphore, #tpu.memory_space<semaphore_mem>>) src(%arg14 : memref<250x64xf32, #tpu.memory_space<vmem>>) dst(%dma_wait3A_488 : memref<10000x64xf32, #tpu.memory_space<vmem_shared>>)
        tpu.yield
      }) : () -> ()
      %eq3A_129 = arith.constant 0 : i32
      %eq3A_130 = arith.cmpi eq, %arg0, %eq3A_129 : i32
      %convert_element_type3A_131 = arith.extui %eq3A_130 : i1 to i32
      %cond3A_132 = arith.constant 0 : i32
      %cond3A_133 = arith.cmpi ne, %convert_element_type3A_131, %cond3A_132 : i32
      scf.if %cond3A_133 {
        %run_scoped3A_476 = arith.constant 2 : i32
        "tpu.region"() ({
          %run_scoped3A_477 = tpu.sem_alloc : memref<!tpu.dma_semaphore, #tpu.memory_space<semaphore_mem>>
          %dma_start3A_478 = arith.constant 0 : i32
          %dma_start3A_479 = tpu.memref_slice %arg11[%run_scoped3A_476, %dma_start3A_478] : memref<16x250xi32, #tpu.memory_space<vmem>> -> memref<1x250xi32, #tpu.memory_space<vmem>>
          %dma_start3A_480 = tpu.memref_squeeze %dma_start3A_479 : memref<1x250xi32, #tpu.memory_space<vmem>> -> memref<250xi32, #tpu.memory_space<vmem>>
          %dma_start3A_481 = arith.constant 0 : i32
          %dma_start3A_482 = arith.constant 0 : i32
          %dma_start3A_483 = tpu.memref_slice %arg27[%dma_start3A_481, %dma_start3A_482] : memref<10000x16xf32, #tpu.memory_space<vmem_shared>> -> memref<10000x16xf32, #tpu.memory_space<vmem_shared>>
          tpu.enqueue_indirect_dma source(%arg26 : memref<250x16xf32, #tpu.memory_space<vmem>>) target(%dma_start3A_483 : memref<10000x16xf32, #tpu.memory_space<vmem_shared>>) offsets(%dma_start3A_480 : memref<250xi32, #tpu.memory_space<vmem>>) semaphore(%run_scoped3A_477 : memref<!tpu.dma_semaphore, #tpu.memory_space<semaphore_mem>>) {add = true}
          %dma_wait3A_484 = arith.constant 0 : i32
          %dma_wait3A_485 = tpu.memref_slice %arg11[%run_scoped3A_476, %dma_wait3A_484] : memref<16x250xi32, #tpu.memory_space<vmem>> -> memref<1x250xi32, #tpu.memory_space<vmem>>
          %dma_wait3A_486 = tpu.memref_squeeze %dma_wait3A_485 : memref<1x250xi32, #tpu.memory_space<vmem>> -> memref<250xi32, #tpu.memory_space<vmem>>
          %dma_wait3A_487 = arith.constant 0 : i32
          %dma_wait3A_488 = arith.constant 0 : i32
          %dma_wait3A_489 = tpu.memref_slice %arg27[%dma_wait3A_487, %dma_wait3A_488] : memref<10000x16xf32, #tpu.memory_space<vmem_shared>> -> memref<10000x16xf32, #tpu.memory_space<vmem_shared>>
          tpu.wait_indirect_dma semaphore(%run_scoped3A_477 : memref<!tpu.dma_semaphore, #tpu.memory_space<semaphore_mem>>) src(%arg26 : memref<250x16xf32, #tpu.memory_space<vmem>>) dst(%dma_wait3A_489 : memref<10000x16xf32, #tpu.memory_space<vmem_shared>>)
          tpu.yield
        }) : () -> ()
      } else {
      }
      %dma_wait3A_134 = arith.constant 3 : i32
      %dma_wait3A_135 = arith.constant 0 : i32
      %dma_wait3A_136 = tpu.memref_slice %arg10[%dma_wait3A_134, %dma_wait3A_135] : memref<16x250xi32, #tpu.memory_space<vmem>> -> memref<1x250xi32, #tpu.memory_space<vmem>>
      %dma_wait3A_137 = tpu.memref_squeeze %dma_wait3A_136 : memref<1x250xi32, #tpu.memory_space<vmem>> -> memref<250xi32, #tpu.memory_space<vmem>>
      %dma_wait3A_138 = arith.constant 0 : i32
      %dma_wait3A_139 = arith.constant 0 : i32
      %dma_wait3A_140 = tpu.memref_slice %arg2[%arg0, %dma_wait3A_138, %dma_wait3A_139] : memref<2x10000x64xf32, #tpu.memory_space<hbm>> -> memref<1x10000x64xf32, #tpu.memory_space<hbm>>
      %dma_wait3A_141 = tpu.memref_squeeze %dma_wait3A_140 : memref<1x10000x64xf32, #tpu.memory_space<hbm>> -> memref<10000x64xf32, #tpu.memory_space<hbm>>
      %dma_wait3A_142 = arith.constant 0 : i32
      %dma_wait3A_143 = arith.constant 0 : i32
      %dma_wait3A_144 = tpu.memref_slice %dma_wait3A_141[%dma_wait3A_142, %dma_wait3A_143] : memref<10000x64xf32, #tpu.memory_space<hbm>> -> memref<10000x64xf32, #tpu.memory_space<hbm>>
      tpu.wait_indirect_dma semaphore(%arg19 : memref<!tpu.dma_semaphore, #tpu.memory_space<semaphore_mem>>) src(%dma_wait3A_144 : memref<10000x64xf32, #tpu.memory_space<hbm>>) dst(%arg15 : memref<250x64xf32, #tpu.memory_space<vmem>>)
      %dma_start3A_145 = arith.constant 5 : i32
      %dma_start3A_146 = arith.constant 0 : i32
      %dma_start3A_147 = tpu.memref_slice %arg10[%dma_start3A_145, %dma_start3A_146] : memref<16x250xi32, #tpu.memory_space<vmem>> -> memref<1x250xi32, #tpu.memory_space<vmem>>
      %dma_start3A_148 = tpu.memref_squeeze %dma_start3A_147 : memref<1x250xi32, #tpu.memory_space<vmem>> -> memref<250xi32, #tpu.memory_space<vmem>>
      %dma_start3A_149 = arith.constant 0 : i32
      %dma_start3A_150 = arith.constant 0 : i32
      %dma_start3A_151 = tpu.memref_slice %arg2[%arg0, %dma_start3A_149, %dma_start3A_150] : memref<2x10000x64xf32, #tpu.memory_space<hbm>> -> memref<1x10000x64xf32, #tpu.memory_space<hbm>>
      %dma_start3A_152 = tpu.memref_squeeze %dma_start3A_151 : memref<1x10000x64xf32, #tpu.memory_space<hbm>> -> memref<10000x64xf32, #tpu.memory_space<hbm>>
      %dma_start3A_153 = arith.constant 0 : i32
      %dma_start3A_154 = arith.constant 0 : i32
      %dma_start3A_155 = tpu.memref_slice %dma_start3A_152[%dma_start3A_153, %dma_start3A_154] : memref<10000x64xf32, #tpu.memory_space<hbm>> -> memref<10000x64xf32, #tpu.memory_space<hbm>>
      tpu.enqueue_indirect_dma source(%dma_start3A_155 : memref<10000x64xf32, #tpu.memory_space<hbm>>) target(%arg13 : memref<250x64xf32, #tpu.memory_space<vmem>>) offsets(%dma_start3A_148 : memref<250xi32, #tpu.memory_space<vmem>>) semaphore(%arg17 : memref<!tpu.dma_semaphore, #tpu.memory_space<semaphore_mem>>)
      %run_scoped3A_156 = arith.constant 3 : i32
      "tpu.region"() ({
        %run_scoped3A_476 = tpu.sem_alloc : memref<!tpu.dma_semaphore, #tpu.memory_space<semaphore_mem>>
        %dma_start3A_477 = arith.constant 0 : i32
        %dma_start3A_478 = tpu.memref_slice %arg11[%run_scoped3A_156, %dma_start3A_477] : memref<16x250xi32, #tpu.memory_space<vmem>> -> memref<1x250xi32, #tpu.memory_space<vmem>>
        %dma_start3A_479 = tpu.memref_squeeze %dma_start3A_478 : memref<1x250xi32, #tpu.memory_space<vmem>> -> memref<250xi32, #tpu.memory_space<vmem>>
        %dma_start3A_480 = arith.constant 0 : i32
        %dma_start3A_481 = arith.constant 0 : i32
        %dma_start3A_482 = tpu.memref_slice %arg24[%dma_start3A_480, %dma_start3A_481] : memref<10000x64xf32, #tpu.memory_space<vmem_shared>> -> memref<10000x64xf32, #tpu.memory_space<vmem_shared>>
        tpu.enqueue_indirect_dma source(%arg15 : memref<250x64xf32, #tpu.memory_space<vmem>>) target(%dma_start3A_482 : memref<10000x64xf32, #tpu.memory_space<vmem_shared>>) offsets(%dma_start3A_479 : memref<250xi32, #tpu.memory_space<vmem>>) semaphore(%run_scoped3A_476 : memref<!tpu.dma_semaphore, #tpu.memory_space<semaphore_mem>>) {add = true}
        %dma_wait3A_483 = arith.constant 0 : i32
        %dma_wait3A_484 = tpu.memref_slice %arg11[%run_scoped3A_156, %dma_wait3A_483] : memref<16x250xi32, #tpu.memory_space<vmem>> -> memref<1x250xi32, #tpu.memory_space<vmem>>
        %dma_wait3A_485 = tpu.memref_squeeze %dma_wait3A_484 : memref<1x250xi32, #tpu.memory_space<vmem>> -> memref<250xi32, #tpu.memory_space<vmem>>
        %dma_wait3A_486 = arith.constant 0 : i32
        %dma_wait3A_487 = arith.constant 0 : i32
        %dma_wait3A_488 = tpu.memref_slice %arg24[%dma_wait3A_486, %dma_wait3A_487] : memref<10000x64xf32, #tpu.memory_space<vmem_shared>> -> memref<10000x64xf32, #tpu.memory_space<vmem_shared>>
        tpu.wait_indirect_dma semaphore(%run_scoped3A_476 : memref<!tpu.dma_semaphore, #tpu.memory_space<semaphore_mem>>) src(%arg15 : memref<250x64xf32, #tpu.memory_space<vmem>>) dst(%dma_wait3A_488 : memref<10000x64xf32, #tpu.memory_space<vmem_shared>>)
        tpu.yield
      }) : () -> ()
      %eq3A_157 = arith.constant 1 : i32
      %eq3A_158 = arith.cmpi eq, %arg0, %eq3A_157 : i32
      %convert_element_type3A_159 = arith.extui %eq3A_158 : i1 to i32
      %cond3A_160 = arith.constant 0 : i32
      %cond3A_161 = arith.cmpi ne, %convert_element_type3A_159, %cond3A_160 : i32
      scf.if %cond3A_161 {
        %run_scoped3A_476 = arith.constant 3 : i32
        "tpu.region"() ({
          %run_scoped3A_477 = tpu.sem_alloc : memref<!tpu.dma_semaphore, #tpu.memory_space<semaphore_mem>>
          %dma_start3A_478 = arith.constant 0 : i32
          %dma_start3A_479 = tpu.memref_slice %arg11[%run_scoped3A_476, %dma_start3A_478] : memref<16x250xi32, #tpu.memory_space<vmem>> -> memref<1x250xi32, #tpu.memory_space<vmem>>
          %dma_start3A_480 = tpu.memref_squeeze %dma_start3A_479 : memref<1x250xi32, #tpu.memory_space<vmem>> -> memref<250xi32, #tpu.memory_space<vmem>>
          %dma_start3A_481 = arith.constant 0 : i32
          %dma_start3A_482 = arith.constant 0 : i32
          %dma_start3A_483 = tpu.memref_slice %arg27[%dma_start3A_481, %dma_start3A_482] : memref<10000x16xf32, #tpu.memory_space<vmem_shared>> -> memref<10000x16xf32, #tpu.memory_space<vmem_shared>>
          tpu.enqueue_indirect_dma source(%arg26 : memref<250x16xf32, #tpu.memory_space<vmem>>) target(%dma_start3A_483 : memref<10000x16xf32, #tpu.memory_space<vmem_shared>>) offsets(%dma_start3A_480 : memref<250xi32, #tpu.memory_space<vmem>>) semaphore(%run_scoped3A_477 : memref<!tpu.dma_semaphore, #tpu.memory_space<semaphore_mem>>) {add = true}
          %dma_wait3A_484 = arith.constant 0 : i32
          %dma_wait3A_485 = tpu.memref_slice %arg11[%run_scoped3A_476, %dma_wait3A_484] : memref<16x250xi32, #tpu.memory_space<vmem>> -> memref<1x250xi32, #tpu.memory_space<vmem>>
          %dma_wait3A_486 = tpu.memref_squeeze %dma_wait3A_485 : memref<1x250xi32, #tpu.memory_space<vmem>> -> memref<250xi32, #tpu.memory_space<vmem>>
          %dma_wait3A_487 = arith.constant 0 : i32
          %dma_wait3A_488 = arith.constant 0 : i32
          %dma_wait3A_489 = tpu.memref_slice %arg27[%dma_wait3A_487, %dma_wait3A_488] : memref<10000x16xf32, #tpu.memory_space<vmem_shared>> -> memref<10000x16xf32, #tpu.memory_space<vmem_shared>>
          tpu.wait_indirect_dma semaphore(%run_scoped3A_477 : memref<!tpu.dma_semaphore, #tpu.memory_space<semaphore_mem>>) src(%arg26 : memref<250x16xf32, #tpu.memory_space<vmem>>) dst(%dma_wait3A_489 : memref<10000x16xf32, #tpu.memory_space<vmem_shared>>)
          tpu.yield
        }) : () -> ()
      } else {
      }
      %dma_wait3A_162 = arith.constant 4 : i32
      %dma_wait3A_163 = arith.constant 0 : i32
      %dma_wait3A_164 = tpu.memref_slice %arg10[%dma_wait3A_162, %dma_wait3A_163] : memref<16x250xi32, #tpu.memory_space<vmem>> -> memref<1x250xi32, #tpu.memory_space<vmem>>
      %dma_wait3A_165 = tpu.memref_squeeze %dma_wait3A_164 : memref<1x250xi32, #tpu.memory_space<vmem>> -> memref<250xi32, #tpu.memory_space<vmem>>
      %dma_wait3A_166 = arith.constant 0 : i32
      %dma_wait3A_167 = arith.constant 0 : i32
      %dma_wait3A_168 = tpu.memref_slice %arg2[%arg0, %dma_wait3A_166, %dma_wait3A_167] : memref<2x10000x64xf32, #tpu.memory_space<hbm>> -> memref<1x10000x64xf32, #tpu.memory_space<hbm>>
      %dma_wait3A_169 = tpu.memref_squeeze %dma_wait3A_168 : memref<1x10000x64xf32, #tpu.memory_space<hbm>> -> memref<10000x64xf32, #tpu.memory_space<hbm>>
      %dma_wait3A_170 = arith.constant 0 : i32
      %dma_wait3A_171 = arith.constant 0 : i32
      %dma_wait3A_172 = tpu.memref_slice %dma_wait3A_169[%dma_wait3A_170, %dma_wait3A_171] : memref<10000x64xf32, #tpu.memory_space<hbm>> -> memref<10000x64xf32, #tpu.memory_space<hbm>>
      tpu.wait_indirect_dma semaphore(%arg16 : memref<!tpu.dma_semaphore, #tpu.memory_space<semaphore_mem>>) src(%dma_wait3A_172 : memref<10000x64xf32, #tpu.memory_space<hbm>>) dst(%arg12 : memref<250x64xf32, #tpu.memory_space<vmem>>)
      %dma_start3A_173 = arith.constant 6 : i32
      %dma_start3A_174 = arith.constant 0 : i32
      %dma_start3A_175 = tpu.memref_slice %arg10[%dma_start3A_173, %dma_start3A_174] : memref<16x250xi32, #tpu.memory_space<vmem>> -> memref<1x250xi32, #tpu.memory_space<vmem>>
      %dma_start3A_176 = tpu.memref_squeeze %dma_start3A_175 : memref<1x250xi32, #tpu.memory_space<vmem>> -> memref<250xi32, #tpu.memory_space<vmem>>
      %dma_start3A_177 = arith.constant 0 : i32
      %dma_start3A_178 = arith.constant 0 : i32
      %dma_start3A_179 = tpu.memref_slice %arg2[%arg0, %dma_start3A_177, %dma_start3A_178] : memref<2x10000x64xf32, #tpu.memory_space<hbm>> -> memref<1x10000x64xf32, #tpu.memory_space<hbm>>
      %dma_start3A_180 = tpu.memref_squeeze %dma_start3A_179 : memref<1x10000x64xf32, #tpu.memory_space<hbm>> -> memref<10000x64xf32, #tpu.memory_space<hbm>>
      %dma_start3A_181 = arith.constant 0 : i32
      %dma_start3A_182 = arith.constant 0 : i32
      %dma_start3A_183 = tpu.memref_slice %dma_start3A_180[%dma_start3A_181, %dma_start3A_182] : memref<10000x64xf32, #tpu.memory_space<hbm>> -> memref<10000x64xf32, #tpu.memory_space<hbm>>
      tpu.enqueue_indirect_dma source(%dma_start3A_183 : memref<10000x64xf32, #tpu.memory_space<hbm>>) target(%arg14 : memref<250x64xf32, #tpu.memory_space<vmem>>) offsets(%dma_start3A_176 : memref<250xi32, #tpu.memory_space<vmem>>) semaphore(%arg18 : memref<!tpu.dma_semaphore, #tpu.memory_space<semaphore_mem>>)
      %run_scoped3A_184 = arith.constant 4 : i32
      "tpu.region"() ({
        %run_scoped3A_476 = tpu.sem_alloc : memref<!tpu.dma_semaphore, #tpu.memory_space<semaphore_mem>>
        %dma_start3A_477 = arith.constant 0 : i32
        %dma_start3A_478 = tpu.memref_slice %arg11[%run_scoped3A_184, %dma_start3A_477] : memref<16x250xi32, #tpu.memory_space<vmem>> -> memref<1x250xi32, #tpu.memory_space<vmem>>
        %dma_start3A_479 = tpu.memref_squeeze %dma_start3A_478 : memref<1x250xi32, #tpu.memory_space<vmem>> -> memref<250xi32, #tpu.memory_space<vmem>>
        %dma_start3A_480 = arith.constant 0 : i32
        %dma_start3A_481 = arith.constant 0 : i32
        %dma_start3A_482 = tpu.memref_slice %arg24[%dma_start3A_480, %dma_start3A_481] : memref<10000x64xf32, #tpu.memory_space<vmem_shared>> -> memref<10000x64xf32, #tpu.memory_space<vmem_shared>>
        tpu.enqueue_indirect_dma source(%arg12 : memref<250x64xf32, #tpu.memory_space<vmem>>) target(%dma_start3A_482 : memref<10000x64xf32, #tpu.memory_space<vmem_shared>>) offsets(%dma_start3A_479 : memref<250xi32, #tpu.memory_space<vmem>>) semaphore(%run_scoped3A_476 : memref<!tpu.dma_semaphore, #tpu.memory_space<semaphore_mem>>) {add = true}
        %dma_wait3A_483 = arith.constant 0 : i32
        %dma_wait3A_484 = tpu.memref_slice %arg11[%run_scoped3A_184, %dma_wait3A_483] : memref<16x250xi32, #tpu.memory_space<vmem>> -> memref<1x250xi32, #tpu.memory_space<vmem>>
        %dma_wait3A_485 = tpu.memref_squeeze %dma_wait3A_484 : memref<1x250xi32, #tpu.memory_space<vmem>> -> memref<250xi32, #tpu.memory_space<vmem>>
        %dma_wait3A_486 = arith.constant 0 : i32
        %dma_wait3A_487 = arith.constant 0 : i32
        %dma_wait3A_488 = tpu.memref_slice %arg24[%dma_wait3A_486, %dma_wait3A_487] : memref<10000x64xf32, #tpu.memory_space<vmem_shared>> -> memref<10000x64xf32, #tpu.memory_space<vmem_shared>>
        tpu.wait_indirect_dma semaphore(%run_scoped3A_476 : memref<!tpu.dma_semaphore, #tpu.memory_space<semaphore_mem>>) src(%arg12 : memref<250x64xf32, #tpu.memory_space<vmem>>) dst(%dma_wait3A_488 : memref<10000x64xf32, #tpu.memory_space<vmem_shared>>)
        tpu.yield
      }) : () -> ()
      %eq3A_185 = arith.constant 0 : i32
      %eq3A_186 = arith.cmpi eq, %arg0, %eq3A_185 : i32
      %convert_element_type3A_187 = arith.extui %eq3A_186 : i1 to i32
      %cond3A_188 = arith.constant 0 : i32
      %cond3A_189 = arith.cmpi ne, %convert_element_type3A_187, %cond3A_188 : i32
      scf.if %cond3A_189 {
        %run_scoped3A_476 = arith.constant 4 : i32
        "tpu.region"() ({
          %run_scoped3A_477 = tpu.sem_alloc : memref<!tpu.dma_semaphore, #tpu.memory_space<semaphore_mem>>
          %dma_start3A_478 = arith.constant 0 : i32
          %dma_start3A_479 = tpu.memref_slice %arg11[%run_scoped3A_476, %dma_start3A_478] : memref<16x250xi32, #tpu.memory_space<vmem>> -> memref<1x250xi32, #tpu.memory_space<vmem>>
          %dma_start3A_480 = tpu.memref_squeeze %dma_start3A_479 : memref<1x250xi32, #tpu.memory_space<vmem>> -> memref<250xi32, #tpu.memory_space<vmem>>
          %dma_start3A_481 = arith.constant 0 : i32
          %dma_start3A_482 = arith.constant 0 : i32
          %dma_start3A_483 = tpu.memref_slice %arg27[%dma_start3A_481, %dma_start3A_482] : memref<10000x16xf32, #tpu.memory_space<vmem_shared>> -> memref<10000x16xf32, #tpu.memory_space<vmem_shared>>
          tpu.enqueue_indirect_dma source(%arg26 : memref<250x16xf32, #tpu.memory_space<vmem>>) target(%dma_start3A_483 : memref<10000x16xf32, #tpu.memory_space<vmem_shared>>) offsets(%dma_start3A_480 : memref<250xi32, #tpu.memory_space<vmem>>) semaphore(%run_scoped3A_477 : memref<!tpu.dma_semaphore, #tpu.memory_space<semaphore_mem>>) {add = true}
          %dma_wait3A_484 = arith.constant 0 : i32
          %dma_wait3A_485 = tpu.memref_slice %arg11[%run_scoped3A_476, %dma_wait3A_484] : memref<16x250xi32, #tpu.memory_space<vmem>> -> memref<1x250xi32, #tpu.memory_space<vmem>>
          %dma_wait3A_486 = tpu.memref_squeeze %dma_wait3A_485 : memref<1x250xi32, #tpu.memory_space<vmem>> -> memref<250xi32, #tpu.memory_space<vmem>>
          %dma_wait3A_487 = arith.constant 0 : i32
          %dma_wait3A_488 = arith.constant 0 : i32
          %dma_wait3A_489 = tpu.memref_slice %arg27[%dma_wait3A_487, %dma_wait3A_488] : memref<10000x16xf32, #tpu.memory_space<vmem_shared>> -> memref<10000x16xf32, #tpu.memory_space<vmem_shared>>
          tpu.wait_indirect_dma semaphore(%run_scoped3A_477 : memref<!tpu.dma_semaphore, #tpu.memory_space<semaphore_mem>>) src(%arg26 : memref<250x16xf32, #tpu.memory_space<vmem>>) dst(%dma_wait3A_489 : memref<10000x16xf32, #tpu.memory_space<vmem_shared>>)
          tpu.yield
        }) : () -> ()
      } else {
      }
      %dma_wait3A_190 = arith.constant 5 : i32
      %dma_wait3A_191 = arith.constant 0 : i32
      %dma_wait3A_192 = tpu.memref_slice %arg10[%dma_wait3A_190, %dma_wait3A_191] : memref<16x250xi32, #tpu.memory_space<vmem>> -> memref<1x250xi32, #tpu.memory_space<vmem>>
      %dma_wait3A_193 = tpu.memref_squeeze %dma_wait3A_192 : memref<1x250xi32, #tpu.memory_space<vmem>> -> memref<250xi32, #tpu.memory_space<vmem>>
      %dma_wait3A_194 = arith.constant 0 : i32
      %dma_wait3A_195 = arith.constant 0 : i32
      %dma_wait3A_196 = tpu.memref_slice %arg2[%arg0, %dma_wait3A_194, %dma_wait3A_195] : memref<2x10000x64xf32, #tpu.memory_space<hbm>> -> memref<1x10000x64xf32, #tpu.memory_space<hbm>>
      %dma_wait3A_197 = tpu.memref_squeeze %dma_wait3A_196 : memref<1x10000x64xf32, #tpu.memory_space<hbm>> -> memref<10000x64xf32, #tpu.memory_space<hbm>>
      %dma_wait3A_198 = arith.constant 0 : i32
      %dma_wait3A_199 = arith.constant 0 : i32
      %dma_wait3A_200 = tpu.memref_slice %dma_wait3A_197[%dma_wait3A_198, %dma_wait3A_199] : memref<10000x64xf32, #tpu.memory_space<hbm>> -> memref<10000x64xf32, #tpu.memory_space<hbm>>
      tpu.wait_indirect_dma semaphore(%arg17 : memref<!tpu.dma_semaphore, #tpu.memory_space<semaphore_mem>>) src(%dma_wait3A_200 : memref<10000x64xf32, #tpu.memory_space<hbm>>) dst(%arg13 : memref<250x64xf32, #tpu.memory_space<vmem>>)
      %dma_start3A_201 = arith.constant 7 : i32
      %dma_start3A_202 = arith.constant 0 : i32
      %dma_start3A_203 = tpu.memref_slice %arg10[%dma_start3A_201, %dma_start3A_202] : memref<16x250xi32, #tpu.memory_space<vmem>> -> memref<1x250xi32, #tpu.memory_space<vmem>>
      %dma_start3A_204 = tpu.memref_squeeze %dma_start3A_203 : memref<1x250xi32, #tpu.memory_space<vmem>> -> memref<250xi32, #tpu.memory_space<vmem>>
      %dma_start3A_205 = arith.constant 0 : i32
      %dma_start3A_206 = arith.constant 0 : i32
      %dma_start3A_207 = tpu.memref_slice %arg2[%arg0, %dma_start3A_205, %dma_start3A_206] : memref<2x10000x64xf32, #tpu.memory_space<hbm>> -> memref<1x10000x64xf32, #tpu.memory_space<hbm>>
      %dma_start3A_208 = tpu.memref_squeeze %dma_start3A_207 : memref<1x10000x64xf32, #tpu.memory_space<hbm>> -> memref<10000x64xf32, #tpu.memory_space<hbm>>
      %dma_start3A_209 = arith.constant 0 : i32
      %dma_start3A_210 = arith.constant 0 : i32
      %dma_start3A_211 = tpu.memref_slice %dma_start3A_208[%dma_start3A_209, %dma_start3A_210] : memref<10000x64xf32, #tpu.memory_space<hbm>> -> memref<10000x64xf32, #tpu.memory_space<hbm>>
      tpu.enqueue_indirect_dma source(%dma_start3A_211 : memref<10000x64xf32, #tpu.memory_space<hbm>>) target(%arg15 : memref<250x64xf32, #tpu.memory_space<vmem>>) offsets(%dma_start3A_204 : memref<250xi32, #tpu.memory_space<vmem>>) semaphore(%arg19 : memref<!tpu.dma_semaphore, #tpu.memory_space<semaphore_mem>>)
      %run_scoped3A_212 = arith.constant 5 : i32
      "tpu.region"() ({
        %run_scoped3A_476 = tpu.sem_alloc : memref<!tpu.dma_semaphore, #tpu.memory_space<semaphore_mem>>
        %dma_start3A_477 = arith.constant 0 : i32
        %dma_start3A_478 = tpu.memref_slice %arg11[%run_scoped3A_212, %dma_start3A_477] : memref<16x250xi32, #tpu.memory_space<vmem>> -> memref<1x250xi32, #tpu.memory_space<vmem>>
        %dma_start3A_479 = tpu.memref_squeeze %dma_start3A_478 : memref<1x250xi32, #tpu.memory_space<vmem>> -> memref<250xi32, #tpu.memory_space<vmem>>
        %dma_start3A_480 = arith.constant 0 : i32
        %dma_start3A_481 = arith.constant 0 : i32
        %dma_start3A_482 = tpu.memref_slice %arg24[%dma_start3A_480, %dma_start3A_481] : memref<10000x64xf32, #tpu.memory_space<vmem_shared>> -> memref<10000x64xf32, #tpu.memory_space<vmem_shared>>
        tpu.enqueue_indirect_dma source(%arg13 : memref<250x64xf32, #tpu.memory_space<vmem>>) target(%dma_start3A_482 : memref<10000x64xf32, #tpu.memory_space<vmem_shared>>) offsets(%dma_start3A_479 : memref<250xi32, #tpu.memory_space<vmem>>) semaphore(%run_scoped3A_476 : memref<!tpu.dma_semaphore, #tpu.memory_space<semaphore_mem>>) {add = true}
        %dma_wait3A_483 = arith.constant 0 : i32
        %dma_wait3A_484 = tpu.memref_slice %arg11[%run_scoped3A_212, %dma_wait3A_483] : memref<16x250xi32, #tpu.memory_space<vmem>> -> memref<1x250xi32, #tpu.memory_space<vmem>>
        %dma_wait3A_485 = tpu.memref_squeeze %dma_wait3A_484 : memref<1x250xi32, #tpu.memory_space<vmem>> -> memref<250xi32, #tpu.memory_space<vmem>>
        %dma_wait3A_486 = arith.constant 0 : i32
        %dma_wait3A_487 = arith.constant 0 : i32
        %dma_wait3A_488 = tpu.memref_slice %arg24[%dma_wait3A_486, %dma_wait3A_487] : memref<10000x64xf32, #tpu.memory_space<vmem_shared>> -> memref<10000x64xf32, #tpu.memory_space<vmem_shared>>
        tpu.wait_indirect_dma semaphore(%run_scoped3A_476 : memref<!tpu.dma_semaphore, #tpu.memory_space<semaphore_mem>>) src(%arg13 : memref<250x64xf32, #tpu.memory_space<vmem>>) dst(%dma_wait3A_488 : memref<10000x64xf32, #tpu.memory_space<vmem_shared>>)
        tpu.yield
      }) : () -> ()
      %eq3A_213 = arith.constant 1 : i32
      %eq3A_214 = arith.cmpi eq, %arg0, %eq3A_213 : i32
      %convert_element_type3A_215 = arith.extui %eq3A_214 : i1 to i32
      %cond3A_216 = arith.constant 0 : i32
      %cond3A_217 = arith.cmpi ne, %convert_element_type3A_215, %cond3A_216 : i32
      scf.if %cond3A_217 {
        %run_scoped3A_476 = arith.constant 5 : i32
        "tpu.region"() ({
          %run_scoped3A_477 = tpu.sem_alloc : memref<!tpu.dma_semaphore, #tpu.memory_space<semaphore_mem>>
          %dma_start3A_478 = arith.constant 0 : i32
          %dma_start3A_479 = tpu.memref_slice %arg11[%run_scoped3A_476, %dma_start3A_478] : memref<16x250xi32, #tpu.memory_space<vmem>> -> memref<1x250xi32, #tpu.memory_space<vmem>>
          %dma_start3A_480 = tpu.memref_squeeze %dma_start3A_479 : memref<1x250xi32, #tpu.memory_space<vmem>> -> memref<250xi32, #tpu.memory_space<vmem>>
          %dma_start3A_481 = arith.constant 0 : i32
          %dma_start3A_482 = arith.constant 0 : i32
          %dma_start3A_483 = tpu.memref_slice %arg27[%dma_start3A_481, %dma_start3A_482] : memref<10000x16xf32, #tpu.memory_space<vmem_shared>> -> memref<10000x16xf32, #tpu.memory_space<vmem_shared>>
          tpu.enqueue_indirect_dma source(%arg26 : memref<250x16xf32, #tpu.memory_space<vmem>>) target(%dma_start3A_483 : memref<10000x16xf32, #tpu.memory_space<vmem_shared>>) offsets(%dma_start3A_480 : memref<250xi32, #tpu.memory_space<vmem>>) semaphore(%run_scoped3A_477 : memref<!tpu.dma_semaphore, #tpu.memory_space<semaphore_mem>>) {add = true}
          %dma_wait3A_484 = arith.constant 0 : i32
          %dma_wait3A_485 = tpu.memref_slice %arg11[%run_scoped3A_476, %dma_wait3A_484] : memref<16x250xi32, #tpu.memory_space<vmem>> -> memref<1x250xi32, #tpu.memory_space<vmem>>
          %dma_wait3A_486 = tpu.memref_squeeze %dma_wait3A_485 : memref<1x250xi32, #tpu.memory_space<vmem>> -> memref<250xi32, #tpu.memory_space<vmem>>
          %dma_wait3A_487 = arith.constant 0 : i32
          %dma_wait3A_488 = arith.constant 0 : i32
          %dma_wait3A_489 = tpu.memref_slice %arg27[%dma_wait3A_487, %dma_wait3A_488] : memref<10000x16xf32, #tpu.memory_space<vmem_shared>> -> memref<10000x16xf32, #tpu.memory_space<vmem_shared>>
          tpu.wait_indirect_dma semaphore(%run_scoped3A_477 : memref<!tpu.dma_semaphore, #tpu.memory_space<semaphore_mem>>) src(%arg26 : memref<250x16xf32, #tpu.memory_space<vmem>>) dst(%dma_wait3A_489 : memref<10000x16xf32, #tpu.memory_space<vmem_shared>>)
          tpu.yield
        }) : () -> ()
      } else {
      }
      %dma_wait3A_218 = arith.constant 6 : i32
      %dma_wait3A_219 = arith.constant 0 : i32
      %dma_wait3A_220 = tpu.memref_slice %arg10[%dma_wait3A_218, %dma_wait3A_219] : memref<16x250xi32, #tpu.memory_space<vmem>> -> memref<1x250xi32, #tpu.memory_space<vmem>>
      %dma_wait3A_221 = tpu.memref_squeeze %dma_wait3A_220 : memref<1x250xi32, #tpu.memory_space<vmem>> -> memref<250xi32, #tpu.memory_space<vmem>>
      %dma_wait3A_222 = arith.constant 0 : i32
      %dma_wait3A_223 = arith.constant 0 : i32
      %dma_wait3A_224 = tpu.memref_slice %arg2[%arg0, %dma_wait3A_222, %dma_wait3A_223] : memref<2x10000x64xf32, #tpu.memory_space<hbm>> -> memref<1x10000x64xf32, #tpu.memory_space<hbm>>
      %dma_wait3A_225 = tpu.memref_squeeze %dma_wait3A_224 : memref<1x10000x64xf32, #tpu.memory_space<hbm>> -> memref<10000x64xf32, #tpu.memory_space<hbm>>
      %dma_wait3A_226 = arith.constant 0 : i32
      %dma_wait3A_227 = arith.constant 0 : i32
      %dma_wait3A_228 = tpu.memref_slice %dma_wait3A_225[%dma_wait3A_226, %dma_wait3A_227] : memref<10000x64xf32, #tpu.memory_space<hbm>> -> memref<10000x64xf32, #tpu.memory_space<hbm>>
      tpu.wait_indirect_dma semaphore(%arg18 : memref<!tpu.dma_semaphore, #tpu.memory_space<semaphore_mem>>) src(%dma_wait3A_228 : memref<10000x64xf32, #tpu.memory_space<hbm>>) dst(%arg14 : memref<250x64xf32, #tpu.memory_space<vmem>>)
      %dma_start3A_229 = arith.constant 8 : i32
      %dma_start3A_230 = arith.constant 0 : i32
      %dma_start3A_231 = tpu.memref_slice %arg10[%dma_start3A_229, %dma_start3A_230] : memref<16x250xi32, #tpu.memory_space<vmem>> -> memref<1x250xi32, #tpu.memory_space<vmem>>
      %dma_start3A_232 = tpu.memref_squeeze %dma_start3A_231 : memref<1x250xi32, #tpu.memory_space<vmem>> -> memref<250xi32, #tpu.memory_space<vmem>>
      %dma_start3A_233 = arith.constant 0 : i32
      %dma_start3A_234 = arith.constant 0 : i32
      %dma_start3A_235 = tpu.memref_slice %arg2[%arg0, %dma_start3A_233, %dma_start3A_234] : memref<2x10000x64xf32, #tpu.memory_space<hbm>> -> memref<1x10000x64xf32, #tpu.memory_space<hbm>>
      %dma_start3A_236 = tpu.memref_squeeze %dma_start3A_235 : memref<1x10000x64xf32, #tpu.memory_space<hbm>> -> memref<10000x64xf32, #tpu.memory_space<hbm>>
      %dma_start3A_237 = arith.constant 0 : i32
      %dma_start3A_238 = arith.constant 0 : i32
      %dma_start3A_239 = tpu.memref_slice %dma_start3A_236[%dma_start3A_237, %dma_start3A_238] : memref<10000x64xf32, #tpu.memory_space<hbm>> -> memref<10000x64xf32, #tpu.memory_space<hbm>>
      tpu.enqueue_indirect_dma source(%dma_start3A_239 : memref<10000x64xf32, #tpu.memory_space<hbm>>) target(%arg12 : memref<250x64xf32, #tpu.memory_space<vmem>>) offsets(%dma_start3A_232 : memref<250xi32, #tpu.memory_space<vmem>>) semaphore(%arg16 : memref<!tpu.dma_semaphore, #tpu.memory_space<semaphore_mem>>)
      %run_scoped3A_240 = arith.constant 6 : i32
      "tpu.region"() ({
        %run_scoped3A_476 = tpu.sem_alloc : memref<!tpu.dma_semaphore, #tpu.memory_space<semaphore_mem>>
        %dma_start3A_477 = arith.constant 0 : i32
        %dma_start3A_478 = tpu.memref_slice %arg11[%run_scoped3A_240, %dma_start3A_477] : memref<16x250xi32, #tpu.memory_space<vmem>> -> memref<1x250xi32, #tpu.memory_space<vmem>>
        %dma_start3A_479 = tpu.memref_squeeze %dma_start3A_478 : memref<1x250xi32, #tpu.memory_space<vmem>> -> memref<250xi32, #tpu.memory_space<vmem>>
        %dma_start3A_480 = arith.constant 0 : i32
        %dma_start3A_481 = arith.constant 0 : i32
        %dma_start3A_482 = tpu.memref_slice %arg24[%dma_start3A_480, %dma_start3A_481] : memref<10000x64xf32, #tpu.memory_space<vmem_shared>> -> memref<10000x64xf32, #tpu.memory_space<vmem_shared>>
        tpu.enqueue_indirect_dma source(%arg14 : memref<250x64xf32, #tpu.memory_space<vmem>>) target(%dma_start3A_482 : memref<10000x64xf32, #tpu.memory_space<vmem_shared>>) offsets(%dma_start3A_479 : memref<250xi32, #tpu.memory_space<vmem>>) semaphore(%run_scoped3A_476 : memref<!tpu.dma_semaphore, #tpu.memory_space<semaphore_mem>>) {add = true}
        %dma_wait3A_483 = arith.constant 0 : i32
        %dma_wait3A_484 = tpu.memref_slice %arg11[%run_scoped3A_240, %dma_wait3A_483] : memref<16x250xi32, #tpu.memory_space<vmem>> -> memref<1x250xi32, #tpu.memory_space<vmem>>
        %dma_wait3A_485 = tpu.memref_squeeze %dma_wait3A_484 : memref<1x250xi32, #tpu.memory_space<vmem>> -> memref<250xi32, #tpu.memory_space<vmem>>
        %dma_wait3A_486 = arith.constant 0 : i32
        %dma_wait3A_487 = arith.constant 0 : i32
        %dma_wait3A_488 = tpu.memref_slice %arg24[%dma_wait3A_486, %dma_wait3A_487] : memref<10000x64xf32, #tpu.memory_space<vmem_shared>> -> memref<10000x64xf32, #tpu.memory_space<vmem_shared>>
        tpu.wait_indirect_dma semaphore(%run_scoped3A_476 : memref<!tpu.dma_semaphore, #tpu.memory_space<semaphore_mem>>) src(%arg14 : memref<250x64xf32, #tpu.memory_space<vmem>>) dst(%dma_wait3A_488 : memref<10000x64xf32, #tpu.memory_space<vmem_shared>>)
        tpu.yield
      }) : () -> ()
      %eq3A_241 = arith.constant 0 : i32
      %eq3A_242 = arith.cmpi eq, %arg0, %eq3A_241 : i32
      %convert_element_type3A_243 = arith.extui %eq3A_242 : i1 to i32
      %cond3A_244 = arith.constant 0 : i32
      %cond3A_245 = arith.cmpi ne, %convert_element_type3A_243, %cond3A_244 : i32
      scf.if %cond3A_245 {
        %run_scoped3A_476 = arith.constant 6 : i32
        "tpu.region"() ({
          %run_scoped3A_477 = tpu.sem_alloc : memref<!tpu.dma_semaphore, #tpu.memory_space<semaphore_mem>>
          %dma_start3A_478 = arith.constant 0 : i32
          %dma_start3A_479 = tpu.memref_slice %arg11[%run_scoped3A_476, %dma_start3A_478] : memref<16x250xi32, #tpu.memory_space<vmem>> -> memref<1x250xi32, #tpu.memory_space<vmem>>
          %dma_start3A_480 = tpu.memref_squeeze %dma_start3A_479 : memref<1x250xi32, #tpu.memory_space<vmem>> -> memref<250xi32, #tpu.memory_space<vmem>>
          %dma_start3A_481 = arith.constant 0 : i32
          %dma_start3A_482 = arith.constant 0 : i32
          %dma_start3A_483 = tpu.memref_slice %arg27[%dma_start3A_481, %dma_start3A_482] : memref<10000x16xf32, #tpu.memory_space<vmem_shared>> -> memref<10000x16xf32, #tpu.memory_space<vmem_shared>>
          tpu.enqueue_indirect_dma source(%arg26 : memref<250x16xf32, #tpu.memory_space<vmem>>) target(%dma_start3A_483 : memref<10000x16xf32, #tpu.memory_space<vmem_shared>>) offsets(%dma_start3A_480 : memref<250xi32, #tpu.memory_space<vmem>>) semaphore(%run_scoped3A_477 : memref<!tpu.dma_semaphore, #tpu.memory_space<semaphore_mem>>) {add = true}
          %dma_wait3A_484 = arith.constant 0 : i32
          %dma_wait3A_485 = tpu.memref_slice %arg11[%run_scoped3A_476, %dma_wait3A_484] : memref<16x250xi32, #tpu.memory_space<vmem>> -> memref<1x250xi32, #tpu.memory_space<vmem>>
          %dma_wait3A_486 = tpu.memref_squeeze %dma_wait3A_485 : memref<1x250xi32, #tpu.memory_space<vmem>> -> memref<250xi32, #tpu.memory_space<vmem>>
          %dma_wait3A_487 = arith.constant 0 : i32
          %dma_wait3A_488 = arith.constant 0 : i32
          %dma_wait3A_489 = tpu.memref_slice %arg27[%dma_wait3A_487, %dma_wait3A_488] : memref<10000x16xf32, #tpu.memory_space<vmem_shared>> -> memref<10000x16xf32, #tpu.memory_space<vmem_shared>>
          tpu.wait_indirect_dma semaphore(%run_scoped3A_477 : memref<!tpu.dma_semaphore, #tpu.memory_space<semaphore_mem>>) src(%arg26 : memref<250x16xf32, #tpu.memory_space<vmem>>) dst(%dma_wait3A_489 : memref<10000x16xf32, #tpu.memory_space<vmem_shared>>)
          tpu.yield
        }) : () -> ()
      } else {
      }
      %dma_wait3A_246 = arith.constant 7 : i32
      %dma_wait3A_247 = arith.constant 0 : i32
      %dma_wait3A_248 = tpu.memref_slice %arg10[%dma_wait3A_246, %dma_wait3A_247] : memref<16x250xi32, #tpu.memory_space<vmem>> -> memref<1x250xi32, #tpu.memory_space<vmem>>
      %dma_wait3A_249 = tpu.memref_squeeze %dma_wait3A_248 : memref<1x250xi32, #tpu.memory_space<vmem>> -> memref<250xi32, #tpu.memory_space<vmem>>
      %dma_wait3A_250 = arith.constant 0 : i32
      %dma_wait3A_251 = arith.constant 0 : i32
      %dma_wait3A_252 = tpu.memref_slice %arg2[%arg0, %dma_wait3A_250, %dma_wait3A_251] : memref<2x10000x64xf32, #tpu.memory_space<hbm>> -> memref<1x10000x64xf32, #tpu.memory_space<hbm>>
      %dma_wait3A_253 = tpu.memref_squeeze %dma_wait3A_252 : memref<1x10000x64xf32, #tpu.memory_space<hbm>> -> memref<10000x64xf32, #tpu.memory_space<hbm>>
      %dma_wait3A_254 = arith.constant 0 : i32
      %dma_wait3A_255 = arith.constant 0 : i32
      %dma_wait3A_256 = tpu.memref_slice %dma_wait3A_253[%dma_wait3A_254, %dma_wait3A_255] : memref<10000x64xf32, #tpu.memory_space<hbm>> -> memref<10000x64xf32, #tpu.memory_space<hbm>>
      tpu.wait_indirect_dma semaphore(%arg19 : memref<!tpu.dma_semaphore, #tpu.memory_space<semaphore_mem>>) src(%dma_wait3A_256 : memref<10000x64xf32, #tpu.memory_space<hbm>>) dst(%arg15 : memref<250x64xf32, #tpu.memory_space<vmem>>)
      %dma_start3A_257 = arith.constant 9 : i32
      %dma_start3A_258 = arith.constant 0 : i32
      %dma_start3A_259 = tpu.memref_slice %arg10[%dma_start3A_257, %dma_start3A_258] : memref<16x250xi32, #tpu.memory_space<vmem>> -> memref<1x250xi32, #tpu.memory_space<vmem>>
      %dma_start3A_260 = tpu.memref_squeeze %dma_start3A_259 : memref<1x250xi32, #tpu.memory_space<vmem>> -> memref<250xi32, #tpu.memory_space<vmem>>
      %dma_start3A_261 = arith.constant 0 : i32
      %dma_start3A_262 = arith.constant 0 : i32
      %dma_start3A_263 = tpu.memref_slice %arg2[%arg0, %dma_start3A_261, %dma_start3A_262] : memref<2x10000x64xf32, #tpu.memory_space<hbm>> -> memref<1x10000x64xf32, #tpu.memory_space<hbm>>
      %dma_start3A_264 = tpu.memref_squeeze %dma_start3A_263 : memref<1x10000x64xf32, #tpu.memory_space<hbm>> -> memref<10000x64xf32, #tpu.memory_space<hbm>>
      %dma_start3A_265 = arith.constant 0 : i32
      %dma_start3A_266 = arith.constant 0 : i32
      %dma_start3A_267 = tpu.memref_slice %dma_start3A_264[%dma_start3A_265, %dma_start3A_266] : memref<10000x64xf32, #tpu.memory_space<hbm>> -> memref<10000x64xf32, #tpu.memory_space<hbm>>
      tpu.enqueue_indirect_dma source(%dma_start3A_267 : memref<10000x64xf32, #tpu.memory_space<hbm>>) target(%arg13 : memref<250x64xf32, #tpu.memory_space<vmem>>) offsets(%dma_start3A_260 : memref<250xi32, #tpu.memory_space<vmem>>) semaphore(%arg17 : memref<!tpu.dma_semaphore, #tpu.memory_space<semaphore_mem>>)
      %run_scoped3A_268 = arith.constant 7 : i32
      "tpu.region"() ({
        %run_scoped3A_476 = tpu.sem_alloc : memref<!tpu.dma_semaphore, #tpu.memory_space<semaphore_mem>>
        %dma_start3A_477 = arith.constant 0 : i32
        %dma_start3A_478 = tpu.memref_slice %arg11[%run_scoped3A_268, %dma_start3A_477] : memref<16x250xi32, #tpu.memory_space<vmem>> -> memref<1x250xi32, #tpu.memory_space<vmem>>
        %dma_start3A_479 = tpu.memref_squeeze %dma_start3A_478 : memref<1x250xi32, #tpu.memory_space<vmem>> -> memref<250xi32, #tpu.memory_space<vmem>>
        %dma_start3A_480 = arith.constant 0 : i32
        %dma_start3A_481 = arith.constant 0 : i32
        %dma_start3A_482 = tpu.memref_slice %arg24[%dma_start3A_480, %dma_start3A_481] : memref<10000x64xf32, #tpu.memory_space<vmem_shared>> -> memref<10000x64xf32, #tpu.memory_space<vmem_shared>>
        tpu.enqueue_indirect_dma source(%arg15 : memref<250x64xf32, #tpu.memory_space<vmem>>) target(%dma_start3A_482 : memref<10000x64xf32, #tpu.memory_space<vmem_shared>>) offsets(%dma_start3A_479 : memref<250xi32, #tpu.memory_space<vmem>>) semaphore(%run_scoped3A_476 : memref<!tpu.dma_semaphore, #tpu.memory_space<semaphore_mem>>) {add = true}
        %dma_wait3A_483 = arith.constant 0 : i32
        %dma_wait3A_484 = tpu.memref_slice %arg11[%run_scoped3A_268, %dma_wait3A_483] : memref<16x250xi32, #tpu.memory_space<vmem>> -> memref<1x250xi32, #tpu.memory_space<vmem>>
        %dma_wait3A_485 = tpu.memref_squeeze %dma_wait3A_484 : memref<1x250xi32, #tpu.memory_space<vmem>> -> memref<250xi32, #tpu.memory_space<vmem>>
        %dma_wait3A_486 = arith.constant 0 : i32
        %dma_wait3A_487 = arith.constant 0 : i32
        %dma_wait3A_488 = tpu.memref_slice %arg24[%dma_wait3A_486, %dma_wait3A_487] : memref<10000x64xf32, #tpu.memory_space<vmem_shared>> -> memref<10000x64xf32, #tpu.memory_space<vmem_shared>>
        tpu.wait_indirect_dma semaphore(%run_scoped3A_476 : memref<!tpu.dma_semaphore, #tpu.memory_space<semaphore_mem>>) src(%arg15 : memref<250x64xf32, #tpu.memory_space<vmem>>) dst(%dma_wait3A_488 : memref<10000x64xf32, #tpu.memory_space<vmem_shared>>)
        tpu.yield
      }) : () -> ()
      %eq3A_269 = arith.constant 1 : i32
      %eq3A_270 = arith.cmpi eq, %arg0, %eq3A_269 : i32
      %convert_element_type3A_271 = arith.extui %eq3A_270 : i1 to i32
      %cond3A_272 = arith.constant 0 : i32
      %cond3A_273 = arith.cmpi ne, %convert_element_type3A_271, %cond3A_272 : i32
      scf.if %cond3A_273 {
        %run_scoped3A_476 = arith.constant 7 : i32
        "tpu.region"() ({
          %run_scoped3A_477 = tpu.sem_alloc : memref<!tpu.dma_semaphore, #tpu.memory_space<semaphore_mem>>
          %dma_start3A_478 = arith.constant 0 : i32
          %dma_start3A_479 = tpu.memref_slice %arg11[%run_scoped3A_476, %dma_start3A_478] : memref<16x250xi32, #tpu.memory_space<vmem>> -> memref<1x250xi32, #tpu.memory_space<vmem>>
          %dma_start3A_480 = tpu.memref_squeeze %dma_start3A_479 : memref<1x250xi32, #tpu.memory_space<vmem>> -> memref<250xi32, #tpu.memory_space<vmem>>
          %dma_start3A_481 = arith.constant 0 : i32
          %dma_start3A_482 = arith.constant 0 : i32
          %dma_start3A_483 = tpu.memref_slice %arg27[%dma_start3A_481, %dma_start3A_482] : memref<10000x16xf32, #tpu.memory_space<vmem_shared>> -> memref<10000x16xf32, #tpu.memory_space<vmem_shared>>
          tpu.enqueue_indirect_dma source(%arg26 : memref<250x16xf32, #tpu.memory_space<vmem>>) target(%dma_start3A_483 : memref<10000x16xf32, #tpu.memory_space<vmem_shared>>) offsets(%dma_start3A_480 : memref<250xi32, #tpu.memory_space<vmem>>) semaphore(%run_scoped3A_477 : memref<!tpu.dma_semaphore, #tpu.memory_space<semaphore_mem>>) {add = true}
          %dma_wait3A_484 = arith.constant 0 : i32
          %dma_wait3A_485 = tpu.memref_slice %arg11[%run_scoped3A_476, %dma_wait3A_484] : memref<16x250xi32, #tpu.memory_space<vmem>> -> memref<1x250xi32, #tpu.memory_space<vmem>>
          %dma_wait3A_486 = tpu.memref_squeeze %dma_wait3A_485 : memref<1x250xi32, #tpu.memory_space<vmem>> -> memref<250xi32, #tpu.memory_space<vmem>>
          %dma_wait3A_487 = arith.constant 0 : i32
          %dma_wait3A_488 = arith.constant 0 : i32
          %dma_wait3A_489 = tpu.memref_slice %arg27[%dma_wait3A_487, %dma_wait3A_488] : memref<10000x16xf32, #tpu.memory_space<vmem_shared>> -> memref<10000x16xf32, #tpu.memory_space<vmem_shared>>
          tpu.wait_indirect_dma semaphore(%run_scoped3A_477 : memref<!tpu.dma_semaphore, #tpu.memory_space<semaphore_mem>>) src(%arg26 : memref<250x16xf32, #tpu.memory_space<vmem>>) dst(%dma_wait3A_489 : memref<10000x16xf32, #tpu.memory_space<vmem_shared>>)
          tpu.yield
        }) : () -> ()
      } else {
      }
      %dma_wait3A_274 = arith.constant 8 : i32
      %dma_wait3A_275 = arith.constant 0 : i32
      %dma_wait3A_276 = tpu.memref_slice %arg10[%dma_wait3A_274, %dma_wait3A_275] : memref<16x250xi32, #tpu.memory_space<vmem>> -> memref<1x250xi32, #tpu.memory_space<vmem>>
      %dma_wait3A_277 = tpu.memref_squeeze %dma_wait3A_276 : memref<1x250xi32, #tpu.memory_space<vmem>> -> memref<250xi32, #tpu.memory_space<vmem>>
      %dma_wait3A_278 = arith.constant 0 : i32
      %dma_wait3A_279 = arith.constant 0 : i32
      %dma_wait3A_280 = tpu.memref_slice %arg2[%arg0, %dma_wait3A_278, %dma_wait3A_279] : memref<2x10000x64xf32, #tpu.memory_space<hbm>> -> memref<1x10000x64xf32, #tpu.memory_space<hbm>>
      %dma_wait3A_281 = tpu.memref_squeeze %dma_wait3A_280 : memref<1x10000x64xf32, #tpu.memory_space<hbm>> -> memref<10000x64xf32, #tpu.memory_space<hbm>>
      %dma_wait3A_282 = arith.constant 0 : i32
      %dma_wait3A_283 = arith.constant 0 : i32
      %dma_wait3A_284 = tpu.memref_slice %dma_wait3A_281[%dma_wait3A_282, %dma_wait3A_283] : memref<10000x64xf32, #tpu.memory_space<hbm>> -> memref<10000x64xf32, #tpu.memory_space<hbm>>
      tpu.wait_indirect_dma semaphore(%arg16 : memref<!tpu.dma_semaphore, #tpu.memory_space<semaphore_mem>>) src(%dma_wait3A_284 : memref<10000x64xf32, #tpu.memory_space<hbm>>) dst(%arg12 : memref<250x64xf32, #tpu.memory_space<vmem>>)
      %dma_start3A_285 = arith.constant 10 : i32
      %dma_start3A_286 = arith.constant 0 : i32
      %dma_start3A_287 = tpu.memref_slice %arg10[%dma_start3A_285, %dma_start3A_286] : memref<16x250xi32, #tpu.memory_space<vmem>> -> memref<1x250xi32, #tpu.memory_space<vmem>>
      %dma_start3A_288 = tpu.memref_squeeze %dma_start3A_287 : memref<1x250xi32, #tpu.memory_space<vmem>> -> memref<250xi32, #tpu.memory_space<vmem>>
      %dma_start3A_289 = arith.constant 0 : i32
      %dma_start3A_290 = arith.constant 0 : i32
      %dma_start3A_291 = tpu.memref_slice %arg2[%arg0, %dma_start3A_289, %dma_start3A_290] : memref<2x10000x64xf32, #tpu.memory_space<hbm>> -> memref<1x10000x64xf32, #tpu.memory_space<hbm>>
      %dma_start3A_292 = tpu.memref_squeeze %dma_start3A_291 : memref<1x10000x64xf32, #tpu.memory_space<hbm>> -> memref<10000x64xf32, #tpu.memory_space<hbm>>
      %dma_start3A_293 = arith.constant 0 : i32
      %dma_start3A_294 = arith.constant 0 : i32
      %dma_start3A_295 = tpu.memref_slice %dma_start3A_292[%dma_start3A_293, %dma_start3A_294] : memref<10000x64xf32, #tpu.memory_space<hbm>> -> memref<10000x64xf32, #tpu.memory_space<hbm>>
      tpu.enqueue_indirect_dma source(%dma_start3A_295 : memref<10000x64xf32, #tpu.memory_space<hbm>>) target(%arg14 : memref<250x64xf32, #tpu.memory_space<vmem>>) offsets(%dma_start3A_288 : memref<250xi32, #tpu.memory_space<vmem>>) semaphore(%arg18 : memref<!tpu.dma_semaphore, #tpu.memory_space<semaphore_mem>>)
      %run_scoped3A_296 = arith.constant 8 : i32
      "tpu.region"() ({
        %run_scoped3A_476 = tpu.sem_alloc : memref<!tpu.dma_semaphore, #tpu.memory_space<semaphore_mem>>
        %dma_start3A_477 = arith.constant 0 : i32
        %dma_start3A_478 = tpu.memref_slice %arg11[%run_scoped3A_296, %dma_start3A_477] : memref<16x250xi32, #tpu.memory_space<vmem>> -> memref<1x250xi32, #tpu.memory_space<vmem>>
        %dma_start3A_479 = tpu.memref_squeeze %dma_start3A_478 : memref<1x250xi32, #tpu.memory_space<vmem>> -> memref<250xi32, #tpu.memory_space<vmem>>
        %dma_start3A_480 = arith.constant 0 : i32
        %dma_start3A_481 = arith.constant 0 : i32
        %dma_start3A_482 = tpu.memref_slice %arg24[%dma_start3A_480, %dma_start3A_481] : memref<10000x64xf32, #tpu.memory_space<vmem_shared>> -> memref<10000x64xf32, #tpu.memory_space<vmem_shared>>
        tpu.enqueue_indirect_dma source(%arg12 : memref<250x64xf32, #tpu.memory_space<vmem>>) target(%dma_start3A_482 : memref<10000x64xf32, #tpu.memory_space<vmem_shared>>) offsets(%dma_start3A_479 : memref<250xi32, #tpu.memory_space<vmem>>) semaphore(%run_scoped3A_476 : memref<!tpu.dma_semaphore, #tpu.memory_space<semaphore_mem>>) {add = true}
        %dma_wait3A_483 = arith.constant 0 : i32
        %dma_wait3A_484 = tpu.memref_slice %arg11[%run_scoped3A_296, %dma_wait3A_483] : memref<16x250xi32, #tpu.memory_space<vmem>> -> memref<1x250xi32, #tpu.memory_space<vmem>>
        %dma_wait3A_485 = tpu.memref_squeeze %dma_wait3A_484 : memref<1x250xi32, #tpu.memory_space<vmem>> -> memref<250xi32, #tpu.memory_space<vmem>>
        %dma_wait3A_486 = arith.constant 0 : i32
        %dma_wait3A_487 = arith.constant 0 : i32
        %dma_wait3A_488 = tpu.memref_slice %arg24[%dma_wait3A_486, %dma_wait3A_487] : memref<10000x64xf32, #tpu.memory_space<vmem_shared>> -> memref<10000x64xf32, #tpu.memory_space<vmem_shared>>
        tpu.wait_indirect_dma semaphore(%run_scoped3A_476 : memref<!tpu.dma_semaphore, #tpu.memory_space<semaphore_mem>>) src(%arg12 : memref<250x64xf32, #tpu.memory_space<vmem>>) dst(%dma_wait3A_488 : memref<10000x64xf32, #tpu.memory_space<vmem_shared>>)
        tpu.yield
      }) : () -> ()
      %eq3A_297 = arith.constant 0 : i32
      %eq3A_298 = arith.cmpi eq, %arg0, %eq3A_297 : i32
      %convert_element_type3A_299 = arith.extui %eq3A_298 : i1 to i32
      %cond3A_300 = arith.constant 0 : i32
      %cond3A_301 = arith.cmpi ne, %convert_element_type3A_299, %cond3A_300 : i32
      scf.if %cond3A_301 {
        %run_scoped3A_476 = arith.constant 8 : i32
        "tpu.region"() ({
          %run_scoped3A_477 = tpu.sem_alloc : memref<!tpu.dma_semaphore, #tpu.memory_space<semaphore_mem>>
          %dma_start3A_478 = arith.constant 0 : i32
          %dma_start3A_479 = tpu.memref_slice %arg11[%run_scoped3A_476, %dma_start3A_478] : memref<16x250xi32, #tpu.memory_space<vmem>> -> memref<1x250xi32, #tpu.memory_space<vmem>>
          %dma_start3A_480 = tpu.memref_squeeze %dma_start3A_479 : memref<1x250xi32, #tpu.memory_space<vmem>> -> memref<250xi32, #tpu.memory_space<vmem>>
          %dma_start3A_481 = arith.constant 0 : i32
          %dma_start3A_482 = arith.constant 0 : i32
          %dma_start3A_483 = tpu.memref_slice %arg27[%dma_start3A_481, %dma_start3A_482] : memref<10000x16xf32, #tpu.memory_space<vmem_shared>> -> memref<10000x16xf32, #tpu.memory_space<vmem_shared>>
          tpu.enqueue_indirect_dma source(%arg26 : memref<250x16xf32, #tpu.memory_space<vmem>>) target(%dma_start3A_483 : memref<10000x16xf32, #tpu.memory_space<vmem_shared>>) offsets(%dma_start3A_480 : memref<250xi32, #tpu.memory_space<vmem>>) semaphore(%run_scoped3A_477 : memref<!tpu.dma_semaphore, #tpu.memory_space<semaphore_mem>>) {add = true}
          %dma_wait3A_484 = arith.constant 0 : i32
          %dma_wait3A_485 = tpu.memref_slice %arg11[%run_scoped3A_476, %dma_wait3A_484] : memref<16x250xi32, #tpu.memory_space<vmem>> -> memref<1x250xi32, #tpu.memory_space<vmem>>
          %dma_wait3A_486 = tpu.memref_squeeze %dma_wait3A_485 : memref<1x250xi32, #tpu.memory_space<vmem>> -> memref<250xi32, #tpu.memory_space<vmem>>
          %dma_wait3A_487 = arith.constant 0 : i32
          %dma_wait3A_488 = arith.constant 0 : i32
          %dma_wait3A_489 = tpu.memref_slice %arg27[%dma_wait3A_487, %dma_wait3A_488] : memref<10000x16xf32, #tpu.memory_space<vmem_shared>> -> memref<10000x16xf32, #tpu.memory_space<vmem_shared>>
          tpu.wait_indirect_dma semaphore(%run_scoped3A_477 : memref<!tpu.dma_semaphore, #tpu.memory_space<semaphore_mem>>) src(%arg26 : memref<250x16xf32, #tpu.memory_space<vmem>>) dst(%dma_wait3A_489 : memref<10000x16xf32, #tpu.memory_space<vmem_shared>>)
          tpu.yield
        }) : () -> ()
      } else {
      }
      %dma_wait3A_302 = arith.constant 9 : i32
      %dma_wait3A_303 = arith.constant 0 : i32
      %dma_wait3A_304 = tpu.memref_slice %arg10[%dma_wait3A_302, %dma_wait3A_303] : memref<16x250xi32, #tpu.memory_space<vmem>> -> memref<1x250xi32, #tpu.memory_space<vmem>>
      %dma_wait3A_305 = tpu.memref_squeeze %dma_wait3A_304 : memref<1x250xi32, #tpu.memory_space<vmem>> -> memref<250xi32, #tpu.memory_space<vmem>>
      %dma_wait3A_306 = arith.constant 0 : i32
      %dma_wait3A_307 = arith.constant 0 : i32
      %dma_wait3A_308 = tpu.memref_slice %arg2[%arg0, %dma_wait3A_306, %dma_wait3A_307] : memref<2x10000x64xf32, #tpu.memory_space<hbm>> -> memref<1x10000x64xf32, #tpu.memory_space<hbm>>
      %dma_wait3A_309 = tpu.memref_squeeze %dma_wait3A_308 : memref<1x10000x64xf32, #tpu.memory_space<hbm>> -> memref<10000x64xf32, #tpu.memory_space<hbm>>
      %dma_wait3A_310 = arith.constant 0 : i32
      %dma_wait3A_311 = arith.constant 0 : i32
      %dma_wait3A_312 = tpu.memref_slice %dma_wait3A_309[%dma_wait3A_310, %dma_wait3A_311] : memref<10000x64xf32, #tpu.memory_space<hbm>> -> memref<10000x64xf32, #tpu.memory_space<hbm>>
      tpu.wait_indirect_dma semaphore(%arg17 : memref<!tpu.dma_semaphore, #tpu.memory_space<semaphore_mem>>) src(%dma_wait3A_312 : memref<10000x64xf32, #tpu.memory_space<hbm>>) dst(%arg13 : memref<250x64xf32, #tpu.memory_space<vmem>>)
      %dma_start3A_313 = arith.constant 11 : i32
      %dma_start3A_314 = arith.constant 0 : i32
      %dma_start3A_315 = tpu.memref_slice %arg10[%dma_start3A_313, %dma_start3A_314] : memref<16x250xi32, #tpu.memory_space<vmem>> -> memref<1x250xi32, #tpu.memory_space<vmem>>
      %dma_start3A_316 = tpu.memref_squeeze %dma_start3A_315 : memref<1x250xi32, #tpu.memory_space<vmem>> -> memref<250xi32, #tpu.memory_space<vmem>>
      %dma_start3A_317 = arith.constant 0 : i32
      %dma_start3A_318 = arith.constant 0 : i32
      %dma_start3A_319 = tpu.memref_slice %arg2[%arg0, %dma_start3A_317, %dma_start3A_318] : memref<2x10000x64xf32, #tpu.memory_space<hbm>> -> memref<1x10000x64xf32, #tpu.memory_space<hbm>>
      %dma_start3A_320 = tpu.memref_squeeze %dma_start3A_319 : memref<1x10000x64xf32, #tpu.memory_space<hbm>> -> memref<10000x64xf32, #tpu.memory_space<hbm>>
      %dma_start3A_321 = arith.constant 0 : i32
      %dma_start3A_322 = arith.constant 0 : i32
      %dma_start3A_323 = tpu.memref_slice %dma_start3A_320[%dma_start3A_321, %dma_start3A_322] : memref<10000x64xf32, #tpu.memory_space<hbm>> -> memref<10000x64xf32, #tpu.memory_space<hbm>>
      tpu.enqueue_indirect_dma source(%dma_start3A_323 : memref<10000x64xf32, #tpu.memory_space<hbm>>) target(%arg15 : memref<250x64xf32, #tpu.memory_space<vmem>>) offsets(%dma_start3A_316 : memref<250xi32, #tpu.memory_space<vmem>>) semaphore(%arg19 : memref<!tpu.dma_semaphore, #tpu.memory_space<semaphore_mem>>)
      %run_scoped3A_324 = arith.constant 9 : i32
      "tpu.region"() ({
        %run_scoped3A_476 = tpu.sem_alloc : memref<!tpu.dma_semaphore, #tpu.memory_space<semaphore_mem>>
        %dma_start3A_477 = arith.constant 0 : i32
        %dma_start3A_478 = tpu.memref_slice %arg11[%run_scoped3A_324, %dma_start3A_477] : memref<16x250xi32, #tpu.memory_space<vmem>> -> memref<1x250xi32, #tpu.memory_space<vmem>>
        %dma_start3A_479 = tpu.memref_squeeze %dma_start3A_478 : memref<1x250xi32, #tpu.memory_space<vmem>> -> memref<250xi32, #tpu.memory_space<vmem>>
        %dma_start3A_480 = arith.constant 0 : i32
        %dma_start3A_481 = arith.constant 0 : i32
        %dma_start3A_482 = tpu.memref_slice %arg24[%dma_start3A_480, %dma_start3A_481] : memref<10000x64xf32, #tpu.memory_space<vmem_shared>> -> memref<10000x64xf32, #tpu.memory_space<vmem_shared>>
        tpu.enqueue_indirect_dma source(%arg13 : memref<250x64xf32, #tpu.memory_space<vmem>>) target(%dma_start3A_482 : memref<10000x64xf32, #tpu.memory_space<vmem_shared>>) offsets(%dma_start3A_479 : memref<250xi32, #tpu.memory_space<vmem>>) semaphore(%run_scoped3A_476 : memref<!tpu.dma_semaphore, #tpu.memory_space<semaphore_mem>>) {add = true}
        %dma_wait3A_483 = arith.constant 0 : i32
        %dma_wait3A_484 = tpu.memref_slice %arg11[%run_scoped3A_324, %dma_wait3A_483] : memref<16x250xi32, #tpu.memory_space<vmem>> -> memref<1x250xi32, #tpu.memory_space<vmem>>
        %dma_wait3A_485 = tpu.memref_squeeze %dma_wait3A_484 : memref<1x250xi32, #tpu.memory_space<vmem>> -> memref<250xi32, #tpu.memory_space<vmem>>
        %dma_wait3A_486 = arith.constant 0 : i32
        %dma_wait3A_487 = arith.constant 0 : i32
        %dma_wait3A_488 = tpu.memref_slice %arg24[%dma_wait3A_486, %dma_wait3A_487] : memref<10000x64xf32, #tpu.memory_space<vmem_shared>> -> memref<10000x64xf32, #tpu.memory_space<vmem_shared>>
        tpu.wait_indirect_dma semaphore(%run_scoped3A_476 : memref<!tpu.dma_semaphore, #tpu.memory_space<semaphore_mem>>) src(%arg13 : memref<250x64xf32, #tpu.memory_space<vmem>>) dst(%dma_wait3A_488 : memref<10000x64xf32, #tpu.memory_space<vmem_shared>>)
        tpu.yield
      }) : () -> ()
      %eq3A_325 = arith.constant 1 : i32
      %eq3A_326 = arith.cmpi eq, %arg0, %eq3A_325 : i32
      %convert_element_type3A_327 = arith.extui %eq3A_326 : i1 to i32
      %cond3A_328 = arith.constant 0 : i32
      %cond3A_329 = arith.cmpi ne, %convert_element_type3A_327, %cond3A_328 : i32
      scf.if %cond3A_329 {
        %run_scoped3A_476 = arith.constant 9 : i32
        "tpu.region"() ({
          %run_scoped3A_477 = tpu.sem_alloc : memref<!tpu.dma_semaphore, #tpu.memory_space<semaphore_mem>>
          %dma_start3A_478 = arith.constant 0 : i32
          %dma_start3A_479 = tpu.memref_slice %arg11[%run_scoped3A_476, %dma_start3A_478] : memref<16x250xi32, #tpu.memory_space<vmem>> -> memref<1x250xi32, #tpu.memory_space<vmem>>
          %dma_start3A_480 = tpu.memref_squeeze %dma_start3A_479 : memref<1x250xi32, #tpu.memory_space<vmem>> -> memref<250xi32, #tpu.memory_space<vmem>>
          %dma_start3A_481 = arith.constant 0 : i32
          %dma_start3A_482 = arith.constant 0 : i32
          %dma_start3A_483 = tpu.memref_slice %arg27[%dma_start3A_481, %dma_start3A_482] : memref<10000x16xf32, #tpu.memory_space<vmem_shared>> -> memref<10000x16xf32, #tpu.memory_space<vmem_shared>>
          tpu.enqueue_indirect_dma source(%arg26 : memref<250x16xf32, #tpu.memory_space<vmem>>) target(%dma_start3A_483 : memref<10000x16xf32, #tpu.memory_space<vmem_shared>>) offsets(%dma_start3A_480 : memref<250xi32, #tpu.memory_space<vmem>>) semaphore(%run_scoped3A_477 : memref<!tpu.dma_semaphore, #tpu.memory_space<semaphore_mem>>) {add = true}
          %dma_wait3A_484 = arith.constant 0 : i32
          %dma_wait3A_485 = tpu.memref_slice %arg11[%run_scoped3A_476, %dma_wait3A_484] : memref<16x250xi32, #tpu.memory_space<vmem>> -> memref<1x250xi32, #tpu.memory_space<vmem>>
          %dma_wait3A_486 = tpu.memref_squeeze %dma_wait3A_485 : memref<1x250xi32, #tpu.memory_space<vmem>> -> memref<250xi32, #tpu.memory_space<vmem>>
          %dma_wait3A_487 = arith.constant 0 : i32
          %dma_wait3A_488 = arith.constant 0 : i32
          %dma_wait3A_489 = tpu.memref_slice %arg27[%dma_wait3A_487, %dma_wait3A_488] : memref<10000x16xf32, #tpu.memory_space<vmem_shared>> -> memref<10000x16xf32, #tpu.memory_space<vmem_shared>>
          tpu.wait_indirect_dma semaphore(%run_scoped3A_477 : memref<!tpu.dma_semaphore, #tpu.memory_space<semaphore_mem>>) src(%arg26 : memref<250x16xf32, #tpu.memory_space<vmem>>) dst(%dma_wait3A_489 : memref<10000x16xf32, #tpu.memory_space<vmem_shared>>)
          tpu.yield
        }) : () -> ()
      } else {
      }
      %dma_wait3A_330 = arith.constant 10 : i32
      %dma_wait3A_331 = arith.constant 0 : i32
      %dma_wait3A_332 = tpu.memref_slice %arg10[%dma_wait3A_330, %dma_wait3A_331] : memref<16x250xi32, #tpu.memory_space<vmem>> -> memref<1x250xi32, #tpu.memory_space<vmem>>
      %dma_wait3A_333 = tpu.memref_squeeze %dma_wait3A_332 : memref<1x250xi32, #tpu.memory_space<vmem>> -> memref<250xi32, #tpu.memory_space<vmem>>
      %dma_wait3A_334 = arith.constant 0 : i32
      %dma_wait3A_335 = arith.constant 0 : i32
      %dma_wait3A_336 = tpu.memref_slice %arg2[%arg0, %dma_wait3A_334, %dma_wait3A_335] : memref<2x10000x64xf32, #tpu.memory_space<hbm>> -> memref<1x10000x64xf32, #tpu.memory_space<hbm>>
      %dma_wait3A_337 = tpu.memref_squeeze %dma_wait3A_336 : memref<1x10000x64xf32, #tpu.memory_space<hbm>> -> memref<10000x64xf32, #tpu.memory_space<hbm>>
      %dma_wait3A_338 = arith.constant 0 : i32
      %dma_wait3A_339 = arith.constant 0 : i32
      %dma_wait3A_340 = tpu.memref_slice %dma_wait3A_337[%dma_wait3A_338, %dma_wait3A_339] : memref<10000x64xf32, #tpu.memory_space<hbm>> -> memref<10000x64xf32, #tpu.memory_space<hbm>>
      tpu.wait_indirect_dma semaphore(%arg18 : memref<!tpu.dma_semaphore, #tpu.memory_space<semaphore_mem>>) src(%dma_wait3A_340 : memref<10000x64xf32, #tpu.memory_space<hbm>>) dst(%arg14 : memref<250x64xf32, #tpu.memory_space<vmem>>)
      %dma_start3A_341 = arith.constant 12 : i32
      %dma_start3A_342 = arith.constant 0 : i32
      %dma_start3A_343 = tpu.memref_slice %arg10[%dma_start3A_341, %dma_start3A_342] : memref<16x250xi32, #tpu.memory_space<vmem>> -> memref<1x250xi32, #tpu.memory_space<vmem>>
      %dma_start3A_344 = tpu.memref_squeeze %dma_start3A_343 : memref<1x250xi32, #tpu.memory_space<vmem>> -> memref<250xi32, #tpu.memory_space<vmem>>
      %dma_start3A_345 = arith.constant 0 : i32
      %dma_start3A_346 = arith.constant 0 : i32
      %dma_start3A_347 = tpu.memref_slice %arg2[%arg0, %dma_start3A_345, %dma_start3A_346] : memref<2x10000x64xf32, #tpu.memory_space<hbm>> -> memref<1x10000x64xf32, #tpu.memory_space<hbm>>
      %dma_start3A_348 = tpu.memref_squeeze %dma_start3A_347 : memref<1x10000x64xf32, #tpu.memory_space<hbm>> -> memref<10000x64xf32, #tpu.memory_space<hbm>>
      %dma_start3A_349 = arith.constant 0 : i32
      %dma_start3A_350 = arith.constant 0 : i32
      %dma_start3A_351 = tpu.memref_slice %dma_start3A_348[%dma_start3A_349, %dma_start3A_350] : memref<10000x64xf32, #tpu.memory_space<hbm>> -> memref<10000x64xf32, #tpu.memory_space<hbm>>
      tpu.enqueue_indirect_dma source(%dma_start3A_351 : memref<10000x64xf32, #tpu.memory_space<hbm>>) target(%arg12 : memref<250x64xf32, #tpu.memory_space<vmem>>) offsets(%dma_start3A_344 : memref<250xi32, #tpu.memory_space<vmem>>) semaphore(%arg16 : memref<!tpu.dma_semaphore, #tpu.memory_space<semaphore_mem>>)
      %run_scoped3A_352 = arith.constant 10 : i32
      "tpu.region"() ({
        %run_scoped3A_476 = tpu.sem_alloc : memref<!tpu.dma_semaphore, #tpu.memory_space<semaphore_mem>>
        %dma_start3A_477 = arith.constant 0 : i32
        %dma_start3A_478 = tpu.memref_slice %arg11[%run_scoped3A_352, %dma_start3A_477] : memref<16x250xi32, #tpu.memory_space<vmem>> -> memref<1x250xi32, #tpu.memory_space<vmem>>
        %dma_start3A_479 = tpu.memref_squeeze %dma_start3A_478 : memref<1x250xi32, #tpu.memory_space<vmem>> -> memref<250xi32, #tpu.memory_space<vmem>>
        %dma_start3A_480 = arith.constant 0 : i32
        %dma_start3A_481 = arith.constant 0 : i32
        %dma_start3A_482 = tpu.memref_slice %arg24[%dma_start3A_480, %dma_start3A_481] : memref<10000x64xf32, #tpu.memory_space<vmem_shared>> -> memref<10000x64xf32, #tpu.memory_space<vmem_shared>>
        tpu.enqueue_indirect_dma source(%arg14 : memref<250x64xf32, #tpu.memory_space<vmem>>) target(%dma_start3A_482 : memref<10000x64xf32, #tpu.memory_space<vmem_shared>>) offsets(%dma_start3A_479 : memref<250xi32, #tpu.memory_space<vmem>>) semaphore(%run_scoped3A_476 : memref<!tpu.dma_semaphore, #tpu.memory_space<semaphore_mem>>) {add = true}
        %dma_wait3A_483 = arith.constant 0 : i32
        %dma_wait3A_484 = tpu.memref_slice %arg11[%run_scoped3A_352, %dma_wait3A_483] : memref<16x250xi32, #tpu.memory_space<vmem>> -> memref<1x250xi32, #tpu.memory_space<vmem>>
        %dma_wait3A_485 = tpu.memref_squeeze %dma_wait3A_484 : memref<1x250xi32, #tpu.memory_space<vmem>> -> memref<250xi32, #tpu.memory_space<vmem>>
        %dma_wait3A_486 = arith.constant 0 : i32
        %dma_wait3A_487 = arith.constant 0 : i32
        %dma_wait3A_488 = tpu.memref_slice %arg24[%dma_wait3A_486, %dma_wait3A_487] : memref<10000x64xf32, #tpu.memory_space<vmem_shared>> -> memref<10000x64xf32, #tpu.memory_space<vmem_shared>>
        tpu.wait_indirect_dma semaphore(%run_scoped3A_476 : memref<!tpu.dma_semaphore, #tpu.memory_space<semaphore_mem>>) src(%arg14 : memref<250x64xf32, #tpu.memory_space<vmem>>) dst(%dma_wait3A_488 : memref<10000x64xf32, #tpu.memory_space<vmem_shared>>)
        tpu.yield
      }) : () -> ()
      %eq3A_353 = arith.constant 0 : i32
      %eq3A_354 = arith.cmpi eq, %arg0, %eq3A_353 : i32
      %convert_element_type3A_355 = arith.extui %eq3A_354 : i1 to i32
      %cond3A_356 = arith.constant 0 : i32
      %cond3A_357 = arith.cmpi ne, %convert_element_type3A_355, %cond3A_356 : i32
      scf.if %cond3A_357 {
        %run_scoped3A_476 = arith.constant 10 : i32
        "tpu.region"() ({
          %run_scoped3A_477 = tpu.sem_alloc : memref<!tpu.dma_semaphore, #tpu.memory_space<semaphore_mem>>
          %dma_start3A_478 = arith.constant 0 : i32
          %dma_start3A_479 = tpu.memref_slice %arg11[%run_scoped3A_476, %dma_start3A_478] : memref<16x250xi32, #tpu.memory_space<vmem>> -> memref<1x250xi32, #tpu.memory_space<vmem>>
          %dma_start3A_480 = tpu.memref_squeeze %dma_start3A_479 : memref<1x250xi32, #tpu.memory_space<vmem>> -> memref<250xi32, #tpu.memory_space<vmem>>
          %dma_start3A_481 = arith.constant 0 : i32
          %dma_start3A_482 = arith.constant 0 : i32
          %dma_start3A_483 = tpu.memref_slice %arg27[%dma_start3A_481, %dma_start3A_482] : memref<10000x16xf32, #tpu.memory_space<vmem_shared>> -> memref<10000x16xf32, #tpu.memory_space<vmem_shared>>
          tpu.enqueue_indirect_dma source(%arg26 : memref<250x16xf32, #tpu.memory_space<vmem>>) target(%dma_start3A_483 : memref<10000x16xf32, #tpu.memory_space<vmem_shared>>) offsets(%dma_start3A_480 : memref<250xi32, #tpu.memory_space<vmem>>) semaphore(%run_scoped3A_477 : memref<!tpu.dma_semaphore, #tpu.memory_space<semaphore_mem>>) {add = true}
          %dma_wait3A_484 = arith.constant 0 : i32
          %dma_wait3A_485 = tpu.memref_slice %arg11[%run_scoped3A_476, %dma_wait3A_484] : memref<16x250xi32, #tpu.memory_space<vmem>> -> memref<1x250xi32, #tpu.memory_space<vmem>>
          %dma_wait3A_486 = tpu.memref_squeeze %dma_wait3A_485 : memref<1x250xi32, #tpu.memory_space<vmem>> -> memref<250xi32, #tpu.memory_space<vmem>>
          %dma_wait3A_487 = arith.constant 0 : i32
          %dma_wait3A_488 = arith.constant 0 : i32
          %dma_wait3A_489 = tpu.memref_slice %arg27[%dma_wait3A_487, %dma_wait3A_488] : memref<10000x16xf32, #tpu.memory_space<vmem_shared>> -> memref<10000x16xf32, #tpu.memory_space<vmem_shared>>
          tpu.wait_indirect_dma semaphore(%run_scoped3A_477 : memref<!tpu.dma_semaphore, #tpu.memory_space<semaphore_mem>>) src(%arg26 : memref<250x16xf32, #tpu.memory_space<vmem>>) dst(%dma_wait3A_489 : memref<10000x16xf32, #tpu.memory_space<vmem_shared>>)
          tpu.yield
        }) : () -> ()
      } else {
      }
      %dma_wait3A_358 = arith.constant 11 : i32
      %dma_wait3A_359 = arith.constant 0 : i32
      %dma_wait3A_360 = tpu.memref_slice %arg10[%dma_wait3A_358, %dma_wait3A_359] : memref<16x250xi32, #tpu.memory_space<vmem>> -> memref<1x250xi32, #tpu.memory_space<vmem>>
      %dma_wait3A_361 = tpu.memref_squeeze %dma_wait3A_360 : memref<1x250xi32, #tpu.memory_space<vmem>> -> memref<250xi32, #tpu.memory_space<vmem>>
      %dma_wait3A_362 = arith.constant 0 : i32
      %dma_wait3A_363 = arith.constant 0 : i32
      %dma_wait3A_364 = tpu.memref_slice %arg2[%arg0, %dma_wait3A_362, %dma_wait3A_363] : memref<2x10000x64xf32, #tpu.memory_space<hbm>> -> memref<1x10000x64xf32, #tpu.memory_space<hbm>>
      %dma_wait3A_365 = tpu.memref_squeeze %dma_wait3A_364 : memref<1x10000x64xf32, #tpu.memory_space<hbm>> -> memref<10000x64xf32, #tpu.memory_space<hbm>>
      %dma_wait3A_366 = arith.constant 0 : i32
      %dma_wait3A_367 = arith.constant 0 : i32
      %dma_wait3A_368 = tpu.memref_slice %dma_wait3A_365[%dma_wait3A_366, %dma_wait3A_367] : memref<10000x64xf32, #tpu.memory_space<hbm>> -> memref<10000x64xf32, #tpu.memory_space<hbm>>
      tpu.wait_indirect_dma semaphore(%arg19 : memref<!tpu.dma_semaphore, #tpu.memory_space<semaphore_mem>>) src(%dma_wait3A_368 : memref<10000x64xf32, #tpu.memory_space<hbm>>) dst(%arg15 : memref<250x64xf32, #tpu.memory_space<vmem>>)
      %dma_start3A_369 = arith.constant 13 : i32
      %dma_start3A_370 = arith.constant 0 : i32
      %dma_start3A_371 = tpu.memref_slice %arg10[%dma_start3A_369, %dma_start3A_370] : memref<16x250xi32, #tpu.memory_space<vmem>> -> memref<1x250xi32, #tpu.memory_space<vmem>>
      %dma_start3A_372 = tpu.memref_squeeze %dma_start3A_371 : memref<1x250xi32, #tpu.memory_space<vmem>> -> memref<250xi32, #tpu.memory_space<vmem>>
      %dma_start3A_373 = arith.constant 0 : i32
      %dma_start3A_374 = arith.constant 0 : i32
      %dma_start3A_375 = tpu.memref_slice %arg2[%arg0, %dma_start3A_373, %dma_start3A_374] : memref<2x10000x64xf32, #tpu.memory_space<hbm>> -> memref<1x10000x64xf32, #tpu.memory_space<hbm>>
      %dma_start3A_376 = tpu.memref_squeeze %dma_start3A_375 : memref<1x10000x64xf32, #tpu.memory_space<hbm>> -> memref<10000x64xf32, #tpu.memory_space<hbm>>
      %dma_start3A_377 = arith.constant 0 : i32
      %dma_start3A_378 = arith.constant 0 : i32
      %dma_start3A_379 = tpu.memref_slice %dma_start3A_376[%dma_start3A_377, %dma_start3A_378] : memref<10000x64xf32, #tpu.memory_space<hbm>> -> memref<10000x64xf32, #tpu.memory_space<hbm>>
      tpu.enqueue_indirect_dma source(%dma_start3A_379 : memref<10000x64xf32, #tpu.memory_space<hbm>>) target(%arg13 : memref<250x64xf32, #tpu.memory_space<vmem>>) offsets(%dma_start3A_372 : memref<250xi32, #tpu.memory_space<vmem>>) semaphore(%arg17 : memref<!tpu.dma_semaphore, #tpu.memory_space<semaphore_mem>>)
      %run_scoped3A_380 = arith.constant 11 : i32
      "tpu.region"() ({
        %run_scoped3A_476 = tpu.sem_alloc : memref<!tpu.dma_semaphore, #tpu.memory_space<semaphore_mem>>
        %dma_start3A_477 = arith.constant 0 : i32
        %dma_start3A_478 = tpu.memref_slice %arg11[%run_scoped3A_380, %dma_start3A_477] : memref<16x250xi32, #tpu.memory_space<vmem>> -> memref<1x250xi32, #tpu.memory_space<vmem>>
        %dma_start3A_479 = tpu.memref_squeeze %dma_start3A_478 : memref<1x250xi32, #tpu.memory_space<vmem>> -> memref<250xi32, #tpu.memory_space<vmem>>
        %dma_start3A_480 = arith.constant 0 : i32
        %dma_start3A_481 = arith.constant 0 : i32
        %dma_start3A_482 = tpu.memref_slice %arg24[%dma_start3A_480, %dma_start3A_481] : memref<10000x64xf32, #tpu.memory_space<vmem_shared>> -> memref<10000x64xf32, #tpu.memory_space<vmem_shared>>
        tpu.enqueue_indirect_dma source(%arg15 : memref<250x64xf32, #tpu.memory_space<vmem>>) target(%dma_start3A_482 : memref<10000x64xf32, #tpu.memory_space<vmem_shared>>) offsets(%dma_start3A_479 : memref<250xi32, #tpu.memory_space<vmem>>) semaphore(%run_scoped3A_476 : memref<!tpu.dma_semaphore, #tpu.memory_space<semaphore_mem>>) {add = true}
        %dma_wait3A_483 = arith.constant 0 : i32
        %dma_wait3A_484 = tpu.memref_slice %arg11[%run_scoped3A_380, %dma_wait3A_483] : memref<16x250xi32, #tpu.memory_space<vmem>> -> memref<1x250xi32, #tpu.memory_space<vmem>>
        %dma_wait3A_485 = tpu.memref_squeeze %dma_wait3A_484 : memref<1x250xi32, #tpu.memory_space<vmem>> -> memref<250xi32, #tpu.memory_space<vmem>>
        %dma_wait3A_486 = arith.constant 0 : i32
        %dma_wait3A_487 = arith.constant 0 : i32
        %dma_wait3A_488 = tpu.memref_slice %arg24[%dma_wait3A_486, %dma_wait3A_487] : memref<10000x64xf32, #tpu.memory_space<vmem_shared>> -> memref<10000x64xf32, #tpu.memory_space<vmem_shared>>
        tpu.wait_indirect_dma semaphore(%run_scoped3A_476 : memref<!tpu.dma_semaphore, #tpu.memory_space<semaphore_mem>>) src(%arg15 : memref<250x64xf32, #tpu.memory_space<vmem>>) dst(%dma_wait3A_488 : memref<10000x64xf32, #tpu.memory_space<vmem_shared>>)
        tpu.yield
      }) : () -> ()
      %eq3A_381 = arith.constant 1 : i32
      %eq3A_382 = arith.cmpi eq, %arg0, %eq3A_381 : i32
      %convert_element_type3A_383 = arith.extui %eq3A_382 : i1 to i32
      %cond3A_384 = arith.constant 0 : i32
      %cond3A_385 = arith.cmpi ne, %convert_element_type3A_383, %cond3A_384 : i32
      scf.if %cond3A_385 {
        %run_scoped3A_476 = arith.constant 11 : i32
        "tpu.region"() ({
          %run_scoped3A_477 = tpu.sem_alloc : memref<!tpu.dma_semaphore, #tpu.memory_space<semaphore_mem>>
          %dma_start3A_478 = arith.constant 0 : i32
          %dma_start3A_479 = tpu.memref_slice %arg11[%run_scoped3A_476, %dma_start3A_478] : memref<16x250xi32, #tpu.memory_space<vmem>> -> memref<1x250xi32, #tpu.memory_space<vmem>>
          %dma_start3A_480 = tpu.memref_squeeze %dma_start3A_479 : memref<1x250xi32, #tpu.memory_space<vmem>> -> memref<250xi32, #tpu.memory_space<vmem>>
          %dma_start3A_481 = arith.constant 0 : i32
          %dma_start3A_482 = arith.constant 0 : i32
          %dma_start3A_483 = tpu.memref_slice %arg27[%dma_start3A_481, %dma_start3A_482] : memref<10000x16xf32, #tpu.memory_space<vmem_shared>> -> memref<10000x16xf32, #tpu.memory_space<vmem_shared>>
          tpu.enqueue_indirect_dma source(%arg26 : memref<250x16xf32, #tpu.memory_space<vmem>>) target(%dma_start3A_483 : memref<10000x16xf32, #tpu.memory_space<vmem_shared>>) offsets(%dma_start3A_480 : memref<250xi32, #tpu.memory_space<vmem>>) semaphore(%run_scoped3A_477 : memref<!tpu.dma_semaphore, #tpu.memory_space<semaphore_mem>>) {add = true}
          %dma_wait3A_484 = arith.constant 0 : i32
          %dma_wait3A_485 = tpu.memref_slice %arg11[%run_scoped3A_476, %dma_wait3A_484] : memref<16x250xi32, #tpu.memory_space<vmem>> -> memref<1x250xi32, #tpu.memory_space<vmem>>
          %dma_wait3A_486 = tpu.memref_squeeze %dma_wait3A_485 : memref<1x250xi32, #tpu.memory_space<vmem>> -> memref<250xi32, #tpu.memory_space<vmem>>
          %dma_wait3A_487 = arith.constant 0 : i32
          %dma_wait3A_488 = arith.constant 0 : i32
          %dma_wait3A_489 = tpu.memref_slice %arg27[%dma_wait3A_487, %dma_wait3A_488] : memref<10000x16xf32, #tpu.memory_space<vmem_shared>> -> memref<10000x16xf32, #tpu.memory_space<vmem_shared>>
          tpu.wait_indirect_dma semaphore(%run_scoped3A_477 : memref<!tpu.dma_semaphore, #tpu.memory_space<semaphore_mem>>) src(%arg26 : memref<250x16xf32, #tpu.memory_space<vmem>>) dst(%dma_wait3A_489 : memref<10000x16xf32, #tpu.memory_space<vmem_shared>>)
          tpu.yield
        }) : () -> ()
      } else {
      }
      %dma_wait3A_386 = arith.constant 12 : i32
      %dma_wait3A_387 = arith.constant 0 : i32
      %dma_wait3A_388 = tpu.memref_slice %arg10[%dma_wait3A_386, %dma_wait3A_387] : memref<16x250xi32, #tpu.memory_space<vmem>> -> memref<1x250xi32, #tpu.memory_space<vmem>>
      %dma_wait3A_389 = tpu.memref_squeeze %dma_wait3A_388 : memref<1x250xi32, #tpu.memory_space<vmem>> -> memref<250xi32, #tpu.memory_space<vmem>>
      %dma_wait3A_390 = arith.constant 0 : i32
      %dma_wait3A_391 = arith.constant 0 : i32
      %dma_wait3A_392 = tpu.memref_slice %arg2[%arg0, %dma_wait3A_390, %dma_wait3A_391] : memref<2x10000x64xf32, #tpu.memory_space<hbm>> -> memref<1x10000x64xf32, #tpu.memory_space<hbm>>
      %dma_wait3A_393 = tpu.memref_squeeze %dma_wait3A_392 : memref<1x10000x64xf32, #tpu.memory_space<hbm>> -> memref<10000x64xf32, #tpu.memory_space<hbm>>
      %dma_wait3A_394 = arith.constant 0 : i32
      %dma_wait3A_395 = arith.constant 0 : i32
      %dma_wait3A_396 = tpu.memref_slice %dma_wait3A_393[%dma_wait3A_394, %dma_wait3A_395] : memref<10000x64xf32, #tpu.memory_space<hbm>> -> memref<10000x64xf32, #tpu.memory_space<hbm>>
      tpu.wait_indirect_dma semaphore(%arg16 : memref<!tpu.dma_semaphore, #tpu.memory_space<semaphore_mem>>) src(%dma_wait3A_396 : memref<10000x64xf32, #tpu.memory_space<hbm>>) dst(%arg12 : memref<250x64xf32, #tpu.memory_space<vmem>>)
      %dma_start3A_397 = arith.constant 14 : i32
      %dma_start3A_398 = arith.constant 0 : i32
      %dma_start3A_399 = tpu.memref_slice %arg10[%dma_start3A_397, %dma_start3A_398] : memref<16x250xi32, #tpu.memory_space<vmem>> -> memref<1x250xi32, #tpu.memory_space<vmem>>
      %dma_start3A_400 = tpu.memref_squeeze %dma_start3A_399 : memref<1x250xi32, #tpu.memory_space<vmem>> -> memref<250xi32, #tpu.memory_space<vmem>>
      %dma_start3A_401 = arith.constant 0 : i32
      %dma_start3A_402 = arith.constant 0 : i32
      %dma_start3A_403 = tpu.memref_slice %arg2[%arg0, %dma_start3A_401, %dma_start3A_402] : memref<2x10000x64xf32, #tpu.memory_space<hbm>> -> memref<1x10000x64xf32, #tpu.memory_space<hbm>>
      %dma_start3A_404 = tpu.memref_squeeze %dma_start3A_403 : memref<1x10000x64xf32, #tpu.memory_space<hbm>> -> memref<10000x64xf32, #tpu.memory_space<hbm>>
      %dma_start3A_405 = arith.constant 0 : i32
      %dma_start3A_406 = arith.constant 0 : i32
      %dma_start3A_407 = tpu.memref_slice %dma_start3A_404[%dma_start3A_405, %dma_start3A_406] : memref<10000x64xf32, #tpu.memory_space<hbm>> -> memref<10000x64xf32, #tpu.memory_space<hbm>>
      tpu.enqueue_indirect_dma source(%dma_start3A_407 : memref<10000x64xf32, #tpu.memory_space<hbm>>) target(%arg14 : memref<250x64xf32, #tpu.memory_space<vmem>>) offsets(%dma_start3A_400 : memref<250xi32, #tpu.memory_space<vmem>>) semaphore(%arg18 : memref<!tpu.dma_semaphore, #tpu.memory_space<semaphore_mem>>)
      %run_scoped3A_408 = arith.constant 12 : i32
      "tpu.region"() ({
        %run_scoped3A_476 = tpu.sem_alloc : memref<!tpu.dma_semaphore, #tpu.memory_space<semaphore_mem>>
        %dma_start3A_477 = arith.constant 0 : i32
        %dma_start3A_478 = tpu.memref_slice %arg11[%run_scoped3A_408, %dma_start3A_477] : memref<16x250xi32, #tpu.memory_space<vmem>> -> memref<1x250xi32, #tpu.memory_space<vmem>>
        %dma_start3A_479 = tpu.memref_squeeze %dma_start3A_478 : memref<1x250xi32, #tpu.memory_space<vmem>> -> memref<250xi32, #tpu.memory_space<vmem>>
        %dma_start3A_480 = arith.constant 0 : i32
        %dma_start3A_481 = arith.constant 0 : i32
        %dma_start3A_482 = tpu.memref_slice %arg24[%dma_start3A_480, %dma_start3A_481] : memref<10000x64xf32, #tpu.memory_space<vmem_shared>> -> memref<10000x64xf32, #tpu.memory_space<vmem_shared>>
        tpu.enqueue_indirect_dma source(%arg12 : memref<250x64xf32, #tpu.memory_space<vmem>>) target(%dma_start3A_482 : memref<10000x64xf32, #tpu.memory_space<vmem_shared>>) offsets(%dma_start3A_479 : memref<250xi32, #tpu.memory_space<vmem>>) semaphore(%run_scoped3A_476 : memref<!tpu.dma_semaphore, #tpu.memory_space<semaphore_mem>>) {add = true}
        %dma_wait3A_483 = arith.constant 0 : i32
        %dma_wait3A_484 = tpu.memref_slice %arg11[%run_scoped3A_408, %dma_wait3A_483] : memref<16x250xi32, #tpu.memory_space<vmem>> -> memref<1x250xi32, #tpu.memory_space<vmem>>
        %dma_wait3A_485 = tpu.memref_squeeze %dma_wait3A_484 : memref<1x250xi32, #tpu.memory_space<vmem>> -> memref<250xi32, #tpu.memory_space<vmem>>
        %dma_wait3A_486 = arith.constant 0 : i32
        %dma_wait3A_487 = arith.constant 0 : i32
        %dma_wait3A_488 = tpu.memref_slice %arg24[%dma_wait3A_486, %dma_wait3A_487] : memref<10000x64xf32, #tpu.memory_space<vmem_shared>> -> memref<10000x64xf32, #tpu.memory_space<vmem_shared>>
        tpu.wait_indirect_dma semaphore(%run_scoped3A_476 : memref<!tpu.dma_semaphore, #tpu.memory_space<semaphore_mem>>) src(%arg12 : memref<250x64xf32, #tpu.memory_space<vmem>>) dst(%dma_wait3A_488 : memref<10000x64xf32, #tpu.memory_space<vmem_shared>>)
        tpu.yield
      }) : () -> ()
      %eq3A_409 = arith.constant 0 : i32
      %eq3A_410 = arith.cmpi eq, %arg0, %eq3A_409 : i32
      %convert_element_type3A_411 = arith.extui %eq3A_410 : i1 to i32
      %cond3A_412 = arith.constant 0 : i32
      %cond3A_413 = arith.cmpi ne, %convert_element_type3A_411, %cond3A_412 : i32
      scf.if %cond3A_413 {
        %run_scoped3A_476 = arith.constant 12 : i32
        "tpu.region"() ({
          %run_scoped3A_477 = tpu.sem_alloc : memref<!tpu.dma_semaphore, #tpu.memory_space<semaphore_mem>>
          %dma_start3A_478 = arith.constant 0 : i32
          %dma_start3A_479 = tpu.memref_slice %arg11[%run_scoped3A_476, %dma_start3A_478] : memref<16x250xi32, #tpu.memory_space<vmem>> -> memref<1x250xi32, #tpu.memory_space<vmem>>
          %dma_start3A_480 = tpu.memref_squeeze %dma_start3A_479 : memref<1x250xi32, #tpu.memory_space<vmem>> -> memref<250xi32, #tpu.memory_space<vmem>>
          %dma_start3A_481 = arith.constant 0 : i32
          %dma_start3A_482 = arith.constant 0 : i32
          %dma_start3A_483 = tpu.memref_slice %arg27[%dma_start3A_481, %dma_start3A_482] : memref<10000x16xf32, #tpu.memory_space<vmem_shared>> -> memref<10000x16xf32, #tpu.memory_space<vmem_shared>>
          tpu.enqueue_indirect_dma source(%arg26 : memref<250x16xf32, #tpu.memory_space<vmem>>) target(%dma_start3A_483 : memref<10000x16xf32, #tpu.memory_space<vmem_shared>>) offsets(%dma_start3A_480 : memref<250xi32, #tpu.memory_space<vmem>>) semaphore(%run_scoped3A_477 : memref<!tpu.dma_semaphore, #tpu.memory_space<semaphore_mem>>) {add = true}
          %dma_wait3A_484 = arith.constant 0 : i32
          %dma_wait3A_485 = tpu.memref_slice %arg11[%run_scoped3A_476, %dma_wait3A_484] : memref<16x250xi32, #tpu.memory_space<vmem>> -> memref<1x250xi32, #tpu.memory_space<vmem>>
          %dma_wait3A_486 = tpu.memref_squeeze %dma_wait3A_485 : memref<1x250xi32, #tpu.memory_space<vmem>> -> memref<250xi32, #tpu.memory_space<vmem>>
          %dma_wait3A_487 = arith.constant 0 : i32
          %dma_wait3A_488 = arith.constant 0 : i32
          %dma_wait3A_489 = tpu.memref_slice %arg27[%dma_wait3A_487, %dma_wait3A_488] : memref<10000x16xf32, #tpu.memory_space<vmem_shared>> -> memref<10000x16xf32, #tpu.memory_space<vmem_shared>>
          tpu.wait_indirect_dma semaphore(%run_scoped3A_477 : memref<!tpu.dma_semaphore, #tpu.memory_space<semaphore_mem>>) src(%arg26 : memref<250x16xf32, #tpu.memory_space<vmem>>) dst(%dma_wait3A_489 : memref<10000x16xf32, #tpu.memory_space<vmem_shared>>)
          tpu.yield
        }) : () -> ()
      } else {
      }
      %dma_wait3A_414 = arith.constant 13 : i32
      %dma_wait3A_415 = arith.constant 0 : i32
      %dma_wait3A_416 = tpu.memref_slice %arg10[%dma_wait3A_414, %dma_wait3A_415] : memref<16x250xi32, #tpu.memory_space<vmem>> -> memref<1x250xi32, #tpu.memory_space<vmem>>
      %dma_wait3A_417 = tpu.memref_squeeze %dma_wait3A_416 : memref<1x250xi32, #tpu.memory_space<vmem>> -> memref<250xi32, #tpu.memory_space<vmem>>
      %dma_wait3A_418 = arith.constant 0 : i32
      %dma_wait3A_419 = arith.constant 0 : i32
      %dma_wait3A_420 = tpu.memref_slice %arg2[%arg0, %dma_wait3A_418, %dma_wait3A_419] : memref<2x10000x64xf32, #tpu.memory_space<hbm>> -> memref<1x10000x64xf32, #tpu.memory_space<hbm>>
      %dma_wait3A_421 = tpu.memref_squeeze %dma_wait3A_420 : memref<1x10000x64xf32, #tpu.memory_space<hbm>> -> memref<10000x64xf32, #tpu.memory_space<hbm>>
      %dma_wait3A_422 = arith.constant 0 : i32
      %dma_wait3A_423 = arith.constant 0 : i32
      %dma_wait3A_424 = tpu.memref_slice %dma_wait3A_421[%dma_wait3A_422, %dma_wait3A_423] : memref<10000x64xf32, #tpu.memory_space<hbm>> -> memref<10000x64xf32, #tpu.memory_space<hbm>>
      tpu.wait_indirect_dma semaphore(%arg17 : memref<!tpu.dma_semaphore, #tpu.memory_space<semaphore_mem>>) src(%dma_wait3A_424 : memref<10000x64xf32, #tpu.memory_space<hbm>>) dst(%arg13 : memref<250x64xf32, #tpu.memory_space<vmem>>)
      %dma_start3A_425 = arith.constant 15 : i32
      %dma_start3A_426 = arith.constant 0 : i32
      %dma_start3A_427 = tpu.memref_slice %arg10[%dma_start3A_425, %dma_start3A_426] : memref<16x250xi32, #tpu.memory_space<vmem>> -> memref<1x250xi32, #tpu.memory_space<vmem>>
      %dma_start3A_428 = tpu.memref_squeeze %dma_start3A_427 : memref<1x250xi32, #tpu.memory_space<vmem>> -> memref<250xi32, #tpu.memory_space<vmem>>
      %dma_start3A_429 = arith.constant 0 : i32
      %dma_start3A_430 = arith.constant 0 : i32
      %dma_start3A_431 = tpu.memref_slice %arg2[%arg0, %dma_start3A_429, %dma_start3A_430] : memref<2x10000x64xf32, #tpu.memory_space<hbm>> -> memref<1x10000x64xf32, #tpu.memory_space<hbm>>
      %dma_start3A_432 = tpu.memref_squeeze %dma_start3A_431 : memref<1x10000x64xf32, #tpu.memory_space<hbm>> -> memref<10000x64xf32, #tpu.memory_space<hbm>>
      %dma_start3A_433 = arith.constant 0 : i32
      %dma_start3A_434 = arith.constant 0 : i32
      %dma_start3A_435 = tpu.memref_slice %dma_start3A_432[%dma_start3A_433, %dma_start3A_434] : memref<10000x64xf32, #tpu.memory_space<hbm>> -> memref<10000x64xf32, #tpu.memory_space<hbm>>
      tpu.enqueue_indirect_dma source(%dma_start3A_435 : memref<10000x64xf32, #tpu.memory_space<hbm>>) target(%arg15 : memref<250x64xf32, #tpu.memory_space<vmem>>) offsets(%dma_start3A_428 : memref<250xi32, #tpu.memory_space<vmem>>) semaphore(%arg19 : memref<!tpu.dma_semaphore, #tpu.memory_space<semaphore_mem>>)
      %run_scoped3A_436 = arith.constant 13 : i32
      "tpu.region"() ({
        %run_scoped3A_476 = tpu.sem_alloc : memref<!tpu.dma_semaphore, #tpu.memory_space<semaphore_mem>>
        %dma_start3A_477 = arith.constant 0 : i32
        %dma_start3A_478 = tpu.memref_slice %arg11[%run_scoped3A_436, %dma_start3A_477] : memref<16x250xi32, #tpu.memory_space<vmem>> -> memref<1x250xi32, #tpu.memory_space<vmem>>
        %dma_start3A_479 = tpu.memref_squeeze %dma_start3A_478 : memref<1x250xi32, #tpu.memory_space<vmem>> -> memref<250xi32, #tpu.memory_space<vmem>>
        %dma_start3A_480 = arith.constant 0 : i32
        %dma_start3A_481 = arith.constant 0 : i32
        %dma_start3A_482 = tpu.memref_slice %arg24[%dma_start3A_480, %dma_start3A_481] : memref<10000x64xf32, #tpu.memory_space<vmem_shared>> -> memref<10000x64xf32, #tpu.memory_space<vmem_shared>>
        tpu.enqueue_indirect_dma source(%arg13 : memref<250x64xf32, #tpu.memory_space<vmem>>) target(%dma_start3A_482 : memref<10000x64xf32, #tpu.memory_space<vmem_shared>>) offsets(%dma_start3A_479 : memref<250xi32, #tpu.memory_space<vmem>>) semaphore(%run_scoped3A_476 : memref<!tpu.dma_semaphore, #tpu.memory_space<semaphore_mem>>) {add = true}
        %dma_wait3A_483 = arith.constant 0 : i32
        %dma_wait3A_484 = tpu.memref_slice %arg11[%run_scoped3A_436, %dma_wait3A_483] : memref<16x250xi32, #tpu.memory_space<vmem>> -> memref<1x250xi32, #tpu.memory_space<vmem>>
        %dma_wait3A_485 = tpu.memref_squeeze %dma_wait3A_484 : memref<1x250xi32, #tpu.memory_space<vmem>> -> memref<250xi32, #tpu.memory_space<vmem>>
        %dma_wait3A_486 = arith.constant 0 : i32
        %dma_wait3A_487 = arith.constant 0 : i32
        %dma_wait3A_488 = tpu.memref_slice %arg24[%dma_wait3A_486, %dma_wait3A_487] : memref<10000x64xf32, #tpu.memory_space<vmem_shared>> -> memref<10000x64xf32, #tpu.memory_space<vmem_shared>>
        tpu.wait_indirect_dma semaphore(%run_scoped3A_476 : memref<!tpu.dma_semaphore, #tpu.memory_space<semaphore_mem>>) src(%arg13 : memref<250x64xf32, #tpu.memory_space<vmem>>) dst(%dma_wait3A_488 : memref<10000x64xf32, #tpu.memory_space<vmem_shared>>)
        tpu.yield
      }) : () -> ()
      %eq3A_437 = arith.constant 1 : i32
      %eq3A_438 = arith.cmpi eq, %arg0, %eq3A_437 : i32
      %convert_element_type3A_439 = arith.extui %eq3A_438 : i1 to i32
      %cond3A_440 = arith.constant 0 : i32
      %cond3A_441 = arith.cmpi ne, %convert_element_type3A_439, %cond3A_440 : i32
      scf.if %cond3A_441 {
        %run_scoped3A_476 = arith.constant 13 : i32
        "tpu.region"() ({
          %run_scoped3A_477 = tpu.sem_alloc : memref<!tpu.dma_semaphore, #tpu.memory_space<semaphore_mem>>
          %dma_start3A_478 = arith.constant 0 : i32
          %dma_start3A_479 = tpu.memref_slice %arg11[%run_scoped3A_476, %dma_start3A_478] : memref<16x250xi32, #tpu.memory_space<vmem>> -> memref<1x250xi32, #tpu.memory_space<vmem>>
          %dma_start3A_480 = tpu.memref_squeeze %dma_start3A_479 : memref<1x250xi32, #tpu.memory_space<vmem>> -> memref<250xi32, #tpu.memory_space<vmem>>
          %dma_start3A_481 = arith.constant 0 : i32
          %dma_start3A_482 = arith.constant 0 : i32
          %dma_start3A_483 = tpu.memref_slice %arg27[%dma_start3A_481, %dma_start3A_482] : memref<10000x16xf32, #tpu.memory_space<vmem_shared>> -> memref<10000x16xf32, #tpu.memory_space<vmem_shared>>
          tpu.enqueue_indirect_dma source(%arg26 : memref<250x16xf32, #tpu.memory_space<vmem>>) target(%dma_start3A_483 : memref<10000x16xf32, #tpu.memory_space<vmem_shared>>) offsets(%dma_start3A_480 : memref<250xi32, #tpu.memory_space<vmem>>) semaphore(%run_scoped3A_477 : memref<!tpu.dma_semaphore, #tpu.memory_space<semaphore_mem>>) {add = true}
          %dma_wait3A_484 = arith.constant 0 : i32
          %dma_wait3A_485 = tpu.memref_slice %arg11[%run_scoped3A_476, %dma_wait3A_484] : memref<16x250xi32, #tpu.memory_space<vmem>> -> memref<1x250xi32, #tpu.memory_space<vmem>>
          %dma_wait3A_486 = tpu.memref_squeeze %dma_wait3A_485 : memref<1x250xi32, #tpu.memory_space<vmem>> -> memref<250xi32, #tpu.memory_space<vmem>>
          %dma_wait3A_487 = arith.constant 0 : i32
          %dma_wait3A_488 = arith.constant 0 : i32
          %dma_wait3A_489 = tpu.memref_slice %arg27[%dma_wait3A_487, %dma_wait3A_488] : memref<10000x16xf32, #tpu.memory_space<vmem_shared>> -> memref<10000x16xf32, #tpu.memory_space<vmem_shared>>
          tpu.wait_indirect_dma semaphore(%run_scoped3A_477 : memref<!tpu.dma_semaphore, #tpu.memory_space<semaphore_mem>>) src(%arg26 : memref<250x16xf32, #tpu.memory_space<vmem>>) dst(%dma_wait3A_489 : memref<10000x16xf32, #tpu.memory_space<vmem_shared>>)
          tpu.yield
        }) : () -> ()
      } else {
      }
      %dma_wait3A_442 = arith.constant 14 : i32
      %dma_wait3A_443 = arith.constant 0 : i32
      %dma_wait3A_444 = tpu.memref_slice %arg10[%dma_wait3A_442, %dma_wait3A_443] : memref<16x250xi32, #tpu.memory_space<vmem>> -> memref<1x250xi32, #tpu.memory_space<vmem>>
      %dma_wait3A_445 = tpu.memref_squeeze %dma_wait3A_444 : memref<1x250xi32, #tpu.memory_space<vmem>> -> memref<250xi32, #tpu.memory_space<vmem>>
      %dma_wait3A_446 = arith.constant 0 : i32
      %dma_wait3A_447 = arith.constant 0 : i32
      %dma_wait3A_448 = tpu.memref_slice %arg2[%arg0, %dma_wait3A_446, %dma_wait3A_447] : memref<2x10000x64xf32, #tpu.memory_space<hbm>> -> memref<1x10000x64xf32, #tpu.memory_space<hbm>>
      %dma_wait3A_449 = tpu.memref_squeeze %dma_wait3A_448 : memref<1x10000x64xf32, #tpu.memory_space<hbm>> -> memref<10000x64xf32, #tpu.memory_space<hbm>>
      %dma_wait3A_450 = arith.constant 0 : i32
      %dma_wait3A_451 = arith.constant 0 : i32
      %dma_wait3A_452 = tpu.memref_slice %dma_wait3A_449[%dma_wait3A_450, %dma_wait3A_451] : memref<10000x64xf32, #tpu.memory_space<hbm>> -> memref<10000x64xf32, #tpu.memory_space<hbm>>
      tpu.wait_indirect_dma semaphore(%arg18 : memref<!tpu.dma_semaphore, #tpu.memory_space<semaphore_mem>>) src(%dma_wait3A_452 : memref<10000x64xf32, #tpu.memory_space<hbm>>) dst(%arg14 : memref<250x64xf32, #tpu.memory_space<vmem>>)
      %run_scoped3A_453 = arith.constant 14 : i32
      "tpu.region"() ({
        %run_scoped3A_476 = tpu.sem_alloc : memref<!tpu.dma_semaphore, #tpu.memory_space<semaphore_mem>>
        %dma_start3A_477 = arith.constant 0 : i32
        %dma_start3A_478 = tpu.memref_slice %arg11[%run_scoped3A_453, %dma_start3A_477] : memref<16x250xi32, #tpu.memory_space<vmem>> -> memref<1x250xi32, #tpu.memory_space<vmem>>
        %dma_start3A_479 = tpu.memref_squeeze %dma_start3A_478 : memref<1x250xi32, #tpu.memory_space<vmem>> -> memref<250xi32, #tpu.memory_space<vmem>>
        %dma_start3A_480 = arith.constant 0 : i32
        %dma_start3A_481 = arith.constant 0 : i32
        %dma_start3A_482 = tpu.memref_slice %arg24[%dma_start3A_480, %dma_start3A_481] : memref<10000x64xf32, #tpu.memory_space<vmem_shared>> -> memref<10000x64xf32, #tpu.memory_space<vmem_shared>>
        tpu.enqueue_indirect_dma source(%arg14 : memref<250x64xf32, #tpu.memory_space<vmem>>) target(%dma_start3A_482 : memref<10000x64xf32, #tpu.memory_space<vmem_shared>>) offsets(%dma_start3A_479 : memref<250xi32, #tpu.memory_space<vmem>>) semaphore(%run_scoped3A_476 : memref<!tpu.dma_semaphore, #tpu.memory_space<semaphore_mem>>) {add = true}
        %dma_wait3A_483 = arith.constant 0 : i32
        %dma_wait3A_484 = tpu.memref_slice %arg11[%run_scoped3A_453, %dma_wait3A_483] : memref<16x250xi32, #tpu.memory_space<vmem>> -> memref<1x250xi32, #tpu.memory_space<vmem>>
        %dma_wait3A_485 = tpu.memref_squeeze %dma_wait3A_484 : memref<1x250xi32, #tpu.memory_space<vmem>> -> memref<250xi32, #tpu.memory_space<vmem>>
        %dma_wait3A_486 = arith.constant 0 : i32
        %dma_wait3A_487 = arith.constant 0 : i32
        %dma_wait3A_488 = tpu.memref_slice %arg24[%dma_wait3A_486, %dma_wait3A_487] : memref<10000x64xf32, #tpu.memory_space<vmem_shared>> -> memref<10000x64xf32, #tpu.memory_space<vmem_shared>>
        tpu.wait_indirect_dma semaphore(%run_scoped3A_476 : memref<!tpu.dma_semaphore, #tpu.memory_space<semaphore_mem>>) src(%arg14 : memref<250x64xf32, #tpu.memory_space<vmem>>) dst(%dma_wait3A_488 : memref<10000x64xf32, #tpu.memory_space<vmem_shared>>)
        tpu.yield
      }) : () -> ()
      %eq3A_454 = arith.constant 0 : i32
      %eq3A_455 = arith.cmpi eq, %arg0, %eq3A_454 : i32
      %convert_element_type3A_456 = arith.extui %eq3A_455 : i1 to i32
      %cond3A_457 = arith.constant 0 : i32
      %cond3A_458 = arith.cmpi ne, %convert_element_type3A_456, %cond3A_457 : i32
      scf.if %cond3A_458 {
        %run_scoped3A_476 = arith.constant 14 : i32
        "tpu.region"() ({
          %run_scoped3A_477 = tpu.sem_alloc : memref<!tpu.dma_semaphore, #tpu.memory_space<semaphore_mem>>
          %dma_start3A_478 = arith.constant 0 : i32
          %dma_start3A_479 = tpu.memref_slice %arg11[%run_scoped3A_476, %dma_start3A_478] : memref<16x250xi32, #tpu.memory_space<vmem>> -> memref<1x250xi32, #tpu.memory_space<vmem>>
          %dma_start3A_480 = tpu.memref_squeeze %dma_start3A_479 : memref<1x250xi32, #tpu.memory_space<vmem>> -> memref<250xi32, #tpu.memory_space<vmem>>
          %dma_start3A_481 = arith.constant 0 : i32
          %dma_start3A_482 = arith.constant 0 : i32
          %dma_start3A_483 = tpu.memref_slice %arg27[%dma_start3A_481, %dma_start3A_482] : memref<10000x16xf32, #tpu.memory_space<vmem_shared>> -> memref<10000x16xf32, #tpu.memory_space<vmem_shared>>
          tpu.enqueue_indirect_dma source(%arg26 : memref<250x16xf32, #tpu.memory_space<vmem>>) target(%dma_start3A_483 : memref<10000x16xf32, #tpu.memory_space<vmem_shared>>) offsets(%dma_start3A_480 : memref<250xi32, #tpu.memory_space<vmem>>) semaphore(%run_scoped3A_477 : memref<!tpu.dma_semaphore, #tpu.memory_space<semaphore_mem>>) {add = true}
          %dma_wait3A_484 = arith.constant 0 : i32
          %dma_wait3A_485 = tpu.memref_slice %arg11[%run_scoped3A_476, %dma_wait3A_484] : memref<16x250xi32, #tpu.memory_space<vmem>> -> memref<1x250xi32, #tpu.memory_space<vmem>>
          %dma_wait3A_486 = tpu.memref_squeeze %dma_wait3A_485 : memref<1x250xi32, #tpu.memory_space<vmem>> -> memref<250xi32, #tpu.memory_space<vmem>>
          %dma_wait3A_487 = arith.constant 0 : i32
          %dma_wait3A_488 = arith.constant 0 : i32
          %dma_wait3A_489 = tpu.memref_slice %arg27[%dma_wait3A_487, %dma_wait3A_488] : memref<10000x16xf32, #tpu.memory_space<vmem_shared>> -> memref<10000x16xf32, #tpu.memory_space<vmem_shared>>
          tpu.wait_indirect_dma semaphore(%run_scoped3A_477 : memref<!tpu.dma_semaphore, #tpu.memory_space<semaphore_mem>>) src(%arg26 : memref<250x16xf32, #tpu.memory_space<vmem>>) dst(%dma_wait3A_489 : memref<10000x16xf32, #tpu.memory_space<vmem_shared>>)
          tpu.yield
        }) : () -> ()
      } else {
      }
      %dma_wait3A_459 = arith.constant 15 : i32
      %dma_wait3A_460 = arith.constant 0 : i32
      %dma_wait3A_461 = tpu.memref_slice %arg10[%dma_wait3A_459, %dma_wait3A_460] : memref<16x250xi32, #tpu.memory_space<vmem>> -> memref<1x250xi32, #tpu.memory_space<vmem>>
      %dma_wait3A_462 = tpu.memref_squeeze %dma_wait3A_461 : memref<1x250xi32, #tpu.memory_space<vmem>> -> memref<250xi32, #tpu.memory_space<vmem>>
      %dma_wait3A_463 = arith.constant 0 : i32
      %dma_wait3A_464 = arith.constant 0 : i32
      %dma_wait3A_465 = tpu.memref_slice %arg2[%arg0, %dma_wait3A_463, %dma_wait3A_464] : memref<2x10000x64xf32, #tpu.memory_space<hbm>> -> memref<1x10000x64xf32, #tpu.memory_space<hbm>>
      %dma_wait3A_466 = tpu.memref_squeeze %dma_wait3A_465 : memref<1x10000x64xf32, #tpu.memory_space<hbm>> -> memref<10000x64xf32, #tpu.memory_space<hbm>>
      %dma_wait3A_467 = arith.constant 0 : i32
      %dma_wait3A_468 = arith.constant 0 : i32
      %dma_wait3A_469 = tpu.memref_slice %dma_wait3A_466[%dma_wait3A_467, %dma_wait3A_468] : memref<10000x64xf32, #tpu.memory_space<hbm>> -> memref<10000x64xf32, #tpu.memory_space<hbm>>
      tpu.wait_indirect_dma semaphore(%arg19 : memref<!tpu.dma_semaphore, #tpu.memory_space<semaphore_mem>>) src(%dma_wait3A_469 : memref<10000x64xf32, #tpu.memory_space<hbm>>) dst(%arg15 : memref<250x64xf32, #tpu.memory_space<vmem>>)
      %run_scoped3A_470 = arith.constant 15 : i32
      "tpu.region"() ({
        %run_scoped3A_476 = tpu.sem_alloc : memref<!tpu.dma_semaphore, #tpu.memory_space<semaphore_mem>>
        %dma_start3A_477 = arith.constant 0 : i32
        %dma_start3A_478 = tpu.memref_slice %arg11[%run_scoped3A_470, %dma_start3A_477] : memref<16x250xi32, #tpu.memory_space<vmem>> -> memref<1x250xi32, #tpu.memory_space<vmem>>
        %dma_start3A_479 = tpu.memref_squeeze %dma_start3A_478 : memref<1x250xi32, #tpu.memory_space<vmem>> -> memref<250xi32, #tpu.memory_space<vmem>>
        %dma_start3A_480 = arith.constant 0 : i32
        %dma_start3A_481 = arith.constant 0 : i32
        %dma_start3A_482 = tpu.memref_slice %arg24[%dma_start3A_480, %dma_start3A_481] : memref<10000x64xf32, #tpu.memory_space<vmem_shared>> -> memref<10000x64xf32, #tpu.memory_space<vmem_shared>>
        tpu.enqueue_indirect_dma source(%arg15 : memref<250x64xf32, #tpu.memory_space<vmem>>) target(%dma_start3A_482 : memref<10000x64xf32, #tpu.memory_space<vmem_shared>>) offsets(%dma_start3A_479 : memref<250xi32, #tpu.memory_space<vmem>>) semaphore(%run_scoped3A_476 : memref<!tpu.dma_semaphore, #tpu.memory_space<semaphore_mem>>) {add = true}
        %dma_wait3A_483 = arith.constant 0 : i32
        %dma_wait3A_484 = tpu.memref_slice %arg11[%run_scoped3A_470, %dma_wait3A_483] : memref<16x250xi32, #tpu.memory_space<vmem>> -> memref<1x250xi32, #tpu.memory_space<vmem>>
        %dma_wait3A_485 = tpu.memref_squeeze %dma_wait3A_484 : memref<1x250xi32, #tpu.memory_space<vmem>> -> memref<250xi32, #tpu.memory_space<vmem>>
        %dma_wait3A_486 = arith.constant 0 : i32
        %dma_wait3A_487 = arith.constant 0 : i32
        %dma_wait3A_488 = tpu.memref_slice %arg24[%dma_wait3A_486, %dma_wait3A_487] : memref<10000x64xf32, #tpu.memory_space<vmem_shared>> -> memref<10000x64xf32, #tpu.memory_space<vmem_shared>>
        tpu.wait_indirect_dma semaphore(%run_scoped3A_476 : memref<!tpu.dma_semaphore, #tpu.memory_space<semaphore_mem>>) src(%arg15 : memref<250x64xf32, #tpu.memory_space<vmem>>) dst(%dma_wait3A_488 : memref<10000x64xf32, #tpu.memory_space<vmem_shared>>)
        tpu.yield
      }) : () -> ()
      %eq3A_471 = arith.constant 1 : i32
      %eq3A_472 = arith.cmpi eq, %arg0, %eq3A_471 : i32
      %convert_element_type3A_473 = arith.extui %eq3A_472 : i1 to i32
      %cond3A_474 = arith.constant 0 : i32
      %cond3A_475 = arith.cmpi ne, %convert_element_type3A_473, %cond3A_474 : i32
      scf.if %cond3A_475 {
        %run_scoped3A_476 = arith.constant 15 : i32
        "tpu.region"() ({
          %run_scoped3A_477 = tpu.sem_alloc : memref<!tpu.dma_semaphore, #tpu.memory_space<semaphore_mem>>
          %dma_start3A_478 = arith.constant 0 : i32
          %dma_start3A_479 = tpu.memref_slice %arg11[%run_scoped3A_476, %dma_start3A_478] : memref<16x250xi32, #tpu.memory_space<vmem>> -> memref<1x250xi32, #tpu.memory_space<vmem>>
          %dma_start3A_480 = tpu.memref_squeeze %dma_start3A_479 : memref<1x250xi32, #tpu.memory_space<vmem>> -> memref<250xi32, #tpu.memory_space<vmem>>
          %dma_start3A_481 = arith.constant 0 : i32
          %dma_start3A_482 = arith.constant 0 : i32
          %dma_start3A_483 = tpu.memref_slice %arg27[%dma_start3A_481, %dma_start3A_482] : memref<10000x16xf32, #tpu.memory_space<vmem_shared>> -> memref<10000x16xf32, #tpu.memory_space<vmem_shared>>
          tpu.enqueue_indirect_dma source(%arg26 : memref<250x16xf32, #tpu.memory_space<vmem>>) target(%dma_start3A_483 : memref<10000x16xf32, #tpu.memory_space<vmem_shared>>) offsets(%dma_start3A_480 : memref<250xi32, #tpu.memory_space<vmem>>) semaphore(%run_scoped3A_477 : memref<!tpu.dma_semaphore, #tpu.memory_space<semaphore_mem>>) {add = true}
          %dma_wait3A_484 = arith.constant 0 : i32
          %dma_wait3A_485 = tpu.memref_slice %arg11[%run_scoped3A_476, %dma_wait3A_484] : memref<16x250xi32, #tpu.memory_space<vmem>> -> memref<1x250xi32, #tpu.memory_space<vmem>>
          %dma_wait3A_486 = tpu.memref_squeeze %dma_wait3A_485 : memref<1x250xi32, #tpu.memory_space<vmem>> -> memref<250xi32, #tpu.memory_space<vmem>>
          %dma_wait3A_487 = arith.constant 0 : i32
          %dma_wait3A_488 = arith.constant 0 : i32
          %dma_wait3A_489 = tpu.memref_slice %arg27[%dma_wait3A_487, %dma_wait3A_488] : memref<10000x16xf32, #tpu.memory_space<vmem_shared>> -> memref<10000x16xf32, #tpu.memory_space<vmem_shared>>
          tpu.wait_indirect_dma semaphore(%run_scoped3A_477 : memref<!tpu.dma_semaphore, #tpu.memory_space<semaphore_mem>>) src(%arg26 : memref<250x16xf32, #tpu.memory_space<vmem>>) dst(%dma_wait3A_489 : memref<10000x16xf32, #tpu.memory_space<vmem_shared>>)
          tpu.yield
        }) : () -> ()
      } else {
      }
    }
    %scan3A_13 = arith.constant 5 : i32
    %barrier3A_14 = arith.constant 0 : index
    tpu.barrier barrier_id(%barrier3A_14)
    %mul3A_15 = arith.constant 624 : i32
    %mul3A_16 = arith.muli %arg1, %mul3A_15 : i32
    %mul3A_17 = arith.constant 624 : i32
    %mul3A_18 = arith.muli %arg1, %mul3A_17 : i32
    "tpu.region"() ({
      %run_scoped3A = tpu.sem_alloc : memref<!tpu.dma_semaphore, #tpu.memory_space<semaphore_mem>>
      %dma_start3A = arith.constant 0 : i32
      %dma_start3A_30 = arith.constant 0 : i32
      %dma_start3A_31 = tpu.memref_slice %arg8[%arg0, %dma_start3A, %dma_start3A_30] : memref<2x10000x64xf32, #tpu.memory_space<hbm>> -> memref<1x10000x64xf32, #tpu.memory_space<hbm>>
      %dma_start3A_32 = tpu.memref_squeeze %dma_start3A_31 : memref<1x10000x64xf32, #tpu.memory_space<hbm>> -> memref<10000x64xf32, #tpu.memory_space<hbm>>
      %dma_start3A_33 = arith.constant 0 : i32
      %dma_start3A_34 = tpu.memref_slice %dma_start3A_32[%mul3A_18, %dma_start3A_33] : memref<10000x64xf32, #tpu.memory_space<hbm>> -> memref<624x64xf32, #tpu.memory_space<hbm>>
      %dma_start3A_35 = arith.constant 0 : i32
      %dma_start3A_36 = tpu.memref_slice %arg24[%mul3A_16, %dma_start3A_35] : memref<10000x64xf32, #tpu.memory_space<vmem_shared>> -> memref<624x64xf32, #tpu.memory_space<vmem_shared>>
      tpu.enqueue_dma source(%dma_start3A_36 : memref<624x64xf32, #tpu.memory_space<vmem_shared>>) target(%dma_start3A_34 : memref<624x64xf32, #tpu.memory_space<hbm>>) target_semaphore(%run_scoped3A : memref<!tpu.dma_semaphore, #tpu.memory_space<semaphore_mem>>)
      %dma_wait3A = arith.constant 0 : i32
      %dma_wait3A_37 = arith.constant 0 : i32
      %dma_wait3A_38 = tpu.memref_slice %arg8[%arg0, %dma_wait3A, %dma_wait3A_37] : memref<2x10000x64xf32, #tpu.memory_space<hbm>> -> memref<1x10000x64xf32, #tpu.memory_space<hbm>>
      %dma_wait3A_39 = tpu.memref_squeeze %dma_wait3A_38 : memref<1x10000x64xf32, #tpu.memory_space<hbm>> -> memref<10000x64xf32, #tpu.memory_space<hbm>>
      %dma_wait3A_40 = arith.constant 0 : i32
      %dma_wait3A_41 = tpu.memref_slice %dma_wait3A_39[%mul3A_18, %dma_wait3A_40] : memref<10000x64xf32, #tpu.memory_space<hbm>> -> memref<624x64xf32, #tpu.memory_space<hbm>>
      %dma_wait3A_42 = arith.constant 0 : i32
      %dma_wait3A_43 = tpu.memref_slice %arg24[%mul3A_16, %dma_wait3A_42] : memref<10000x64xf32, #tpu.memory_space<vmem_shared>> -> memref<624x64xf32, #tpu.memory_space<vmem_shared>>
      tpu.wait_dma2 semaphore(%run_scoped3A : memref<!tpu.dma_semaphore, #tpu.memory_space<semaphore_mem>>) src(%dma_wait3A_43 : memref<624x64xf32, #tpu.memory_space<vmem_shared>>) dst(%dma_wait3A_41 : memref<624x64xf32, #tpu.memory_space<hbm>>)
      tpu.yield
    }) : () -> ()
    %mul3A_19 = arith.constant 624 : i32
    %mul3A_20 = arith.muli %arg1, %mul3A_19 : i32
    %mul3A_21 = arith.constant 10000 : i32
    %mul3A_22 = arith.muli %arg0, %mul3A_21 : i32
    %mul3A_23 = arith.constant 624 : i32
    %mul3A_24 = arith.muli %arg1, %mul3A_23 : i32
    %add3A = arith.addi %mul3A_22, %mul3A_24 : i32
    "tpu.region"() ({
      %run_scoped3A = tpu.sem_alloc : memref<!tpu.dma_semaphore, #tpu.memory_space<semaphore_mem>>
      %dma_start3A = arith.constant 0 : i32
      %dma_start3A_30 = tpu.memref_slice %arg9[%add3A, %dma_start3A] : memref<20000x16xf32, #tpu.memory_space<hbm>> -> memref<624x16xf32, #tpu.memory_space<hbm>>
      %dma_start3A_31 = arith.constant 0 : i32
      %dma_start3A_32 = tpu.memref_slice %arg27[%mul3A_20, %dma_start3A_31] : memref<10000x16xf32, #tpu.memory_space<vmem_shared>> -> memref<624x16xf32, #tpu.memory_space<vmem_shared>>
      tpu.enqueue_dma source(%dma_start3A_32 : memref<624x16xf32, #tpu.memory_space<vmem_shared>>) target(%dma_start3A_30 : memref<624x16xf32, #tpu.memory_space<hbm>>) target_semaphore(%run_scoped3A : memref<!tpu.dma_semaphore, #tpu.memory_space<semaphore_mem>>)
      %dma_wait3A = arith.constant 0 : i32
      %dma_wait3A_33 = tpu.memref_slice %arg9[%add3A, %dma_wait3A] : memref<20000x16xf32, #tpu.memory_space<hbm>> -> memref<624x16xf32, #tpu.memory_space<hbm>>
      %dma_wait3A_34 = arith.constant 0 : i32
      %dma_wait3A_35 = tpu.memref_slice %arg27[%mul3A_20, %dma_wait3A_34] : memref<10000x16xf32, #tpu.memory_space<vmem_shared>> -> memref<624x16xf32, #tpu.memory_space<vmem_shared>>
      tpu.wait_dma2 semaphore(%run_scoped3A : memref<!tpu.dma_semaphore, #tpu.memory_space<semaphore_mem>>) src(%dma_wait3A_35 : memref<624x16xf32, #tpu.memory_space<vmem_shared>>) dst(%dma_wait3A_33 : memref<624x16xf32, #tpu.memory_space<hbm>>)
      tpu.yield
    }) : () -> ()
    %eq3A_25 = arith.constant 15 : i32
    %eq3A_26 = arith.cmpi eq, %arg1, %eq3A_25 : i32
    %convert_element_type3A_27 = arith.extui %eq3A_26 : i1 to i32
    %cond3A_28 = arith.constant 0 : i32
    %cond3A_29 = arith.cmpi ne, %convert_element_type3A_27, %cond3A_28 : i32
    scf.if %cond3A_29 {
      "tpu.region"() ({
        %run_scoped3A = tpu.sem_alloc : memref<!tpu.dma_semaphore, #tpu.memory_space<semaphore_mem>>
        %dma_start3A = arith.constant 0 : i32
        %dma_start3A_34 = arith.constant 0 : i32
        %dma_start3A_35 = tpu.memref_slice %arg8[%arg0, %dma_start3A, %dma_start3A_34] : memref<2x10000x64xf32, #tpu.memory_space<hbm>> -> memref<1x10000x64xf32, #tpu.memory_space<hbm>>
        %dma_start3A_36 = tpu.memref_squeeze %dma_start3A_35 : memref<1x10000x64xf32, #tpu.memory_space<hbm>> -> memref<10000x64xf32, #tpu.memory_space<hbm>>
        %dma_start3A_37 = arith.constant 9984 : i32
        %dma_start3A_38 = arith.constant 0 : i32
        %dma_start3A_39 = tpu.memref_slice %dma_start3A_36[%dma_start3A_37, %dma_start3A_38] : memref<10000x64xf32, #tpu.memory_space<hbm>> -> memref<16x64xf32, #tpu.memory_space<hbm>>
        %dma_start3A_40 = arith.constant 9984 : i32
        %dma_start3A_41 = arith.constant 0 : i32
        %dma_start3A_42 = tpu.memref_slice %arg24[%dma_start3A_40, %dma_start3A_41] : memref<10000x64xf32, #tpu.memory_space<vmem_shared>> -> memref<16x64xf32, #tpu.memory_space<vmem_shared>>
        tpu.enqueue_dma source(%dma_start3A_42 : memref<16x64xf32, #tpu.memory_space<vmem_shared>>) target(%dma_start3A_39 : memref<16x64xf32, #tpu.memory_space<hbm>>) target_semaphore(%run_scoped3A : memref<!tpu.dma_semaphore, #tpu.memory_space<semaphore_mem>>)
        %dma_wait3A = arith.constant 0 : i32
        %dma_wait3A_43 = arith.constant 0 : i32
        %dma_wait3A_44 = tpu.memref_slice %arg8[%arg0, %dma_wait3A, %dma_wait3A_43] : memref<2x10000x64xf32, #tpu.memory_space<hbm>> -> memref<1x10000x64xf32, #tpu.memory_space<hbm>>
        %dma_wait3A_45 = tpu.memref_squeeze %dma_wait3A_44 : memref<1x10000x64xf32, #tpu.memory_space<hbm>> -> memref<10000x64xf32, #tpu.memory_space<hbm>>
        %dma_wait3A_46 = arith.constant 9984 : i32
        %dma_wait3A_47 = arith.constant 0 : i32
        %dma_wait3A_48 = tpu.memref_slice %dma_wait3A_45[%dma_wait3A_46, %dma_wait3A_47] : memref<10000x64xf32, #tpu.memory_space<hbm>> -> memref<16x64xf32, #tpu.memory_space<hbm>>
        %dma_wait3A_49 = arith.constant 9984 : i32
        %dma_wait3A_50 = arith.constant 0 : i32
        %dma_wait3A_51 = tpu.memref_slice %arg24[%dma_wait3A_49, %dma_wait3A_50] : memref<10000x64xf32, #tpu.memory_space<vmem_shared>> -> memref<16x64xf32, #tpu.memory_space<vmem_shared>>
        tpu.wait_dma2 semaphore(%run_scoped3A : memref<!tpu.dma_semaphore, #tpu.memory_space<semaphore_mem>>) src(%dma_wait3A_51 : memref<16x64xf32, #tpu.memory_space<vmem_shared>>) dst(%dma_wait3A_48 : memref<16x64xf32, #tpu.memory_space<hbm>>)
        tpu.yield
      }) : () -> ()
      %mul3A_30 = arith.constant 10000 : i32
      %mul3A_31 = arith.muli %arg0, %mul3A_30 : i32
      %add3A_32 = arith.constant 9984 : i32
      %add3A_33 = arith.addi %mul3A_31, %add3A_32 : i32
      "tpu.region"() ({
        %run_scoped3A = tpu.sem_alloc : memref<!tpu.dma_semaphore, #tpu.memory_space<semaphore_mem>>
        %dma_start3A = arith.constant 0 : i32
        %dma_start3A_34 = tpu.memref_slice %arg9[%add3A_33, %dma_start3A] : memref<20000x16xf32, #tpu.memory_space<hbm>> -> memref<16x16xf32, #tpu.memory_space<hbm>>
        %dma_start3A_35 = arith.constant 9984 : i32
        %dma_start3A_36 = arith.constant 0 : i32
        %dma_start3A_37 = tpu.memref_slice %arg27[%dma_start3A_35, %dma_start3A_36] : memref<10000x16xf32, #tpu.memory_space<vmem_shared>> -> memref<16x16xf32, #tpu.memory_space<vmem_shared>>
        tpu.enqueue_dma source(%dma_start3A_37 : memref<16x16xf32, #tpu.memory_space<vmem_shared>>) target(%dma_start3A_34 : memref<16x16xf32, #tpu.memory_space<hbm>>) target_semaphore(%run_scoped3A : memref<!tpu.dma_semaphore, #tpu.memory_space<semaphore_mem>>)
        %dma_wait3A = arith.constant 0 : i32
        %dma_wait3A_38 = tpu.memref_slice %arg9[%add3A_33, %dma_wait3A] : memref<20000x16xf32, #tpu.memory_space<hbm>> -> memref<16x16xf32, #tpu.memory_space<hbm>>
        %dma_wait3A_39 = arith.constant 9984 : i32
        %dma_wait3A_40 = arith.constant 0 : i32
        %dma_wait3A_41 = tpu.memref_slice %arg27[%dma_wait3A_39, %dma_wait3A_40] : memref<10000x16xf32, #tpu.memory_space<vmem_shared>> -> memref<16x16xf32, #tpu.memory_space<vmem_shared>>
        tpu.wait_dma2 semaphore(%run_scoped3A : memref<!tpu.dma_semaphore, #tpu.memory_space<semaphore_mem>>) src(%dma_wait3A_41 : memref<16x16xf32, #tpu.memory_space<vmem_shared>>) dst(%dma_wait3A_38 : memref<16x16xf32, #tpu.memory_space<hbm>>)
        tpu.yield
      }) : () -> ()
    } else {
    }
    return
  }
}

#map = affine_map<(d0, d1) -> (0, 0, 0)>
#map1 = affine_map<(d0, d1) -> (0, 0, 0, 0)>
#map2 = affine_map<(d0, d1) -> (0, 0)>
module attributes {stable_mosaic.version = 14 : i64} {
  func.func @k(%arg0: i32, %arg1: i32, %arg2: memref<2x10000x64xf32, #tpu.memory_space<hbm>>, %arg3: memref<16x5x16x250xi32, #tpu.memory_space<hbm>>, %arg4: memref<16x5x16x250xi32, #tpu.memory_space<hbm>>, %arg5: memref<10000x64xf32, #tpu.memory_space<hbm>>, %arg6: memref<2x10000x64xf32, #tpu.memory_space<hbm>>, %arg7: memref<16x250xi32, #tpu.memory_space<vmem>>, %arg8: memref<16x250xi32, #tpu.memory_space<vmem>>, %arg9: memref<250x64xf32, #tpu.memory_space<vmem>>, %arg10: memref<250x64xf32, #tpu.memory_space<vmem>>, %arg11: memref<250x64xf32, #tpu.memory_space<vmem>>, %arg12: memref<250x64xf32, #tpu.memory_space<vmem>>, %arg13: memref<!tpu.dma_semaphore, #tpu.memory_space<semaphore_mem>>, %arg14: memref<!tpu.dma_semaphore, #tpu.memory_space<semaphore_mem>>, %arg15: memref<!tpu.dma_semaphore, #tpu.memory_space<semaphore_mem>>, %arg16: memref<!tpu.dma_semaphore, #tpu.memory_space<semaphore_mem>>, %arg17: memref<!tpu.dma_semaphore, #tpu.memory_space<semaphore_mem>>, %arg18: memref<!tpu.dma_semaphore, #tpu.memory_space<semaphore_mem>>, %arg19: memref<!tpu.dma_semaphore, #tpu.memory_space<semaphore_mem>>, %arg20: memref<!tpu.dma_semaphore, #tpu.memory_space<semaphore_mem>>, %arg21: memref<10000x64xf32, #tpu.memory_space<vmem_shared>>, %arg22: memref<!tpu.dma_semaphore, #tpu.memory_space<semaphore_mem>>) attributes {dimension_semantics = [#tpu.dimension_semantics<core_parallel>, #tpu.dimension_semantics<subcore_parallel>], iteration_bounds = array<i64: 2, 16>, scalar_prefetch = 0 : i64, scratch_operands = 16 : i64, tpu.core_type = #tpu.core_type<sc_vector_subcore>, window_params = [{transform_indices = #map}, {transform_indices = #map1}, {transform_indices = #map1}, {transform_indices = #map2}, {transform_indices = #map}]} {
    %mul3A = arith.constant 624 : i32
    %mul3A_0 = arith.muli %arg1, %mul3A : i32
    %mul3A_1 = arith.constant 624 : i32
    %mul3A_2 = arith.muli %arg1, %mul3A_1 : i32
    "tpu.region"() ({
      %run_scoped3A = tpu.sem_alloc : memref<!tpu.dma_semaphore, #tpu.memory_space<semaphore_mem>>
      %dma_start3A = arith.constant 0 : i32
      %dma_start3A_20 = tpu.memref_slice %arg21[%mul3A_2, %dma_start3A] : memref<10000x64xf32, #tpu.memory_space<vmem_shared>> -> memref<624x64xf32, #tpu.memory_space<vmem_shared>>
      %dma_start3A_21 = arith.constant 0 : i32
      %dma_start3A_22 = tpu.memref_slice %arg5[%mul3A_0, %dma_start3A_21] : memref<10000x64xf32, #tpu.memory_space<hbm>> -> memref<624x64xf32, #tpu.memory_space<hbm>>
      tpu.enqueue_dma source(%dma_start3A_22 : memref<624x64xf32, #tpu.memory_space<hbm>>) target(%dma_start3A_20 : memref<624x64xf32, #tpu.memory_space<vmem_shared>>) target_semaphore(%run_scoped3A : memref<!tpu.dma_semaphore, #tpu.memory_space<semaphore_mem>>)
      %dma_wait3A = arith.constant 0 : i32
      %dma_wait3A_23 = tpu.memref_slice %arg21[%mul3A_2, %dma_wait3A] : memref<10000x64xf32, #tpu.memory_space<vmem_shared>> -> memref<624x64xf32, #tpu.memory_space<vmem_shared>>
      %dma_wait3A_24 = arith.constant 0 : i32
      %dma_wait3A_25 = tpu.memref_slice %arg5[%mul3A_0, %dma_wait3A_24] : memref<10000x64xf32, #tpu.memory_space<hbm>> -> memref<624x64xf32, #tpu.memory_space<hbm>>
      tpu.wait_dma2 semaphore(%run_scoped3A : memref<!tpu.dma_semaphore, #tpu.memory_space<semaphore_mem>>) src(%dma_wait3A_25 : memref<624x64xf32, #tpu.memory_space<hbm>>) dst(%dma_wait3A_23 : memref<624x64xf32, #tpu.memory_space<vmem_shared>>)
      tpu.yield
    }) : () -> ()
    %eq3A = arith.constant 15 : i32
    %eq3A_3 = arith.cmpi eq, %arg1, %eq3A : i32
    %convert_element_type3A = arith.extui %eq3A_3 : i1 to i32
    %cond3A = arith.constant 0 : i32
    %cond3A_4 = arith.cmpi ne, %convert_element_type3A, %cond3A : i32
    scf.if %cond3A_4 {
      "tpu.region"() ({
        %run_scoped3A = tpu.sem_alloc : memref<!tpu.dma_semaphore, #tpu.memory_space<semaphore_mem>>
        %dma_start3A = arith.constant 9984 : i32
        %dma_start3A_20 = arith.constant 0 : i32
        %dma_start3A_21 = tpu.memref_slice %arg21[%dma_start3A, %dma_start3A_20] : memref<10000x64xf32, #tpu.memory_space<vmem_shared>> -> memref<16x64xf32, #tpu.memory_space<vmem_shared>>
        %dma_start3A_22 = arith.constant 9984 : i32
        %dma_start3A_23 = arith.constant 0 : i32
        %dma_start3A_24 = tpu.memref_slice %arg5[%dma_start3A_22, %dma_start3A_23] : memref<10000x64xf32, #tpu.memory_space<hbm>> -> memref<16x64xf32, #tpu.memory_space<hbm>>
        tpu.enqueue_dma source(%dma_start3A_24 : memref<16x64xf32, #tpu.memory_space<hbm>>) target(%dma_start3A_21 : memref<16x64xf32, #tpu.memory_space<vmem_shared>>) target_semaphore(%run_scoped3A : memref<!tpu.dma_semaphore, #tpu.memory_space<semaphore_mem>>)
        %dma_wait3A = arith.constant 9984 : i32
        %dma_wait3A_25 = arith.constant 0 : i32
        %dma_wait3A_26 = tpu.memref_slice %arg21[%dma_wait3A, %dma_wait3A_25] : memref<10000x64xf32, #tpu.memory_space<vmem_shared>> -> memref<16x64xf32, #tpu.memory_space<vmem_shared>>
        %dma_wait3A_27 = arith.constant 9984 : i32
        %dma_wait3A_28 = arith.constant 0 : i32
        %dma_wait3A_29 = tpu.memref_slice %arg5[%dma_wait3A_27, %dma_wait3A_28] : memref<10000x64xf32, #tpu.memory_space<hbm>> -> memref<16x64xf32, #tpu.memory_space<hbm>>
        tpu.wait_dma2 semaphore(%run_scoped3A : memref<!tpu.dma_semaphore, #tpu.memory_space<semaphore_mem>>) src(%dma_wait3A_29 : memref<16x64xf32, #tpu.memory_space<hbm>>) dst(%dma_wait3A_26 : memref<16x64xf32, #tpu.memory_space<vmem_shared>>)
        tpu.yield
      }) : () -> ()
    } else {
    }
    %barrier3A = arith.constant 0 : index
    tpu.barrier barrier_id(%barrier3A)
    %scan3A = arith.constant 0 : i32
    %scan3A_5 = arith.constant 0 : i32
    %scan3A_6 = arith.constant 5 : i32
    %scan3A_7 = arith.addi %scan3A_5, %scan3A_6 : i32
    %scan3A_8 = arith.constant 1 : i32
    scf.for %scan3A_20 = %scan3A_5 to %scan3A_7 step %scan3A_8  : i32 {
      "tpu.region"() ({
        %run_scoped3A_386 = tpu.sem_alloc : memref<!tpu.dma_semaphore, #tpu.memory_space<semaphore_mem>>
        %dma_start3A_387 = arith.constant 0 : i32
        %dma_start3A_388 = arith.constant 0 : i32
        %dma_start3A_389 = tpu.memref_slice %arg3[%arg1, %scan3A_20, %dma_start3A_387, %dma_start3A_388] : memref<16x5x16x250xi32, #tpu.memory_space<hbm>> -> memref<1x1x16x250xi32, #tpu.memory_space<hbm>>
        %dma_start3A_390 = tpu.memref_squeeze %dma_start3A_389 : memref<1x1x16x250xi32, #tpu.memory_space<hbm>> -> memref<16x250xi32, #tpu.memory_space<hbm>>
        %dma_start3A_391 = arith.constant 0 : i32
        %dma_start3A_392 = arith.constant 0 : i32
        %dma_start3A_393 = tpu.memref_slice %arg3[%arg1, %scan3A_20, %dma_start3A_391, %dma_start3A_392] : memref<16x5x16x250xi32, #tpu.memory_space<hbm>> -> memref<1x1x16x250xi32, #tpu.memory_space<hbm>>
        %dma_start3A_394 = tpu.memref_squeeze %dma_start3A_393 : memref<1x1x16x250xi32, #tpu.memory_space<hbm>> -> memref<16x250xi32, #tpu.memory_space<hbm>>
        tpu.enqueue_dma source(%dma_start3A_394 : memref<16x250xi32, #tpu.memory_space<hbm>>) target(%arg7 : memref<16x250xi32, #tpu.memory_space<vmem>>) target_semaphore(%run_scoped3A_386 : memref<!tpu.dma_semaphore, #tpu.memory_space<semaphore_mem>>)
        %dma_wait3A_395 = arith.constant 0 : i32
        %dma_wait3A_396 = arith.constant 0 : i32
        %dma_wait3A_397 = tpu.memref_slice %arg3[%arg1, %scan3A_20, %dma_wait3A_395, %dma_wait3A_396] : memref<16x5x16x250xi32, #tpu.memory_space<hbm>> -> memref<1x1x16x250xi32, #tpu.memory_space<hbm>>
        %dma_wait3A_398 = tpu.memref_squeeze %dma_wait3A_397 : memref<1x1x16x250xi32, #tpu.memory_space<hbm>> -> memref<16x250xi32, #tpu.memory_space<hbm>>
        %dma_wait3A_399 = arith.constant 0 : i32
        %dma_wait3A_400 = arith.constant 0 : i32
        %dma_wait3A_401 = tpu.memref_slice %arg3[%arg1, %scan3A_20, %dma_wait3A_399, %dma_wait3A_400] : memref<16x5x16x250xi32, #tpu.memory_space<hbm>> -> memref<1x1x16x250xi32, #tpu.memory_space<hbm>>
        %dma_wait3A_402 = tpu.memref_squeeze %dma_wait3A_401 : memref<1x1x16x250xi32, #tpu.memory_space<hbm>> -> memref<16x250xi32, #tpu.memory_space<hbm>>
        tpu.wait_dma2 semaphore(%run_scoped3A_386 : memref<!tpu.dma_semaphore, #tpu.memory_space<semaphore_mem>>) src(%dma_wait3A_402 : memref<16x250xi32, #tpu.memory_space<hbm>>) dst(%arg7 : memref<16x250xi32, #tpu.memory_space<vmem>>)
        tpu.yield
      }) : () -> ()
      "tpu.region"() ({
        %run_scoped3A_386 = tpu.sem_alloc : memref<!tpu.dma_semaphore, #tpu.memory_space<semaphore_mem>>
        %dma_start3A_387 = arith.constant 0 : i32
        %dma_start3A_388 = arith.constant 0 : i32
        %dma_start3A_389 = tpu.memref_slice %arg4[%arg1, %scan3A_20, %dma_start3A_387, %dma_start3A_388] : memref<16x5x16x250xi32, #tpu.memory_space<hbm>> -> memref<1x1x16x250xi32, #tpu.memory_space<hbm>>
        %dma_start3A_390 = tpu.memref_squeeze %dma_start3A_389 : memref<1x1x16x250xi32, #tpu.memory_space<hbm>> -> memref<16x250xi32, #tpu.memory_space<hbm>>
        %dma_start3A_391 = arith.constant 0 : i32
        %dma_start3A_392 = arith.constant 0 : i32
        %dma_start3A_393 = tpu.memref_slice %arg4[%arg1, %scan3A_20, %dma_start3A_391, %dma_start3A_392] : memref<16x5x16x250xi32, #tpu.memory_space<hbm>> -> memref<1x1x16x250xi32, #tpu.memory_space<hbm>>
        %dma_start3A_394 = tpu.memref_squeeze %dma_start3A_393 : memref<1x1x16x250xi32, #tpu.memory_space<hbm>> -> memref<16x250xi32, #tpu.memory_space<hbm>>
        tpu.enqueue_dma source(%dma_start3A_394 : memref<16x250xi32, #tpu.memory_space<hbm>>) target(%arg8 : memref<16x250xi32, #tpu.memory_space<vmem>>) target_semaphore(%run_scoped3A_386 : memref<!tpu.dma_semaphore, #tpu.memory_space<semaphore_mem>>)
        %dma_wait3A_395 = arith.constant 0 : i32
        %dma_wait3A_396 = arith.constant 0 : i32
        %dma_wait3A_397 = tpu.memref_slice %arg4[%arg1, %scan3A_20, %dma_wait3A_395, %dma_wait3A_396] : memref<16x5x16x250xi32, #tpu.memory_space<hbm>> -> memref<1x1x16x250xi32, #tpu.memory_space<hbm>>
        %dma_wait3A_398 = tpu.memref_squeeze %dma_wait3A_397 : memref<1x1x16x250xi32, #tpu.memory_space<hbm>> -> memref<16x250xi32, #tpu.memory_space<hbm>>
        %dma_wait3A_399 = arith.constant 0 : i32
        %dma_wait3A_400 = arith.constant 0 : i32
        %dma_wait3A_401 = tpu.memref_slice %arg4[%arg1, %scan3A_20, %dma_wait3A_399, %dma_wait3A_400] : memref<16x5x16x250xi32, #tpu.memory_space<hbm>> -> memref<1x1x16x250xi32, #tpu.memory_space<hbm>>
        %dma_wait3A_402 = tpu.memref_squeeze %dma_wait3A_401 : memref<1x1x16x250xi32, #tpu.memory_space<hbm>> -> memref<16x250xi32, #tpu.memory_space<hbm>>
        tpu.wait_dma2 semaphore(%run_scoped3A_386 : memref<!tpu.dma_semaphore, #tpu.memory_space<semaphore_mem>>) src(%dma_wait3A_402 : memref<16x250xi32, #tpu.memory_space<hbm>>) dst(%arg8 : memref<16x250xi32, #tpu.memory_space<vmem>>)
        tpu.yield
      }) : () -> ()
      %dma_start3A = arith.constant 0 : i32
      %dma_start3A_21 = arith.constant 0 : i32
      %dma_start3A_22 = tpu.memref_slice %arg7[%dma_start3A, %dma_start3A_21] : memref<16x250xi32, #tpu.memory_space<vmem>> -> memref<1x250xi32, #tpu.memory_space<vmem>>
      %dma_start3A_23 = tpu.memref_squeeze %dma_start3A_22 : memref<1x250xi32, #tpu.memory_space<vmem>> -> memref<250xi32, #tpu.memory_space<vmem>>
      %dma_start3A_24 = arith.constant 0 : i32
      %dma_start3A_25 = arith.constant 0 : i32
      %dma_start3A_26 = tpu.memref_slice %arg2[%arg0, %dma_start3A_24, %dma_start3A_25] : memref<2x10000x64xf32, #tpu.memory_space<hbm>> -> memref<1x10000x64xf32, #tpu.memory_space<hbm>>
      %dma_start3A_27 = tpu.memref_squeeze %dma_start3A_26 : memref<1x10000x64xf32, #tpu.memory_space<hbm>> -> memref<10000x64xf32, #tpu.memory_space<hbm>>
      %dma_start3A_28 = arith.constant 0 : i32
      %dma_start3A_29 = arith.constant 0 : i32
      %dma_start3A_30 = tpu.memref_slice %dma_start3A_27[%dma_start3A_28, %dma_start3A_29] : memref<10000x64xf32, #tpu.memory_space<hbm>> -> memref<10000x64xf32, #tpu.memory_space<hbm>>
      tpu.enqueue_indirect_dma source(%dma_start3A_30 : memref<10000x64xf32, #tpu.memory_space<hbm>>) target(%arg9 : memref<250x64xf32, #tpu.memory_space<vmem>>) offsets(%dma_start3A_23 : memref<250xi32, #tpu.memory_space<vmem>>) semaphore(%arg13 : memref<!tpu.dma_semaphore, #tpu.memory_space<semaphore_mem>>)
      %dma_start3A_31 = arith.constant 1 : i32
      %dma_start3A_32 = arith.constant 0 : i32
      %dma_start3A_33 = tpu.memref_slice %arg7[%dma_start3A_31, %dma_start3A_32] : memref<16x250xi32, #tpu.memory_space<vmem>> -> memref<1x250xi32, #tpu.memory_space<vmem>>
      %dma_start3A_34 = tpu.memref_squeeze %dma_start3A_33 : memref<1x250xi32, #tpu.memory_space<vmem>> -> memref<250xi32, #tpu.memory_space<vmem>>
      %dma_start3A_35 = arith.constant 0 : i32
      %dma_start3A_36 = arith.constant 0 : i32
      %dma_start3A_37 = tpu.memref_slice %arg2[%arg0, %dma_start3A_35, %dma_start3A_36] : memref<2x10000x64xf32, #tpu.memory_space<hbm>> -> memref<1x10000x64xf32, #tpu.memory_space<hbm>>
      %dma_start3A_38 = tpu.memref_squeeze %dma_start3A_37 : memref<1x10000x64xf32, #tpu.memory_space<hbm>> -> memref<10000x64xf32, #tpu.memory_space<hbm>>
      %dma_start3A_39 = arith.constant 0 : i32
      %dma_start3A_40 = arith.constant 0 : i32
      %dma_start3A_41 = tpu.memref_slice %dma_start3A_38[%dma_start3A_39, %dma_start3A_40] : memref<10000x64xf32, #tpu.memory_space<hbm>> -> memref<10000x64xf32, #tpu.memory_space<hbm>>
      tpu.enqueue_indirect_dma source(%dma_start3A_41 : memref<10000x64xf32, #tpu.memory_space<hbm>>) target(%arg10 : memref<250x64xf32, #tpu.memory_space<vmem>>) offsets(%dma_start3A_34 : memref<250xi32, #tpu.memory_space<vmem>>) semaphore(%arg14 : memref<!tpu.dma_semaphore, #tpu.memory_space<semaphore_mem>>)
      %dma_wait3A = arith.constant 0 : i32
      %dma_wait3A_42 = arith.constant 0 : i32
      %dma_wait3A_43 = tpu.memref_slice %arg7[%dma_wait3A, %dma_wait3A_42] : memref<16x250xi32, #tpu.memory_space<vmem>> -> memref<1x250xi32, #tpu.memory_space<vmem>>
      %dma_wait3A_44 = tpu.memref_squeeze %dma_wait3A_43 : memref<1x250xi32, #tpu.memory_space<vmem>> -> memref<250xi32, #tpu.memory_space<vmem>>
      %dma_wait3A_45 = arith.constant 0 : i32
      %dma_wait3A_46 = arith.constant 0 : i32
      %dma_wait3A_47 = tpu.memref_slice %arg2[%arg0, %dma_wait3A_45, %dma_wait3A_46] : memref<2x10000x64xf32, #tpu.memory_space<hbm>> -> memref<1x10000x64xf32, #tpu.memory_space<hbm>>
      %dma_wait3A_48 = tpu.memref_squeeze %dma_wait3A_47 : memref<1x10000x64xf32, #tpu.memory_space<hbm>> -> memref<10000x64xf32, #tpu.memory_space<hbm>>
      %dma_wait3A_49 = arith.constant 0 : i32
      %dma_wait3A_50 = arith.constant 0 : i32
      %dma_wait3A_51 = tpu.memref_slice %dma_wait3A_48[%dma_wait3A_49, %dma_wait3A_50] : memref<10000x64xf32, #tpu.memory_space<hbm>> -> memref<10000x64xf32, #tpu.memory_space<hbm>>
      tpu.wait_indirect_dma semaphore(%arg13 : memref<!tpu.dma_semaphore, #tpu.memory_space<semaphore_mem>>) src(%dma_wait3A_51 : memref<10000x64xf32, #tpu.memory_space<hbm>>) dst(%arg9 : memref<250x64xf32, #tpu.memory_space<vmem>>)
      %dma_start3A_52 = arith.constant 2 : i32
      %dma_start3A_53 = arith.constant 0 : i32
      %dma_start3A_54 = tpu.memref_slice %arg7[%dma_start3A_52, %dma_start3A_53] : memref<16x250xi32, #tpu.memory_space<vmem>> -> memref<1x250xi32, #tpu.memory_space<vmem>>
      %dma_start3A_55 = tpu.memref_squeeze %dma_start3A_54 : memref<1x250xi32, #tpu.memory_space<vmem>> -> memref<250xi32, #tpu.memory_space<vmem>>
      %dma_start3A_56 = arith.constant 0 : i32
      %dma_start3A_57 = arith.constant 0 : i32
      %dma_start3A_58 = tpu.memref_slice %arg2[%arg0, %dma_start3A_56, %dma_start3A_57] : memref<2x10000x64xf32, #tpu.memory_space<hbm>> -> memref<1x10000x64xf32, #tpu.memory_space<hbm>>
      %dma_start3A_59 = tpu.memref_squeeze %dma_start3A_58 : memref<1x10000x64xf32, #tpu.memory_space<hbm>> -> memref<10000x64xf32, #tpu.memory_space<hbm>>
      %dma_start3A_60 = arith.constant 0 : i32
      %dma_start3A_61 = arith.constant 0 : i32
      %dma_start3A_62 = tpu.memref_slice %dma_start3A_59[%dma_start3A_60, %dma_start3A_61] : memref<10000x64xf32, #tpu.memory_space<hbm>> -> memref<10000x64xf32, #tpu.memory_space<hbm>>
      tpu.enqueue_indirect_dma source(%dma_start3A_62 : memref<10000x64xf32, #tpu.memory_space<hbm>>) target(%arg11 : memref<250x64xf32, #tpu.memory_space<vmem>>) offsets(%dma_start3A_55 : memref<250xi32, #tpu.memory_space<vmem>>) semaphore(%arg15 : memref<!tpu.dma_semaphore, #tpu.memory_space<semaphore_mem>>)
      %run_scoped3A = arith.constant 0 : i32
      "tpu.region"() ({
        %run_scoped3A_386 = tpu.sem_alloc : memref<!tpu.dma_semaphore, #tpu.memory_space<semaphore_mem>>
        %dma_start3A_387 = arith.constant 0 : i32
        %dma_start3A_388 = tpu.memref_slice %arg8[%run_scoped3A, %dma_start3A_387] : memref<16x250xi32, #tpu.memory_space<vmem>> -> memref<1x250xi32, #tpu.memory_space<vmem>>
        %dma_start3A_389 = tpu.memref_squeeze %dma_start3A_388 : memref<1x250xi32, #tpu.memory_space<vmem>> -> memref<250xi32, #tpu.memory_space<vmem>>
        %dma_start3A_390 = arith.constant 0 : i32
        %dma_start3A_391 = arith.constant 0 : i32
        %dma_start3A_392 = tpu.memref_slice %arg21[%dma_start3A_390, %dma_start3A_391] : memref<10000x64xf32, #tpu.memory_space<vmem_shared>> -> memref<10000x64xf32, #tpu.memory_space<vmem_shared>>
        tpu.enqueue_indirect_dma source(%arg9 : memref<250x64xf32, #tpu.memory_space<vmem>>) target(%dma_start3A_392 : memref<10000x64xf32, #tpu.memory_space<vmem_shared>>) offsets(%dma_start3A_389 : memref<250xi32, #tpu.memory_space<vmem>>) semaphore(%run_scoped3A_386 : memref<!tpu.dma_semaphore, #tpu.memory_space<semaphore_mem>>) {add = true}
        %dma_wait3A_393 = arith.constant 0 : i32
        %dma_wait3A_394 = tpu.memref_slice %arg8[%run_scoped3A, %dma_wait3A_393] : memref<16x250xi32, #tpu.memory_space<vmem>> -> memref<1x250xi32, #tpu.memory_space<vmem>>
        %dma_wait3A_395 = tpu.memref_squeeze %dma_wait3A_394 : memref<1x250xi32, #tpu.memory_space<vmem>> -> memref<250xi32, #tpu.memory_space<vmem>>
        %dma_wait3A_396 = arith.constant 0 : i32
        %dma_wait3A_397 = arith.constant 0 : i32
        %dma_wait3A_398 = tpu.memref_slice %arg21[%dma_wait3A_396, %dma_wait3A_397] : memref<10000x64xf32, #tpu.memory_space<vmem_shared>> -> memref<10000x64xf32, #tpu.memory_space<vmem_shared>>
        tpu.wait_indirect_dma semaphore(%run_scoped3A_386 : memref<!tpu.dma_semaphore, #tpu.memory_space<semaphore_mem>>) src(%arg9 : memref<250x64xf32, #tpu.memory_space<vmem>>) dst(%dma_wait3A_398 : memref<10000x64xf32, #tpu.memory_space<vmem_shared>>)
        tpu.yield
      }) : () -> ()
      %dma_wait3A_63 = arith.constant 1 : i32
      %dma_wait3A_64 = arith.constant 0 : i32
      %dma_wait3A_65 = tpu.memref_slice %arg7[%dma_wait3A_63, %dma_wait3A_64] : memref<16x250xi32, #tpu.memory_space<vmem>> -> memref<1x250xi32, #tpu.memory_space<vmem>>
      %dma_wait3A_66 = tpu.memref_squeeze %dma_wait3A_65 : memref<1x250xi32, #tpu.memory_space<vmem>> -> memref<250xi32, #tpu.memory_space<vmem>>
      %dma_wait3A_67 = arith.constant 0 : i32
      %dma_wait3A_68 = arith.constant 0 : i32
      %dma_wait3A_69 = tpu.memref_slice %arg2[%arg0, %dma_wait3A_67, %dma_wait3A_68] : memref<2x10000x64xf32, #tpu.memory_space<hbm>> -> memref<1x10000x64xf32, #tpu.memory_space<hbm>>
      %dma_wait3A_70 = tpu.memref_squeeze %dma_wait3A_69 : memref<1x10000x64xf32, #tpu.memory_space<hbm>> -> memref<10000x64xf32, #tpu.memory_space<hbm>>
      %dma_wait3A_71 = arith.constant 0 : i32
      %dma_wait3A_72 = arith.constant 0 : i32
      %dma_wait3A_73 = tpu.memref_slice %dma_wait3A_70[%dma_wait3A_71, %dma_wait3A_72] : memref<10000x64xf32, #tpu.memory_space<hbm>> -> memref<10000x64xf32, #tpu.memory_space<hbm>>
      tpu.wait_indirect_dma semaphore(%arg14 : memref<!tpu.dma_semaphore, #tpu.memory_space<semaphore_mem>>) src(%dma_wait3A_73 : memref<10000x64xf32, #tpu.memory_space<hbm>>) dst(%arg10 : memref<250x64xf32, #tpu.memory_space<vmem>>)
      %dma_start3A_74 = arith.constant 3 : i32
      %dma_start3A_75 = arith.constant 0 : i32
      %dma_start3A_76 = tpu.memref_slice %arg7[%dma_start3A_74, %dma_start3A_75] : memref<16x250xi32, #tpu.memory_space<vmem>> -> memref<1x250xi32, #tpu.memory_space<vmem>>
      %dma_start3A_77 = tpu.memref_squeeze %dma_start3A_76 : memref<1x250xi32, #tpu.memory_space<vmem>> -> memref<250xi32, #tpu.memory_space<vmem>>
      %dma_start3A_78 = arith.constant 0 : i32
      %dma_start3A_79 = arith.constant 0 : i32
      %dma_start3A_80 = tpu.memref_slice %arg2[%arg0, %dma_start3A_78, %dma_start3A_79] : memref<2x10000x64xf32, #tpu.memory_space<hbm>> -> memref<1x10000x64xf32, #tpu.memory_space<hbm>>
      %dma_start3A_81 = tpu.memref_squeeze %dma_start3A_80 : memref<1x10000x64xf32, #tpu.memory_space<hbm>> -> memref<10000x64xf32, #tpu.memory_space<hbm>>
      %dma_start3A_82 = arith.constant 0 : i32
      %dma_start3A_83 = arith.constant 0 : i32
      %dma_start3A_84 = tpu.memref_slice %dma_start3A_81[%dma_start3A_82, %dma_start3A_83] : memref<10000x64xf32, #tpu.memory_space<hbm>> -> memref<10000x64xf32, #tpu.memory_space<hbm>>
      tpu.enqueue_indirect_dma source(%dma_start3A_84 : memref<10000x64xf32, #tpu.memory_space<hbm>>) target(%arg12 : memref<250x64xf32, #tpu.memory_space<vmem>>) offsets(%dma_start3A_77 : memref<250xi32, #tpu.memory_space<vmem>>) semaphore(%arg16 : memref<!tpu.dma_semaphore, #tpu.memory_space<semaphore_mem>>)
      %run_scoped3A_85 = arith.constant 1 : i32
      "tpu.region"() ({
        %run_scoped3A_386 = tpu.sem_alloc : memref<!tpu.dma_semaphore, #tpu.memory_space<semaphore_mem>>
        %dma_start3A_387 = arith.constant 0 : i32
        %dma_start3A_388 = tpu.memref_slice %arg8[%run_scoped3A_85, %dma_start3A_387] : memref<16x250xi32, #tpu.memory_space<vmem>> -> memref<1x250xi32, #tpu.memory_space<vmem>>
        %dma_start3A_389 = tpu.memref_squeeze %dma_start3A_388 : memref<1x250xi32, #tpu.memory_space<vmem>> -> memref<250xi32, #tpu.memory_space<vmem>>
        %dma_start3A_390 = arith.constant 0 : i32
        %dma_start3A_391 = arith.constant 0 : i32
        %dma_start3A_392 = tpu.memref_slice %arg21[%dma_start3A_390, %dma_start3A_391] : memref<10000x64xf32, #tpu.memory_space<vmem_shared>> -> memref<10000x64xf32, #tpu.memory_space<vmem_shared>>
        tpu.enqueue_indirect_dma source(%arg10 : memref<250x64xf32, #tpu.memory_space<vmem>>) target(%dma_start3A_392 : memref<10000x64xf32, #tpu.memory_space<vmem_shared>>) offsets(%dma_start3A_389 : memref<250xi32, #tpu.memory_space<vmem>>) semaphore(%run_scoped3A_386 : memref<!tpu.dma_semaphore, #tpu.memory_space<semaphore_mem>>) {add = true}
        %dma_wait3A_393 = arith.constant 0 : i32
        %dma_wait3A_394 = tpu.memref_slice %arg8[%run_scoped3A_85, %dma_wait3A_393] : memref<16x250xi32, #tpu.memory_space<vmem>> -> memref<1x250xi32, #tpu.memory_space<vmem>>
        %dma_wait3A_395 = tpu.memref_squeeze %dma_wait3A_394 : memref<1x250xi32, #tpu.memory_space<vmem>> -> memref<250xi32, #tpu.memory_space<vmem>>
        %dma_wait3A_396 = arith.constant 0 : i32
        %dma_wait3A_397 = arith.constant 0 : i32
        %dma_wait3A_398 = tpu.memref_slice %arg21[%dma_wait3A_396, %dma_wait3A_397] : memref<10000x64xf32, #tpu.memory_space<vmem_shared>> -> memref<10000x64xf32, #tpu.memory_space<vmem_shared>>
        tpu.wait_indirect_dma semaphore(%run_scoped3A_386 : memref<!tpu.dma_semaphore, #tpu.memory_space<semaphore_mem>>) src(%arg10 : memref<250x64xf32, #tpu.memory_space<vmem>>) dst(%dma_wait3A_398 : memref<10000x64xf32, #tpu.memory_space<vmem_shared>>)
        tpu.yield
      }) : () -> ()
      %dma_wait3A_86 = arith.constant 2 : i32
      %dma_wait3A_87 = arith.constant 0 : i32
      %dma_wait3A_88 = tpu.memref_slice %arg7[%dma_wait3A_86, %dma_wait3A_87] : memref<16x250xi32, #tpu.memory_space<vmem>> -> memref<1x250xi32, #tpu.memory_space<vmem>>
      %dma_wait3A_89 = tpu.memref_squeeze %dma_wait3A_88 : memref<1x250xi32, #tpu.memory_space<vmem>> -> memref<250xi32, #tpu.memory_space<vmem>>
      %dma_wait3A_90 = arith.constant 0 : i32
      %dma_wait3A_91 = arith.constant 0 : i32
      %dma_wait3A_92 = tpu.memref_slice %arg2[%arg0, %dma_wait3A_90, %dma_wait3A_91] : memref<2x10000x64xf32, #tpu.memory_space<hbm>> -> memref<1x10000x64xf32, #tpu.memory_space<hbm>>
      %dma_wait3A_93 = tpu.memref_squeeze %dma_wait3A_92 : memref<1x10000x64xf32, #tpu.memory_space<hbm>> -> memref<10000x64xf32, #tpu.memory_space<hbm>>
      %dma_wait3A_94 = arith.constant 0 : i32
      %dma_wait3A_95 = arith.constant 0 : i32
      %dma_wait3A_96 = tpu.memref_slice %dma_wait3A_93[%dma_wait3A_94, %dma_wait3A_95] : memref<10000x64xf32, #tpu.memory_space<hbm>> -> memref<10000x64xf32, #tpu.memory_space<hbm>>
      tpu.wait_indirect_dma semaphore(%arg15 : memref<!tpu.dma_semaphore, #tpu.memory_space<semaphore_mem>>) src(%dma_wait3A_96 : memref<10000x64xf32, #tpu.memory_space<hbm>>) dst(%arg11 : memref<250x64xf32, #tpu.memory_space<vmem>>)
      %dma_start3A_97 = arith.constant 4 : i32
      %dma_start3A_98 = arith.constant 0 : i32
      %dma_start3A_99 = tpu.memref_slice %arg7[%dma_start3A_97, %dma_start3A_98] : memref<16x250xi32, #tpu.memory_space<vmem>> -> memref<1x250xi32, #tpu.memory_space<vmem>>
      %dma_start3A_100 = tpu.memref_squeeze %dma_start3A_99 : memref<1x250xi32, #tpu.memory_space<vmem>> -> memref<250xi32, #tpu.memory_space<vmem>>
      %dma_start3A_101 = arith.constant 0 : i32
      %dma_start3A_102 = arith.constant 0 : i32
      %dma_start3A_103 = tpu.memref_slice %arg2[%arg0, %dma_start3A_101, %dma_start3A_102] : memref<2x10000x64xf32, #tpu.memory_space<hbm>> -> memref<1x10000x64xf32, #tpu.memory_space<hbm>>
      %dma_start3A_104 = tpu.memref_squeeze %dma_start3A_103 : memref<1x10000x64xf32, #tpu.memory_space<hbm>> -> memref<10000x64xf32, #tpu.memory_space<hbm>>
      %dma_start3A_105 = arith.constant 0 : i32
      %dma_start3A_106 = arith.constant 0 : i32
      %dma_start3A_107 = tpu.memref_slice %dma_start3A_104[%dma_start3A_105, %dma_start3A_106] : memref<10000x64xf32, #tpu.memory_space<hbm>> -> memref<10000x64xf32, #tpu.memory_space<hbm>>
      tpu.enqueue_indirect_dma source(%dma_start3A_107 : memref<10000x64xf32, #tpu.memory_space<hbm>>) target(%arg9 : memref<250x64xf32, #tpu.memory_space<vmem>>) offsets(%dma_start3A_100 : memref<250xi32, #tpu.memory_space<vmem>>) semaphore(%arg13 : memref<!tpu.dma_semaphore, #tpu.memory_space<semaphore_mem>>)
      %run_scoped3A_108 = arith.constant 2 : i32
      "tpu.region"() ({
        %run_scoped3A_386 = tpu.sem_alloc : memref<!tpu.dma_semaphore, #tpu.memory_space<semaphore_mem>>
        %dma_start3A_387 = arith.constant 0 : i32
        %dma_start3A_388 = tpu.memref_slice %arg8[%run_scoped3A_108, %dma_start3A_387] : memref<16x250xi32, #tpu.memory_space<vmem>> -> memref<1x250xi32, #tpu.memory_space<vmem>>
        %dma_start3A_389 = tpu.memref_squeeze %dma_start3A_388 : memref<1x250xi32, #tpu.memory_space<vmem>> -> memref<250xi32, #tpu.memory_space<vmem>>
        %dma_start3A_390 = arith.constant 0 : i32
        %dma_start3A_391 = arith.constant 0 : i32
        %dma_start3A_392 = tpu.memref_slice %arg21[%dma_start3A_390, %dma_start3A_391] : memref<10000x64xf32, #tpu.memory_space<vmem_shared>> -> memref<10000x64xf32, #tpu.memory_space<vmem_shared>>
        tpu.enqueue_indirect_dma source(%arg11 : memref<250x64xf32, #tpu.memory_space<vmem>>) target(%dma_start3A_392 : memref<10000x64xf32, #tpu.memory_space<vmem_shared>>) offsets(%dma_start3A_389 : memref<250xi32, #tpu.memory_space<vmem>>) semaphore(%run_scoped3A_386 : memref<!tpu.dma_semaphore, #tpu.memory_space<semaphore_mem>>) {add = true}
        %dma_wait3A_393 = arith.constant 0 : i32
        %dma_wait3A_394 = tpu.memref_slice %arg8[%run_scoped3A_108, %dma_wait3A_393] : memref<16x250xi32, #tpu.memory_space<vmem>> -> memref<1x250xi32, #tpu.memory_space<vmem>>
        %dma_wait3A_395 = tpu.memref_squeeze %dma_wait3A_394 : memref<1x250xi32, #tpu.memory_space<vmem>> -> memref<250xi32, #tpu.memory_space<vmem>>
        %dma_wait3A_396 = arith.constant 0 : i32
        %dma_wait3A_397 = arith.constant 0 : i32
        %dma_wait3A_398 = tpu.memref_slice %arg21[%dma_wait3A_396, %dma_wait3A_397] : memref<10000x64xf32, #tpu.memory_space<vmem_shared>> -> memref<10000x64xf32, #tpu.memory_space<vmem_shared>>
        tpu.wait_indirect_dma semaphore(%run_scoped3A_386 : memref<!tpu.dma_semaphore, #tpu.memory_space<semaphore_mem>>) src(%arg11 : memref<250x64xf32, #tpu.memory_space<vmem>>) dst(%dma_wait3A_398 : memref<10000x64xf32, #tpu.memory_space<vmem_shared>>)
        tpu.yield
      }) : () -> ()
      %dma_wait3A_109 = arith.constant 3 : i32
      %dma_wait3A_110 = arith.constant 0 : i32
      %dma_wait3A_111 = tpu.memref_slice %arg7[%dma_wait3A_109, %dma_wait3A_110] : memref<16x250xi32, #tpu.memory_space<vmem>> -> memref<1x250xi32, #tpu.memory_space<vmem>>
      %dma_wait3A_112 = tpu.memref_squeeze %dma_wait3A_111 : memref<1x250xi32, #tpu.memory_space<vmem>> -> memref<250xi32, #tpu.memory_space<vmem>>
      %dma_wait3A_113 = arith.constant 0 : i32
      %dma_wait3A_114 = arith.constant 0 : i32
      %dma_wait3A_115 = tpu.memref_slice %arg2[%arg0, %dma_wait3A_113, %dma_wait3A_114] : memref<2x10000x64xf32, #tpu.memory_space<hbm>> -> memref<1x10000x64xf32, #tpu.memory_space<hbm>>
      %dma_wait3A_116 = tpu.memref_squeeze %dma_wait3A_115 : memref<1x10000x64xf32, #tpu.memory_space<hbm>> -> memref<10000x64xf32, #tpu.memory_space<hbm>>
      %dma_wait3A_117 = arith.constant 0 : i32
      %dma_wait3A_118 = arith.constant 0 : i32
      %dma_wait3A_119 = tpu.memref_slice %dma_wait3A_116[%dma_wait3A_117, %dma_wait3A_118] : memref<10000x64xf32, #tpu.memory_space<hbm>> -> memref<10000x64xf32, #tpu.memory_space<hbm>>
      tpu.wait_indirect_dma semaphore(%arg16 : memref<!tpu.dma_semaphore, #tpu.memory_space<semaphore_mem>>) src(%dma_wait3A_119 : memref<10000x64xf32, #tpu.memory_space<hbm>>) dst(%arg12 : memref<250x64xf32, #tpu.memory_space<vmem>>)
      %dma_start3A_120 = arith.constant 5 : i32
      %dma_start3A_121 = arith.constant 0 : i32
      %dma_start3A_122 = tpu.memref_slice %arg7[%dma_start3A_120, %dma_start3A_121] : memref<16x250xi32, #tpu.memory_space<vmem>> -> memref<1x250xi32, #tpu.memory_space<vmem>>
      %dma_start3A_123 = tpu.memref_squeeze %dma_start3A_122 : memref<1x250xi32, #tpu.memory_space<vmem>> -> memref<250xi32, #tpu.memory_space<vmem>>
      %dma_start3A_124 = arith.constant 0 : i32
      %dma_start3A_125 = arith.constant 0 : i32
      %dma_start3A_126 = tpu.memref_slice %arg2[%arg0, %dma_start3A_124, %dma_start3A_125] : memref<2x10000x64xf32, #tpu.memory_space<hbm>> -> memref<1x10000x64xf32, #tpu.memory_space<hbm>>
      %dma_start3A_127 = tpu.memref_squeeze %dma_start3A_126 : memref<1x10000x64xf32, #tpu.memory_space<hbm>> -> memref<10000x64xf32, #tpu.memory_space<hbm>>
      %dma_start3A_128 = arith.constant 0 : i32
      %dma_start3A_129 = arith.constant 0 : i32
      %dma_start3A_130 = tpu.memref_slice %dma_start3A_127[%dma_start3A_128, %dma_start3A_129] : memref<10000x64xf32, #tpu.memory_space<hbm>> -> memref<10000x64xf32, #tpu.memory_space<hbm>>
      tpu.enqueue_indirect_dma source(%dma_start3A_130 : memref<10000x64xf32, #tpu.memory_space<hbm>>) target(%arg10 : memref<250x64xf32, #tpu.memory_space<vmem>>) offsets(%dma_start3A_123 : memref<250xi32, #tpu.memory_space<vmem>>) semaphore(%arg14 : memref<!tpu.dma_semaphore, #tpu.memory_space<semaphore_mem>>)
      %run_scoped3A_131 = arith.constant 3 : i32
      "tpu.region"() ({
        %run_scoped3A_386 = tpu.sem_alloc : memref<!tpu.dma_semaphore, #tpu.memory_space<semaphore_mem>>
        %dma_start3A_387 = arith.constant 0 : i32
        %dma_start3A_388 = tpu.memref_slice %arg8[%run_scoped3A_131, %dma_start3A_387] : memref<16x250xi32, #tpu.memory_space<vmem>> -> memref<1x250xi32, #tpu.memory_space<vmem>>
        %dma_start3A_389 = tpu.memref_squeeze %dma_start3A_388 : memref<1x250xi32, #tpu.memory_space<vmem>> -> memref<250xi32, #tpu.memory_space<vmem>>
        %dma_start3A_390 = arith.constant 0 : i32
        %dma_start3A_391 = arith.constant 0 : i32
        %dma_start3A_392 = tpu.memref_slice %arg21[%dma_start3A_390, %dma_start3A_391] : memref<10000x64xf32, #tpu.memory_space<vmem_shared>> -> memref<10000x64xf32, #tpu.memory_space<vmem_shared>>
        tpu.enqueue_indirect_dma source(%arg12 : memref<250x64xf32, #tpu.memory_space<vmem>>) target(%dma_start3A_392 : memref<10000x64xf32, #tpu.memory_space<vmem_shared>>) offsets(%dma_start3A_389 : memref<250xi32, #tpu.memory_space<vmem>>) semaphore(%run_scoped3A_386 : memref<!tpu.dma_semaphore, #tpu.memory_space<semaphore_mem>>) {add = true}
        %dma_wait3A_393 = arith.constant 0 : i32
        %dma_wait3A_394 = tpu.memref_slice %arg8[%run_scoped3A_131, %dma_wait3A_393] : memref<16x250xi32, #tpu.memory_space<vmem>> -> memref<1x250xi32, #tpu.memory_space<vmem>>
        %dma_wait3A_395 = tpu.memref_squeeze %dma_wait3A_394 : memref<1x250xi32, #tpu.memory_space<vmem>> -> memref<250xi32, #tpu.memory_space<vmem>>
        %dma_wait3A_396 = arith.constant 0 : i32
        %dma_wait3A_397 = arith.constant 0 : i32
        %dma_wait3A_398 = tpu.memref_slice %arg21[%dma_wait3A_396, %dma_wait3A_397] : memref<10000x64xf32, #tpu.memory_space<vmem_shared>> -> memref<10000x64xf32, #tpu.memory_space<vmem_shared>>
        tpu.wait_indirect_dma semaphore(%run_scoped3A_386 : memref<!tpu.dma_semaphore, #tpu.memory_space<semaphore_mem>>) src(%arg12 : memref<250x64xf32, #tpu.memory_space<vmem>>) dst(%dma_wait3A_398 : memref<10000x64xf32, #tpu.memory_space<vmem_shared>>)
        tpu.yield
      }) : () -> ()
      %dma_wait3A_132 = arith.constant 4 : i32
      %dma_wait3A_133 = arith.constant 0 : i32
      %dma_wait3A_134 = tpu.memref_slice %arg7[%dma_wait3A_132, %dma_wait3A_133] : memref<16x250xi32, #tpu.memory_space<vmem>> -> memref<1x250xi32, #tpu.memory_space<vmem>>
      %dma_wait3A_135 = tpu.memref_squeeze %dma_wait3A_134 : memref<1x250xi32, #tpu.memory_space<vmem>> -> memref<250xi32, #tpu.memory_space<vmem>>
      %dma_wait3A_136 = arith.constant 0 : i32
      %dma_wait3A_137 = arith.constant 0 : i32
      %dma_wait3A_138 = tpu.memref_slice %arg2[%arg0, %dma_wait3A_136, %dma_wait3A_137] : memref<2x10000x64xf32, #tpu.memory_space<hbm>> -> memref<1x10000x64xf32, #tpu.memory_space<hbm>>
      %dma_wait3A_139 = tpu.memref_squeeze %dma_wait3A_138 : memref<1x10000x64xf32, #tpu.memory_space<hbm>> -> memref<10000x64xf32, #tpu.memory_space<hbm>>
      %dma_wait3A_140 = arith.constant 0 : i32
      %dma_wait3A_141 = arith.constant 0 : i32
      %dma_wait3A_142 = tpu.memref_slice %dma_wait3A_139[%dma_wait3A_140, %dma_wait3A_141] : memref<10000x64xf32, #tpu.memory_space<hbm>> -> memref<10000x64xf32, #tpu.memory_space<hbm>>
      tpu.wait_indirect_dma semaphore(%arg13 : memref<!tpu.dma_semaphore, #tpu.memory_space<semaphore_mem>>) src(%dma_wait3A_142 : memref<10000x64xf32, #tpu.memory_space<hbm>>) dst(%arg9 : memref<250x64xf32, #tpu.memory_space<vmem>>)
      %dma_start3A_143 = arith.constant 6 : i32
      %dma_start3A_144 = arith.constant 0 : i32
      %dma_start3A_145 = tpu.memref_slice %arg7[%dma_start3A_143, %dma_start3A_144] : memref<16x250xi32, #tpu.memory_space<vmem>> -> memref<1x250xi32, #tpu.memory_space<vmem>>
      %dma_start3A_146 = tpu.memref_squeeze %dma_start3A_145 : memref<1x250xi32, #tpu.memory_space<vmem>> -> memref<250xi32, #tpu.memory_space<vmem>>
      %dma_start3A_147 = arith.constant 0 : i32
      %dma_start3A_148 = arith.constant 0 : i32
      %dma_start3A_149 = tpu.memref_slice %arg2[%arg0, %dma_start3A_147, %dma_start3A_148] : memref<2x10000x64xf32, #tpu.memory_space<hbm>> -> memref<1x10000x64xf32, #tpu.memory_space<hbm>>
      %dma_start3A_150 = tpu.memref_squeeze %dma_start3A_149 : memref<1x10000x64xf32, #tpu.memory_space<hbm>> -> memref<10000x64xf32, #tpu.memory_space<hbm>>
      %dma_start3A_151 = arith.constant 0 : i32
      %dma_start3A_152 = arith.constant 0 : i32
      %dma_start3A_153 = tpu.memref_slice %dma_start3A_150[%dma_start3A_151, %dma_start3A_152] : memref<10000x64xf32, #tpu.memory_space<hbm>> -> memref<10000x64xf32, #tpu.memory_space<hbm>>
      tpu.enqueue_indirect_dma source(%dma_start3A_153 : memref<10000x64xf32, #tpu.memory_space<hbm>>) target(%arg11 : memref<250x64xf32, #tpu.memory_space<vmem>>) offsets(%dma_start3A_146 : memref<250xi32, #tpu.memory_space<vmem>>) semaphore(%arg15 : memref<!tpu.dma_semaphore, #tpu.memory_space<semaphore_mem>>)
      %run_scoped3A_154 = arith.constant 4 : i32
      "tpu.region"() ({
        %run_scoped3A_386 = tpu.sem_alloc : memref<!tpu.dma_semaphore, #tpu.memory_space<semaphore_mem>>
        %dma_start3A_387 = arith.constant 0 : i32
        %dma_start3A_388 = tpu.memref_slice %arg8[%run_scoped3A_154, %dma_start3A_387] : memref<16x250xi32, #tpu.memory_space<vmem>> -> memref<1x250xi32, #tpu.memory_space<vmem>>
        %dma_start3A_389 = tpu.memref_squeeze %dma_start3A_388 : memref<1x250xi32, #tpu.memory_space<vmem>> -> memref<250xi32, #tpu.memory_space<vmem>>
        %dma_start3A_390 = arith.constant 0 : i32
        %dma_start3A_391 = arith.constant 0 : i32
        %dma_start3A_392 = tpu.memref_slice %arg21[%dma_start3A_390, %dma_start3A_391] : memref<10000x64xf32, #tpu.memory_space<vmem_shared>> -> memref<10000x64xf32, #tpu.memory_space<vmem_shared>>
        tpu.enqueue_indirect_dma source(%arg9 : memref<250x64xf32, #tpu.memory_space<vmem>>) target(%dma_start3A_392 : memref<10000x64xf32, #tpu.memory_space<vmem_shared>>) offsets(%dma_start3A_389 : memref<250xi32, #tpu.memory_space<vmem>>) semaphore(%run_scoped3A_386 : memref<!tpu.dma_semaphore, #tpu.memory_space<semaphore_mem>>) {add = true}
        %dma_wait3A_393 = arith.constant 0 : i32
        %dma_wait3A_394 = tpu.memref_slice %arg8[%run_scoped3A_154, %dma_wait3A_393] : memref<16x250xi32, #tpu.memory_space<vmem>> -> memref<1x250xi32, #tpu.memory_space<vmem>>
        %dma_wait3A_395 = tpu.memref_squeeze %dma_wait3A_394 : memref<1x250xi32, #tpu.memory_space<vmem>> -> memref<250xi32, #tpu.memory_space<vmem>>
        %dma_wait3A_396 = arith.constant 0 : i32
        %dma_wait3A_397 = arith.constant 0 : i32
        %dma_wait3A_398 = tpu.memref_slice %arg21[%dma_wait3A_396, %dma_wait3A_397] : memref<10000x64xf32, #tpu.memory_space<vmem_shared>> -> memref<10000x64xf32, #tpu.memory_space<vmem_shared>>
        tpu.wait_indirect_dma semaphore(%run_scoped3A_386 : memref<!tpu.dma_semaphore, #tpu.memory_space<semaphore_mem>>) src(%arg9 : memref<250x64xf32, #tpu.memory_space<vmem>>) dst(%dma_wait3A_398 : memref<10000x64xf32, #tpu.memory_space<vmem_shared>>)
        tpu.yield
      }) : () -> ()
      %dma_wait3A_155 = arith.constant 5 : i32
      %dma_wait3A_156 = arith.constant 0 : i32
      %dma_wait3A_157 = tpu.memref_slice %arg7[%dma_wait3A_155, %dma_wait3A_156] : memref<16x250xi32, #tpu.memory_space<vmem>> -> memref<1x250xi32, #tpu.memory_space<vmem>>
      %dma_wait3A_158 = tpu.memref_squeeze %dma_wait3A_157 : memref<1x250xi32, #tpu.memory_space<vmem>> -> memref<250xi32, #tpu.memory_space<vmem>>
      %dma_wait3A_159 = arith.constant 0 : i32
      %dma_wait3A_160 = arith.constant 0 : i32
      %dma_wait3A_161 = tpu.memref_slice %arg2[%arg0, %dma_wait3A_159, %dma_wait3A_160] : memref<2x10000x64xf32, #tpu.memory_space<hbm>> -> memref<1x10000x64xf32, #tpu.memory_space<hbm>>
      %dma_wait3A_162 = tpu.memref_squeeze %dma_wait3A_161 : memref<1x10000x64xf32, #tpu.memory_space<hbm>> -> memref<10000x64xf32, #tpu.memory_space<hbm>>
      %dma_wait3A_163 = arith.constant 0 : i32
      %dma_wait3A_164 = arith.constant 0 : i32
      %dma_wait3A_165 = tpu.memref_slice %dma_wait3A_162[%dma_wait3A_163, %dma_wait3A_164] : memref<10000x64xf32, #tpu.memory_space<hbm>> -> memref<10000x64xf32, #tpu.memory_space<hbm>>
      tpu.wait_indirect_dma semaphore(%arg14 : memref<!tpu.dma_semaphore, #tpu.memory_space<semaphore_mem>>) src(%dma_wait3A_165 : memref<10000x64xf32, #tpu.memory_space<hbm>>) dst(%arg10 : memref<250x64xf32, #tpu.memory_space<vmem>>)
      %dma_start3A_166 = arith.constant 7 : i32
      %dma_start3A_167 = arith.constant 0 : i32
      %dma_start3A_168 = tpu.memref_slice %arg7[%dma_start3A_166, %dma_start3A_167] : memref<16x250xi32, #tpu.memory_space<vmem>> -> memref<1x250xi32, #tpu.memory_space<vmem>>
      %dma_start3A_169 = tpu.memref_squeeze %dma_start3A_168 : memref<1x250xi32, #tpu.memory_space<vmem>> -> memref<250xi32, #tpu.memory_space<vmem>>
      %dma_start3A_170 = arith.constant 0 : i32
      %dma_start3A_171 = arith.constant 0 : i32
      %dma_start3A_172 = tpu.memref_slice %arg2[%arg0, %dma_start3A_170, %dma_start3A_171] : memref<2x10000x64xf32, #tpu.memory_space<hbm>> -> memref<1x10000x64xf32, #tpu.memory_space<hbm>>
      %dma_start3A_173 = tpu.memref_squeeze %dma_start3A_172 : memref<1x10000x64xf32, #tpu.memory_space<hbm>> -> memref<10000x64xf32, #tpu.memory_space<hbm>>
      %dma_start3A_174 = arith.constant 0 : i32
      %dma_start3A_175 = arith.constant 0 : i32
      %dma_start3A_176 = tpu.memref_slice %dma_start3A_173[%dma_start3A_174, %dma_start3A_175] : memref<10000x64xf32, #tpu.memory_space<hbm>> -> memref<10000x64xf32, #tpu.memory_space<hbm>>
      tpu.enqueue_indirect_dma source(%dma_start3A_176 : memref<10000x64xf32, #tpu.memory_space<hbm>>) target(%arg12 : memref<250x64xf32, #tpu.memory_space<vmem>>) offsets(%dma_start3A_169 : memref<250xi32, #tpu.memory_space<vmem>>) semaphore(%arg16 : memref<!tpu.dma_semaphore, #tpu.memory_space<semaphore_mem>>)
      %run_scoped3A_177 = arith.constant 5 : i32
      "tpu.region"() ({
        %run_scoped3A_386 = tpu.sem_alloc : memref<!tpu.dma_semaphore, #tpu.memory_space<semaphore_mem>>
        %dma_start3A_387 = arith.constant 0 : i32
        %dma_start3A_388 = tpu.memref_slice %arg8[%run_scoped3A_177, %dma_start3A_387] : memref<16x250xi32, #tpu.memory_space<vmem>> -> memref<1x250xi32, #tpu.memory_space<vmem>>
        %dma_start3A_389 = tpu.memref_squeeze %dma_start3A_388 : memref<1x250xi32, #tpu.memory_space<vmem>> -> memref<250xi32, #tpu.memory_space<vmem>>
        %dma_start3A_390 = arith.constant 0 : i32
        %dma_start3A_391 = arith.constant 0 : i32
        %dma_start3A_392 = tpu.memref_slice %arg21[%dma_start3A_390, %dma_start3A_391] : memref<10000x64xf32, #tpu.memory_space<vmem_shared>> -> memref<10000x64xf32, #tpu.memory_space<vmem_shared>>
        tpu.enqueue_indirect_dma source(%arg10 : memref<250x64xf32, #tpu.memory_space<vmem>>) target(%dma_start3A_392 : memref<10000x64xf32, #tpu.memory_space<vmem_shared>>) offsets(%dma_start3A_389 : memref<250xi32, #tpu.memory_space<vmem>>) semaphore(%run_scoped3A_386 : memref<!tpu.dma_semaphore, #tpu.memory_space<semaphore_mem>>) {add = true}
        %dma_wait3A_393 = arith.constant 0 : i32
        %dma_wait3A_394 = tpu.memref_slice %arg8[%run_scoped3A_177, %dma_wait3A_393] : memref<16x250xi32, #tpu.memory_space<vmem>> -> memref<1x250xi32, #tpu.memory_space<vmem>>
        %dma_wait3A_395 = tpu.memref_squeeze %dma_wait3A_394 : memref<1x250xi32, #tpu.memory_space<vmem>> -> memref<250xi32, #tpu.memory_space<vmem>>
        %dma_wait3A_396 = arith.constant 0 : i32
        %dma_wait3A_397 = arith.constant 0 : i32
        %dma_wait3A_398 = tpu.memref_slice %arg21[%dma_wait3A_396, %dma_wait3A_397] : memref<10000x64xf32, #tpu.memory_space<vmem_shared>> -> memref<10000x64xf32, #tpu.memory_space<vmem_shared>>
        tpu.wait_indirect_dma semaphore(%run_scoped3A_386 : memref<!tpu.dma_semaphore, #tpu.memory_space<semaphore_mem>>) src(%arg10 : memref<250x64xf32, #tpu.memory_space<vmem>>) dst(%dma_wait3A_398 : memref<10000x64xf32, #tpu.memory_space<vmem_shared>>)
        tpu.yield
      }) : () -> ()
      %dma_wait3A_178 = arith.constant 6 : i32
      %dma_wait3A_179 = arith.constant 0 : i32
      %dma_wait3A_180 = tpu.memref_slice %arg7[%dma_wait3A_178, %dma_wait3A_179] : memref<16x250xi32, #tpu.memory_space<vmem>> -> memref<1x250xi32, #tpu.memory_space<vmem>>
      %dma_wait3A_181 = tpu.memref_squeeze %dma_wait3A_180 : memref<1x250xi32, #tpu.memory_space<vmem>> -> memref<250xi32, #tpu.memory_space<vmem>>
      %dma_wait3A_182 = arith.constant 0 : i32
      %dma_wait3A_183 = arith.constant 0 : i32
      %dma_wait3A_184 = tpu.memref_slice %arg2[%arg0, %dma_wait3A_182, %dma_wait3A_183] : memref<2x10000x64xf32, #tpu.memory_space<hbm>> -> memref<1x10000x64xf32, #tpu.memory_space<hbm>>
      %dma_wait3A_185 = tpu.memref_squeeze %dma_wait3A_184 : memref<1x10000x64xf32, #tpu.memory_space<hbm>> -> memref<10000x64xf32, #tpu.memory_space<hbm>>
      %dma_wait3A_186 = arith.constant 0 : i32
      %dma_wait3A_187 = arith.constant 0 : i32
      %dma_wait3A_188 = tpu.memref_slice %dma_wait3A_185[%dma_wait3A_186, %dma_wait3A_187] : memref<10000x64xf32, #tpu.memory_space<hbm>> -> memref<10000x64xf32, #tpu.memory_space<hbm>>
      tpu.wait_indirect_dma semaphore(%arg15 : memref<!tpu.dma_semaphore, #tpu.memory_space<semaphore_mem>>) src(%dma_wait3A_188 : memref<10000x64xf32, #tpu.memory_space<hbm>>) dst(%arg11 : memref<250x64xf32, #tpu.memory_space<vmem>>)
      %dma_start3A_189 = arith.constant 8 : i32
      %dma_start3A_190 = arith.constant 0 : i32
      %dma_start3A_191 = tpu.memref_slice %arg7[%dma_start3A_189, %dma_start3A_190] : memref<16x250xi32, #tpu.memory_space<vmem>> -> memref<1x250xi32, #tpu.memory_space<vmem>>
      %dma_start3A_192 = tpu.memref_squeeze %dma_start3A_191 : memref<1x250xi32, #tpu.memory_space<vmem>> -> memref<250xi32, #tpu.memory_space<vmem>>
      %dma_start3A_193 = arith.constant 0 : i32
      %dma_start3A_194 = arith.constant 0 : i32
      %dma_start3A_195 = tpu.memref_slice %arg2[%arg0, %dma_start3A_193, %dma_start3A_194] : memref<2x10000x64xf32, #tpu.memory_space<hbm>> -> memref<1x10000x64xf32, #tpu.memory_space<hbm>>
      %dma_start3A_196 = tpu.memref_squeeze %dma_start3A_195 : memref<1x10000x64xf32, #tpu.memory_space<hbm>> -> memref<10000x64xf32, #tpu.memory_space<hbm>>
      %dma_start3A_197 = arith.constant 0 : i32
      %dma_start3A_198 = arith.constant 0 : i32
      %dma_start3A_199 = tpu.memref_slice %dma_start3A_196[%dma_start3A_197, %dma_start3A_198] : memref<10000x64xf32, #tpu.memory_space<hbm>> -> memref<10000x64xf32, #tpu.memory_space<hbm>>
      tpu.enqueue_indirect_dma source(%dma_start3A_199 : memref<10000x64xf32, #tpu.memory_space<hbm>>) target(%arg9 : memref<250x64xf32, #tpu.memory_space<vmem>>) offsets(%dma_start3A_192 : memref<250xi32, #tpu.memory_space<vmem>>) semaphore(%arg13 : memref<!tpu.dma_semaphore, #tpu.memory_space<semaphore_mem>>)
      %run_scoped3A_200 = arith.constant 6 : i32
      "tpu.region"() ({
        %run_scoped3A_386 = tpu.sem_alloc : memref<!tpu.dma_semaphore, #tpu.memory_space<semaphore_mem>>
        %dma_start3A_387 = arith.constant 0 : i32
        %dma_start3A_388 = tpu.memref_slice %arg8[%run_scoped3A_200, %dma_start3A_387] : memref<16x250xi32, #tpu.memory_space<vmem>> -> memref<1x250xi32, #tpu.memory_space<vmem>>
        %dma_start3A_389 = tpu.memref_squeeze %dma_start3A_388 : memref<1x250xi32, #tpu.memory_space<vmem>> -> memref<250xi32, #tpu.memory_space<vmem>>
        %dma_start3A_390 = arith.constant 0 : i32
        %dma_start3A_391 = arith.constant 0 : i32
        %dma_start3A_392 = tpu.memref_slice %arg21[%dma_start3A_390, %dma_start3A_391] : memref<10000x64xf32, #tpu.memory_space<vmem_shared>> -> memref<10000x64xf32, #tpu.memory_space<vmem_shared>>
        tpu.enqueue_indirect_dma source(%arg11 : memref<250x64xf32, #tpu.memory_space<vmem>>) target(%dma_start3A_392 : memref<10000x64xf32, #tpu.memory_space<vmem_shared>>) offsets(%dma_start3A_389 : memref<250xi32, #tpu.memory_space<vmem>>) semaphore(%run_scoped3A_386 : memref<!tpu.dma_semaphore, #tpu.memory_space<semaphore_mem>>) {add = true}
        %dma_wait3A_393 = arith.constant 0 : i32
        %dma_wait3A_394 = tpu.memref_slice %arg8[%run_scoped3A_200, %dma_wait3A_393] : memref<16x250xi32, #tpu.memory_space<vmem>> -> memref<1x250xi32, #tpu.memory_space<vmem>>
        %dma_wait3A_395 = tpu.memref_squeeze %dma_wait3A_394 : memref<1x250xi32, #tpu.memory_space<vmem>> -> memref<250xi32, #tpu.memory_space<vmem>>
        %dma_wait3A_396 = arith.constant 0 : i32
        %dma_wait3A_397 = arith.constant 0 : i32
        %dma_wait3A_398 = tpu.memref_slice %arg21[%dma_wait3A_396, %dma_wait3A_397] : memref<10000x64xf32, #tpu.memory_space<vmem_shared>> -> memref<10000x64xf32, #tpu.memory_space<vmem_shared>>
        tpu.wait_indirect_dma semaphore(%run_scoped3A_386 : memref<!tpu.dma_semaphore, #tpu.memory_space<semaphore_mem>>) src(%arg11 : memref<250x64xf32, #tpu.memory_space<vmem>>) dst(%dma_wait3A_398 : memref<10000x64xf32, #tpu.memory_space<vmem_shared>>)
        tpu.yield
      }) : () -> ()
      %dma_wait3A_201 = arith.constant 7 : i32
      %dma_wait3A_202 = arith.constant 0 : i32
      %dma_wait3A_203 = tpu.memref_slice %arg7[%dma_wait3A_201, %dma_wait3A_202] : memref<16x250xi32, #tpu.memory_space<vmem>> -> memref<1x250xi32, #tpu.memory_space<vmem>>
      %dma_wait3A_204 = tpu.memref_squeeze %dma_wait3A_203 : memref<1x250xi32, #tpu.memory_space<vmem>> -> memref<250xi32, #tpu.memory_space<vmem>>
      %dma_wait3A_205 = arith.constant 0 : i32
      %dma_wait3A_206 = arith.constant 0 : i32
      %dma_wait3A_207 = tpu.memref_slice %arg2[%arg0, %dma_wait3A_205, %dma_wait3A_206] : memref<2x10000x64xf32, #tpu.memory_space<hbm>> -> memref<1x10000x64xf32, #tpu.memory_space<hbm>>
      %dma_wait3A_208 = tpu.memref_squeeze %dma_wait3A_207 : memref<1x10000x64xf32, #tpu.memory_space<hbm>> -> memref<10000x64xf32, #tpu.memory_space<hbm>>
      %dma_wait3A_209 = arith.constant 0 : i32
      %dma_wait3A_210 = arith.constant 0 : i32
      %dma_wait3A_211 = tpu.memref_slice %dma_wait3A_208[%dma_wait3A_209, %dma_wait3A_210] : memref<10000x64xf32, #tpu.memory_space<hbm>> -> memref<10000x64xf32, #tpu.memory_space<hbm>>
      tpu.wait_indirect_dma semaphore(%arg16 : memref<!tpu.dma_semaphore, #tpu.memory_space<semaphore_mem>>) src(%dma_wait3A_211 : memref<10000x64xf32, #tpu.memory_space<hbm>>) dst(%arg12 : memref<250x64xf32, #tpu.memory_space<vmem>>)
      %dma_start3A_212 = arith.constant 9 : i32
      %dma_start3A_213 = arith.constant 0 : i32
      %dma_start3A_214 = tpu.memref_slice %arg7[%dma_start3A_212, %dma_start3A_213] : memref<16x250xi32, #tpu.memory_space<vmem>> -> memref<1x250xi32, #tpu.memory_space<vmem>>
      %dma_start3A_215 = tpu.memref_squeeze %dma_start3A_214 : memref<1x250xi32, #tpu.memory_space<vmem>> -> memref<250xi32, #tpu.memory_space<vmem>>
      %dma_start3A_216 = arith.constant 0 : i32
      %dma_start3A_217 = arith.constant 0 : i32
      %dma_start3A_218 = tpu.memref_slice %arg2[%arg0, %dma_start3A_216, %dma_start3A_217] : memref<2x10000x64xf32, #tpu.memory_space<hbm>> -> memref<1x10000x64xf32, #tpu.memory_space<hbm>>
      %dma_start3A_219 = tpu.memref_squeeze %dma_start3A_218 : memref<1x10000x64xf32, #tpu.memory_space<hbm>> -> memref<10000x64xf32, #tpu.memory_space<hbm>>
      %dma_start3A_220 = arith.constant 0 : i32
      %dma_start3A_221 = arith.constant 0 : i32
      %dma_start3A_222 = tpu.memref_slice %dma_start3A_219[%dma_start3A_220, %dma_start3A_221] : memref<10000x64xf32, #tpu.memory_space<hbm>> -> memref<10000x64xf32, #tpu.memory_space<hbm>>
      tpu.enqueue_indirect_dma source(%dma_start3A_222 : memref<10000x64xf32, #tpu.memory_space<hbm>>) target(%arg10 : memref<250x64xf32, #tpu.memory_space<vmem>>) offsets(%dma_start3A_215 : memref<250xi32, #tpu.memory_space<vmem>>) semaphore(%arg14 : memref<!tpu.dma_semaphore, #tpu.memory_space<semaphore_mem>>)
      %run_scoped3A_223 = arith.constant 7 : i32
      "tpu.region"() ({
        %run_scoped3A_386 = tpu.sem_alloc : memref<!tpu.dma_semaphore, #tpu.memory_space<semaphore_mem>>
        %dma_start3A_387 = arith.constant 0 : i32
        %dma_start3A_388 = tpu.memref_slice %arg8[%run_scoped3A_223, %dma_start3A_387] : memref<16x250xi32, #tpu.memory_space<vmem>> -> memref<1x250xi32, #tpu.memory_space<vmem>>
        %dma_start3A_389 = tpu.memref_squeeze %dma_start3A_388 : memref<1x250xi32, #tpu.memory_space<vmem>> -> memref<250xi32, #tpu.memory_space<vmem>>
        %dma_start3A_390 = arith.constant 0 : i32
        %dma_start3A_391 = arith.constant 0 : i32
        %dma_start3A_392 = tpu.memref_slice %arg21[%dma_start3A_390, %dma_start3A_391] : memref<10000x64xf32, #tpu.memory_space<vmem_shared>> -> memref<10000x64xf32, #tpu.memory_space<vmem_shared>>
        tpu.enqueue_indirect_dma source(%arg12 : memref<250x64xf32, #tpu.memory_space<vmem>>) target(%dma_start3A_392 : memref<10000x64xf32, #tpu.memory_space<vmem_shared>>) offsets(%dma_start3A_389 : memref<250xi32, #tpu.memory_space<vmem>>) semaphore(%run_scoped3A_386 : memref<!tpu.dma_semaphore, #tpu.memory_space<semaphore_mem>>) {add = true}
        %dma_wait3A_393 = arith.constant 0 : i32
        %dma_wait3A_394 = tpu.memref_slice %arg8[%run_scoped3A_223, %dma_wait3A_393] : memref<16x250xi32, #tpu.memory_space<vmem>> -> memref<1x250xi32, #tpu.memory_space<vmem>>
        %dma_wait3A_395 = tpu.memref_squeeze %dma_wait3A_394 : memref<1x250xi32, #tpu.memory_space<vmem>> -> memref<250xi32, #tpu.memory_space<vmem>>
        %dma_wait3A_396 = arith.constant 0 : i32
        %dma_wait3A_397 = arith.constant 0 : i32
        %dma_wait3A_398 = tpu.memref_slice %arg21[%dma_wait3A_396, %dma_wait3A_397] : memref<10000x64xf32, #tpu.memory_space<vmem_shared>> -> memref<10000x64xf32, #tpu.memory_space<vmem_shared>>
        tpu.wait_indirect_dma semaphore(%run_scoped3A_386 : memref<!tpu.dma_semaphore, #tpu.memory_space<semaphore_mem>>) src(%arg12 : memref<250x64xf32, #tpu.memory_space<vmem>>) dst(%dma_wait3A_398 : memref<10000x64xf32, #tpu.memory_space<vmem_shared>>)
        tpu.yield
      }) : () -> ()
      %dma_wait3A_224 = arith.constant 8 : i32
      %dma_wait3A_225 = arith.constant 0 : i32
      %dma_wait3A_226 = tpu.memref_slice %arg7[%dma_wait3A_224, %dma_wait3A_225] : memref<16x250xi32, #tpu.memory_space<vmem>> -> memref<1x250xi32, #tpu.memory_space<vmem>>
      %dma_wait3A_227 = tpu.memref_squeeze %dma_wait3A_226 : memref<1x250xi32, #tpu.memory_space<vmem>> -> memref<250xi32, #tpu.memory_space<vmem>>
      %dma_wait3A_228 = arith.constant 0 : i32
      %dma_wait3A_229 = arith.constant 0 : i32
      %dma_wait3A_230 = tpu.memref_slice %arg2[%arg0, %dma_wait3A_228, %dma_wait3A_229] : memref<2x10000x64xf32, #tpu.memory_space<hbm>> -> memref<1x10000x64xf32, #tpu.memory_space<hbm>>
      %dma_wait3A_231 = tpu.memref_squeeze %dma_wait3A_230 : memref<1x10000x64xf32, #tpu.memory_space<hbm>> -> memref<10000x64xf32, #tpu.memory_space<hbm>>
      %dma_wait3A_232 = arith.constant 0 : i32
      %dma_wait3A_233 = arith.constant 0 : i32
      %dma_wait3A_234 = tpu.memref_slice %dma_wait3A_231[%dma_wait3A_232, %dma_wait3A_233] : memref<10000x64xf32, #tpu.memory_space<hbm>> -> memref<10000x64xf32, #tpu.memory_space<hbm>>
      tpu.wait_indirect_dma semaphore(%arg13 : memref<!tpu.dma_semaphore, #tpu.memory_space<semaphore_mem>>) src(%dma_wait3A_234 : memref<10000x64xf32, #tpu.memory_space<hbm>>) dst(%arg9 : memref<250x64xf32, #tpu.memory_space<vmem>>)
      %dma_start3A_235 = arith.constant 10 : i32
      %dma_start3A_236 = arith.constant 0 : i32
      %dma_start3A_237 = tpu.memref_slice %arg7[%dma_start3A_235, %dma_start3A_236] : memref<16x250xi32, #tpu.memory_space<vmem>> -> memref<1x250xi32, #tpu.memory_space<vmem>>
      %dma_start3A_238 = tpu.memref_squeeze %dma_start3A_237 : memref<1x250xi32, #tpu.memory_space<vmem>> -> memref<250xi32, #tpu.memory_space<vmem>>
      %dma_start3A_239 = arith.constant 0 : i32
      %dma_start3A_240 = arith.constant 0 : i32
      %dma_start3A_241 = tpu.memref_slice %arg2[%arg0, %dma_start3A_239, %dma_start3A_240] : memref<2x10000x64xf32, #tpu.memory_space<hbm>> -> memref<1x10000x64xf32, #tpu.memory_space<hbm>>
      %dma_start3A_242 = tpu.memref_squeeze %dma_start3A_241 : memref<1x10000x64xf32, #tpu.memory_space<hbm>> -> memref<10000x64xf32, #tpu.memory_space<hbm>>
      %dma_start3A_243 = arith.constant 0 : i32
      %dma_start3A_244 = arith.constant 0 : i32
      %dma_start3A_245 = tpu.memref_slice %dma_start3A_242[%dma_start3A_243, %dma_start3A_244] : memref<10000x64xf32, #tpu.memory_space<hbm>> -> memref<10000x64xf32, #tpu.memory_space<hbm>>
      tpu.enqueue_indirect_dma source(%dma_start3A_245 : memref<10000x64xf32, #tpu.memory_space<hbm>>) target(%arg11 : memref<250x64xf32, #tpu.memory_space<vmem>>) offsets(%dma_start3A_238 : memref<250xi32, #tpu.memory_space<vmem>>) semaphore(%arg15 : memref<!tpu.dma_semaphore, #tpu.memory_space<semaphore_mem>>)
      %run_scoped3A_246 = arith.constant 8 : i32
      "tpu.region"() ({
        %run_scoped3A_386 = tpu.sem_alloc : memref<!tpu.dma_semaphore, #tpu.memory_space<semaphore_mem>>
        %dma_start3A_387 = arith.constant 0 : i32
        %dma_start3A_388 = tpu.memref_slice %arg8[%run_scoped3A_246, %dma_start3A_387] : memref<16x250xi32, #tpu.memory_space<vmem>> -> memref<1x250xi32, #tpu.memory_space<vmem>>
        %dma_start3A_389 = tpu.memref_squeeze %dma_start3A_388 : memref<1x250xi32, #tpu.memory_space<vmem>> -> memref<250xi32, #tpu.memory_space<vmem>>
        %dma_start3A_390 = arith.constant 0 : i32
        %dma_start3A_391 = arith.constant 0 : i32
        %dma_start3A_392 = tpu.memref_slice %arg21[%dma_start3A_390, %dma_start3A_391] : memref<10000x64xf32, #tpu.memory_space<vmem_shared>> -> memref<10000x64xf32, #tpu.memory_space<vmem_shared>>
        tpu.enqueue_indirect_dma source(%arg9 : memref<250x64xf32, #tpu.memory_space<vmem>>) target(%dma_start3A_392 : memref<10000x64xf32, #tpu.memory_space<vmem_shared>>) offsets(%dma_start3A_389 : memref<250xi32, #tpu.memory_space<vmem>>) semaphore(%run_scoped3A_386 : memref<!tpu.dma_semaphore, #tpu.memory_space<semaphore_mem>>) {add = true}
        %dma_wait3A_393 = arith.constant 0 : i32
        %dma_wait3A_394 = tpu.memref_slice %arg8[%run_scoped3A_246, %dma_wait3A_393] : memref<16x250xi32, #tpu.memory_space<vmem>> -> memref<1x250xi32, #tpu.memory_space<vmem>>
        %dma_wait3A_395 = tpu.memref_squeeze %dma_wait3A_394 : memref<1x250xi32, #tpu.memory_space<vmem>> -> memref<250xi32, #tpu.memory_space<vmem>>
        %dma_wait3A_396 = arith.constant 0 : i32
        %dma_wait3A_397 = arith.constant 0 : i32
        %dma_wait3A_398 = tpu.memref_slice %arg21[%dma_wait3A_396, %dma_wait3A_397] : memref<10000x64xf32, #tpu.memory_space<vmem_shared>> -> memref<10000x64xf32, #tpu.memory_space<vmem_shared>>
        tpu.wait_indirect_dma semaphore(%run_scoped3A_386 : memref<!tpu.dma_semaphore, #tpu.memory_space<semaphore_mem>>) src(%arg9 : memref<250x64xf32, #tpu.memory_space<vmem>>) dst(%dma_wait3A_398 : memref<10000x64xf32, #tpu.memory_space<vmem_shared>>)
        tpu.yield
      }) : () -> ()
      %dma_wait3A_247 = arith.constant 9 : i32
      %dma_wait3A_248 = arith.constant 0 : i32
      %dma_wait3A_249 = tpu.memref_slice %arg7[%dma_wait3A_247, %dma_wait3A_248] : memref<16x250xi32, #tpu.memory_space<vmem>> -> memref<1x250xi32, #tpu.memory_space<vmem>>
      %dma_wait3A_250 = tpu.memref_squeeze %dma_wait3A_249 : memref<1x250xi32, #tpu.memory_space<vmem>> -> memref<250xi32, #tpu.memory_space<vmem>>
      %dma_wait3A_251 = arith.constant 0 : i32
      %dma_wait3A_252 = arith.constant 0 : i32
      %dma_wait3A_253 = tpu.memref_slice %arg2[%arg0, %dma_wait3A_251, %dma_wait3A_252] : memref<2x10000x64xf32, #tpu.memory_space<hbm>> -> memref<1x10000x64xf32, #tpu.memory_space<hbm>>
      %dma_wait3A_254 = tpu.memref_squeeze %dma_wait3A_253 : memref<1x10000x64xf32, #tpu.memory_space<hbm>> -> memref<10000x64xf32, #tpu.memory_space<hbm>>
      %dma_wait3A_255 = arith.constant 0 : i32
      %dma_wait3A_256 = arith.constant 0 : i32
      %dma_wait3A_257 = tpu.memref_slice %dma_wait3A_254[%dma_wait3A_255, %dma_wait3A_256] : memref<10000x64xf32, #tpu.memory_space<hbm>> -> memref<10000x64xf32, #tpu.memory_space<hbm>>
      tpu.wait_indirect_dma semaphore(%arg14 : memref<!tpu.dma_semaphore, #tpu.memory_space<semaphore_mem>>) src(%dma_wait3A_257 : memref<10000x64xf32, #tpu.memory_space<hbm>>) dst(%arg10 : memref<250x64xf32, #tpu.memory_space<vmem>>)
      %dma_start3A_258 = arith.constant 11 : i32
      %dma_start3A_259 = arith.constant 0 : i32
      %dma_start3A_260 = tpu.memref_slice %arg7[%dma_start3A_258, %dma_start3A_259] : memref<16x250xi32, #tpu.memory_space<vmem>> -> memref<1x250xi32, #tpu.memory_space<vmem>>
      %dma_start3A_261 = tpu.memref_squeeze %dma_start3A_260 : memref<1x250xi32, #tpu.memory_space<vmem>> -> memref<250xi32, #tpu.memory_space<vmem>>
      %dma_start3A_262 = arith.constant 0 : i32
      %dma_start3A_263 = arith.constant 0 : i32
      %dma_start3A_264 = tpu.memref_slice %arg2[%arg0, %dma_start3A_262, %dma_start3A_263] : memref<2x10000x64xf32, #tpu.memory_space<hbm>> -> memref<1x10000x64xf32, #tpu.memory_space<hbm>>
      %dma_start3A_265 = tpu.memref_squeeze %dma_start3A_264 : memref<1x10000x64xf32, #tpu.memory_space<hbm>> -> memref<10000x64xf32, #tpu.memory_space<hbm>>
      %dma_start3A_266 = arith.constant 0 : i32
      %dma_start3A_267 = arith.constant 0 : i32
      %dma_start3A_268 = tpu.memref_slice %dma_start3A_265[%dma_start3A_266, %dma_start3A_267] : memref<10000x64xf32, #tpu.memory_space<hbm>> -> memref<10000x64xf32, #tpu.memory_space<hbm>>
      tpu.enqueue_indirect_dma source(%dma_start3A_268 : memref<10000x64xf32, #tpu.memory_space<hbm>>) target(%arg12 : memref<250x64xf32, #tpu.memory_space<vmem>>) offsets(%dma_start3A_261 : memref<250xi32, #tpu.memory_space<vmem>>) semaphore(%arg16 : memref<!tpu.dma_semaphore, #tpu.memory_space<semaphore_mem>>)
      %run_scoped3A_269 = arith.constant 9 : i32
      "tpu.region"() ({
        %run_scoped3A_386 = tpu.sem_alloc : memref<!tpu.dma_semaphore, #tpu.memory_space<semaphore_mem>>
        %dma_start3A_387 = arith.constant 0 : i32
        %dma_start3A_388 = tpu.memref_slice %arg8[%run_scoped3A_269, %dma_start3A_387] : memref<16x250xi32, #tpu.memory_space<vmem>> -> memref<1x250xi32, #tpu.memory_space<vmem>>
        %dma_start3A_389 = tpu.memref_squeeze %dma_start3A_388 : memref<1x250xi32, #tpu.memory_space<vmem>> -> memref<250xi32, #tpu.memory_space<vmem>>
        %dma_start3A_390 = arith.constant 0 : i32
        %dma_start3A_391 = arith.constant 0 : i32
        %dma_start3A_392 = tpu.memref_slice %arg21[%dma_start3A_390, %dma_start3A_391] : memref<10000x64xf32, #tpu.memory_space<vmem_shared>> -> memref<10000x64xf32, #tpu.memory_space<vmem_shared>>
        tpu.enqueue_indirect_dma source(%arg10 : memref<250x64xf32, #tpu.memory_space<vmem>>) target(%dma_start3A_392 : memref<10000x64xf32, #tpu.memory_space<vmem_shared>>) offsets(%dma_start3A_389 : memref<250xi32, #tpu.memory_space<vmem>>) semaphore(%run_scoped3A_386 : memref<!tpu.dma_semaphore, #tpu.memory_space<semaphore_mem>>) {add = true}
        %dma_wait3A_393 = arith.constant 0 : i32
        %dma_wait3A_394 = tpu.memref_slice %arg8[%run_scoped3A_269, %dma_wait3A_393] : memref<16x250xi32, #tpu.memory_space<vmem>> -> memref<1x250xi32, #tpu.memory_space<vmem>>
        %dma_wait3A_395 = tpu.memref_squeeze %dma_wait3A_394 : memref<1x250xi32, #tpu.memory_space<vmem>> -> memref<250xi32, #tpu.memory_space<vmem>>
        %dma_wait3A_396 = arith.constant 0 : i32
        %dma_wait3A_397 = arith.constant 0 : i32
        %dma_wait3A_398 = tpu.memref_slice %arg21[%dma_wait3A_396, %dma_wait3A_397] : memref<10000x64xf32, #tpu.memory_space<vmem_shared>> -> memref<10000x64xf32, #tpu.memory_space<vmem_shared>>
        tpu.wait_indirect_dma semaphore(%run_scoped3A_386 : memref<!tpu.dma_semaphore, #tpu.memory_space<semaphore_mem>>) src(%arg10 : memref<250x64xf32, #tpu.memory_space<vmem>>) dst(%dma_wait3A_398 : memref<10000x64xf32, #tpu.memory_space<vmem_shared>>)
        tpu.yield
      }) : () -> ()
      %dma_wait3A_270 = arith.constant 10 : i32
      %dma_wait3A_271 = arith.constant 0 : i32
      %dma_wait3A_272 = tpu.memref_slice %arg7[%dma_wait3A_270, %dma_wait3A_271] : memref<16x250xi32, #tpu.memory_space<vmem>> -> memref<1x250xi32, #tpu.memory_space<vmem>>
      %dma_wait3A_273 = tpu.memref_squeeze %dma_wait3A_272 : memref<1x250xi32, #tpu.memory_space<vmem>> -> memref<250xi32, #tpu.memory_space<vmem>>
      %dma_wait3A_274 = arith.constant 0 : i32
      %dma_wait3A_275 = arith.constant 0 : i32
      %dma_wait3A_276 = tpu.memref_slice %arg2[%arg0, %dma_wait3A_274, %dma_wait3A_275] : memref<2x10000x64xf32, #tpu.memory_space<hbm>> -> memref<1x10000x64xf32, #tpu.memory_space<hbm>>
      %dma_wait3A_277 = tpu.memref_squeeze %dma_wait3A_276 : memref<1x10000x64xf32, #tpu.memory_space<hbm>> -> memref<10000x64xf32, #tpu.memory_space<hbm>>
      %dma_wait3A_278 = arith.constant 0 : i32
      %dma_wait3A_279 = arith.constant 0 : i32
      %dma_wait3A_280 = tpu.memref_slice %dma_wait3A_277[%dma_wait3A_278, %dma_wait3A_279] : memref<10000x64xf32, #tpu.memory_space<hbm>> -> memref<10000x64xf32, #tpu.memory_space<hbm>>
      tpu.wait_indirect_dma semaphore(%arg15 : memref<!tpu.dma_semaphore, #tpu.memory_space<semaphore_mem>>) src(%dma_wait3A_280 : memref<10000x64xf32, #tpu.memory_space<hbm>>) dst(%arg11 : memref<250x64xf32, #tpu.memory_space<vmem>>)
      %dma_start3A_281 = arith.constant 12 : i32
      %dma_start3A_282 = arith.constant 0 : i32
      %dma_start3A_283 = tpu.memref_slice %arg7[%dma_start3A_281, %dma_start3A_282] : memref<16x250xi32, #tpu.memory_space<vmem>> -> memref<1x250xi32, #tpu.memory_space<vmem>>
      %dma_start3A_284 = tpu.memref_squeeze %dma_start3A_283 : memref<1x250xi32, #tpu.memory_space<vmem>> -> memref<250xi32, #tpu.memory_space<vmem>>
      %dma_start3A_285 = arith.constant 0 : i32
      %dma_start3A_286 = arith.constant 0 : i32
      %dma_start3A_287 = tpu.memref_slice %arg2[%arg0, %dma_start3A_285, %dma_start3A_286] : memref<2x10000x64xf32, #tpu.memory_space<hbm>> -> memref<1x10000x64xf32, #tpu.memory_space<hbm>>
      %dma_start3A_288 = tpu.memref_squeeze %dma_start3A_287 : memref<1x10000x64xf32, #tpu.memory_space<hbm>> -> memref<10000x64xf32, #tpu.memory_space<hbm>>
      %dma_start3A_289 = arith.constant 0 : i32
      %dma_start3A_290 = arith.constant 0 : i32
      %dma_start3A_291 = tpu.memref_slice %dma_start3A_288[%dma_start3A_289, %dma_start3A_290] : memref<10000x64xf32, #tpu.memory_space<hbm>> -> memref<10000x64xf32, #tpu.memory_space<hbm>>
      tpu.enqueue_indirect_dma source(%dma_start3A_291 : memref<10000x64xf32, #tpu.memory_space<hbm>>) target(%arg9 : memref<250x64xf32, #tpu.memory_space<vmem>>) offsets(%dma_start3A_284 : memref<250xi32, #tpu.memory_space<vmem>>) semaphore(%arg13 : memref<!tpu.dma_semaphore, #tpu.memory_space<semaphore_mem>>)
      %run_scoped3A_292 = arith.constant 10 : i32
      "tpu.region"() ({
        %run_scoped3A_386 = tpu.sem_alloc : memref<!tpu.dma_semaphore, #tpu.memory_space<semaphore_mem>>
        %dma_start3A_387 = arith.constant 0 : i32
        %dma_start3A_388 = tpu.memref_slice %arg8[%run_scoped3A_292, %dma_start3A_387] : memref<16x250xi32, #tpu.memory_space<vmem>> -> memref<1x250xi32, #tpu.memory_space<vmem>>
        %dma_start3A_389 = tpu.memref_squeeze %dma_start3A_388 : memref<1x250xi32, #tpu.memory_space<vmem>> -> memref<250xi32, #tpu.memory_space<vmem>>
        %dma_start3A_390 = arith.constant 0 : i32
        %dma_start3A_391 = arith.constant 0 : i32
        %dma_start3A_392 = tpu.memref_slice %arg21[%dma_start3A_390, %dma_start3A_391] : memref<10000x64xf32, #tpu.memory_space<vmem_shared>> -> memref<10000x64xf32, #tpu.memory_space<vmem_shared>>
        tpu.enqueue_indirect_dma source(%arg11 : memref<250x64xf32, #tpu.memory_space<vmem>>) target(%dma_start3A_392 : memref<10000x64xf32, #tpu.memory_space<vmem_shared>>) offsets(%dma_start3A_389 : memref<250xi32, #tpu.memory_space<vmem>>) semaphore(%run_scoped3A_386 : memref<!tpu.dma_semaphore, #tpu.memory_space<semaphore_mem>>) {add = true}
        %dma_wait3A_393 = arith.constant 0 : i32
        %dma_wait3A_394 = tpu.memref_slice %arg8[%run_scoped3A_292, %dma_wait3A_393] : memref<16x250xi32, #tpu.memory_space<vmem>> -> memref<1x250xi32, #tpu.memory_space<vmem>>
        %dma_wait3A_395 = tpu.memref_squeeze %dma_wait3A_394 : memref<1x250xi32, #tpu.memory_space<vmem>> -> memref<250xi32, #tpu.memory_space<vmem>>
        %dma_wait3A_396 = arith.constant 0 : i32
        %dma_wait3A_397 = arith.constant 0 : i32
        %dma_wait3A_398 = tpu.memref_slice %arg21[%dma_wait3A_396, %dma_wait3A_397] : memref<10000x64xf32, #tpu.memory_space<vmem_shared>> -> memref<10000x64xf32, #tpu.memory_space<vmem_shared>>
        tpu.wait_indirect_dma semaphore(%run_scoped3A_386 : memref<!tpu.dma_semaphore, #tpu.memory_space<semaphore_mem>>) src(%arg11 : memref<250x64xf32, #tpu.memory_space<vmem>>) dst(%dma_wait3A_398 : memref<10000x64xf32, #tpu.memory_space<vmem_shared>>)
        tpu.yield
      }) : () -> ()
      %dma_wait3A_293 = arith.constant 11 : i32
      %dma_wait3A_294 = arith.constant 0 : i32
      %dma_wait3A_295 = tpu.memref_slice %arg7[%dma_wait3A_293, %dma_wait3A_294] : memref<16x250xi32, #tpu.memory_space<vmem>> -> memref<1x250xi32, #tpu.memory_space<vmem>>
      %dma_wait3A_296 = tpu.memref_squeeze %dma_wait3A_295 : memref<1x250xi32, #tpu.memory_space<vmem>> -> memref<250xi32, #tpu.memory_space<vmem>>
      %dma_wait3A_297 = arith.constant 0 : i32
      %dma_wait3A_298 = arith.constant 0 : i32
      %dma_wait3A_299 = tpu.memref_slice %arg2[%arg0, %dma_wait3A_297, %dma_wait3A_298] : memref<2x10000x64xf32, #tpu.memory_space<hbm>> -> memref<1x10000x64xf32, #tpu.memory_space<hbm>>
      %dma_wait3A_300 = tpu.memref_squeeze %dma_wait3A_299 : memref<1x10000x64xf32, #tpu.memory_space<hbm>> -> memref<10000x64xf32, #tpu.memory_space<hbm>>
      %dma_wait3A_301 = arith.constant 0 : i32
      %dma_wait3A_302 = arith.constant 0 : i32
      %dma_wait3A_303 = tpu.memref_slice %dma_wait3A_300[%dma_wait3A_301, %dma_wait3A_302] : memref<10000x64xf32, #tpu.memory_space<hbm>> -> memref<10000x64xf32, #tpu.memory_space<hbm>>
      tpu.wait_indirect_dma semaphore(%arg16 : memref<!tpu.dma_semaphore, #tpu.memory_space<semaphore_mem>>) src(%dma_wait3A_303 : memref<10000x64xf32, #tpu.memory_space<hbm>>) dst(%arg12 : memref<250x64xf32, #tpu.memory_space<vmem>>)
      %dma_start3A_304 = arith.constant 13 : i32
      %dma_start3A_305 = arith.constant 0 : i32
      %dma_start3A_306 = tpu.memref_slice %arg7[%dma_start3A_304, %dma_start3A_305] : memref<16x250xi32, #tpu.memory_space<vmem>> -> memref<1x250xi32, #tpu.memory_space<vmem>>
      %dma_start3A_307 = tpu.memref_squeeze %dma_start3A_306 : memref<1x250xi32, #tpu.memory_space<vmem>> -> memref<250xi32, #tpu.memory_space<vmem>>
      %dma_start3A_308 = arith.constant 0 : i32
      %dma_start3A_309 = arith.constant 0 : i32
      %dma_start3A_310 = tpu.memref_slice %arg2[%arg0, %dma_start3A_308, %dma_start3A_309] : memref<2x10000x64xf32, #tpu.memory_space<hbm>> -> memref<1x10000x64xf32, #tpu.memory_space<hbm>>
      %dma_start3A_311 = tpu.memref_squeeze %dma_start3A_310 : memref<1x10000x64xf32, #tpu.memory_space<hbm>> -> memref<10000x64xf32, #tpu.memory_space<hbm>>
      %dma_start3A_312 = arith.constant 0 : i32
      %dma_start3A_313 = arith.constant 0 : i32
      %dma_start3A_314 = tpu.memref_slice %dma_start3A_311[%dma_start3A_312, %dma_start3A_313] : memref<10000x64xf32, #tpu.memory_space<hbm>> -> memref<10000x64xf32, #tpu.memory_space<hbm>>
      tpu.enqueue_indirect_dma source(%dma_start3A_314 : memref<10000x64xf32, #tpu.memory_space<hbm>>) target(%arg10 : memref<250x64xf32, #tpu.memory_space<vmem>>) offsets(%dma_start3A_307 : memref<250xi32, #tpu.memory_space<vmem>>) semaphore(%arg14 : memref<!tpu.dma_semaphore, #tpu.memory_space<semaphore_mem>>)
      %run_scoped3A_315 = arith.constant 11 : i32
      "tpu.region"() ({
        %run_scoped3A_386 = tpu.sem_alloc : memref<!tpu.dma_semaphore, #tpu.memory_space<semaphore_mem>>
        %dma_start3A_387 = arith.constant 0 : i32
        %dma_start3A_388 = tpu.memref_slice %arg8[%run_scoped3A_315, %dma_start3A_387] : memref<16x250xi32, #tpu.memory_space<vmem>> -> memref<1x250xi32, #tpu.memory_space<vmem>>
        %dma_start3A_389 = tpu.memref_squeeze %dma_start3A_388 : memref<1x250xi32, #tpu.memory_space<vmem>> -> memref<250xi32, #tpu.memory_space<vmem>>
        %dma_start3A_390 = arith.constant 0 : i32
        %dma_start3A_391 = arith.constant 0 : i32
        %dma_start3A_392 = tpu.memref_slice %arg21[%dma_start3A_390, %dma_start3A_391] : memref<10000x64xf32, #tpu.memory_space<vmem_shared>> -> memref<10000x64xf32, #tpu.memory_space<vmem_shared>>
        tpu.enqueue_indirect_dma source(%arg12 : memref<250x64xf32, #tpu.memory_space<vmem>>) target(%dma_start3A_392 : memref<10000x64xf32, #tpu.memory_space<vmem_shared>>) offsets(%dma_start3A_389 : memref<250xi32, #tpu.memory_space<vmem>>) semaphore(%run_scoped3A_386 : memref<!tpu.dma_semaphore, #tpu.memory_space<semaphore_mem>>) {add = true}
        %dma_wait3A_393 = arith.constant 0 : i32
        %dma_wait3A_394 = tpu.memref_slice %arg8[%run_scoped3A_315, %dma_wait3A_393] : memref<16x250xi32, #tpu.memory_space<vmem>> -> memref<1x250xi32, #tpu.memory_space<vmem>>
        %dma_wait3A_395 = tpu.memref_squeeze %dma_wait3A_394 : memref<1x250xi32, #tpu.memory_space<vmem>> -> memref<250xi32, #tpu.memory_space<vmem>>
        %dma_wait3A_396 = arith.constant 0 : i32
        %dma_wait3A_397 = arith.constant 0 : i32
        %dma_wait3A_398 = tpu.memref_slice %arg21[%dma_wait3A_396, %dma_wait3A_397] : memref<10000x64xf32, #tpu.memory_space<vmem_shared>> -> memref<10000x64xf32, #tpu.memory_space<vmem_shared>>
        tpu.wait_indirect_dma semaphore(%run_scoped3A_386 : memref<!tpu.dma_semaphore, #tpu.memory_space<semaphore_mem>>) src(%arg12 : memref<250x64xf32, #tpu.memory_space<vmem>>) dst(%dma_wait3A_398 : memref<10000x64xf32, #tpu.memory_space<vmem_shared>>)
        tpu.yield
      }) : () -> ()
      %dma_wait3A_316 = arith.constant 12 : i32
      %dma_wait3A_317 = arith.constant 0 : i32
      %dma_wait3A_318 = tpu.memref_slice %arg7[%dma_wait3A_316, %dma_wait3A_317] : memref<16x250xi32, #tpu.memory_space<vmem>> -> memref<1x250xi32, #tpu.memory_space<vmem>>
      %dma_wait3A_319 = tpu.memref_squeeze %dma_wait3A_318 : memref<1x250xi32, #tpu.memory_space<vmem>> -> memref<250xi32, #tpu.memory_space<vmem>>
      %dma_wait3A_320 = arith.constant 0 : i32
      %dma_wait3A_321 = arith.constant 0 : i32
      %dma_wait3A_322 = tpu.memref_slice %arg2[%arg0, %dma_wait3A_320, %dma_wait3A_321] : memref<2x10000x64xf32, #tpu.memory_space<hbm>> -> memref<1x10000x64xf32, #tpu.memory_space<hbm>>
      %dma_wait3A_323 = tpu.memref_squeeze %dma_wait3A_322 : memref<1x10000x64xf32, #tpu.memory_space<hbm>> -> memref<10000x64xf32, #tpu.memory_space<hbm>>
      %dma_wait3A_324 = arith.constant 0 : i32
      %dma_wait3A_325 = arith.constant 0 : i32
      %dma_wait3A_326 = tpu.memref_slice %dma_wait3A_323[%dma_wait3A_324, %dma_wait3A_325] : memref<10000x64xf32, #tpu.memory_space<hbm>> -> memref<10000x64xf32, #tpu.memory_space<hbm>>
      tpu.wait_indirect_dma semaphore(%arg13 : memref<!tpu.dma_semaphore, #tpu.memory_space<semaphore_mem>>) src(%dma_wait3A_326 : memref<10000x64xf32, #tpu.memory_space<hbm>>) dst(%arg9 : memref<250x64xf32, #tpu.memory_space<vmem>>)
      %dma_start3A_327 = arith.constant 14 : i32
      %dma_start3A_328 = arith.constant 0 : i32
      %dma_start3A_329 = tpu.memref_slice %arg7[%dma_start3A_327, %dma_start3A_328] : memref<16x250xi32, #tpu.memory_space<vmem>> -> memref<1x250xi32, #tpu.memory_space<vmem>>
      %dma_start3A_330 = tpu.memref_squeeze %dma_start3A_329 : memref<1x250xi32, #tpu.memory_space<vmem>> -> memref<250xi32, #tpu.memory_space<vmem>>
      %dma_start3A_331 = arith.constant 0 : i32
      %dma_start3A_332 = arith.constant 0 : i32
      %dma_start3A_333 = tpu.memref_slice %arg2[%arg0, %dma_start3A_331, %dma_start3A_332] : memref<2x10000x64xf32, #tpu.memory_space<hbm>> -> memref<1x10000x64xf32, #tpu.memory_space<hbm>>
      %dma_start3A_334 = tpu.memref_squeeze %dma_start3A_333 : memref<1x10000x64xf32, #tpu.memory_space<hbm>> -> memref<10000x64xf32, #tpu.memory_space<hbm>>
      %dma_start3A_335 = arith.constant 0 : i32
      %dma_start3A_336 = arith.constant 0 : i32
      %dma_start3A_337 = tpu.memref_slice %dma_start3A_334[%dma_start3A_335, %dma_start3A_336] : memref<10000x64xf32, #tpu.memory_space<hbm>> -> memref<10000x64xf32, #tpu.memory_space<hbm>>
      tpu.enqueue_indirect_dma source(%dma_start3A_337 : memref<10000x64xf32, #tpu.memory_space<hbm>>) target(%arg11 : memref<250x64xf32, #tpu.memory_space<vmem>>) offsets(%dma_start3A_330 : memref<250xi32, #tpu.memory_space<vmem>>) semaphore(%arg15 : memref<!tpu.dma_semaphore, #tpu.memory_space<semaphore_mem>>)
      %run_scoped3A_338 = arith.constant 12 : i32
      "tpu.region"() ({
        %run_scoped3A_386 = tpu.sem_alloc : memref<!tpu.dma_semaphore, #tpu.memory_space<semaphore_mem>>
        %dma_start3A_387 = arith.constant 0 : i32
        %dma_start3A_388 = tpu.memref_slice %arg8[%run_scoped3A_338, %dma_start3A_387] : memref<16x250xi32, #tpu.memory_space<vmem>> -> memref<1x250xi32, #tpu.memory_space<vmem>>
        %dma_start3A_389 = tpu.memref_squeeze %dma_start3A_388 : memref<1x250xi32, #tpu.memory_space<vmem>> -> memref<250xi32, #tpu.memory_space<vmem>>
        %dma_start3A_390 = arith.constant 0 : i32
        %dma_start3A_391 = arith.constant 0 : i32
        %dma_start3A_392 = tpu.memref_slice %arg21[%dma_start3A_390, %dma_start3A_391] : memref<10000x64xf32, #tpu.memory_space<vmem_shared>> -> memref<10000x64xf32, #tpu.memory_space<vmem_shared>>
        tpu.enqueue_indirect_dma source(%arg9 : memref<250x64xf32, #tpu.memory_space<vmem>>) target(%dma_start3A_392 : memref<10000x64xf32, #tpu.memory_space<vmem_shared>>) offsets(%dma_start3A_389 : memref<250xi32, #tpu.memory_space<vmem>>) semaphore(%run_scoped3A_386 : memref<!tpu.dma_semaphore, #tpu.memory_space<semaphore_mem>>) {add = true}
        %dma_wait3A_393 = arith.constant 0 : i32
        %dma_wait3A_394 = tpu.memref_slice %arg8[%run_scoped3A_338, %dma_wait3A_393] : memref<16x250xi32, #tpu.memory_space<vmem>> -> memref<1x250xi32, #tpu.memory_space<vmem>>
        %dma_wait3A_395 = tpu.memref_squeeze %dma_wait3A_394 : memref<1x250xi32, #tpu.memory_space<vmem>> -> memref<250xi32, #tpu.memory_space<vmem>>
        %dma_wait3A_396 = arith.constant 0 : i32
        %dma_wait3A_397 = arith.constant 0 : i32
        %dma_wait3A_398 = tpu.memref_slice %arg21[%dma_wait3A_396, %dma_wait3A_397] : memref<10000x64xf32, #tpu.memory_space<vmem_shared>> -> memref<10000x64xf32, #tpu.memory_space<vmem_shared>>
        tpu.wait_indirect_dma semaphore(%run_scoped3A_386 : memref<!tpu.dma_semaphore, #tpu.memory_space<semaphore_mem>>) src(%arg9 : memref<250x64xf32, #tpu.memory_space<vmem>>) dst(%dma_wait3A_398 : memref<10000x64xf32, #tpu.memory_space<vmem_shared>>)
        tpu.yield
      }) : () -> ()
      %dma_wait3A_339 = arith.constant 13 : i32
      %dma_wait3A_340 = arith.constant 0 : i32
      %dma_wait3A_341 = tpu.memref_slice %arg7[%dma_wait3A_339, %dma_wait3A_340] : memref<16x250xi32, #tpu.memory_space<vmem>> -> memref<1x250xi32, #tpu.memory_space<vmem>>
      %dma_wait3A_342 = tpu.memref_squeeze %dma_wait3A_341 : memref<1x250xi32, #tpu.memory_space<vmem>> -> memref<250xi32, #tpu.memory_space<vmem>>
      %dma_wait3A_343 = arith.constant 0 : i32
      %dma_wait3A_344 = arith.constant 0 : i32
      %dma_wait3A_345 = tpu.memref_slice %arg2[%arg0, %dma_wait3A_343, %dma_wait3A_344] : memref<2x10000x64xf32, #tpu.memory_space<hbm>> -> memref<1x10000x64xf32, #tpu.memory_space<hbm>>
      %dma_wait3A_346 = tpu.memref_squeeze %dma_wait3A_345 : memref<1x10000x64xf32, #tpu.memory_space<hbm>> -> memref<10000x64xf32, #tpu.memory_space<hbm>>
      %dma_wait3A_347 = arith.constant 0 : i32
      %dma_wait3A_348 = arith.constant 0 : i32
      %dma_wait3A_349 = tpu.memref_slice %dma_wait3A_346[%dma_wait3A_347, %dma_wait3A_348] : memref<10000x64xf32, #tpu.memory_space<hbm>> -> memref<10000x64xf32, #tpu.memory_space<hbm>>
      tpu.wait_indirect_dma semaphore(%arg14 : memref<!tpu.dma_semaphore, #tpu.memory_space<semaphore_mem>>) src(%dma_wait3A_349 : memref<10000x64xf32, #tpu.memory_space<hbm>>) dst(%arg10 : memref<250x64xf32, #tpu.memory_space<vmem>>)
      %dma_start3A_350 = arith.constant 15 : i32
      %dma_start3A_351 = arith.constant 0 : i32
      %dma_start3A_352 = tpu.memref_slice %arg7[%dma_start3A_350, %dma_start3A_351] : memref<16x250xi32, #tpu.memory_space<vmem>> -> memref<1x250xi32, #tpu.memory_space<vmem>>
      %dma_start3A_353 = tpu.memref_squeeze %dma_start3A_352 : memref<1x250xi32, #tpu.memory_space<vmem>> -> memref<250xi32, #tpu.memory_space<vmem>>
      %dma_start3A_354 = arith.constant 0 : i32
      %dma_start3A_355 = arith.constant 0 : i32
      %dma_start3A_356 = tpu.memref_slice %arg2[%arg0, %dma_start3A_354, %dma_start3A_355] : memref<2x10000x64xf32, #tpu.memory_space<hbm>> -> memref<1x10000x64xf32, #tpu.memory_space<hbm>>
      %dma_start3A_357 = tpu.memref_squeeze %dma_start3A_356 : memref<1x10000x64xf32, #tpu.memory_space<hbm>> -> memref<10000x64xf32, #tpu.memory_space<hbm>>
      %dma_start3A_358 = arith.constant 0 : i32
      %dma_start3A_359 = arith.constant 0 : i32
      %dma_start3A_360 = tpu.memref_slice %dma_start3A_357[%dma_start3A_358, %dma_start3A_359] : memref<10000x64xf32, #tpu.memory_space<hbm>> -> memref<10000x64xf32, #tpu.memory_space<hbm>>
      tpu.enqueue_indirect_dma source(%dma_start3A_360 : memref<10000x64xf32, #tpu.memory_space<hbm>>) target(%arg12 : memref<250x64xf32, #tpu.memory_space<vmem>>) offsets(%dma_start3A_353 : memref<250xi32, #tpu.memory_space<vmem>>) semaphore(%arg16 : memref<!tpu.dma_semaphore, #tpu.memory_space<semaphore_mem>>)
      %run_scoped3A_361 = arith.constant 13 : i32
      "tpu.region"() ({
        %run_scoped3A_386 = tpu.sem_alloc : memref<!tpu.dma_semaphore, #tpu.memory_space<semaphore_mem>>
        %dma_start3A_387 = arith.constant 0 : i32
        %dma_start3A_388 = tpu.memref_slice %arg8[%run_scoped3A_361, %dma_start3A_387] : memref<16x250xi32, #tpu.memory_space<vmem>> -> memref<1x250xi32, #tpu.memory_space<vmem>>
        %dma_start3A_389 = tpu.memref_squeeze %dma_start3A_388 : memref<1x250xi32, #tpu.memory_space<vmem>> -> memref<250xi32, #tpu.memory_space<vmem>>
        %dma_start3A_390 = arith.constant 0 : i32
        %dma_start3A_391 = arith.constant 0 : i32
        %dma_start3A_392 = tpu.memref_slice %arg21[%dma_start3A_390, %dma_start3A_391] : memref<10000x64xf32, #tpu.memory_space<vmem_shared>> -> memref<10000x64xf32, #tpu.memory_space<vmem_shared>>
        tpu.enqueue_indirect_dma source(%arg10 : memref<250x64xf32, #tpu.memory_space<vmem>>) target(%dma_start3A_392 : memref<10000x64xf32, #tpu.memory_space<vmem_shared>>) offsets(%dma_start3A_389 : memref<250xi32, #tpu.memory_space<vmem>>) semaphore(%run_scoped3A_386 : memref<!tpu.dma_semaphore, #tpu.memory_space<semaphore_mem>>) {add = true}
        %dma_wait3A_393 = arith.constant 0 : i32
        %dma_wait3A_394 = tpu.memref_slice %arg8[%run_scoped3A_361, %dma_wait3A_393] : memref<16x250xi32, #tpu.memory_space<vmem>> -> memref<1x250xi32, #tpu.memory_space<vmem>>
        %dma_wait3A_395 = tpu.memref_squeeze %dma_wait3A_394 : memref<1x250xi32, #tpu.memory_space<vmem>> -> memref<250xi32, #tpu.memory_space<vmem>>
        %dma_wait3A_396 = arith.constant 0 : i32
        %dma_wait3A_397 = arith.constant 0 : i32
        %dma_wait3A_398 = tpu.memref_slice %arg21[%dma_wait3A_396, %dma_wait3A_397] : memref<10000x64xf32, #tpu.memory_space<vmem_shared>> -> memref<10000x64xf32, #tpu.memory_space<vmem_shared>>
        tpu.wait_indirect_dma semaphore(%run_scoped3A_386 : memref<!tpu.dma_semaphore, #tpu.memory_space<semaphore_mem>>) src(%arg10 : memref<250x64xf32, #tpu.memory_space<vmem>>) dst(%dma_wait3A_398 : memref<10000x64xf32, #tpu.memory_space<vmem_shared>>)
        tpu.yield
      }) : () -> ()
      %dma_wait3A_362 = arith.constant 14 : i32
      %dma_wait3A_363 = arith.constant 0 : i32
      %dma_wait3A_364 = tpu.memref_slice %arg7[%dma_wait3A_362, %dma_wait3A_363] : memref<16x250xi32, #tpu.memory_space<vmem>> -> memref<1x250xi32, #tpu.memory_space<vmem>>
      %dma_wait3A_365 = tpu.memref_squeeze %dma_wait3A_364 : memref<1x250xi32, #tpu.memory_space<vmem>> -> memref<250xi32, #tpu.memory_space<vmem>>
      %dma_wait3A_366 = arith.constant 0 : i32
      %dma_wait3A_367 = arith.constant 0 : i32
      %dma_wait3A_368 = tpu.memref_slice %arg2[%arg0, %dma_wait3A_366, %dma_wait3A_367] : memref<2x10000x64xf32, #tpu.memory_space<hbm>> -> memref<1x10000x64xf32, #tpu.memory_space<hbm>>
      %dma_wait3A_369 = tpu.memref_squeeze %dma_wait3A_368 : memref<1x10000x64xf32, #tpu.memory_space<hbm>> -> memref<10000x64xf32, #tpu.memory_space<hbm>>
      %dma_wait3A_370 = arith.constant 0 : i32
      %dma_wait3A_371 = arith.constant 0 : i32
      %dma_wait3A_372 = tpu.memref_slice %dma_wait3A_369[%dma_wait3A_370, %dma_wait3A_371] : memref<10000x64xf32, #tpu.memory_space<hbm>> -> memref<10000x64xf32, #tpu.memory_space<hbm>>
      tpu.wait_indirect_dma semaphore(%arg15 : memref<!tpu.dma_semaphore, #tpu.memory_space<semaphore_mem>>) src(%dma_wait3A_372 : memref<10000x64xf32, #tpu.memory_space<hbm>>) dst(%arg11 : memref<250x64xf32, #tpu.memory_space<vmem>>)
      %run_scoped3A_373 = arith.constant 14 : i32
      "tpu.region"() ({
        %run_scoped3A_386 = tpu.sem_alloc : memref<!tpu.dma_semaphore, #tpu.memory_space<semaphore_mem>>
        %dma_start3A_387 = arith.constant 0 : i32
        %dma_start3A_388 = tpu.memref_slice %arg8[%run_scoped3A_373, %dma_start3A_387] : memref<16x250xi32, #tpu.memory_space<vmem>> -> memref<1x250xi32, #tpu.memory_space<vmem>>
        %dma_start3A_389 = tpu.memref_squeeze %dma_start3A_388 : memref<1x250xi32, #tpu.memory_space<vmem>> -> memref<250xi32, #tpu.memory_space<vmem>>
        %dma_start3A_390 = arith.constant 0 : i32
        %dma_start3A_391 = arith.constant 0 : i32
        %dma_start3A_392 = tpu.memref_slice %arg21[%dma_start3A_390, %dma_start3A_391] : memref<10000x64xf32, #tpu.memory_space<vmem_shared>> -> memref<10000x64xf32, #tpu.memory_space<vmem_shared>>
        tpu.enqueue_indirect_dma source(%arg11 : memref<250x64xf32, #tpu.memory_space<vmem>>) target(%dma_start3A_392 : memref<10000x64xf32, #tpu.memory_space<vmem_shared>>) offsets(%dma_start3A_389 : memref<250xi32, #tpu.memory_space<vmem>>) semaphore(%run_scoped3A_386 : memref<!tpu.dma_semaphore, #tpu.memory_space<semaphore_mem>>) {add = true}
        %dma_wait3A_393 = arith.constant 0 : i32
        %dma_wait3A_394 = tpu.memref_slice %arg8[%run_scoped3A_373, %dma_wait3A_393] : memref<16x250xi32, #tpu.memory_space<vmem>> -> memref<1x250xi32, #tpu.memory_space<vmem>>
        %dma_wait3A_395 = tpu.memref_squeeze %dma_wait3A_394 : memref<1x250xi32, #tpu.memory_space<vmem>> -> memref<250xi32, #tpu.memory_space<vmem>>
        %dma_wait3A_396 = arith.constant 0 : i32
        %dma_wait3A_397 = arith.constant 0 : i32
        %dma_wait3A_398 = tpu.memref_slice %arg21[%dma_wait3A_396, %dma_wait3A_397] : memref<10000x64xf32, #tpu.memory_space<vmem_shared>> -> memref<10000x64xf32, #tpu.memory_space<vmem_shared>>
        tpu.wait_indirect_dma semaphore(%run_scoped3A_386 : memref<!tpu.dma_semaphore, #tpu.memory_space<semaphore_mem>>) src(%arg11 : memref<250x64xf32, #tpu.memory_space<vmem>>) dst(%dma_wait3A_398 : memref<10000x64xf32, #tpu.memory_space<vmem_shared>>)
        tpu.yield
      }) : () -> ()
      %dma_wait3A_374 = arith.constant 15 : i32
      %dma_wait3A_375 = arith.constant 0 : i32
      %dma_wait3A_376 = tpu.memref_slice %arg7[%dma_wait3A_374, %dma_wait3A_375] : memref<16x250xi32, #tpu.memory_space<vmem>> -> memref<1x250xi32, #tpu.memory_space<vmem>>
      %dma_wait3A_377 = tpu.memref_squeeze %dma_wait3A_376 : memref<1x250xi32, #tpu.memory_space<vmem>> -> memref<250xi32, #tpu.memory_space<vmem>>
      %dma_wait3A_378 = arith.constant 0 : i32
      %dma_wait3A_379 = arith.constant 0 : i32
      %dma_wait3A_380 = tpu.memref_slice %arg2[%arg0, %dma_wait3A_378, %dma_wait3A_379] : memref<2x10000x64xf32, #tpu.memory_space<hbm>> -> memref<1x10000x64xf32, #tpu.memory_space<hbm>>
      %dma_wait3A_381 = tpu.memref_squeeze %dma_wait3A_380 : memref<1x10000x64xf32, #tpu.memory_space<hbm>> -> memref<10000x64xf32, #tpu.memory_space<hbm>>
      %dma_wait3A_382 = arith.constant 0 : i32
      %dma_wait3A_383 = arith.constant 0 : i32
      %dma_wait3A_384 = tpu.memref_slice %dma_wait3A_381[%dma_wait3A_382, %dma_wait3A_383] : memref<10000x64xf32, #tpu.memory_space<hbm>> -> memref<10000x64xf32, #tpu.memory_space<hbm>>
      tpu.wait_indirect_dma semaphore(%arg16 : memref<!tpu.dma_semaphore, #tpu.memory_space<semaphore_mem>>) src(%dma_wait3A_384 : memref<10000x64xf32, #tpu.memory_space<hbm>>) dst(%arg12 : memref<250x64xf32, #tpu.memory_space<vmem>>)
      %run_scoped3A_385 = arith.constant 15 : i32
      "tpu.region"() ({
        %run_scoped3A_386 = tpu.sem_alloc : memref<!tpu.dma_semaphore, #tpu.memory_space<semaphore_mem>>
        %dma_start3A_387 = arith.constant 0 : i32
        %dma_start3A_388 = tpu.memref_slice %arg8[%run_scoped3A_385, %dma_start3A_387] : memref<16x250xi32, #tpu.memory_space<vmem>> -> memref<1x250xi32, #tpu.memory_space<vmem>>
        %dma_start3A_389 = tpu.memref_squeeze %dma_start3A_388 : memref<1x250xi32, #tpu.memory_space<vmem>> -> memref<250xi32, #tpu.memory_space<vmem>>
        %dma_start3A_390 = arith.constant 0 : i32
        %dma_start3A_391 = arith.constant 0 : i32
        %dma_start3A_392 = tpu.memref_slice %arg21[%dma_start3A_390, %dma_start3A_391] : memref<10000x64xf32, #tpu.memory_space<vmem_shared>> -> memref<10000x64xf32, #tpu.memory_space<vmem_shared>>
        tpu.enqueue_indirect_dma source(%arg12 : memref<250x64xf32, #tpu.memory_space<vmem>>) target(%dma_start3A_392 : memref<10000x64xf32, #tpu.memory_space<vmem_shared>>) offsets(%dma_start3A_389 : memref<250xi32, #tpu.memory_space<vmem>>) semaphore(%run_scoped3A_386 : memref<!tpu.dma_semaphore, #tpu.memory_space<semaphore_mem>>) {add = true}
        %dma_wait3A_393 = arith.constant 0 : i32
        %dma_wait3A_394 = tpu.memref_slice %arg8[%run_scoped3A_385, %dma_wait3A_393] : memref<16x250xi32, #tpu.memory_space<vmem>> -> memref<1x250xi32, #tpu.memory_space<vmem>>
        %dma_wait3A_395 = tpu.memref_squeeze %dma_wait3A_394 : memref<1x250xi32, #tpu.memory_space<vmem>> -> memref<250xi32, #tpu.memory_space<vmem>>
        %dma_wait3A_396 = arith.constant 0 : i32
        %dma_wait3A_397 = arith.constant 0 : i32
        %dma_wait3A_398 = tpu.memref_slice %arg21[%dma_wait3A_396, %dma_wait3A_397] : memref<10000x64xf32, #tpu.memory_space<vmem_shared>> -> memref<10000x64xf32, #tpu.memory_space<vmem_shared>>
        tpu.wait_indirect_dma semaphore(%run_scoped3A_386 : memref<!tpu.dma_semaphore, #tpu.memory_space<semaphore_mem>>) src(%arg12 : memref<250x64xf32, #tpu.memory_space<vmem>>) dst(%dma_wait3A_398 : memref<10000x64xf32, #tpu.memory_space<vmem_shared>>)
        tpu.yield
      }) : () -> ()
    }
    %scan3A_9 = arith.constant 5 : i32
    %barrier3A_10 = arith.constant 0 : index
    tpu.barrier barrier_id(%barrier3A_10)
    %mul3A_11 = arith.constant 624 : i32
    %mul3A_12 = arith.muli %arg1, %mul3A_11 : i32
    %mul3A_13 = arith.constant 624 : i32
    %mul3A_14 = arith.muli %arg1, %mul3A_13 : i32
    "tpu.region"() ({
      %run_scoped3A = tpu.sem_alloc : memref<!tpu.dma_semaphore, #tpu.memory_space<semaphore_mem>>
      %dma_start3A = arith.constant 0 : i32
      %dma_start3A_20 = arith.constant 0 : i32
      %dma_start3A_21 = tpu.memref_slice %arg6[%arg0, %dma_start3A, %dma_start3A_20] : memref<2x10000x64xf32, #tpu.memory_space<hbm>> -> memref<1x10000x64xf32, #tpu.memory_space<hbm>>
      %dma_start3A_22 = tpu.memref_squeeze %dma_start3A_21 : memref<1x10000x64xf32, #tpu.memory_space<hbm>> -> memref<10000x64xf32, #tpu.memory_space<hbm>>
      %dma_start3A_23 = arith.constant 0 : i32
      %dma_start3A_24 = tpu.memref_slice %dma_start3A_22[%mul3A_14, %dma_start3A_23] : memref<10000x64xf32, #tpu.memory_space<hbm>> -> memref<624x64xf32, #tpu.memory_space<hbm>>
      %dma_start3A_25 = arith.constant 0 : i32
      %dma_start3A_26 = tpu.memref_slice %arg21[%mul3A_12, %dma_start3A_25] : memref<10000x64xf32, #tpu.memory_space<vmem_shared>> -> memref<624x64xf32, #tpu.memory_space<vmem_shared>>
      tpu.enqueue_dma source(%dma_start3A_26 : memref<624x64xf32, #tpu.memory_space<vmem_shared>>) target(%dma_start3A_24 : memref<624x64xf32, #tpu.memory_space<hbm>>) target_semaphore(%run_scoped3A : memref<!tpu.dma_semaphore, #tpu.memory_space<semaphore_mem>>)
      %dma_wait3A = arith.constant 0 : i32
      %dma_wait3A_27 = arith.constant 0 : i32
      %dma_wait3A_28 = tpu.memref_slice %arg6[%arg0, %dma_wait3A, %dma_wait3A_27] : memref<2x10000x64xf32, #tpu.memory_space<hbm>> -> memref<1x10000x64xf32, #tpu.memory_space<hbm>>
      %dma_wait3A_29 = tpu.memref_squeeze %dma_wait3A_28 : memref<1x10000x64xf32, #tpu.memory_space<hbm>> -> memref<10000x64xf32, #tpu.memory_space<hbm>>
      %dma_wait3A_30 = arith.constant 0 : i32
      %dma_wait3A_31 = tpu.memref_slice %dma_wait3A_29[%mul3A_14, %dma_wait3A_30] : memref<10000x64xf32, #tpu.memory_space<hbm>> -> memref<624x64xf32, #tpu.memory_space<hbm>>
      %dma_wait3A_32 = arith.constant 0 : i32
      %dma_wait3A_33 = tpu.memref_slice %arg21[%mul3A_12, %dma_wait3A_32] : memref<10000x64xf32, #tpu.memory_space<vmem_shared>> -> memref<624x64xf32, #tpu.memory_space<vmem_shared>>
      tpu.wait_dma2 semaphore(%run_scoped3A : memref<!tpu.dma_semaphore, #tpu.memory_space<semaphore_mem>>) src(%dma_wait3A_33 : memref<624x64xf32, #tpu.memory_space<vmem_shared>>) dst(%dma_wait3A_31 : memref<624x64xf32, #tpu.memory_space<hbm>>)
      tpu.yield
    }) : () -> ()
    %eq3A_15 = arith.constant 15 : i32
    %eq3A_16 = arith.cmpi eq, %arg1, %eq3A_15 : i32
    %convert_element_type3A_17 = arith.extui %eq3A_16 : i1 to i32
    %cond3A_18 = arith.constant 0 : i32
    %cond3A_19 = arith.cmpi ne, %convert_element_type3A_17, %cond3A_18 : i32
    scf.if %cond3A_19 {
      "tpu.region"() ({
        %run_scoped3A = tpu.sem_alloc : memref<!tpu.dma_semaphore, #tpu.memory_space<semaphore_mem>>
        %dma_start3A = arith.constant 0 : i32
        %dma_start3A_20 = arith.constant 0 : i32
        %dma_start3A_21 = tpu.memref_slice %arg6[%arg0, %dma_start3A, %dma_start3A_20] : memref<2x10000x64xf32, #tpu.memory_space<hbm>> -> memref<1x10000x64xf32, #tpu.memory_space<hbm>>
        %dma_start3A_22 = tpu.memref_squeeze %dma_start3A_21 : memref<1x10000x64xf32, #tpu.memory_space<hbm>> -> memref<10000x64xf32, #tpu.memory_space<hbm>>
        %dma_start3A_23 = arith.constant 9984 : i32
        %dma_start3A_24 = arith.constant 0 : i32
        %dma_start3A_25 = tpu.memref_slice %dma_start3A_22[%dma_start3A_23, %dma_start3A_24] : memref<10000x64xf32, #tpu.memory_space<hbm>> -> memref<16x64xf32, #tpu.memory_space<hbm>>
        %dma_start3A_26 = arith.constant 9984 : i32
        %dma_start3A_27 = arith.constant 0 : i32
        %dma_start3A_28 = tpu.memref_slice %arg21[%dma_start3A_26, %dma_start3A_27] : memref<10000x64xf32, #tpu.memory_space<vmem_shared>> -> memref<16x64xf32, #tpu.memory_space<vmem_shared>>
        tpu.enqueue_dma source(%dma_start3A_28 : memref<16x64xf32, #tpu.memory_space<vmem_shared>>) target(%dma_start3A_25 : memref<16x64xf32, #tpu.memory_space<hbm>>) target_semaphore(%run_scoped3A : memref<!tpu.dma_semaphore, #tpu.memory_space<semaphore_mem>>)
        %dma_wait3A = arith.constant 0 : i32
        %dma_wait3A_29 = arith.constant 0 : i32
        %dma_wait3A_30 = tpu.memref_slice %arg6[%arg0, %dma_wait3A, %dma_wait3A_29] : memref<2x10000x64xf32, #tpu.memory_space<hbm>> -> memref<1x10000x64xf32, #tpu.memory_space<hbm>>
        %dma_wait3A_31 = tpu.memref_squeeze %dma_wait3A_30 : memref<1x10000x64xf32, #tpu.memory_space<hbm>> -> memref<10000x64xf32, #tpu.memory_space<hbm>>
        %dma_wait3A_32 = arith.constant 9984 : i32
        %dma_wait3A_33 = arith.constant 0 : i32
        %dma_wait3A_34 = tpu.memref_slice %dma_wait3A_31[%dma_wait3A_32, %dma_wait3A_33] : memref<10000x64xf32, #tpu.memory_space<hbm>> -> memref<16x64xf32, #tpu.memory_space<hbm>>
        %dma_wait3A_35 = arith.constant 9984 : i32
        %dma_wait3A_36 = arith.constant 0 : i32
        %dma_wait3A_37 = tpu.memref_slice %arg21[%dma_wait3A_35, %dma_wait3A_36] : memref<10000x64xf32, #tpu.memory_space<vmem_shared>> -> memref<16x64xf32, #tpu.memory_space<vmem_shared>>
        tpu.wait_dma2 semaphore(%run_scoped3A : memref<!tpu.dma_semaphore, #tpu.memory_space<semaphore_mem>>) src(%dma_wait3A_37 : memref<16x64xf32, #tpu.memory_space<vmem_shared>>) dst(%dma_wait3A_34 : memref<16x64xf32, #tpu.memory_space<hbm>>)
        tpu.yield
      }) : () -> ()
    } else {
    }
    return
  }
}

module attributes {stable_mosaic.version = 14 : i64} {
  func.func @_tc1_body(%arg0: i32, %arg1: memref<2x1000x64xf32, #tpu.memory_space<vmem>>, %arg2: memref<1000x16xf32, #tpu.memory_space<vmem>>, %arg3: memref<1000x16xf32, #tpu.memory_space<vmem>>, %arg4: memref<1000x128xf32, #tpu.memory_space<vmem>>, %arg5: memref<64x128xf32, #tpu.memory_space<vmem>>, %arg6: memref<64x128xf32, #tpu.memory_space<vmem>>, %arg7: memref<128x128xf32, #tpu.memory_space<vmem>>, %arg8: memref<1x128xf32, #tpu.memory_space<vmem>>, %arg9: memref<128x64xf32, #tpu.memory_space<vmem>>, %arg10: memref<128x64xf32, #tpu.memory_space<vmem>>, %arg11: memref<128x128xf32, #tpu.memory_space<vmem>>, %arg12: memref<1x128xf32, #tpu.memory_space<vmem>>, %arg13: memref<2x1000x64xf32, #tpu.memory_space<vmem>>, %arg14: memref<1000x128xf32, #tpu.memory_space<vmem>>) attributes {dimension_semantics = [#tpu.dimension_semantics<arbitrary>], iteration_bounds = array<i64: 10>, scalar_prefetch = 0 : i64, scratch_operands = 0 : i64, tpu.core_type = #tpu.core_type<tc>, window_params = [{transform_indices = @transform_0, window_bounds = array<i64: 2, 1000, 64>}, {transform_indices = @transform_1, window_bounds = array<i64: 1000, 16>}, {transform_indices = @transform_2, window_bounds = array<i64: 1000, 16>}, {transform_indices = @transform_3, window_bounds = array<i64: 1000, 128>}, {pipeline_mode = #tpu.pipeline_mode<synchronous>, transform_indices = @transform_4, window_bounds = array<i64: 64, 128>}, {pipeline_mode = #tpu.pipeline_mode<synchronous>, transform_indices = @transform_5, window_bounds = array<i64: 64, 128>}, {pipeline_mode = #tpu.pipeline_mode<synchronous>, transform_indices = @transform_6, window_bounds = array<i64: 128, 128>}, {pipeline_mode = #tpu.pipeline_mode<synchronous>, transform_indices = @transform_7, window_bounds = array<i64: 1, 128>}, {pipeline_mode = #tpu.pipeline_mode<synchronous>, transform_indices = @transform_8, window_bounds = array<i64: 128, 64>}, {pipeline_mode = #tpu.pipeline_mode<synchronous>, transform_indices = @transform_9, window_bounds = array<i64: 128, 64>}, {pipeline_mode = #tpu.pipeline_mode<synchronous>, transform_indices = @transform_10, window_bounds = array<i64: 128, 128>}, {pipeline_mode = #tpu.pipeline_mode<synchronous>, transform_indices = @transform_11, window_bounds = array<i64: 1, 128>}, {transform_indices = @transform_12, window_bounds = array<i64: 2, 1000, 64>}, {transform_indices = @transform_13, window_bounds = array<i64: 1000, 128>}]} {
    %get3A = arith.constant 0 : index
    %get3A_0 = arith.constant 0 : index
    %get3A_1 = vector.load %arg2[%get3A, %get3A_0] : memref<1000x16xf32, #tpu.memory_space<vmem>>, vector<1000x16xf32>
    %get3A_2 = arith.constant 0 : index
    %get3A_3 = arith.constant 0 : index
    %get3A_4 = vector.load %arg3[%get3A_2, %get3A_3] : memref<1000x16xf32, #tpu.memory_space<vmem>>, vector<1000x16xf32>
    %add3A = arith.addf %get3A_1, %get3A_4 : vector<1000x16xf32>
    %slice3A = vector.extract_strided_slice %add3A {offsets = [0, 0], sizes = [1000, 1], strides = [1, 1]} : vector<1000x16xf32> to vector<1000x1xf32>
    %max3A = arith.constant 1.000000e+00 : f32
    %max3A_5 = vector.broadcast %max3A : f32 to vector<1000x1xf32>
    %max3A_6 = arith.maximumf %slice3A, %max3A_5 : vector<1000x1xf32>
    %div3A = arith.constant 1.000000e+00 : f32
    %div3A_7 = vector.broadcast %div3A : f32 to vector<1000x1xf32>
    %div3A_8 = arith.divf %div3A_7, %max3A_6 : vector<1000x1xf32>
    %get3A_9 = arith.constant 0 : index
    %get3A_10 = arith.constant 0 : index
    %get3A_11 = arith.constant 0 : index
    %get3A_12 = vector.load %arg1[%get3A_9, %get3A_10, %get3A_11] : memref<2x1000x64xf32, #tpu.memory_space<vmem>>, vector<1x1000x64xf32>
    %get3A_13 = vector.shape_cast %get3A_12 : vector<1x1000x64xf32> to vector<1000x64xf32>
    %mul3A = vector.broadcast %div3A_8 : vector<1000x1xf32> to vector<1000x64xf32>
    %mul3A_14 = arith.mulf %get3A_13, %mul3A : vector<1000x64xf32>
    %get3A_15 = arith.constant 0 : index
    %get3A_16 = arith.constant 0 : index
    %get3A_17 = vector.load %arg5[%get3A_15, %get3A_16] : memref<64x128xf32, #tpu.memory_space<vmem>>, vector<64x128xf32>
    %dot_general3A = arith.constant dense<0.000000e+00> : vector<1000x128xf32>
    %dot_general3A_18 = tpu.matmul %mul3A_14, %get3A_17, %dot_general3A {dimension_numbers = #tpu.dot_dimension_numbers<[1], [0], [0], [1], [0, 0, 1, 1], [], []>, transpose_lhs_hint = false} : vector<1000x64xf32>, vector<64x128xf32>, vector<1000x128xf32> -> vector<1000x128xf32>
    %get3A_19 = arith.constant 1 : index
    %get3A_20 = arith.constant 0 : index
    %get3A_21 = arith.constant 0 : index
    %get3A_22 = vector.load %arg1[%get3A_19, %get3A_20, %get3A_21] : memref<2x1000x64xf32, #tpu.memory_space<vmem>>, vector<1x1000x64xf32>
    %get3A_23 = vector.shape_cast %get3A_22 : vector<1x1000x64xf32> to vector<1000x64xf32>
    %mul3A_24 = vector.broadcast %div3A_8 : vector<1000x1xf32> to vector<1000x64xf32>
    %mul3A_25 = arith.mulf %get3A_23, %mul3A_24 : vector<1000x64xf32>
    %get3A_26 = arith.constant 0 : index
    %get3A_27 = arith.constant 0 : index
    %get3A_28 = vector.load %arg6[%get3A_26, %get3A_27] : memref<64x128xf32, #tpu.memory_space<vmem>>, vector<64x128xf32>
    %dot_general3A_29 = arith.constant dense<0.000000e+00> : vector<1000x128xf32>
    %dot_general3A_30 = tpu.matmul %mul3A_25, %get3A_28, %dot_general3A_29 {dimension_numbers = #tpu.dot_dimension_numbers<[1], [0], [0], [1], [0, 0, 1, 1], [], []>, transpose_lhs_hint = false} : vector<1000x64xf32>, vector<64x128xf32>, vector<1000x128xf32> -> vector<1000x128xf32>
    %add3A_31 = arith.addf %dot_general3A_18, %dot_general3A_30 : vector<1000x128xf32>
    %get3A_32 = arith.constant 0 : index
    %get3A_33 = arith.constant 0 : index
    %get3A_34 = vector.load %arg4[%get3A_32, %get3A_33] : memref<1000x128xf32, #tpu.memory_space<vmem>>, vector<1000x128xf32>
    %get3A_35 = arith.constant 0 : index
    %get3A_36 = arith.constant 0 : index
    %get3A_37 = vector.load %arg7[%get3A_35, %get3A_36] : memref<128x128xf32, #tpu.memory_space<vmem>>, vector<128x128xf32>
    %dot_general3A_38 = arith.constant dense<0.000000e+00> : vector<1000x128xf32>
    %dot_general3A_39 = tpu.matmul %get3A_34, %get3A_37, %dot_general3A_38 {dimension_numbers = #tpu.dot_dimension_numbers<[1], [0], [0], [1], [0, 0, 1, 1], [], []>, transpose_lhs_hint = false} : vector<1000x128xf32>, vector<128x128xf32>, vector<1000x128xf32> -> vector<1000x128xf32>
    %add3A_40 = arith.addf %add3A_31, %dot_general3A_39 : vector<1000x128xf32>
    %get3A_41 = arith.constant 0 : index
    %get3A_42 = arith.constant 0 : index
    %get3A_43 = vector.load %arg8[%get3A_41, %get3A_42] : memref<1x128xf32, #tpu.memory_space<vmem>>, vector<1x128xf32>
    %add3A_44 = vector.broadcast %get3A_43 : vector<1x128xf32> to vector<1000x128xf32>
    %add3A_45 = arith.addf %add3A_40, %add3A_44 : vector<1000x128xf32>
    %max3A_46 = arith.constant 0.000000e+00 : f32
    %max3A_47 = vector.broadcast %max3A_46 : f32 to vector<1000x128xf32>
    %max3A_48 = arith.maximumf %add3A_45, %max3A_47 : vector<1000x128xf32>
    %get3A_49 = arith.constant 0 : index
    %get3A_50 = arith.constant 0 : index
    %get3A_51 = vector.load %arg9[%get3A_49, %get3A_50] : memref<128x64xf32, #tpu.memory_space<vmem>>, vector<128x64xf32>
    %dot_general3A_52 = arith.constant dense<0.000000e+00> : vector<1000x64xf32>
    %dot_general3A_53 = tpu.matmul %max3A_48, %get3A_51, %dot_general3A_52 {dimension_numbers = #tpu.dot_dimension_numbers<[1], [0], [0], [1], [0, 0, 1, 1], [], []>, transpose_lhs_hint = false} : vector<1000x128xf32>, vector<128x64xf32>, vector<1000x64xf32> -> vector<1000x64xf32>
    %swap3A = arith.constant 0 : index
    %swap3A_54 = arith.constant 0 : index
    %swap3A_55 = arith.constant 0 : index
    %swap3A_56 = vector.load %arg13[%swap3A, %swap3A_54, %swap3A_55] : memref<2x1000x64xf32, #tpu.memory_space<vmem>>, vector<1x1000x64xf32>
    %swap3A_57 = vector.shape_cast %swap3A_56 : vector<1x1000x64xf32> to vector<1000x64xf32>
    %swap3A_58 = vector.shape_cast %dot_general3A_53 : vector<1000x64xf32> to vector<1x1000x64xf32>
    tpu.vector_store %arg13[%swap3A, %swap3A_54, %swap3A_55], %swap3A_58 {strides = array<i32>} : memref<2x1000x64xf32, #tpu.memory_space<vmem>>, vector<1x1000x64xf32>,
    %get3A_59 = arith.constant 0 : index
    %get3A_60 = arith.constant 0 : index
    %get3A_61 = vector.load %arg10[%get3A_59, %get3A_60] : memref<128x64xf32, #tpu.memory_space<vmem>>, vector<128x64xf32>
    %dot_general3A_62 = arith.constant dense<0.000000e+00> : vector<1000x64xf32>
    %dot_general3A_63 = tpu.matmul %max3A_48, %get3A_61, %dot_general3A_62 {dimension_numbers = #tpu.dot_dimension_numbers<[1], [0], [0], [1], [0, 0, 1, 1], [], []>, transpose_lhs_hint = false} : vector<1000x128xf32>, vector<128x64xf32>, vector<1000x64xf32> -> vector<1000x64xf32>
    %swap3A_64 = arith.constant 1 : index
    %swap3A_65 = arith.constant 0 : index
    %swap3A_66 = arith.constant 0 : index
    %swap3A_67 = vector.load %arg13[%swap3A_64, %swap3A_65, %swap3A_66] : memref<2x1000x64xf32, #tpu.memory_space<vmem>>, vector<1x1000x64xf32>
    %swap3A_68 = vector.shape_cast %swap3A_67 : vector<1x1000x64xf32> to vector<1000x64xf32>
    %swap3A_69 = vector.shape_cast %dot_general3A_63 : vector<1000x64xf32> to vector<1x1000x64xf32>
    tpu.vector_store %arg13[%swap3A_64, %swap3A_65, %swap3A_66], %swap3A_69 {strides = array<i32>} : memref<2x1000x64xf32, #tpu.memory_space<vmem>>, vector<1x1000x64xf32>,
    %get3A_70 = arith.constant 0 : index
    %get3A_71 = arith.constant 0 : index
    %get3A_72 = vector.load %arg11[%get3A_70, %get3A_71] : memref<128x128xf32, #tpu.memory_space<vmem>>, vector<128x128xf32>
    %dot_general3A_73 = arith.constant dense<0.000000e+00> : vector<1000x128xf32>
    %dot_general3A_74 = tpu.matmul %max3A_48, %get3A_72, %dot_general3A_73 {dimension_numbers = #tpu.dot_dimension_numbers<[1], [0], [0], [1], [0, 0, 1, 1], [], []>, transpose_lhs_hint = false} : vector<1000x128xf32>, vector<128x128xf32>, vector<1000x128xf32> -> vector<1000x128xf32>
    %get3A_75 = arith.constant 0 : index
    %get3A_76 = arith.constant 0 : index
    %get3A_77 = vector.load %arg12[%get3A_75, %get3A_76] : memref<1x128xf32, #tpu.memory_space<vmem>>, vector<1x128xf32>
    %add3A_78 = vector.broadcast %get3A_77 : vector<1x128xf32> to vector<1000x128xf32>
    %add3A_79 = arith.addf %dot_general3A_74, %add3A_78 : vector<1000x128xf32>
    %swap3A_80 = arith.constant 0 : index
    %swap3A_81 = arith.constant 0 : index
    %swap3A_82 = vector.load %arg14[%swap3A_80, %swap3A_81] : memref<1000x128xf32, #tpu.memory_space<vmem>>, vector<1000x128xf32>
    tpu.vector_store %arg14[%swap3A_80, %swap3A_81], %add3A_79 {strides = array<i32>} : memref<1000x128xf32, #tpu.memory_space<vmem>>, vector<1000x128xf32>,
    return
  }
  func.func @transform_0(%arg0: i32) -> (i32, i32, i32) {
    %c0_i32 = arith.constant 0 : i32
    %c0_i32_0 = arith.constant 0 : i32
    %c0_i32_1 = arith.constant 0 : i32
    return %c0_i32, %arg0, %c0_i32_0 : i32, i32, i32
  }
  func.func @transform_1(%arg0: i32) -> (i32, i32) {
    %add3A = arith.constant 0 : i32
    %add3A_0 = arith.addi %arg0, %add3A : i32
    %c0_i32 = arith.constant 0 : i32
    %c0_i32_1 = arith.constant 0 : i32
    return %add3A_0, %c0_i32 : i32, i32
  }
  func.func @transform_2(%arg0: i32) -> (i32, i32) {
    %add3A = arith.constant 10 : i32
    %add3A_0 = arith.addi %arg0, %add3A : i32
    %c0_i32 = arith.constant 0 : i32
    %c0_i32_1 = arith.constant 0 : i32
    return %add3A_0, %c0_i32 : i32, i32
  }
  func.func @transform_3(%arg0: i32) -> (i32, i32) {
    %c0_i32 = arith.constant 0 : i32
    %c0_i32_0 = arith.constant 0 : i32
    return %arg0, %c0_i32 : i32, i32
  }
  func.func @transform_4(%arg0: i32) -> (i32, i32) {
    %c0_i32 = arith.constant 0 : i32
    %c0_i32_0 = arith.constant 0 : i32
    %c0_i32_1 = arith.constant 0 : i32
    return %c0_i32, %c0_i32_0 : i32, i32
  }
  func.func @transform_5(%arg0: i32) -> (i32, i32) {
    %c0_i32 = arith.constant 0 : i32
    %c0_i32_0 = arith.constant 0 : i32
    %c0_i32_1 = arith.constant 0 : i32
    return %c0_i32, %c0_i32_0 : i32, i32
  }
  func.func @transform_6(%arg0: i32) -> (i32, i32) {
    %c0_i32 = arith.constant 0 : i32
    %c0_i32_0 = arith.constant 0 : i32
    %c0_i32_1 = arith.constant 0 : i32
    return %c0_i32, %c0_i32_0 : i32, i32
  }
  func.func @transform_7(%arg0: i32) -> (i32, i32) {
    %c0_i32 = arith.constant 0 : i32
    %c0_i32_0 = arith.constant 0 : i32
    %c0_i32_1 = arith.constant 0 : i32
    return %c0_i32, %c0_i32_0 : i32, i32
  }
  func.func @transform_8(%arg0: i32) -> (i32, i32) {
    %c0_i32 = arith.constant 0 : i32
    %c0_i32_0 = arith.constant 0 : i32
    %c0_i32_1 = arith.constant 0 : i32
    return %c0_i32, %c0_i32_0 : i32, i32
  }
  func.func @transform_9(%arg0: i32) -> (i32, i32) {
    %c0_i32 = arith.constant 0 : i32
    %c0_i32_0 = arith.constant 0 : i32
    %c0_i32_1 = arith.constant 0 : i32
    return %c0_i32, %c0_i32_0 : i32, i32
  }
  func.func @transform_10(%arg0: i32) -> (i32, i32) {
    %c0_i32 = arith.constant 0 : i32
    %c0_i32_0 = arith.constant 0 : i32
    %c0_i32_1 = arith.constant 0 : i32
    return %c0_i32, %c0_i32_0 : i32, i32
  }
  func.func @transform_11(%arg0: i32) -> (i32, i32) {
    %c0_i32 = arith.constant 0 : i32
    %c0_i32_0 = arith.constant 0 : i32
    %c0_i32_1 = arith.constant 0 : i32
    return %c0_i32, %c0_i32_0 : i32, i32
  }
  func.func @transform_12(%arg0: i32) -> (i32, i32, i32) {
    %c0_i32 = arith.constant 0 : i32
    %c0_i32_0 = arith.constant 0 : i32
    %c0_i32_1 = arith.constant 0 : i32
    return %c0_i32, %arg0, %c0_i32_0 : i32, i32, i32
  }
  func.func @transform_13(%arg0: i32) -> (i32, i32) {
    %c0_i32 = arith.constant 0 : i32
    %c0_i32_0 = arith.constant 0 : i32
    return %arg0, %c0_i32 : i32, i32
  }
}

module attributes {stable_mosaic.version = 14 : i64} {
  func.func @_tc2_body(%arg0: i32, %arg1: memref<2x1000x64xf32, #tpu.memory_space<vmem>>, %arg2: memref<1000x16xf32, #tpu.memory_space<vmem>>, %arg3: memref<1000x16xf32, #tpu.memory_space<vmem>>, %arg4: memref<1000x128xf32, #tpu.memory_space<vmem>>, %arg5: memref<1000x128xf32, #tpu.memory_space<vmem>>) attributes {dimension_semantics = [#tpu.dimension_semantics<arbitrary>], iteration_bounds = array<i64: 10>, scalar_prefetch = 0 : i64, scratch_operands = 0 : i64, tpu.core_type = #tpu.core_type<tc>, window_params = [{transform_indices = @transform_0, window_bounds = array<i64: 2, 1000, 64>}, {transform_indices = @transform_1, window_bounds = array<i64: 1000, 16>}, {transform_indices = @transform_2, window_bounds = array<i64: 1000, 16>}, {transform_indices = @transform_3, window_bounds = array<i64: 1000, 128>}, {transform_indices = @transform_4, window_bounds = array<i64: 1000, 128>}]} {
    %get3A = arith.constant 0 : index
    %get3A_0 = arith.constant 0 : index
    %get3A_1 = vector.load %arg2[%get3A, %get3A_0] : memref<1000x16xf32, #tpu.memory_space<vmem>>, vector<1000x16xf32>
    %get3A_2 = arith.constant 0 : index
    %get3A_3 = arith.constant 0 : index
    %get3A_4 = vector.load %arg3[%get3A_2, %get3A_3] : memref<1000x16xf32, #tpu.memory_space<vmem>>, vector<1000x16xf32>
    %add3A = arith.addf %get3A_1, %get3A_4 : vector<1000x16xf32>
    %slice3A = vector.extract_strided_slice %add3A {offsets = [0, 0], sizes = [1000, 1], strides = [1, 1]} : vector<1000x16xf32> to vector<1000x1xf32>
    %max3A = arith.constant 1.000000e+00 : f32
    %max3A_5 = vector.broadcast %max3A : f32 to vector<1000x1xf32>
    %max3A_6 = arith.maximumf %slice3A, %max3A_5 : vector<1000x1xf32>
    %div3A = arith.constant 1.000000e+00 : f32
    %div3A_7 = vector.broadcast %div3A : f32 to vector<1000x1xf32>
    %div3A_8 = arith.divf %div3A_7, %max3A_6 : vector<1000x1xf32>
    %get3A_9 = arith.constant 0 : index
    %get3A_10 = arith.constant 0 : index
    %get3A_11 = arith.constant 0 : index
    %get3A_12 = vector.load %arg1[%get3A_9, %get3A_10, %get3A_11] : memref<2x1000x64xf32, #tpu.memory_space<vmem>>, vector<1x1000x64xf32>
    %get3A_13 = vector.shape_cast %get3A_12 : vector<1x1000x64xf32> to vector<1000x64xf32>
    %mul3A = vector.broadcast %div3A_8 : vector<1000x1xf32> to vector<1000x64xf32>
    %mul3A_14 = arith.mulf %get3A_13, %mul3A : vector<1000x64xf32>
    %get3A_15 = arith.constant 0 : index
    %get3A_16 = arith.constant 0 : index
    %get3A_17 = vector.load %arg4[%get3A_15, %get3A_16] : memref<1000x128xf32, #tpu.memory_space<vmem>>, vector<1000x64xf32>
    %add3A_18 = arith.addf %mul3A_14, %get3A_17 : vector<1000x64xf32>
    %swap3A = arith.constant 0 : index
    %swap3A_19 = arith.constant 0 : index
    %swap3A_20 = vector.load %arg5[%swap3A, %swap3A_19] : memref<1000x128xf32, #tpu.memory_space<vmem>>, vector<1000x64xf32>
    tpu.vector_store %arg5[%swap3A, %swap3A_19], %add3A_18 {strides = array<i32>} : memref<1000x128xf32, #tpu.memory_space<vmem>>, vector<1000x64xf32>,
    %get3A_21 = arith.constant 1 : index
    %get3A_22 = arith.constant 0 : index
    %get3A_23 = arith.constant 0 : index
    %get3A_24 = vector.load %arg1[%get3A_21, %get3A_22, %get3A_23] : memref<2x1000x64xf32, #tpu.memory_space<vmem>>, vector<1x1000x64xf32>
    %get3A_25 = vector.shape_cast %get3A_24 : vector<1x1000x64xf32> to vector<1000x64xf32>
    %mul3A_26 = vector.broadcast %div3A_8 : vector<1000x1xf32> to vector<1000x64xf32>
    %mul3A_27 = arith.mulf %get3A_25, %mul3A_26 : vector<1000x64xf32>
    %get3A_28 = arith.constant 0 : index
    %get3A_29 = arith.constant 64 : index
    %get3A_30 = vector.load %arg4[%get3A_28, %get3A_29] : memref<1000x128xf32, #tpu.memory_space<vmem>>, vector<1000x64xf32>
    %add3A_31 = arith.addf %mul3A_27, %get3A_30 : vector<1000x64xf32>
    %swap3A_32 = arith.constant 0 : index
    %swap3A_33 = arith.constant 64 : index
    %swap3A_34 = vector.load %arg5[%swap3A_32, %swap3A_33] : memref<1000x128xf32, #tpu.memory_space<vmem>>, vector<1000x64xf32>
    tpu.vector_store %arg5[%swap3A_32, %swap3A_33], %add3A_31 {strides = array<i32>} : memref<1000x128xf32, #tpu.memory_space<vmem>>, vector<1000x64xf32>,
    return
  }
  func.func @transform_0(%arg0: i32) -> (i32, i32, i32) {
    %c0_i32 = arith.constant 0 : i32
    %c0_i32_0 = arith.constant 0 : i32
    %c0_i32_1 = arith.constant 0 : i32
    return %c0_i32, %arg0, %c0_i32_0 : i32, i32, i32
  }
  func.func @transform_1(%arg0: i32) -> (i32, i32) {
    %add3A = arith.constant 0 : i32
    %add3A_0 = arith.addi %arg0, %add3A : i32
    %c0_i32 = arith.constant 0 : i32
    %c0_i32_1 = arith.constant 0 : i32
    return %add3A_0, %c0_i32 : i32, i32
  }
  func.func @transform_2(%arg0: i32) -> (i32, i32) {
    %add3A = arith.constant 10 : i32
    %add3A_0 = arith.addi %arg0, %add3A : i32
    %c0_i32 = arith.constant 0 : i32
    %c0_i32_1 = arith.constant 0 : i32
    return %add3A_0, %c0_i32 : i32, i32
  }
  func.func @transform_3(%arg0: i32) -> (i32, i32) {
    %c0_i32 = arith.constant 0 : i32
    %c0_i32_0 = arith.constant 0 : i32
    return %arg0, %c0_i32 : i32, i32
  }
  func.func @transform_4(%arg0: i32) -> (i32, i32) {
    %c0_i32 = arith.constant 0 : i32
    %c0_i32_0 = arith.constant 0 : i32
    return %arg0, %c0_i32 : i32, i32
  }
}

</mosaic_0001>

<sc_bundles>
// kernel: kernel.6.cloned.1.call-start
scs
__scs_entry_jumppad:
0x0: {  	(pc) =	sbr.rel $0x88, $3  }
0x1: {  	(tag) =	ssettag $0x0;
	lr =	simm.s32 $0x1  }
0x2: {  	[smem:$0x3F99] =	sst lr;
	_ =	strace $0xD0000000  }
0x3: {  	_ = 	snop  }
0x4: {  	_ = 	snop  }
0x5: {  	_ = 	snop  }
0x6: {  	_ = 	snop  }
0x7: {  	_ = 	snop  }
__scs_overlays_trampoline_lowered:
0x8: {  	[smem:$0x3FA8] =	sst s0  }
0x9: {  	[smem:$0x3FA9] =	sst s1  }
0xa: {  	[smem:$0x3FAA] =	sst s2  }
0xb: {  	[smem:$0x3FAB] =	sst s3  }
0xc: {  	[smem:$0x3FAC] =	sst s4  }
0xd: {  	[smem:$0x3FAD] =	sst s5  }
0xe: {  	[smem:$0x3FAE] =	sst s6  }
0xf: {  	[smem:$0x3FAF] =	sst s7  }
0x10: {  	[smem:$0x3FB0] =	sst s8  }
0x11: {  	[smem:$0x3FB1] =	sst s9;
	s0 =	simm.s32 @!p0 $0x0  }
0x12: {  	s1 =	sld [smem:$0x3F97];
	s0 =	simm.s32 @p0 $0x1  }
0x13: {  	[smem:$0x3FB2] =	sst s0;
	s0 =	simm.s32 @!p1 $0x0  }
0x14: {  	s2 =	sld [smem:$0x3F96];
	s0 =	simm.s32 @p1 $0x1  }
0x15: {  	[smem:$0x3FB3] =	sst s0;
	s0 =	simm.s32 @!p2 $0x0  }
0x16: {  	s3 =	sld [smem:$0x3FDB];
	s0 =	simm.s32 @p2 $0x1  }
0x17: {  	s4 =	simm.s32 $0x1BF5;
	[smem:$0x3FB5] =	sst s0  }
0x18: {  	s0 =	sld [smem:$0x3F98];
	_ =	swait.ge [sflag:s4], $0x0  }
0x19: {  	s7 =	sld [smem:$0x3F99]  }
0x1a: {  	s8 =	sadd.s32 $0xFFFFE003, lr  }
0x1b: {  	s9 =	sadd.s32 $0xFFFFFEF7, lr;
	s5 =	simm.s32 $0xFFFFFFFF;
	p2 =	slt.u32 s8, $0xFFFFF086  }
0x1c: {  	p1 =	slt.u32 s9, $0xF7A;
	s5 =	simm.s32 @!p2 $0x0  }
0x1d: {  	s5 =	simm.s32 @p1 $0x1;
	p0 =	seq.s32 s7, s2  }
0x1e: {  	s7 =	smul.u32 @!p0 $0xF7A, s2;
	p2 =	seq.s32 @!p0 s5, $0x0  }
0x1f: {  	s9 =	smul.u32 $0xF7A, s1;
	s8 =	simm.s32 @!p0 $0x1BF5;
	p2 =	por !p2, p0  }
0x20: {  	[sflag:s8] =	ssyncset.s32 @!p0 $0xFFFFF086;
	s6 =	sadd.s32 @!p0 s3, s7;
	s7 =	simm.s32 @!p0 $0x108  }
0x21: {  	s3 =	sadd.s32 s3, s9;
	s6 =	sadd.s32 @!p0 $0x88, s6;
	s7 =	simm.s32 @p2 $0x1082  }
0x22: {  	[simem:s7], [sflag:s8] =	dma.local @!p0 [hbm:s6], $0xF7A  }
0x23: {  	s9 =	sor.u32 $0xD0000000, s2;
	s6 =	simm.s32 $0x108;
	_ =	swait.ge @!p0 [sflag:s8], $0x0  }
0x24: {  	s3 =	sadd.s32 $0x88, s3;
	s6 =	simm.s32 @!p1 $0x1082;
	[sflag:s4] =	ssyncset.s32 $0xFFFFF086  }
0x25: {  	[simem:s6], [sflag:s4] =	dma.local [hbm:s3], $0xF7A  }
0x26: {  	[smem:$0x3F99] =	sst s1;
	(tag) =	ssettag s2;
	_ =	strace s9  }
0x27: {  	s1 =	sld [smem:$0x3FA9]  }
0x28: {  	s2 =	sld [smem:$0x3FAA]  }
0x29: {  	s4 =	sld [smem:$0x3FAC]  }
0x2a: {  	p0 =	seq.s32 s5, $0x0;
	s5 =	sld [smem:$0x3FAD]  }
0x2b: {  	s6 =	sld [smem:$0x3FAE]  }
0x2c: {  	s7 =	sld [smem:$0x3FAF]  }
0x2d: {  	s3 =	simm.s32 $0x108;
	s8 =	sld [smem:$0x3FB0]  }
0x2e: {  	s3 =	simm.s32 @!p0 $0x1082;
	s9 =	sld [smem:$0x3FB1]  }
0x2f: {  	lr =	sadd.s32 s0, s3;
	s0 =	sld [smem:$0x3FA8]  }
0x30: {  	s3 =	sld [smem:$0x3FAB]  }
0x31: {  	[smem:$0x3FB4] =	sst s10  }
0x32: {  	s10 =	sld [smem:$0x3FB2];
	_ =	sdelay $0x3  }
0x33: {  	p0 =	seq.s32 s10, $0x1;
	s10 =	sld [smem:$0x3FB4];
	_ =	sdelay $0x3  }
0x34: {  	[smem:$0x3FB4] =	sst s10  }
0x35: {  	s10 =	sld [smem:$0x3FB3];
	_ =	sdelay $0x3  }
0x36: {  	p1 =	seq.s32 s10, $0x1;
	s10 =	sld [smem:$0x3FB4];
	_ =	sdelay $0x3  }
0x37: {  	[smem:$0x3FB4] =	sst s10  }
0x38: {  	s10 =	sld [smem:$0x3FB5]  }
0x39: {  	_ = 	snop;
	(pc) =	sbr.ind lr, $3  }
0x3a: {  	_ = 	snop  }
0x3b: {  	_ = 	snop  }
0x3c: {  	p2 =	seq.s32 s10, $0x1;
	s10 =	sld [smem:$0x3FB4]  }
0x3d: {  	_ =	shalt  }
0x3e: {  	_ =	shalt  }
0x3f: {  	_ =	shalt  }
0x40: {  	_ =	shalt  }
0x41: {  	_ =	shalt  }
0x42: {  	_ =	shalt  }
0x43: {  	_ =	shalt  }
0x44: {  	_ =	shalt  }
0x45: {  	_ =	shalt  }
0x46: {  	_ =	shalt  }
0x47: {  	_ =	shalt  }
0x48: {  	_ =	shalt  }
0x49: {  	_ =	shalt  }
0x4a: {  	_ =	shalt  }
0x4b: {  	_ =	shalt  }
0x4c: {  	_ =	shalt  }
0x4d: {  	_ =	shalt  }
0x4e: {  	_ =	shalt  }
0x4f: {  	_ =	shalt  }
0x50: {  	_ =	shalt  }
0x51: {  	_ =	shalt  }
0x52: {  	_ =	shalt  }
0x53: {  	_ =	shalt  }
0x54: {  	_ =	shalt  }
0x55: {  	_ =	shalt  }
0x56: {  	_ =	shalt  }
0x57: {  	_ =	shalt  }
0x58: {  	_ =	shalt  }
0x59: {  	_ =	shalt  }
0x5a: {  	_ =	shalt  }
0x5b: {  	_ =	shalt  }
0x5c: {  	_ =	shalt  }
0x5d: {  	_ =	shalt  }
0x5e: {  	_ =	shalt  }
0x5f: {  	_ =	shalt  }
0x60: {  	_ =	shalt  }
0x61: {  	_ =	shalt  }
0x62: {  	_ =	shalt  }
0x63: {  	_ =	shalt  }
0x64: {  	_ =	shalt  }
0x65: {  	_ =	shalt  }
0x66: {  	_ =	shalt  }
0x67: {  	_ =	shalt  }
0x68: {  	_ =	shalt  }
0x69: {  	_ =	shalt  }
0x6a: {  	_ =	shalt  }
0x6b: {  	_ =	shalt  }
0x6c: {  	_ =	shalt  }
0x6d: {  	_ =	shalt  }
0x6e: {  	_ =	shalt  }
0x6f: {  	_ =	shalt  }
0x70: {  	_ =	shalt  }
0x71: {  	_ =	shalt  }
0x72: {  	_ =	shalt  }
0x73: {  	_ =	shalt  }
0x74: {  	_ =	shalt  }
0x75: {  	_ =	shalt  }
0x76: {  	_ =	shalt  }
0x77: {  	_ =	shalt  }
0x78: {  	_ =	shalt  }
0x79: {  	_ =	shalt  }
0x7a: {  	_ =	shalt  }
0x7b: {  	_ =	shalt  }
0x7c: {  	_ =	shalt  }
0x7d: {  	_ =	shalt  }
0x7e: {  	_ =	shalt  }
0x7f: {  	_ =	shalt  }
0x80: {  	_ =	shalt  }
0x81: {  	_ =	shalt  }
0x82: {  	_ =	shalt  }
0x83: {  	_ =	shalt  }
0x84: {  	_ =	shalt  }
0x85: {  	_ =	shalt  }
0x86: {  	_ =	shalt  }
0x87: {  	_ =	shalt  }
.Lfunc_end0:
.L_simem_size_0:
called_computation_lowered:
.L_overlay_start_0:
0x88: {  	s2 =	sld [smem:$0x3FD9]  }
0x89: {  	s3 =	sld [smem:$0x3FFE];
	_ =	sdelay $0x1  }
0x8a: {  	s1 =	srdreg.scid  }
0x8b: {  	s0 =	sand.u32 $0x1, s1  }
0x8c: {  	s17 =	sshll.u32 s0, $0xA;
	s2 =	sadd.s32 s3, s2  }
0x8d: {  	s2 =	sadd.s32 s2, s17  }
0x8e: {  	[smem:$0x3FC0] =	sst s2  }
0x8f: {  	_ = 	snop  }
0x90: {  	s2 =	sld [smem:$0x3FD0];
	(tm) =	ssettm $0x1  }
0x91: {  	s18 =	sld [smem:$0x3FFB];
	_ =	sdelay $0x3  }
0x92: {  	_ =	strace s18  }
0x93: {  	s3 =	sld [smem:$0x3FFC];
	_ =	sdelay $0x3  }
0x94: {  	_ =	strace s3  }
0x95: {  	s3 =	sld [smem:$0x3FFD];
	_ =	sdelay $0x3  }
0x96: {  	_ =	strace s3  }
0x97: {  	_ =	strace $0x8FFFFFFF  }
0x98: {  	s19 =	sld [smem:$0x3FDB];
	_ =	sdelay $0x1  }
0x99: {  	s4 =	simm.s32 $_scs_section_size  }
0x9a: {  	s5 =	simm.s32 $_size__tile_overlayer_lowered;
	s6 =	simm.s32 $_tile_overlayer_lowered  }
0x9b: {  	s22 =	simm.s32 $0x1BFF;
	s21 =	sshll.u32 s6, $0x1;
	s3 =	sadd.s32 s4, s19  }
0x9c: {  	s7 =	simm.s32 $0x0;
	s20 =	sshll.u32 s5, $0x1;
	s5 =	sadd.s32 s21, s3  }
0x9d: {  	[timem:s7], [sflag:s22] =	dma.local [hbm:s5], s20  }
0x9e: {  	_ =	swait.ge [sflag:s22], s20  }
0x9f: {  	s4 =	ssub.s32 $0x0, s20;
	[sflag:s22] =	ssyncset.done $0x0  }
0xa0: {  	[sflag:s22] =	ssyncadd.s32 s4;
	_ =	sdelay $0x1  }
0xa1: {  	s23 =	simm.s32 $0x1B8B  }
0xa2: {  	_ =	swait.ge [sflag:s23], $0x1  }
0xa3: {  	[sflag:s23] =	ssyncset.done $0x0  }
0xa4: {  	s25 =	simm.s32 $0x1B8E;
	s24 =	sld [smem:$0x3FFE];
	[sflag:s23] =	ssyncadd.s32 $0xFFFFFFFF  }
0xa5: {  	s26 =	simm.s32 $execute0_lowered;
	[smem:$0x3FD2] =	sst s25  }
0xa6: {  	s5 =	sshll.u32 s26, $0x1;
	_ =	strace $0x80000046;
	[dreg:$0x1] =	wrdreg $0xFFFFFFFF  }
0xa7: {  	s28 =	simm.s32 $_size_execute0_lowered;
	s3 =	sadd.s32 s3, s5;
	[dreg:$0x0] =	wrdreg $0x0  }
0xa8: {  	s5 =	sshll.u32 s28, $0x1;
	[dreg:$0x2] =	wrdreg s3  }
0xa9: {  	[dreg:$0x3] =	wrdreg s5  }
0xaa: {  	[dreg:$0x4] =	wrdreg $0xC0  }
0xab: {  	_ =	task [dreg:s7], $0x5FFFF  }
0xac: {  	[dreg:$0x1] =	wrdreg $0xFFFFFFFF  }
0xad: {  	[dreg:$0x0] =	wrdreg $0x60  }
0xae: {  	[dreg:$0x2] =	wrdreg s2  }
0xaf: {  	[dreg:$0x3] =	wrdreg s24  }
0xb0: {  	[dreg:$0x4] =	wrdreg $0x11A000  }
0xb1: {  	[dreg:$0x5] =	wrdreg $0x1C5E00  }
0xb2: {  	[dreg:$0x6] =	wrdreg $0x9  }
0xb3: {  	_ =	task.clear_ibuf [dreg:s7], $0x7FFFF;
	_ =	strace $0x90000046  }
0xb4: {  	s29 =	simm.s32 $0x9;
	_ =	strace $0x80000048  }
0xb5: {  	_ =	swait.ge [sflag:s29], $0x1  }
0xb6: {  	[sflag:s29] =	ssyncadd.s32 $0xFFFFFFFF  }
0xb7: {  	_ =	strace $0x90000048  }
0xb8: {  	_ =	sfence  }
0xb9: {  	s30 =	sld [smem:$0x0];
	_ =	sdelay $0x2  }
0xba: {  	s31 =	sshll.u32 s1, $0xD;
	s1 =	sshrl.u32 s1, $0x2  }
0xbb: {  	s3 =	sand.u32 $0x4000, s31;
	s1 =	sadd.s32 s1, s30  }
0xbc: {  	s0 =	sor.u32 s3, s0;
	s1 =	sshll.u32 s1, $0x11  }
0xbd: {  	s0 =	sor.u32 s1, s0  }
0xbe: {  	s0 =	sadd.s32 $0x8F2B, s0  }
0xbf: {  	[sflag:s0] =	ssyncadd.remote.s32 $0x1  }
0xc0: {  	_ =	sfence.sel $0xFFFF  }
0xc1: {  	[dreg:$0x0] =	wrdreg $0xFFFFFFFF;
	(pc) =	sbr.abs _section_cstart, $3  }
0xc2: {  	[dreg:$0x1] =	wrdreg $0xFFFFFFFF  }
0xc3: {  	_ =	task.clear_ibuf [dreg:s7], $0x2FFFF;
	_ =	strace $0x9FFFFFFF  }
0xc4: {  	(tm) =	ssettm $0x7FFFFFFF  }
0xc5: {  	_ =	shalt  }
tec
execute0_lowered:
.L_overlay_start_1:
0x0: {  	(tag) =	ssettag $0x1  }
0x1: {  	s0 =	rddreg [dreg:$0x0]  }
0x2: {  	s1 =	rddreg [dreg:$0x1]  }
0x3: {  	s2 =	rddreg [dreg:$0x2]  }
0x4: {  	s3 =	rddreg [dreg:$0x3];
	s4 =	simm.s32 $0x0;
	s17 =	stileid.u32  }
0x5: {  	s8 =	srdreg.scid;
	s28 =	simm.s32 $0xFA;
	s5 =	smul.u32 $0x9C00, s17  }
0x6: {  	s29 =	simm.s32 $0x2000;
	s31 =	simm.s32 $0x5E80;
	s6 =	smul.u32 $0xA00, s17  }
0x7: {  	s30 =	simm.s32 $0x1E00;
	[smem:$0x7FF] =	sst s4;
	s7 =	smul.u32 $0x2700, s17  }
0x8: {  	s8 =	sand.u32 $0x1, s8;
	s13 =	sadd.s32 $0x16000, s1;
	s15 =	sadd.s32 $0x55E00, s1  }
0x9: {  	s19 =	smul.u32 $0x4E0, s17;
	s20 =	sshll.u32 s17, $0x6;
	s23 =	sadd.s32 $0x9C000, s2  }
0xa: {  	s25 =	sadd.s32 $0x2EA00, s1;
	s26 =	sadd.s32 $0x27000, s3;
	p0 =	sne.s32 s17, $0xF  }
0xb: {  	s17 =	simm.s32 $0x1600;
	_ =	strace $0x80000047;
	[dreg:$0x6] =	wrdreg s13  }
0xc: {  	s11 =	smul.u32 $0x13880, s8;
	s12 =	ssub.s32 $0x2, s8;
	[dreg:$0xc] =	wrdreg s23  }
0xd: {  	s20 =	sor.u32 $0x1C05, s20;
	s24 =	smul.u32 $0x27100, s8;
	[dreg:$0xd] =	wrdreg s25  }
0xe: {  	[dreg:$0xe] =	wrdreg s26;
	p1 =	sne.s32 s8, $0x0;
	s25 =	simm.s32 $0x6  }
0xf: {  	s26 =	simm.s32 $0x1000;
	s13 =	simm.s32 $0x1800;
	s23 =	simm.s32 $0x1A00  }
0x10: {  	s9 =	sshrl.u32 s5, $0x3;
	s6 =	sadd.s32 s6, s1;
	s10 =	sshrl.u32 s7, $0x3  }
0x11: {  	s18 =	sshrl.u32 s12, $0x1;
	s5 =	sadd.s32 s5, s2;
	[dreg:$0x9] =	wrdreg s20  }
0x12: {  	s21 =	sadd.s32 s7, s3;
	[dreg:$0x5] =	wrdreg s9;
	s9 =	sadd.s32 s9, s1  }
0x13: {  	s10 =	sadd.s32 s10, s1;
	s14 =	sadd.s32 s11, s1;
	[dreg:$0x7] =	wrdreg s5  }
0x14: {  	s12 =	ssub.s32 s12, s18;
	[dreg:$0xa] =	wrdreg s21;
	s1 =	sadd.s32 $0x1B000, s1  }
0x15: {  	s16 =	sadd.s32 s0, s11;
	s18 =	sadd.s32 $0x2000, s6;
	[dreg:$0xf] =	wrdreg s1  }
0x16: {  	s5 =	simm.s32 $0x2;
	s21 =	simm.s32 $0x0;
	[dreg:$0x14] =	wrdreg s18  }
0x17: {  	s9 =	sadd.s32 $0x1B200, s9;
	s22 =	sadd.s32 $0x16200, s10;
	[dreg:$0x16] =	wrdreg s21  }
0x18: {  	s10 =	sshrl.u32 s24, $0x3;
	s11 =	sadd.s32 $0x2EC00, s14;
	[dreg:$0x8] =	wrdreg s9  }
0x19: {  	s24 =	simm.s32 $0x1B640;
	s18 =	simm.s32 $0x1900;
	[dreg:$0xb] =	wrdreg s22  }
0x1a: {  	s9 =	smul.u32 $0x4E20, s8;
	[dreg:$0x10] =	wrdreg s11;
	s0 =	sadd.s32 s15, s10  }
0x1b: {  	s8 =	simm.s32 $0xDB80;
	s11 =	simm.s32 $0x3;
	s10 =	simm.s32 $0x1700  }
0x1c: {  	s22 =	simm.s32 $0x1B00;
	s0 =	sadd.s32 $0x4E00, s0;
	s14 =	sadd.s32 s19, s9  }
.Ltmp0:
0x1d: {  	[dreg:$0x12] =	wrdreg s0;
	s19 =	sadd.s32 $0xC000, s6;
	(pc) =	sbr.rel .LBB2_1-.Ltmp0, $4  }
0x1e: {  	s0 =	simm.s32 $0x1;
	s6 =	simm.s32 $0x9D00;
	s1 =	sadd.s32 s15, s14  }
0x1f: {  	s15 =	smax.u32 s12, $0x1;
	[dreg:$0x15] =	wrdreg s19;
	s14 =	simm.s32 $0x4  }
0x20: {  	s12 =	simm.s32 $0x1C00;
	s19 =	simm.s32 $0x1D00;
	[dreg:$0x11] =	wrdreg s1  }
0x21: {  	[dreg:$0x13] =	wrdreg s15;
	s1 =	simm.s32 $0x5;
	s15 =	simm.s32 $0x1F00  }
.LBB2_6:
0x22: {  	[bflag:$0x0] =	sbarrier.arrive $0xFFFF  }
0x23: {  	s9 =	rddreg [dreg:$0x5]  }
0x24: {  	s1 =	rddreg [dreg:$0x10]  }
0x25: {  	s20 =	rddreg [dreg:$0x9];
	s9 =	sadd.s32 s9, s1  }
0x26: {  	[hbm:s9], [sflag:s20] =	dma.local [spmem:s21], $0x1380  }
0x27: {  	s21 =	simm.s32 $0x5  }
0x28: {  	_ =	swait.ge [sflag:s21], $0x1380  }
0x29: {  	[sflag:s21] =	ssyncset.done $0x0;
	s9 =	rddreg [dreg:$0x11]  }
0x2a: {  	s7 =	rddreg [dreg:$0x17];
	[sflag:s21] =	ssyncadd.s32 $0xFFFFEC80  }
0x2b: {  	[hbm:s9], [sflag:s20] =	dma.local [spmem:s7], $0x4E0  }
0x2c: {  	_ =	swait.ge [sflag:s21], $0x4E0  }
0x2d: {  	[sflag:s21] =	ssyncset.done $0x0  }
0x2e: {  	s9 =	sadd.s32 @!p0 $0x13800, s1;
	s1 =	rddreg [dreg:$0x18];
	[sflag:s21] =	ssyncadd.s32 $0xFFFFFB20  }
0x2f: {  	[hbm:s9], [sflag:s20] =	dma.local @!p0 [spmem:s1], $0x80  }
0x30: {  	s9 =	simm.s32 @!p0 $0x5  }
0x31: {  	_ =	swait.ge @!p0 [sflag:s9], $0x80  }
0x32: {  	[sflag:s9] =	ssyncset.done @!p0 $0x0;
	s1 =	rddreg [dreg:$0x12]  }
0x33: {  	s7 =	rddreg [dreg:$0x19];
	[sflag:s9] =	ssyncadd.s32 @!p0 $0xFFFFFF80  }
0x34: {  	[hbm:s1], [sflag:s20] =	dma.local @!p0 [spmem:s7], $0x20  }
0x35: {  	_ =	swait.ge @!p0 [sflag:s9], $0x20  }
0x36: {  	s1 =	rddreg [dreg:$0x16]  }
0x37: {  	s7 =	rddreg [dreg:$0x13];
	s21 =	sadd.s32 $0x1, s1  }
0x38: {  	p2 =	sne.s32 s21, s7  }
.Ltmp1:
0x39: {  	_ = 	snop;
	(pc) =	sbr.rel @!p2 .LBB2_7-.Ltmp1, $3  }
0x3a: {  	_ =	sdelay $0x1  }
0x3b: {  	[sflag:s9] =	ssyncset.done @!p0 $0x0  }
0x3c: {  	s1 =	simm.s32 $0x5;
	[sflag:s9] =	ssyncadd.s32 @!p0 $0xFFFFFFE0;
	[dreg:$0x16] =	wrdreg s21  }
.LBB2_1:
0x3d: {  	s9 =	rddreg [dreg:$0x7]  }
0x3e: {  	s7 =	rddreg [dreg:$0x8];
	s21 =	sshrl.u32 s9, $0x3  }
0x3f: {  	[spmem:s21], [sflag:s20] =	dma.local [hbm:s7], $0x1380  }
0x40: {  	_ =	swait.ge [sflag:s1], $0x1380  }
0x41: {  	s7 =	rddreg [dreg:$0xa]  }
0x42: {  	[sflag:s1] =	ssyncset.done $0x0;
	s9 =	rddreg [dreg:$0xb];
	s7 =	sshrl.u32 s7, $0x3  }
0x43: {  	[sflag:s1] =	ssyncadd.s32 $0xFFFFEC80;
	[dreg:$0x17] =	wrdreg s7  }
0x44: {  	[spmem:s7], [sflag:s20] =	dma.local [hbm:s9], $0x4E0  }
0x45: {  	_ =	swait.ge [sflag:s1], $0x4E0  }
0x46: {  	[sflag:s1] =	ssyncset.done $0x0  }
0x47: {  	s7 =	rddreg [dreg:$0x6];
	[sflag:s1] =	ssyncadd.s32 $0xFFFFFB20  }
0x48: {  	[tilespmem:s24], [sflag:$0x5] =	stream.linear.gather [hbm4b:s7+s4], $0xFA0, $0x38;
	[tilespmem:$0x1ECF0] =	vst v63  }
0x49: {  	_ =	swait.ge [sflag:s1], $0xFA0  }
0x4a: {  	[sflag:s1] =	ssyncset.done $0x0;
	s9 =	rddreg [dreg:$0xc]  }
0x4b: {  	[sflag:s1] =	ssyncadd.s32 $0xFFFFF060;
	s1 =	sshrl.u32 @!p0 s9, $0x3;
	s9 =	rddreg [dreg:$0xd]  }
0x4c: {  	[dreg:$0x18] =	wrdreg s1  }
0x4d: {  	[spmem:s1], [sflag:s20] =	dma.local @!p0 [hbm:s9], $0x80  }
0x4e: {  	s9 =	smov.u32 s20;
	s20 =	simm.s32 @!p0 $0x5  }
0x4f: {  	_ =	swait.ge @!p0 [sflag:s20], $0x80  }
0x50: {  	s1 =	rddreg [dreg:$0xe]  }
0x51: {  	[sflag:s20] =	ssyncset.done @!p0 $0x0;
	s7 =	sshrl.u32 @!p0 s1, $0x3;
	s1 =	rddreg [dreg:$0xf]  }
0x52: {  	[sflag:s20] =	ssyncadd.s32 @!p0 $0xFFFFFF80;
	[dreg:$0x19] =	wrdreg s7  }
0x53: {  	[spmem:s7], [sflag:s9] =	dma.local @!p0 [hbm:s1], $0x20  }
.Ltmp2:
0x54: {  	_ =	swait.ge @!p0 [sflag:s20], $0x20;
	(pc) =	sbr.rel .LBB2_2-.Ltmp2, $4  }
0x55: {  	[sflag:s20] =	ssyncset.done @!p0 $0x0  }
0x56: {  	[sflag:s20] =	ssyncadd.s32 @!p0 $0xFFFFFFE0  }
0x57: {  	[bflag:$0x0] =	sbarrier.arrive $0xFFFF  }
0x58: {  	s1 =	simm.s32 $0x100;
	s20 =	simm.s32 $0x0  }
.LBB2_4:
0x59: {  	_ =	swait.ge [sflag:s5], $0x3E80  }
0x5a: {  	[sflag:s5] =	ssyncset.done $0x0  }
0x5b: {  	s9 =	simm.s32 $0x300;
	[sflag:s5] =	ssyncadd.s32 $0xFFFFC180  }
0x5c: {  	[tilespmem:s8], [sflag:$0x4] =	stream.indirect.gather [hbm4b:s16+s28], $0x40, s9, s28, $0xb8;
	[tilespmem:$0x1ECF0] =	vst v63  }
0x5d: {  	s15 =	simm.s32 $0x1100  }
0x5e: {  	[spmem:s2] =	stream.indirect.scatter.add.f32 [tilespmem:s31], [sflag:$0x6], $0x40, s15, s28, $0xb8;
	[tilespmem:$0x1ECF0] =	vst v63  }
0x5f: {  	_ =	swait.ge [sflag:s25], $0x3E80  }
0x60: {  	[sflag:s25] =	ssyncset.done $0x0  }
0x61: {  	[sflag:s25] =	ssyncadd.s32 $0xFFFFC180  }
0x62: {  	[spmem:s3] =	stream.indirect.scatter.add.f32 [tilespmem:s24], [sflag:$0x6], $0x10, s15, s28, $0xb8;
	[tilespmem:$0x1ECF0] =	vst v63  }
0x63: {  	_ =	swait.ge [sflag:s25], $0xFA0  }
0x64: {  	[sflag:s25] =	ssyncset.done $0x0  }
0x65: {  	[sflag:s25] =	ssyncadd.s32 $0xFFFFF060  }
0x66: {  	_ =	swait.ge [sflag:s11], $0x3E80  }
0x67: {  	[sflag:s11] =	ssyncset.done $0x0  }
0x68: {  	s18 =	simm.s32 $0x400;
	[sflag:s11] =	ssyncadd.s32 $0xFFFFC180  }
0x69: {  	[tilespmem:s29], [sflag:$0x1] =	stream.indirect.gather [hbm4b:s16+s28], $0x40, s18, s28, $0xb8;
	[tilespmem:$0x1ECF0] =	vst v63  }
0x6a: {  	s7 =	simm.s32 $0x1200  }
0x6b: {  	[spmem:s2] =	stream.indirect.scatter.add.f32 [tilespmem:s6], [sflag:$0x6], $0x40, s7, s28, $0xb8;
	[tilespmem:$0x1ECF0] =	vst v63  }
0x6c: {  	_ =	swait.ge [sflag:s25], $0x3E80  }
0x6d: {  	[sflag:s25] =	ssyncset.done $0x0  }
0x6e: {  	[sflag:s25] =	ssyncadd.s32 $0xFFFFC180  }
0x6f: {  	_ =	swait.ge [sflag:s14], $0x3E80  }
0x70: {  	[sflag:s14] =	ssyncset.done $0x0  }
0x71: {  	s19 =	simm.s32 $0x500;
	[sflag:s14] =	ssyncadd.s32 $0xFFFFC180  }
0x72: {  	[tilespmem:s31], [sflag:$0x2] =	stream.indirect.gather [hbm4b:s16+s28], $0x40, s19, s28, $0xb8;
	[tilespmem:$0x1ECF0] =	vst v63  }
0x73: {  	s22 =	simm.s32 $0x1300  }
0x74: {  	[spmem:s2] =	stream.indirect.scatter.add.f32 [tilespmem:s8], [sflag:$0x6], $0x40, s22, s28, $0xb8;
	[tilespmem:$0x1ECF0] =	vst v63  }
0x75: {  	_ =	swait.ge [sflag:s25], $0x3E80  }
0x76: {  	[sflag:s25] =	ssyncset.done $0x0  }
0x77: {  	[sflag:s25] =	ssyncadd.s32 $0xFFFFC180  }
0x78: {  	[spmem:s3] =	stream.indirect.scatter.add.f32 [tilespmem:s24], [sflag:$0x6], $0x10, s22, s28, $0xb8;
	[tilespmem:$0x1ECF0] =	vst v63  }
0x79: {  	_ =	swait.ge [sflag:s25], $0xFA0  }
0x7a: {  	[sflag:s25] =	ssyncset.done $0x0  }
0x7b: {  	[sflag:s25] =	ssyncadd.s32 $0xFFFFF060  }
0x7c: {  	_ =	swait.ge [sflag:s0], $0x3E80  }
0x7d: {  	[sflag:s0] =	ssyncset.done $0x0  }
0x7e: {  	s7 =	simm.s32 $0x600;
	[sflag:s0] =	ssyncadd.s32 $0xFFFFC180  }
0x7f: {  	[tilespmem:s6], [sflag:$0x3] =	stream.indirect.gather [hbm4b:s16+s28], $0x40, s7, s28, $0xb8;
	[tilespmem:$0x1ECF0] =	vst v63  }
0x80: {  	s10 =	simm.s32 $0x1400  }
0x81: {  	[spmem:s2] =	stream.indirect.scatter.add.f32 [tilespmem:s29], [sflag:$0x6], $0x40, s10, s28, $0xb8;
	[tilespmem:$0x1ECF0] =	vst v63  }
0x82: {  	_ =	swait.ge [sflag:s25], $0x3E80  }
0x83: {  	[sflag:s25] =	ssyncset.done $0x0  }
0x84: {  	[sflag:s25] =	ssyncadd.s32 $0xFFFFC180  }
0x85: {  	_ =	swait.ge [sflag:s5], $0x3E80  }
0x86: {  	[sflag:s5] =	ssyncset.done $0x0  }
0x87: {  	s15 =	simm.s32 $0x700;
	[sflag:s5] =	ssyncadd.s32 $0xFFFFC180  }
0x88: {  	[tilespmem:s8], [sflag:$0x4] =	stream.indirect.gather [hbm4b:s16+s28], $0x40, s15, s28, $0xb8;
	[tilespmem:$0x1ECF0] =	vst v63  }
0x89: {  	s18 =	simm.s32 $0x1500  }
0x8a: {  	[spmem:s2] =	stream.indirect.scatter.add.f32 [tilespmem:s31], [sflag:$0x6], $0x40, s18, s28, $0xb8;
	[tilespmem:$0x1ECF0] =	vst v63  }
0x8b: {  	_ =	swait.ge [sflag:s25], $0x3E80  }
0x8c: {  	[sflag:s25] =	ssyncset.done $0x0  }
0x8d: {  	[sflag:s25] =	ssyncadd.s32 $0xFFFFC180  }
0x8e: {  	[spmem:s3] =	stream.indirect.scatter.add.f32 [tilespmem:s24], [sflag:$0x6], $0x10, s18, s28, $0xb8;
	[tilespmem:$0x1ECF0] =	vst v63  }
0x8f: {  	_ =	swait.ge [sflag:s25], $0xFA0  }
0x90: {  	[sflag:s25] =	ssyncset.done $0x0  }
0x91: {  	[sflag:s25] =	ssyncadd.s32 $0xFFFFF060  }
0x92: {  	_ =	swait.ge [sflag:s11], $0x3E80  }
0x93: {  	[sflag:s11] =	ssyncset.done $0x0  }
0x94: {  	s19 =	simm.s32 $0x800;
	[sflag:s11] =	ssyncadd.s32 $0xFFFFC180  }
0x95: {  	[tilespmem:s29], [sflag:$0x1] =	stream.indirect.gather [hbm4b:s16+s28], $0x40, s19, s28, $0xb8;
	[tilespmem:$0x1ECF0] =	vst v63  }
0x96: {  	_ = 	snop  }
0x97: {  	[spmem:s2] =	stream.indirect.scatter.add.f32 [tilespmem:s6], [sflag:$0x6], $0x40, s17, s28, $0xb8;
	[tilespmem:$0x1ECF0] =	vst v63  }
0x98: {  	_ =	swait.ge [sflag:s25], $0x3E80  }
0x99: {  	[sflag:s25] =	ssyncset.done $0x0  }
0x9a: {  	[sflag:s25] =	ssyncadd.s32 $0xFFFFC180  }
0x9b: {  	_ =	swait.ge [sflag:s14], $0x3E80  }
0x9c: {  	[sflag:s14] =	ssyncset.done $0x0  }
0x9d: {  	s22 =	simm.s32 $0x900;
	[sflag:s14] =	ssyncadd.s32 $0xFFFFC180  }
0x9e: {  	[tilespmem:s31], [sflag:$0x2] =	stream.indirect.gather [hbm4b:s16+s28], $0x40, s22, s28, $0xb8;
	[tilespmem:$0x1ECF0] =	vst v63  }
0x9f: {  	s7 =	simm.s32 $0x1700  }
0xa0: {  	[spmem:s2] =	stream.indirect.scatter.add.f32 [tilespmem:s8], [sflag:$0x6], $0x40, s7, s28, $0xb8;
	[tilespmem:$0x1ECF0] =	vst v63  }
0xa1: {  	_ =	swait.ge [sflag:s25], $0x3E80  }
0xa2: {  	[sflag:s25] =	ssyncset.done $0x0  }
0xa3: {  	[sflag:s25] =	ssyncadd.s32 $0xFFFFC180  }
0xa4: {  	[spmem:s3] =	stream.indirect.scatter.add.f32 [tilespmem:s24], [sflag:$0x6], $0x10, s7, s28, $0xb8;
	[tilespmem:$0x1ECF0] =	vst v63  }
0xa5: {  	_ =	swait.ge [sflag:s25], $0xFA0  }
0xa6: {  	[sflag:s25] =	ssyncset.done $0x0  }
0xa7: {  	[sflag:s25] =	ssyncadd.s32 $0xFFFFF060  }
0xa8: {  	_ =	swait.ge [sflag:s0], $0x3E80  }
0xa9: {  	[sflag:s0] =	ssyncset.done $0x0  }
0xaa: {  	s15 =	simm.s32 $0xA00;
	[sflag:s0] =	ssyncadd.s32 $0xFFFFC180  }
0xab: {  	[tilespmem:s6], [sflag:$0x3] =	stream.indirect.gather [hbm4b:s16+s28], $0x40, s15, s28, $0xb8;
	[tilespmem:$0x1ECF0] =	vst v63  }
0xac: {  	_ = 	snop  }
0xad: {  	[spmem:s2] =	stream.indirect.scatter.add.f32 [tilespmem:s29], [sflag:$0x6], $0x40, s13, s28, $0xb8;
	[tilespmem:$0x1ECF0] =	vst v63  }
0xae: {  	_ =	swait.ge [sflag:s25], $0x3E80  }
0xaf: {  	[sflag:s25] =	ssyncset.done $0x0  }
0xb0: {  	[sflag:s25] =	ssyncadd.s32 $0xFFFFC180  }
0xb1: {  	_ =	swait.ge [sflag:s5], $0x3E80  }
0xb2: {  	[sflag:s5] =	ssyncset.done $0x0  }
0xb3: {  	s18 =	simm.s32 $0xB00;
	[sflag:s5] =	ssyncadd.s32 $0xFFFFC180  }
0xb4: {  	[tilespmem:s8], [sflag:$0x4] =	stream.indirect.gather [hbm4b:s16+s28], $0x40, s18, s28, $0xb8;
	[tilespmem:$0x1ECF0] =	vst v63  }
0xb5: {  	s19 =	simm.s32 $0x1900  }
0xb6: {  	[spmem:s2] =	stream.indirect.scatter.add.f32 [tilespmem:s31], [sflag:$0x6], $0x40, s19, s28, $0xb8;
	[tilespmem:$0x1ECF0] =	vst v63  }
0xb7: {  	_ =	swait.ge [sflag:s25], $0x3E80  }
0xb8: {  	[sflag:s25] =	ssyncset.done $0x0  }
0xb9: {  	[sflag:s25] =	ssyncadd.s32 $0xFFFFC180  }
0xba: {  	[spmem:s3] =	stream.indirect.scatter.add.f32 [tilespmem:s24], [sflag:$0x6], $0x10, s19, s28, $0xb8;
	[tilespmem:$0x1ECF0] =	vst v63  }
0xbb: {  	_ =	swait.ge [sflag:s25], $0xFA0  }
0xbc: {  	[sflag:s25] =	ssyncset.done $0x0  }
0xbd: {  	[sflag:s25] =	ssyncadd.s32 $0xFFFFF060  }
0xbe: {  	_ =	swait.ge [sflag:s11], $0x3E80  }
0xbf: {  	[sflag:s11] =	ssyncset.done $0x0  }
0xc0: {  	s22 =	simm.s32 $0xC00;
	[sflag:s11] =	ssyncadd.s32 $0xFFFFC180  }
0xc1: {  	[tilespmem:s29], [sflag:$0x1] =	stream.indirect.gather [hbm4b:s16+s28], $0x40, s22, s28, $0xb8;
	[tilespmem:$0x1ECF0] =	vst v63  }
0xc2: {  	_ = 	snop  }
0xc3: {  	[spmem:s2] =	stream.indirect.scatter.add.f32 [tilespmem:s6], [sflag:$0x6], $0x40, s23, s28, $0xb8;
	[tilespmem:$0x1ECF0] =	vst v63  }
0xc4: {  	_ =	swait.ge [sflag:s25], $0x3E80  }
0xc5: {  	[sflag:s25] =	ssyncset.done $0x0  }
0xc6: {  	[sflag:s25] =	ssyncadd.s32 $0xFFFFC180  }
0xc7: {  	_ =	swait.ge [sflag:s14], $0x3E80  }
0xc8: {  	[sflag:s14] =	ssyncset.done $0x0  }
0xc9: {  	s7 =	simm.s32 $0xD00;
	[sflag:s14] =	ssyncadd.s32 $0xFFFFC180  }
0xca: {  	[tilespmem:s31], [sflag:$0x2] =	stream.indirect.gather [hbm4b:s16+s28], $0x40, s7, s28, $0xb8;
	[tilespmem:$0x1ECF0] =	vst v63  }
0xcb: {  	s15 =	simm.s32 $0x1B00  }
0xcc: {  	[spmem:s2] =	stream.indirect.scatter.add.f32 [tilespmem:s8], [sflag:$0x6], $0x40, s15, s28, $0xb8;
	[tilespmem:$0x1ECF0] =	vst v63  }
0xcd: {  	_ =	swait.ge [sflag:s25], $0x3E80  }
0xce: {  	[sflag:s25] =	ssyncset.done $0x0  }
0xcf: {  	[sflag:s25] =	ssyncadd.s32 $0xFFFFC180  }
0xd0: {  	[spmem:s3] =	stream.indirect.scatter.add.f32 [tilespmem:s24], [sflag:$0x6], $0x10, s15, s28, $0xb8;
	[tilespmem:$0x1ECF0] =	vst v63  }
0xd1: {  	_ =	swait.ge [sflag:s25], $0xFA0  }
0xd2: {  	[sflag:s25] =	ssyncset.done $0x0  }
0xd3: {  	[sflag:s25] =	ssyncadd.s32 $0xFFFFF060  }
0xd4: {  	_ =	swait.ge [sflag:s0], $0x3E80  }
0xd5: {  	[sflag:s0] =	ssyncset.done $0x0  }
0xd6: {  	s19 =	simm.s32 $0xE00;
	[sflag:s0] =	ssyncadd.s32 $0xFFFFC180  }
0xd7: {  	[tilespmem:s6], [sflag:$0x3] =	stream.indirect.gather [hbm4b:s16+s28], $0x40, s19, s28, $0xb8;
	[tilespmem:$0x1ECF0] =	vst v63  }
0xd8: {  	_ = 	snop  }
0xd9: {  	[spmem:s2] =	stream.indirect.scatter.add.f32 [tilespmem:s29], [sflag:$0x6], $0x40, s12, s28, $0xb8;
	[tilespmem:$0x1ECF0] =	vst v63  }
0xda: {  	_ =	swait.ge [sflag:s25], $0x3E80  }
0xdb: {  	[sflag:s25] =	ssyncset.done $0x0  }
0xdc: {  	[sflag:s25] =	ssyncadd.s32 $0xFFFFC180  }
0xdd: {  	_ =	swait.ge [sflag:s5], $0x3E80  }
0xde: {  	[sflag:s5] =	ssyncset.done $0x0  }
0xdf: {  	s7 =	simm.s32 $0xF00;
	[sflag:s5] =	ssyncadd.s32 $0xFFFFC180  }
0xe0: {  	[tilespmem:s8], [sflag:$0x4] =	stream.indirect.gather [hbm4b:s16+s28], $0x40, s7, s28, $0xb8;
	[tilespmem:$0x1ECF0] =	vst v63  }
0xe1: {  	s15 =	simm.s32 $0x1D00  }
0xe2: {  	[spmem:s2] =	stream.indirect.scatter.add.f32 [tilespmem:s31], [sflag:$0x6], $0x40, s15, s28, $0xb8;
	[tilespmem:$0x1ECF0] =	vst v63  }
0xe3: {  	_ =	swait.ge [sflag:s25], $0x3E80  }
0xe4: {  	[sflag:s25] =	ssyncset.done $0x0  }
0xe5: {  	[sflag:s25] =	ssyncadd.s32 $0xFFFFC180  }
0xe6: {  	[spmem:s3] =	stream.indirect.scatter.add.f32 [tilespmem:s24], [sflag:$0x6], $0x10, s15, s28, $0xb8;
	[tilespmem:$0x1ECF0] =	vst v63  }
0xe7: {  	_ =	swait.ge [sflag:s25], $0xFA0  }
0xe8: {  	[sflag:s25] =	ssyncset.done $0x0  }
0xe9: {  	[sflag:s25] =	ssyncadd.s32 $0xFFFFF060  }
0xea: {  	_ =	swait.ge [sflag:s11], $0x3E80  }
0xeb: {  	[sflag:s11] =	ssyncset.done $0x0  }
0xec: {  	[sflag:s11] =	ssyncadd.s32 $0xFFFFC180  }
0xed: {  	[spmem:s2] =	stream.indirect.scatter.add.f32 [tilespmem:s6], [sflag:$0x6], $0x40, s30, s28, $0xb8;
	[tilespmem:$0x1ECF0] =	vst v63  }
0xee: {  	_ =	swait.ge [sflag:s25], $0x3E80  }
0xef: {  	[sflag:s25] =	ssyncset.done $0x0  }
0xf0: {  	[sflag:s25] =	ssyncadd.s32 $0xFFFFC180  }
0xf1: {  	_ =	swait.ge [sflag:s14], $0x3E80  }
0xf2: {  	[sflag:s14] =	ssyncset.done $0x0  }
0xf3: {  	s7 =	simm.s32 $0x1F00;
	[sflag:s14] =	ssyncadd.s32 $0xFFFFC180  }
0xf4: {  	[spmem:s2] =	stream.indirect.scatter.add.f32 [tilespmem:s8], [sflag:$0x6], $0x40, s7, s28, $0xb8;
	[tilespmem:$0x1ECF0] =	vst v63  }
0xf5: {  	_ =	swait.ge [sflag:s25], $0x3E80  }
0xf6: {  	[sflag:s25] =	ssyncset.done $0x0  }
0xf7: {  	[sflag:s25] =	ssyncadd.s32 $0xFFFFC180  }
0xf8: {  	[spmem:s3] =	stream.indirect.scatter.add.f32 [tilespmem:s24], [sflag:$0x5], $0x10, s7, s28, $0xb8;
	[tilespmem:$0x1ECF0] =	vst v63  }
0xf9: {  	s7 =	simm.s32 $0x5  }
0xfa: {  	s10 =	simm.s32 $0x1700;
	_ =	swait.ge [sflag:s7], $0xFA0  }
0xfb: {  	s18 =	simm.s32 $0x1900;
	s22 =	simm.s32 $0x1B00;
	[sflag:s7] =	ssyncset.done $0x0  }
0xfc: {  	s19 =	simm.s32 $0x1D00;
	s15 =	simm.s32 $0x1F00;
	[sflag:s7] =	ssyncadd.s32 $0xFFFFF060  }
.LBB2_5:
0xfd: {  	s20 =	sadd.s32 $0x200, s20  }
0xfe: {  	p2 =	sne.s32 s20, $0xA00  }
.Ltmp3:
0xff: {  	_ = 	snop;
	(pc) =	sbr.rel @!p2 .LBB2_6-.Ltmp3, $1  }
0x100: {  	_ =	sdelay $0x3  }
.LBB2_2:
0x101: {  	s9 =	rddreg [dreg:$0x15]  }
0x102: {  	s9 =	sadd.s32 s20, s9  }
0x103: {  	[tilespmem:s4], [sflag:$0x6] =	stream.linear.gather [hbm4b:s9+s4], $0x1000, $0x38;
	[tilespmem:$0x1ECF0] =	vst v63  }
0x104: {  	_ =	swait.ge [sflag:s25], $0x1000  }
0x105: {  	[sflag:s25] =	ssyncset.done $0x0;
	s7 =	rddreg [dreg:$0x14]  }
0x106: {  	[sflag:s25] =	ssyncadd.s32 $0xFFFFF000;
	s9 =	sadd.s32 s20, s7  }
0x107: {  	[tilespmem:s26], [sflag:$0x6] =	stream.linear.gather [hbm4b:s9+s4], $0x1000, $0x38;
	[tilespmem:$0x1ECF0] =	vst v63  }
0x108: {  	_ =	swait.ge [sflag:s25], $0x1000  }
0x109: {  	[sflag:s25] =	ssyncset.done $0x0  }
0x10a: {  	[sflag:s25] =	ssyncadd.s32 $0xFFFFF000  }
0x10b: {  	[tilespmem:s29], [sflag:$0x1] =	stream.indirect.gather [hbm4b:s16+s28], $0x40, s4, s28, $0xb8;
	[tilespmem:$0x1ECF0] =	vst v63  }
0x10c: {  	_ = 	snop  }
0x10d: {  	[tilespmem:s31], [sflag:$0x2] =	stream.indirect.gather [hbm4b:s16+s28], $0x40, s1, s28, $0xb8;
	[tilespmem:$0x1ECF0] =	vst v63  }
0x10e: {  	_ =	swait.ge [sflag:s0], $0x3E80  }
0x10f: {  	[sflag:s0] =	ssyncset.done $0x0  }
0x110: {  	s7 =	simm.s32 $0x200;
	[sflag:s0] =	ssyncadd.s32 $0xFFFFC180  }
0x111: {  	[tilespmem:s6], [sflag:$0x3] =	stream.indirect.gather [hbm4b:s16+s28], $0x40, s7, s28, $0xb8;
	[tilespmem:$0x1ECF0] =	vst v63  }
.Ltmp4:
0x112: {  	_ = 	snop;
	(pc) =	sbr.rel @p1 .LBB2_4-.Ltmp4, $4  }
0x113: {  	[spmem:s2] =	stream.indirect.scatter.add.f32 [tilespmem:s29], [sflag:$0x6], $0x40, s26, s28, $0xb8;
	[tilespmem:$0x1ECF0] =	vst v63  }
0x114: {  	_ =	swait.ge [sflag:s25], $0x3E80  }
0x115: {  	[sflag:s25] =	ssyncset.done $0x0  }
0x116: {  	[sflag:s25] =	ssyncadd.s32 $0xFFFFC180  }
0x117: {  	[spmem:s3] =	stream.indirect.scatter.add.f32 [tilespmem:s24], [sflag:$0x6], $0x10, s26, s28, $0xb8;
	[tilespmem:$0x1ECF0] =	vst v63  }
0x118: {  	_ =	swait.ge [sflag:s25], $0xFA0  }
0x119: {  	[sflag:s25] =	ssyncset.done $0x0  }
0x11a: {  	[sflag:s25] =	ssyncadd.s32 $0xFFFFF060  }
0x11b: {  	_ =	swait.ge [sflag:s5], $0x3E80  }
0x11c: {  	[sflag:s5] =	ssyncset.done $0x0  }
0x11d: {  	s9 =	simm.s32 $0x300;
	[sflag:s5] =	ssyncadd.s32 $0xFFFFC180  }
0x11e: {  	[tilespmem:s8], [sflag:$0x4] =	stream.indirect.gather [hbm4b:s16+s28], $0x40, s9, s28, $0xb8;
	[tilespmem:$0x1ECF0] =	vst v63  }
0x11f: {  	s17 =	simm.s32 $0x1100  }
0x120: {  	[spmem:s2] =	stream.indirect.scatter.add.f32 [tilespmem:s31], [sflag:$0x6], $0x40, s17, s28, $0xb8;
	[tilespmem:$0x1ECF0] =	vst v63  }
0x121: {  	_ =	swait.ge [sflag:s25], $0x3E80  }
0x122: {  	[sflag:s25] =	ssyncset.done $0x0  }
0x123: {  	[sflag:s25] =	ssyncadd.s32 $0xFFFFC180  }
0x124: {  	_ =	swait.ge [sflag:s11], $0x3E80  }
0x125: {  	[sflag:s11] =	ssyncset.done $0x0  }
0x126: {  	s23 =	simm.s32 $0x400;
	[sflag:s11] =	ssyncadd.s32 $0xFFFFC180  }
0x127: {  	[tilespmem:s29], [sflag:$0x1] =	stream.indirect.gather [hbm4b:s16+s28], $0x40, s23, s28, $0xb8;
	[tilespmem:$0x1ECF0] =	vst v63  }
0x128: {  	s7 =	simm.s32 $0x1200  }
0x129: {  	[spmem:s2] =	stream.indirect.scatter.add.f32 [tilespmem:s6], [sflag:$0x6], $0x40, s7, s28, $0xb8;
	[tilespmem:$0x1ECF0] =	vst v63  }
0x12a: {  	_ =	swait.ge [sflag:s25], $0x3E80  }
0x12b: {  	[sflag:s25] =	ssyncset.done $0x0  }
0x12c: {  	[sflag:s25] =	ssyncadd.s32 $0xFFFFC180  }
0x12d: {  	[spmem:s3] =	stream.indirect.scatter.add.f32 [tilespmem:s24], [sflag:$0x6], $0x10, s7, s28, $0xb8;
	[tilespmem:$0x1ECF0] =	vst v63  }
0x12e: {  	_ =	swait.ge [sflag:s25], $0xFA0  }
0x12f: {  	[sflag:s25] =	ssyncset.done $0x0  }
0x130: {  	[sflag:s25] =	ssyncadd.s32 $0xFFFFF060  }
0x131: {  	_ =	swait.ge [sflag:s14], $0x3E80  }
0x132: {  	[sflag:s14] =	ssyncset.done $0x0  }
0x133: {  	s12 =	simm.s32 $0x500;
	[sflag:s14] =	ssyncadd.s32 $0xFFFFC180  }
0x134: {  	[tilespmem:s31], [sflag:$0x2] =	stream.indirect.gather [hbm4b:s16+s28], $0x40, s12, s28, $0xb8;
	[tilespmem:$0x1ECF0] =	vst v63  }
0x135: {  	s13 =	simm.s32 $0x1300  }
0x136: {  	[spmem:s2] =	stream.indirect.scatter.add.f32 [tilespmem:s8], [sflag:$0x6], $0x40, s13, s28, $0xb8;
	[tilespmem:$0x1ECF0] =	vst v63  }
0x137: {  	_ =	swait.ge [sflag:s25], $0x3E80  }
0x138: {  	[sflag:s25] =	ssyncset.done $0x0  }
0x139: {  	[sflag:s25] =	ssyncadd.s32 $0xFFFFC180  }
0x13a: {  	_ =	swait.ge [sflag:s0], $0x3E80  }
0x13b: {  	[sflag:s0] =	ssyncset.done $0x0  }
0x13c: {  	s17 =	simm.s32 $0x600;
	[sflag:s0] =	ssyncadd.s32 $0xFFFFC180  }
0x13d: {  	[tilespmem:s6], [sflag:$0x3] =	stream.indirect.gather [hbm4b:s16+s28], $0x40, s17, s28, $0xb8;
	[tilespmem:$0x1ECF0] =	vst v63  }
0x13e: {  	s23 =	simm.s32 $0x1400  }
0x13f: {  	[spmem:s2] =	stream.indirect.scatter.add.f32 [tilespmem:s29], [sflag:$0x6], $0x40, s23, s28, $0xb8;
	[tilespmem:$0x1ECF0] =	vst v63  }
0x140: {  	_ =	swait.ge [sflag:s25], $0x3E80  }
0x141: {  	[sflag:s25] =	ssyncset.done $0x0  }
0x142: {  	[sflag:s25] =	ssyncadd.s32 $0xFFFFC180  }
0x143: {  	[spmem:s3] =	stream.indirect.scatter.add.f32 [tilespmem:s24], [sflag:$0x6], $0x10, s23, s28, $0xb8;
	[tilespmem:$0x1ECF0] =	vst v63  }
0x144: {  	_ =	swait.ge [sflag:s25], $0xFA0  }
0x145: {  	[sflag:s25] =	ssyncset.done $0x0  }
0x146: {  	[sflag:s25] =	ssyncadd.s32 $0xFFFFF060  }
0x147: {  	_ =	swait.ge [sflag:s5], $0x3E80  }
0x148: {  	[sflag:s5] =	ssyncset.done $0x0  }
0x149: {  	s7 =	simm.s32 $0x700;
	[sflag:s5] =	ssyncadd.s32 $0xFFFFC180  }
0x14a: {  	[tilespmem:s8], [sflag:$0x4] =	stream.indirect.gather [hbm4b:s16+s28], $0x40, s7, s28, $0xb8;
	[tilespmem:$0x1ECF0] =	vst v63  }
0x14b: {  	s7 =	simm.s32 $0x1500  }
0x14c: {  	[spmem:s2] =	stream.indirect.scatter.add.f32 [tilespmem:s31], [sflag:$0x6], $0x40, s7, s28, $0xb8;
	[tilespmem:$0x1ECF0] =	vst v63  }
0x14d: {  	_ =	swait.ge [sflag:s25], $0x3E80  }
0x14e: {  	[sflag:s25] =	ssyncset.done $0x0  }
0x14f: {  	[sflag:s25] =	ssyncadd.s32 $0xFFFFC180  }
0x150: {  	_ =	swait.ge [sflag:s11], $0x3E80  }
0x151: {  	[sflag:s11] =	ssyncset.done $0x0  }
0x152: {  	s12 =	simm.s32 $0x800;
	[sflag:s11] =	ssyncadd.s32 $0xFFFFC180  }
0x153: {  	[tilespmem:s29], [sflag:$0x1] =	stream.indirect.gather [hbm4b:s16+s28], $0x40, s12, s28, $0xb8;
	[tilespmem:$0x1ECF0] =	vst v63  }
0x154: {  	s13 =	simm.s32 $0x1600  }
0x155: {  	[spmem:s2] =	stream.indirect.scatter.add.f32 [tilespmem:s6], [sflag:$0x6], $0x40, s13, s28, $0xb8;
	[tilespmem:$0x1ECF0] =	vst v63  }
0x156: {  	_ =	swait.ge [sflag:s25], $0x3E80  }
0x157: {  	[sflag:s25] =	ssyncset.done $0x0  }
0x158: {  	[sflag:s25] =	ssyncadd.s32 $0xFFFFC180  }
0x159: {  	[spmem:s3] =	stream.indirect.scatter.add.f32 [tilespmem:s24], [sflag:$0x6], $0x10, s13, s28, $0xb8;
	[tilespmem:$0x1ECF0] =	vst v63  }
0x15a: {  	_ =	swait.ge [sflag:s25], $0xFA0  }
0x15b: {  	[sflag:s25] =	ssyncset.done $0x0  }
0x15c: {  	[sflag:s25] =	ssyncadd.s32 $0xFFFFF060  }
0x15d: {  	_ =	swait.ge [sflag:s14], $0x3E80  }
0x15e: {  	[sflag:s14] =	ssyncset.done $0x0  }
0x15f: {  	s23 =	simm.s32 $0x900;
	[sflag:s14] =	ssyncadd.s32 $0xFFFFC180  }
0x160: {  	[tilespmem:s31], [sflag:$0x2] =	stream.indirect.gather [hbm4b:s16+s28], $0x40, s23, s28, $0xb8;
	[tilespmem:$0x1ECF0] =	vst v63  }
0x161: {  	_ = 	snop  }
0x162: {  	[spmem:s2] =	stream.indirect.scatter.add.f32 [tilespmem:s8], [sflag:$0x6], $0x40, s10, s28, $0xb8;
	[tilespmem:$0x1ECF0] =	vst v63  }
0x163: {  	_ =	swait.ge [sflag:s25], $0x3E80  }
0x164: {  	[sflag:s25] =	ssyncset.done $0x0  }
0x165: {  	[sflag:s25] =	ssyncadd.s32 $0xFFFFC180  }
0x166: {  	_ =	swait.ge [sflag:s0], $0x3E80  }
0x167: {  	[sflag:s0] =	ssyncset.done $0x0  }
0x168: {  	s7 =	simm.s32 $0xA00;
	[sflag:s0] =	ssyncadd.s32 $0xFFFFC180  }
0x169: {  	[tilespmem:s6], [sflag:$0x3] =	stream.indirect.gather [hbm4b:s16+s28], $0x40, s7, s28, $0xb8;
	[tilespmem:$0x1ECF0] =	vst v63  }
0x16a: {  	s12 =	simm.s32 $0x1800  }
0x16b: {  	[spmem:s2] =	stream.indirect.scatter.add.f32 [tilespmem:s29], [sflag:$0x6], $0x40, s12, s28, $0xb8;
	[tilespmem:$0x1ECF0] =	vst v63  }
0x16c: {  	_ =	swait.ge [sflag:s25], $0x3E80  }
0x16d: {  	[sflag:s25] =	ssyncset.done $0x0  }
0x16e: {  	[sflag:s25] =	ssyncadd.s32 $0xFFFFC180  }
0x16f: {  	[spmem:s3] =	stream.indirect.scatter.add.f32 [tilespmem:s24], [sflag:$0x6], $0x10, s12, s28, $0xb8;
	[tilespmem:$0x1ECF0] =	vst v63  }
0x170: {  	_ =	swait.ge [sflag:s25], $0xFA0  }
0x171: {  	[sflag:s25] =	ssyncset.done $0x0  }
0x172: {  	[sflag:s25] =	ssyncadd.s32 $0xFFFFF060  }
0x173: {  	_ =	swait.ge [sflag:s5], $0x3E80  }
0x174: {  	[sflag:s5] =	ssyncset.done $0x0  }
0x175: {  	s23 =	simm.s32 $0xB00;
	[sflag:s5] =	ssyncadd.s32 $0xFFFFC180  }
0x176: {  	[tilespmem:s8], [sflag:$0x4] =	stream.indirect.gather [hbm4b:s16+s28], $0x40, s23, s28, $0xb8;
	[tilespmem:$0x1ECF0] =	vst v63  }
0x177: {  	_ = 	snop  }
0x178: {  	[spmem:s2] =	stream.indirect.scatter.add.f32 [tilespmem:s31], [sflag:$0x6], $0x40, s18, s28, $0xb8;
	[tilespmem:$0x1ECF0] =	vst v63  }
0x179: {  	_ =	swait.ge [sflag:s25], $0x3E80  }
0x17a: {  	[sflag:s25] =	ssyncset.done $0x0  }
0x17b: {  	[sflag:s25] =	ssyncadd.s32 $0xFFFFC180  }
0x17c: {  	_ =	swait.ge [sflag:s11], $0x3E80  }
0x17d: {  	[sflag:s11] =	ssyncset.done $0x0  }
0x17e: {  	s7 =	simm.s32 $0xC00;
	[sflag:s11] =	ssyncadd.s32 $0xFFFFC180  }
0x17f: {  	[tilespmem:s29], [sflag:$0x1] =	stream.indirect.gather [hbm4b:s16+s28], $0x40, s7, s28, $0xb8;
	[tilespmem:$0x1ECF0] =	vst v63  }
0x180: {  	s12 =	simm.s32 $0x1A00  }
0x181: {  	[spmem:s2] =	stream.indirect.scatter.add.f32 [tilespmem:s6], [sflag:$0x6], $0x40, s12, s28, $0xb8;
	[tilespmem:$0x1ECF0] =	vst v63  }
0x182: {  	_ =	swait.ge [sflag:s25], $0x3E80  }
0x183: {  	[sflag:s25] =	ssyncset.done $0x0  }
0x184: {  	[sflag:s25] =	ssyncadd.s32 $0xFFFFC180  }
0x185: {  	[spmem:s3] =	stream.indirect.scatter.add.f32 [tilespmem:s24], [sflag:$0x6], $0x10, s12, s28, $0xb8;
	[tilespmem:$0x1ECF0] =	vst v63  }
0x186: {  	_ =	swait.ge [sflag:s25], $0xFA0  }
0x187: {  	[sflag:s25] =	ssyncset.done $0x0  }
0x188: {  	[sflag:s25] =	ssyncadd.s32 $0xFFFFF060  }
0x189: {  	_ =	swait.ge [sflag:s14], $0x3E80  }
0x18a: {  	[sflag:s14] =	ssyncset.done $0x0  }
0x18b: {  	s7 =	simm.s32 $0xD00;
	[sflag:s14] =	ssyncadd.s32 $0xFFFFC180  }
0x18c: {  	[tilespmem:s31], [sflag:$0x2] =	stream.indirect.gather [hbm4b:s16+s28], $0x40, s7, s28, $0xb8;
	[tilespmem:$0x1ECF0] =	vst v63  }
0x18d: {  	_ = 	snop  }
0x18e: {  	[spmem:s2] =	stream.indirect.scatter.add.f32 [tilespmem:s8], [sflag:$0x6], $0x40, s22, s28, $0xb8;
	[tilespmem:$0x1ECF0] =	vst v63  }
0x18f: {  	_ =	swait.ge [sflag:s25], $0x3E80  }
0x190: {  	[sflag:s25] =	ssyncset.done $0x0  }
0x191: {  	[sflag:s25] =	ssyncadd.s32 $0xFFFFC180  }
0x192: {  	_ =	swait.ge [sflag:s0], $0x3E80  }
0x193: {  	[sflag:s0] =	ssyncset.done $0x0  }
0x194: {  	s12 =	simm.s32 $0xE00;
	[sflag:s0] =	ssyncadd.s32 $0xFFFFC180  }
0x195: {  	[tilespmem:s6], [sflag:$0x3] =	stream.indirect.gather [hbm4b:s16+s28], $0x40, s12, s28, $0xb8;
	[tilespmem:$0x1ECF0] =	vst v63  }
0x196: {  	s7 =	simm.s32 $0x1C00  }
0x197: {  	[spmem:s2] =	stream.indirect.scatter.add.f32 [tilespmem:s29], [sflag:$0x6], $0x40, s7, s28, $0xb8;
	[tilespmem:$0x1ECF0] =	vst v63  }
0x198: {  	_ =	swait.ge [sflag:s25], $0x3E80  }
0x199: {  	[sflag:s25] =	ssyncset.done $0x0  }
0x19a: {  	[sflag:s25] =	ssyncadd.s32 $0xFFFFC180  }
0x19b: {  	[spmem:s3] =	stream.indirect.scatter.add.f32 [tilespmem:s24], [sflag:$0x6], $0x10, s7, s28, $0xb8;
	[tilespmem:$0x1ECF0] =	vst v63  }
0x19c: {  	_ =	swait.ge [sflag:s25], $0xFA0  }
0x19d: {  	[sflag:s25] =	ssyncset.done $0x0  }
0x19e: {  	[sflag:s25] =	ssyncadd.s32 $0xFFFFF060  }
0x19f: {  	_ =	swait.ge [sflag:s5], $0x3E80  }
0x1a0: {  	[sflag:s5] =	ssyncset.done $0x0  }
0x1a1: {  	s7 =	simm.s32 $0xF00;
	[sflag:s5] =	ssyncadd.s32 $0xFFFFC180  }
0x1a2: {  	[tilespmem:s8], [sflag:$0x4] =	stream.indirect.gather [hbm4b:s16+s28], $0x40, s7, s28, $0xb8;
	[tilespmem:$0x1ECF0] =	vst v63  }
0x1a3: {  	_ = 	snop  }
0x1a4: {  	[spmem:s2] =	stream.indirect.scatter.add.f32 [tilespmem:s31], [sflag:$0x6], $0x40, s19, s28, $0xb8;
	[tilespmem:$0x1ECF0] =	vst v63  }
0x1a5: {  	_ =	swait.ge [sflag:s25], $0x3E80  }
0x1a6: {  	[sflag:s25] =	ssyncset.done $0x0  }
0x1a7: {  	[sflag:s25] =	ssyncadd.s32 $0xFFFFC180  }
0x1a8: {  	_ =	swait.ge [sflag:s11], $0x3E80  }
0x1a9: {  	[sflag:s11] =	ssyncset.done $0x0  }
0x1aa: {  	s7 =	simm.s32 $0x1E00;
	[sflag:s11] =	ssyncadd.s32 $0xFFFFC180  }
0x1ab: {  	[spmem:s2] =	stream.indirect.scatter.add.f32 [tilespmem:s6], [sflag:$0x6], $0x40, s7, s28, $0xb8;
	[tilespmem:$0x1ECF0] =	vst v63  }
0x1ac: {  	_ =	swait.ge [sflag:s25], $0x3E80  }
0x1ad: {  	[sflag:s25] =	ssyncset.done $0x0  }
0x1ae: {  	[sflag:s25] =	ssyncadd.s32 $0xFFFFC180  }
0x1af: {  	[spmem:s3] =	stream.indirect.scatter.add.f32 [tilespmem:s24], [sflag:$0x6], $0x10, s7, s28, $0xb8;
	[tilespmem:$0x1ECF0] =	vst v63  }
0x1b0: {  	_ =	swait.ge [sflag:s25], $0xFA0  }
0x1b1: {  	[sflag:s25] =	ssyncset.done $0x0  }
0x1b2: {  	[sflag:s25] =	ssyncadd.s32 $0xFFFFF060  }
0x1b3: {  	_ =	swait.ge [sflag:s14], $0x3E80  }
0x1b4: {  	[sflag:s14] =	ssyncset.done $0x0  }
.Ltmp5:
0x1b5: {  	[sflag:s14] =	ssyncadd.s32 $0xFFFFC180;
	(pc) =	sbr.rel .LBB2_5-.Ltmp5, $4  }
0x1b6: {  	[spmem:s2] =	stream.indirect.scatter.add.f32 [tilespmem:s8], [sflag:$0x6], $0x40, s15, s28, $0xb8;
	[tilespmem:$0x1ECF0] =	vst v63  }
0x1b7: {  	s30 =	simm.s32 $0x1E00;
	_ =	swait.ge [sflag:s25], $0x3E80  }
0x1b8: {  	s17 =	simm.s32 $0x1600;
	s13 =	simm.s32 $0x1800;
	[sflag:s25] =	ssyncset.done $0x0  }
0x1b9: {  	s23 =	simm.s32 $0x1A00;
	s12 =	simm.s32 $0x1C00;
	[sflag:s25] =	ssyncadd.s32 $0xFFFFC180  }
.LBB2_7:
0x1ba: {  	_ =	sfence.sel $0x180000  }
0x1bb: {  	[bflag:$0x0] =	sbarrier.arrive $0xFFFF  }
0x1bc: {  	_ =	strace $0x90000047  }
0x1bd: {  	s0 =	stileid.u32;
	[bflag:$0x2] =	sbarrier.arrive $0xFFFF  }
0x1be: {  	p0 =	sne.s32 s0, $0x0;
	s0 =	rddreg [dreg:$0x4]  }
0x1bf: {  	s0 =	sadd.s32 @!p0 $0x100000, s0  }
0x1c0: {  	[sflag:s0] =	ssyncadd.tile.s32 @!p0 $0x1;
	_ =	shalt  }
.Lfunc_end2:
_tile_overlayer_lowered:
.L_overlay_start_2:
0x1c1: {  	(tag) =	ssettag $0x2  }
0x1c2: {  	s0 =	rddreg [dreg:$0x0];
	s2 =	stileid.u32  }
0x1c3: {  	s1 =	rddreg [dreg:$0x1];
	p0 =	sne.s32 s2, $0x0  }
0x1c4: {  	s3 =	rddreg [dreg:$0x2];
	[bflag:$0x3] =	sbarrier.arrive $0xFFFF;
	s2 =	simm.s32 @!p0 $0x1C05  }
0x1c5: {  	[timem:s3], [sflag:s2] =	dma.local @!p0 [hbm:s0], s1  }
0x1c6: {  	s0 =	simm.s32 @!p0 $0x5  }
0x1c7: {  	_ =	swait.ge @!p0 [sflag:s0], s1  }
0x1c8: {  	s1 =	ssub.s32 @!p0 $0x0, s1;
	[sflag:s0] =	ssyncset.done @!p0 $0x0  }
0x1c9: {  	[sflag:s0] =	ssyncadd.s32 @!p0 s1  }
0x1ca: {  	[bflag:$0x3] =	sbarrier.arrive $0xFFFF  }
0x1cb: {  	_ =	shalt  }

// kernel: kernel.9.cloned.1.call-start
scs
__scs_entry_jumppad:
0x0: {  	(pc) =	sbr.rel $0x88, $3  }
0x1: {  	(tag) =	ssettag $0x0;
	lr =	simm.s32 $0x1  }
0x2: {  	[smem:$0x3F99] =	sst lr;
	_ =	strace $0xD0000000  }
0x3: {  	_ = 	snop  }
0x4: {  	_ = 	snop  }
0x5: {  	_ = 	snop  }
0x6: {  	_ = 	snop  }
0x7: {  	_ = 	snop  }
__scs_overlays_trampoline_lowered:
0x8: {  	[smem:$0x3FA8] =	sst s0  }
0x9: {  	[smem:$0x3FA9] =	sst s1  }
0xa: {  	[smem:$0x3FAA] =	sst s2  }
0xb: {  	[smem:$0x3FAB] =	sst s3  }
0xc: {  	[smem:$0x3FAC] =	sst s4  }
0xd: {  	[smem:$0x3FAD] =	sst s5  }
0xe: {  	[smem:$0x3FAE] =	sst s6  }
0xf: {  	[smem:$0x3FAF] =	sst s7  }
0x10: {  	[smem:$0x3FB0] =	sst s8  }
0x11: {  	[smem:$0x3FB1] =	sst s9;
	s0 =	simm.s32 @!p0 $0x0  }
0x12: {  	s1 =	sld [smem:$0x3F97];
	s0 =	simm.s32 @p0 $0x1  }
0x13: {  	[smem:$0x3FB2] =	sst s0;
	s0 =	simm.s32 @!p1 $0x0  }
0x14: {  	s2 =	sld [smem:$0x3F96];
	s0 =	simm.s32 @p1 $0x1  }
0x15: {  	[smem:$0x3FB3] =	sst s0;
	s0 =	simm.s32 @!p2 $0x0  }
0x16: {  	s3 =	sld [smem:$0x3FDB];
	s0 =	simm.s32 @p2 $0x1  }
0x17: {  	s4 =	simm.s32 $0x1BF5;
	[smem:$0x3FB5] =	sst s0  }
0x18: {  	s0 =	sld [smem:$0x3F98];
	_ =	swait.ge [sflag:s4], $0x0  }
0x19: {  	s7 =	sld [smem:$0x3F99]  }
0x1a: {  	s8 =	sadd.s32 $0xFFFFE003, lr  }
0x1b: {  	s9 =	sadd.s32 $0xFFFFFEF7, lr;
	s5 =	simm.s32 $0xFFFFFFFF;
	p2 =	slt.u32 s8, $0xFFFFF086  }
0x1c: {  	p1 =	slt.u32 s9, $0xF7A;
	s5 =	simm.s32 @!p2 $0x0  }
0x1d: {  	s5 =	simm.s32 @p1 $0x1;
	p0 =	seq.s32 s7, s2  }
0x1e: {  	s7 =	smul.u32 @!p0 $0xF7A, s2;
	p2 =	seq.s32 @!p0 s5, $0x0  }
0x1f: {  	s9 =	smul.u32 $0xF7A, s1;
	s8 =	simm.s32 @!p0 $0x1BF5;
	p2 =	por !p2, p0  }
0x20: {  	[sflag:s8] =	ssyncset.s32 @!p0 $0xFFFFF086;
	s6 =	sadd.s32 @!p0 s3, s7;
	s7 =	simm.s32 @!p0 $0x108  }
0x21: {  	s3 =	sadd.s32 s3, s9;
	s6 =	sadd.s32 @!p0 $0x88, s6;
	s7 =	simm.s32 @p2 $0x1082  }
0x22: {  	[simem:s7], [sflag:s8] =	dma.local @!p0 [hbm:s6], $0xF7A  }
0x23: {  	s9 =	sor.u32 $0xD0000000, s2;
	s6 =	simm.s32 $0x108;
	_ =	swait.ge @!p0 [sflag:s8], $0x0  }
0x24: {  	s3 =	sadd.s32 $0x88, s3;
	s6 =	simm.s32 @!p1 $0x1082;
	[sflag:s4] =	ssyncset.s32 $0xFFFFF086  }
0x25: {  	[simem:s6], [sflag:s4] =	dma.local [hbm:s3], $0xF7A  }
0x26: {  	[smem:$0x3F99] =	sst s1;
	(tag) =	ssettag s2;
	_ =	strace s9  }
0x27: {  	s1 =	sld [smem:$0x3FA9]  }
0x28: {  	s2 =	sld [smem:$0x3FAA]  }
0x29: {  	s4 =	sld [smem:$0x3FAC]  }
0x2a: {  	p0 =	seq.s32 s5, $0x0;
	s5 =	sld [smem:$0x3FAD]  }
0x2b: {  	s6 =	sld [smem:$0x3FAE]  }
0x2c: {  	s7 =	sld [smem:$0x3FAF]  }
0x2d: {  	s3 =	simm.s32 $0x108;
	s8 =	sld [smem:$0x3FB0]  }
0x2e: {  	s3 =	simm.s32 @!p0 $0x1082;
	s9 =	sld [smem:$0x3FB1]  }
0x2f: {  	lr =	sadd.s32 s0, s3;
	s0 =	sld [smem:$0x3FA8]  }
0x30: {  	s3 =	sld [smem:$0x3FAB]  }
0x31: {  	[smem:$0x3FB4] =	sst s10  }
0x32: {  	s10 =	sld [smem:$0x3FB2];
	_ =	sdelay $0x3  }
0x33: {  	p0 =	seq.s32 s10, $0x1;
	s10 =	sld [smem:$0x3FB4];
	_ =	sdelay $0x3  }
0x34: {  	[smem:$0x3FB4] =	sst s10  }
0x35: {  	s10 =	sld [smem:$0x3FB3];
	_ =	sdelay $0x3  }
0x36: {  	p1 =	seq.s32 s10, $0x1;
	s10 =	sld [smem:$0x3FB4];
	_ =	sdelay $0x3  }
0x37: {  	[smem:$0x3FB4] =	sst s10  }
0x38: {  	s10 =	sld [smem:$0x3FB5]  }
0x39: {  	_ = 	snop;
	(pc) =	sbr.ind lr, $3  }
0x3a: {  	_ = 	snop  }
0x3b: {  	_ = 	snop  }
0x3c: {  	p2 =	seq.s32 s10, $0x1;
	s10 =	sld [smem:$0x3FB4]  }
0x3d: {  	_ =	shalt  }
0x3e: {  	_ =	shalt  }
0x3f: {  	_ =	shalt  }
0x40: {  	_ =	shalt  }
0x41: {  	_ =	shalt  }
0x42: {  	_ =	shalt  }
0x43: {  	_ =	shalt  }
0x44: {  	_ =	shalt  }
0x45: {  	_ =	shalt  }
0x46: {  	_ =	shalt  }
0x47: {  	_ =	shalt  }
0x48: {  	_ =	shalt  }
0x49: {  	_ =	shalt  }
0x4a: {  	_ =	shalt  }
0x4b: {  	_ =	shalt  }
0x4c: {  	_ =	shalt  }
0x4d: {  	_ =	shalt  }
0x4e: {  	_ =	shalt  }
0x4f: {  	_ =	shalt  }
0x50: {  	_ =	shalt  }
0x51: {  	_ =	shalt  }
0x52: {  	_ =	shalt  }
0x53: {  	_ =	shalt  }
0x54: {  	_ =	shalt  }
0x55: {  	_ =	shalt  }
0x56: {  	_ =	shalt  }
0x57: {  	_ =	shalt  }
0x58: {  	_ =	shalt  }
0x59: {  	_ =	shalt  }
0x5a: {  	_ =	shalt  }
0x5b: {  	_ =	shalt  }
0x5c: {  	_ =	shalt  }
0x5d: {  	_ =	shalt  }
0x5e: {  	_ =	shalt  }
0x5f: {  	_ =	shalt  }
0x60: {  	_ =	shalt  }
0x61: {  	_ =	shalt  }
0x62: {  	_ =	shalt  }
0x63: {  	_ =	shalt  }
0x64: {  	_ =	shalt  }
0x65: {  	_ =	shalt  }
0x66: {  	_ =	shalt  }
0x67: {  	_ =	shalt  }
0x68: {  	_ =	shalt  }
0x69: {  	_ =	shalt  }
0x6a: {  	_ =	shalt  }
0x6b: {  	_ =	shalt  }
0x6c: {  	_ =	shalt  }
0x6d: {  	_ =	shalt  }
0x6e: {  	_ =	shalt  }
0x6f: {  	_ =	shalt  }
0x70: {  	_ =	shalt  }
0x71: {  	_ =	shalt  }
0x72: {  	_ =	shalt  }
0x73: {  	_ =	shalt  }
0x74: {  	_ =	shalt  }
0x75: {  	_ =	shalt  }
0x76: {  	_ =	shalt  }
0x77: {  	_ =	shalt  }
0x78: {  	_ =	shalt  }
0x79: {  	_ =	shalt  }
0x7a: {  	_ =	shalt  }
0x7b: {  	_ =	shalt  }
0x7c: {  	_ =	shalt  }
0x7d: {  	_ =	shalt  }
0x7e: {  	_ =	shalt  }
0x7f: {  	_ =	shalt  }
0x80: {  	_ =	shalt  }
0x81: {  	_ =	shalt  }
0x82: {  	_ =	shalt  }
0x83: {  	_ =	shalt  }
0x84: {  	_ =	shalt  }
0x85: {  	_ =	shalt  }
0x86: {  	_ =	shalt  }
0x87: {  	_ =	shalt  }
.Lfunc_end0:
.L_simem_size_0:
called_computation.1_lowered:
.L_overlay_start_0:
0x88: {  	s2 =	sld [smem:$0x3FD9]  }
0x89: {  	s3 =	sld [smem:$0x3FFE];
	_ =	sdelay $0x1  }
0x8a: {  	s1 =	srdreg.scid  }
0x8b: {  	s0 =	sand.u32 $0x1, s1  }
0x8c: {  	s17 =	sshll.u32 s0, $0xA;
	s2 =	sadd.s32 s3, s2  }
0x8d: {  	s2 =	sadd.s32 s2, s17  }
0x8e: {  	[smem:$0x3FC0] =	sst s2  }
0x8f: {  	_ = 	snop  }
0x90: {  	s2 =	sld [smem:$0x3FD0];
	(tm) =	ssettm $0x1  }
0x91: {  	s18 =	sld [smem:$0x3FFB];
	_ =	sdelay $0x3  }
0x92: {  	_ =	strace s18  }
0x93: {  	s3 =	sld [smem:$0x3FFC];
	_ =	sdelay $0x3  }
0x94: {  	_ =	strace s3  }
0x95: {  	s3 =	sld [smem:$0x3FFD];
	_ =	sdelay $0x3  }
0x96: {  	_ =	strace s3  }
0x97: {  	_ =	strace $0x8FFFFFFF  }
0x98: {  	s19 =	sld [smem:$0x3FDB];
	_ =	sdelay $0x1  }
0x99: {  	s4 =	simm.s32 $_scs_section_size  }
0x9a: {  	s5 =	simm.s32 $_size__tile_overlayer_lowered;
	s6 =	simm.s32 $_tile_overlayer_lowered  }
0x9b: {  	s22 =	simm.s32 $0x1BFF;
	s21 =	sshll.u32 s6, $0x1;
	s3 =	sadd.s32 s4, s19  }
0x9c: {  	s7 =	simm.s32 $0x0;
	s20 =	sshll.u32 s5, $0x1;
	s5 =	sadd.s32 s21, s3  }
0x9d: {  	[timem:s7], [sflag:s22] =	dma.local [hbm:s5], s20  }
0x9e: {  	_ =	swait.ge [sflag:s22], s20  }
0x9f: {  	s4 =	ssub.s32 $0x0, s20;
	[sflag:s22] =	ssyncset.done $0x0  }
0xa0: {  	[sflag:s22] =	ssyncadd.s32 s4;
	_ =	sdelay $0x1  }
0xa1: {  	s23 =	simm.s32 $0x1B8B  }
0xa2: {  	_ =	swait.ge [sflag:s23], $0x1  }
0xa3: {  	[sflag:s23] =	ssyncset.done $0x0  }
0xa4: {  	s25 =	simm.s32 $0x1B8E;
	s24 =	sld [smem:$0x3FFE];
	[sflag:s23] =	ssyncadd.s32 $0xFFFFFFFF  }
0xa5: {  	s26 =	simm.s32 $execute0_lowered;
	[smem:$0x3FD2] =	sst s25  }
0xa6: {  	s5 =	sshll.u32 s26, $0x1;
	_ =	strace $0x80000049;
	[dreg:$0x1] =	wrdreg $0xFFFFFFFF  }
0xa7: {  	s28 =	simm.s32 $_size_execute0_lowered;
	s3 =	sadd.s32 s3, s5;
	[dreg:$0x0] =	wrdreg $0x0  }
0xa8: {  	s5 =	sshll.u32 s28, $0x1;
	[dreg:$0x2] =	wrdreg s3  }
0xa9: {  	[dreg:$0x3] =	wrdreg s5  }
0xaa: {  	[dreg:$0x4] =	wrdreg $0xC0  }
0xab: {  	_ =	task [dreg:s7], $0x5FFFF  }
0xac: {  	[dreg:$0x1] =	wrdreg $0xFFFFFFFF  }
0xad: {  	[dreg:$0x0] =	wrdreg $0x60  }
0xae: {  	[dreg:$0x2] =	wrdreg s2  }
0xaf: {  	[dreg:$0x3] =	wrdreg s24  }
0xb0: {  	[dreg:$0x4] =	wrdreg $0x11A000  }
0xb1: {  	[dreg:$0x5] =	wrdreg $0x9  }
0xb2: {  	_ =	task.clear_ibuf [dreg:s7], $0x6FFFF;
	_ =	strace $0x90000049  }
0xb3: {  	s29 =	simm.s32 $0x9;
	_ =	strace $0x8000004B  }
0xb4: {  	_ =	swait.ge [sflag:s29], $0x1  }
0xb5: {  	[sflag:s29] =	ssyncadd.s32 $0xFFFFFFFF  }
0xb6: {  	_ =	strace $0x9000004B  }
0xb7: {  	_ =	sfence  }
0xb8: {  	s30 =	sld [smem:$0x0];
	_ =	sdelay $0x2  }
0xb9: {  	s31 =	sshll.u32 s1, $0xD;
	s1 =	sshrl.u32 s1, $0x2  }
0xba: {  	s3 =	sand.u32 $0x4000, s31;
	s1 =	sadd.s32 s1, s30  }
0xbb: {  	s0 =	sor.u32 s3, s0;
	s1 =	sshll.u32 s1, $0x11  }
0xbc: {  	s0 =	sor.u32 s1, s0  }
0xbd: {  	s0 =	sadd.s32 $0x8F2B, s0  }
0xbe: {  	[sflag:s0] =	ssyncadd.remote.s32 $0x1  }
0xbf: {  	_ =	sfence.sel $0xFFFF  }
0xc0: {  	[dreg:$0x0] =	wrdreg $0xFFFFFFFF;
	(pc) =	sbr.abs _section_cstart, $3  }
0xc1: {  	[dreg:$0x1] =	wrdreg $0xFFFFFFFF  }
0xc2: {  	_ =	task.clear_ibuf [dreg:s7], $0x2FFFF;
	_ =	strace $0x9FFFFFFF  }
0xc3: {  	(tm) =	ssettm $0x7FFFFFFF  }
tec
execute0_lowered:
.L_overlay_start_1:
0x0: {  	(tag) =	ssettag $0x1  }
0x1: {  	s0 =	rddreg [dreg:$0x0]  }
0x2: {  	s1 =	rddreg [dreg:$0x1]  }
0x3: {  	s2 =	rddreg [dreg:$0x2];
	s11 =	stileid.u32  }
0x4: {  	s3 =	simm.s32 $0x0;
	s5 =	srdreg.scid;
	s25 =	simm.s32 $0x100  }
0x5: {  	s12 =	simm.s32 $0x1100;
	s14 =	simm.s32 $0x400;
	s15 =	simm.s32 $0x1200  }
0x6: {  	s16 =	simm.s32 $0x500;
	s17 =	simm.s32 $0x1300;
	s18 =	simm.s32 $0x600  }
0x7: {  	s19 =	simm.s32 $0x1400;
	s20 =	simm.s32 $0x700;
	[smem:$0x7FF] =	sst s3  }
0x8: {  	s28 =	simm.s32 $0xC00;
	_ =	strace $0x8000004A;
	[dreg:$0x6] =	wrdreg s25  }
0x9: {  	s29 =	simm.s32 $0x1A00;
	s30 =	simm.s32 $0xD00;
	[dreg:$0x9] =	wrdreg s12  }
0xa: {  	s31 =	simm.s32 $0x1B00;
	s4 =	smul.u32 $0xA00, s11;
	[dreg:$0xa] =	wrdreg s14  }
0xb: {  	s6 =	smul.u32 $0x9C00, s11;
	s5 =	sand.u32 $0x1, s5;
	[dreg:$0xb] =	wrdreg s15  }
0xc: {  	s22 =	sshll.u32 s11, $0x6;
	p0 =	sne.s32 s11, $0xF;
	[dreg:$0xc] =	wrdreg s16  }
0xd: {  	s7 =	smul.u32 $0x13880, s5;
	s5 =	ssub.s32 $0x2, s5;
	[dreg:$0xd] =	wrdreg s17  }
0xe: {  	s13 =	sor.u32 $0x1C05, s22;
	s12 =	simm.s32 $0x5;
	[dreg:$0xe] =	wrdreg s18  }
0xf: {  	s14 =	simm.s32 $0x1000;
	s15 =	simm.s32 $0xFA;
	[dreg:$0xf] =	wrdreg s19  }
0x10: {  	s16 =	simm.s32 $0x2000;
	[dreg:$0x10] =	wrdreg s20;
	s22 =	simm.s32 $0x800  }
0x11: {  	s17 =	simm.s32 $0x5E80;
	s25 =	simm.s32 $0x1700;
	[dreg:$0x12] =	wrdreg s22  }
0x12: {  	s18 =	simm.s32 $0x1;
	s19 =	simm.s32 $0x9D00;
	[dreg:$0x15] =	wrdreg s25  }
0x13: {  	s20 =	simm.s32 $0x2;
	s9 =	sshrl.u32 s6, $0x3;
	[dreg:$0x19] =	wrdreg s13  }
0x14: {  	s4 =	sadd.s32 s4, s1;
	s8 =	sshrl.u32 s5, $0x1;
	[dreg:$0x17] =	wrdreg s9  }
0x15: {  	s9 =	sadd.s32 s9, s1;
	s10 =	sadd.s32 s7, s1;
	s1 =	sadd.s32 $0x2EA00, s1  }
0x16: {  	s6 =	sadd.s32 s6, s2;
	s23 =	sadd.s32 $0x2000, s4;
	[dreg:$0x1a] =	wrdreg s1  }
0x17: {  	s22 =	simm.s32 $0x3;
	s24 =	sadd.s32 $0xC000, s4;
	[dreg:$0x4] =	wrdreg s23  }
0x18: {  	s25 =	simm.s32 $0xB00;
	s4 =	simm.s32 $0x200;
	[dreg:$0x5] =	wrdreg s24  }
0x19: {  	s11 =	sshrl.u32 s6, $0x3;
	s6 =	simm.s32 $0x0;
	[dreg:$0x7] =	wrdreg s4  }
0x1a: {  	s5 =	ssub.s32 s5, s8;
	s8 =	sadd.s32 s0, s7;
	[dreg:$0x1f] =	wrdreg s6  }
0x1b: {  	s0 =	simm.s32 $0xE00;
	s21 =	sadd.s32 $0x1B200, s9;
	[dreg:$0x1d] =	wrdreg s11  }
0x1c: {  	s9 =	sadd.s32 $0x9C000, s2;
	s26 =	sadd.s32 $0x2EC00, s10;
	[dreg:$0x18] =	wrdreg s21  }
0x1d: {  	s7 =	smax.u32 s5, $0x1;
	s10 =	simm.s32 $0x300;
	[dreg:$0x1b] =	wrdreg s26  }
0x1e: {  	s23 =	simm.s32 $0x1600;
	s24 =	simm.s32 $0x900;
	[dreg:$0x1c] =	wrdreg s7  }
0x1f: {  	s1 =	simm.s32 $0x1C00;
	s5 =	simm.s32 $0xF00;
	[dreg:$0x8] =	wrdreg s10  }
0x20: {  	s4 =	simm.s32 $0x1F00;
	s9 =	sshrl.u32 @!p0 s9, $0x3;
	[dreg:$0x13] =	wrdreg s23  }
0x21: {  	s21 =	simm.s32 $0x1500;
	[dreg:$0x14] =	wrdreg s24;
	s23 =	simm.s32 $0x4  }
0x22: {  	s26 =	simm.s32 $0xA00;
	s24 =	simm.s32 $0x1800;
	[dreg:$0x11] =	wrdreg s21  }
0x23: {  	s7 =	simm.s32 $0x1D00;
	s10 =	simm.s32 $0x1E00;
	[dreg:$0x16] =	wrdreg s26  }
0x24: {  	s21 =	simm.s32 $0xDB80;
	s26 =	simm.s32 $0x1900;
	[dreg:$0x1e] =	wrdreg s9  }
.LBB2_1:
0x25: {  	s6 =	rddreg [dreg:$0x18]  }
0x26: {  	[spmem:s11], [sflag:s13] =	dma.local [hbm:s6], $0x1380  }
0x27: {  	_ =	swait.ge [sflag:s12], $0x1380  }
0x28: {  	[sflag:s12] =	ssyncset.done $0x0  }
0x29: {  	s6 =	rddreg [dreg:$0x1a];
	[sflag:s12] =	ssyncadd.s32 $0xFFFFEC80  }
0x2a: {  	[spmem:s9], [sflag:s13] =	dma.local @!p0 [hbm:s6], $0x80  }
0x2b: {  	s6 =	simm.s32 @!p0 $0x5  }
0x2c: {  	_ =	swait.ge @!p0 [sflag:s6], $0x80  }
0x2d: {  	[sflag:s6] =	ssyncset.done @!p0 $0x0  }
0x2e: {  	[sflag:s6] =	ssyncadd.s32 @!p0 $0xFFFFFF80  }
0x2f: {  	[bflag:$0x0] =	sbarrier.arrive $0xFFFF  }
0x30: {  	s11 =	rddreg [dreg:$0x5]  }
0x31: {  	s6 =	sadd.s32 $0x0, s11  }
0x32: {  	[tilespmem:s3], [sflag:$0x5] =	stream.linear.gather [hbm4b:s6+s3], $0x1000, $0x38;
	[tilespmem:$0x1B640] =	vst v63  }
0x33: {  	_ =	swait.ge [sflag:s12], $0x1000  }
0x34: {  	s13 =	rddreg [dreg:$0x4];
	[sflag:s12] =	ssyncset.done $0x0  }
0x35: {  	[sflag:s12] =	ssyncadd.s32 $0xFFFFF000;
	s6 =	sadd.s32 $0x0, s13  }
0x36: {  	[tilespmem:s14], [sflag:$0x5] =	stream.linear.gather [hbm4b:s6+s3], $0x1000, $0x38;
	[tilespmem:$0x1B640] =	vst v63  }
0x37: {  	_ =	swait.ge [sflag:s12], $0x1000  }
0x38: {  	[sflag:s12] =	ssyncset.done $0x0  }
0x39: {  	[sflag:s12] =	ssyncadd.s32 $0xFFFFF000  }
0x3a: {  	[tilespmem:s16], [sflag:$0x1] =	stream.indirect.gather [hbm4b:s8+s15], $0x40, s3, s15, $0xb8;
	[tilespmem:$0x1B640] =	vst v63  }
0x3b: {  	s9 =	rddreg [dreg:$0x6]  }
0x3c: {  	[tilespmem:s17], [sflag:$0x2] =	stream.indirect.gather [hbm4b:s8+s15], $0x40, s9, s15, $0xb8;
	[tilespmem:$0x1B640] =	vst v63  }
0x3d: {  	_ =	swait.ge [sflag:s18], $0x3E80  }
0x3e: {  	[sflag:s18] =	ssyncset.done $0x0  }
0x3f: {  	s11 =	rddreg [dreg:$0x7];
	[sflag:s18] =	ssyncadd.s32 $0xFFFFC180  }
0x40: {  	[tilespmem:s19], [sflag:$0x3] =	stream.indirect.gather [hbm4b:s8+s15], $0x40, s11, s15, $0xb8;
	[tilespmem:$0x1B640] =	vst v63  }
0x41: {  	_ = 	snop  }
0x42: {  	[spmem:s2] =	stream.indirect.scatter.add.f32 [tilespmem:s16], [sflag:$0x5], $0x40, s14, s15, $0xb8;
	[tilespmem:$0x1B640] =	vst v63  }
0x43: {  	_ =	swait.ge [sflag:s12], $0x3E80  }
0x44: {  	[sflag:s12] =	ssyncset.done $0x0  }
0x45: {  	[sflag:s12] =	ssyncadd.s32 $0xFFFFC180  }
0x46: {  	_ =	swait.ge [sflag:s20], $0x3E80  }
0x47: {  	[sflag:s20] =	ssyncset.done $0x0  }
0x48: {  	s13 =	rddreg [dreg:$0x8];
	[sflag:s20] =	ssyncadd.s32 $0xFFFFC180  }
0x49: {  	[tilespmem:s21], [sflag:$0x4] =	stream.indirect.gather [hbm4b:s8+s15], $0x40, s13, s15, $0xb8;
	[tilespmem:$0x1B640] =	vst v63  }
0x4a: {  	s9 =	rddreg [dreg:$0x9]  }
0x4b: {  	[spmem:s2] =	stream.indirect.scatter.add.f32 [tilespmem:s17], [sflag:$0x5], $0x40, s9, s15, $0xb8;
	[tilespmem:$0x1B640] =	vst v63  }
0x4c: {  	_ =	swait.ge [sflag:s12], $0x3E80  }
0x4d: {  	[sflag:s12] =	ssyncset.done $0x0  }
0x4e: {  	[sflag:s12] =	ssyncadd.s32 $0xFFFFC180  }
0x4f: {  	_ =	swait.ge [sflag:s22], $0x3E80  }
0x50: {  	[sflag:s22] =	ssyncset.done $0x0  }
0x51: {  	s13 =	rddreg [dreg:$0xa];
	[sflag:s22] =	ssyncadd.s32 $0xFFFFC180  }
0x52: {  	[tilespmem:s16], [sflag:$0x1] =	stream.indirect.gather [hbm4b:s8+s15], $0x40, s13, s15, $0xb8;
	[tilespmem:$0x1B640] =	vst v63  }
0x53: {  	s9 =	rddreg [dreg:$0xb]  }
0x54: {  	[spmem:s2] =	stream.indirect.scatter.add.f32 [tilespmem:s19], [sflag:$0x5], $0x40, s9, s15, $0xb8;
	[tilespmem:$0x1B640] =	vst v63  }
0x55: {  	_ =	swait.ge [sflag:s12], $0x3E80  }
0x56: {  	[sflag:s12] =	ssyncset.done $0x0  }
0x57: {  	[sflag:s12] =	ssyncadd.s32 $0xFFFFC180  }
0x58: {  	_ =	swait.ge [sflag:s23], $0x3E80  }
0x59: {  	[sflag:s23] =	ssyncset.done $0x0  }
0x5a: {  	s13 =	rddreg [dreg:$0xc];
	[sflag:s23] =	ssyncadd.s32 $0xFFFFC180  }
0x5b: {  	[tilespmem:s17], [sflag:$0x2] =	stream.indirect.gather [hbm4b:s8+s15], $0x40, s13, s15, $0xb8;
	[tilespmem:$0x1B640] =	vst v63  }
0x5c: {  	s9 =	rddreg [dreg:$0xd]  }
0x5d: {  	[spmem:s2] =	stream.indirect.scatter.add.f32 [tilespmem:s21], [sflag:$0x5], $0x40, s9, s15, $0xb8;
	[tilespmem:$0x1B640] =	vst v63  }
0x5e: {  	_ =	swait.ge [sflag:s12], $0x3E80  }
0x5f: {  	[sflag:s12] =	ssyncset.done $0x0  }
0x60: {  	[sflag:s12] =	ssyncadd.s32 $0xFFFFC180  }
0x61: {  	_ =	swait.ge [sflag:s18], $0x3E80  }
0x62: {  	[sflag:s18] =	ssyncset.done $0x0  }
0x63: {  	s13 =	rddreg [dreg:$0xe];
	[sflag:s18] =	ssyncadd.s32 $0xFFFFC180  }
0x64: {  	[tilespmem:s19], [sflag:$0x3] =	stream.indirect.gather [hbm4b:s8+s15], $0x40, s13, s15, $0xb8;
	[tilespmem:$0x1B640] =	vst v63  }
0x65: {  	s9 =	rddreg [dreg:$0xf]  }
0x66: {  	[spmem:s2] =	stream.indirect.scatter.add.f32 [tilespmem:s16], [sflag:$0x5], $0x40, s9, s15, $0xb8;
	[tilespmem:$0x1B640] =	vst v63  }
0x67: {  	_ =	swait.ge [sflag:s12], $0x3E80  }
0x68: {  	[sflag:s12] =	ssyncset.done $0x0  }
0x69: {  	[sflag:s12] =	ssyncadd.s32 $0xFFFFC180  }
0x6a: {  	_ =	swait.ge [sflag:s20], $0x3E80  }
0x6b: {  	[sflag:s20] =	ssyncset.done $0x0  }
0x6c: {  	s13 =	rddreg [dreg:$0x10];
	[sflag:s20] =	ssyncadd.s32 $0xFFFFC180  }
0x6d: {  	[tilespmem:s21], [sflag:$0x4] =	stream.indirect.gather [hbm4b:s8+s15], $0x40, s13, s15, $0xb8;
	[tilespmem:$0x1B640] =	vst v63  }
0x6e: {  	s9 =	rddreg [dreg:$0x11]  }
0x6f: {  	[spmem:s2] =	stream.indirect.scatter.add.f32 [tilespmem:s17], [sflag:$0x5], $0x40, s9, s15, $0xb8;
	[tilespmem:$0x1B640] =	vst v63  }
0x70: {  	_ =	swait.ge [sflag:s12], $0x3E80  }
0x71: {  	[sflag:s12] =	ssyncset.done $0x0  }
0x72: {  	[sflag:s12] =	ssyncadd.s32 $0xFFFFC180  }
0x73: {  	_ =	swait.ge [sflag:s22], $0x3E80  }
0x74: {  	[sflag:s22] =	ssyncset.done $0x0  }
0x75: {  	s13 =	rddreg [dreg:$0x12];
	[sflag:s22] =	ssyncadd.s32 $0xFFFFC180  }
0x76: {  	[tilespmem:s16], [sflag:$0x1] =	stream.indirect.gather [hbm4b:s8+s15], $0x40, s13, s15, $0xb8;
	[tilespmem:$0x1B640] =	vst v63  }
0x77: {  	s9 =	rddreg [dreg:$0x13]  }
0x78: {  	[spmem:s2] =	stream.indirect.scatter.add.f32 [tilespmem:s19], [sflag:$0x5], $0x40, s9, s15, $0xb8;
	[tilespmem:$0x1B640] =	vst v63  }
0x79: {  	_ =	swait.ge [sflag:s12], $0x3E80  }
0x7a: {  	[sflag:s12] =	ssyncset.done $0x0  }
0x7b: {  	[sflag:s12] =	ssyncadd.s32 $0xFFFFC180  }
0x7c: {  	_ =	swait.ge [sflag:s23], $0x3E80  }
0x7d: {  	[sflag:s23] =	ssyncset.done $0x0  }
0x7e: {  	s13 =	rddreg [dreg:$0x14];
	[sflag:s23] =	ssyncadd.s32 $0xFFFFC180  }
0x7f: {  	[tilespmem:s17], [sflag:$0x2] =	stream.indirect.gather [hbm4b:s8+s15], $0x40, s13, s15, $0xb8;
	[tilespmem:$0x1B640] =	vst v63  }
0x80: {  	s9 =	rddreg [dreg:$0x15]  }
0x81: {  	[spmem:s2] =	stream.indirect.scatter.add.f32 [tilespmem:s21], [sflag:$0x5], $0x40, s9, s15, $0xb8;
	[tilespmem:$0x1B640] =	vst v63  }
0x82: {  	_ =	swait.ge [sflag:s12], $0x3E80  }
0x83: {  	[sflag:s12] =	ssyncset.done $0x0  }
0x84: {  	[sflag:s12] =	ssyncadd.s32 $0xFFFFC180  }
0x85: {  	_ =	swait.ge [sflag:s18], $0x3E80  }
0x86: {  	[sflag:s18] =	ssyncset.done $0x0  }
0x87: {  	s13 =	rddreg [dreg:$0x16];
	[sflag:s18] =	ssyncadd.s32 $0xFFFFC180  }
0x88: {  	[tilespmem:s19], [sflag:$0x3] =	stream.indirect.gather [hbm4b:s8+s15], $0x40, s13, s15, $0xb8;
	[tilespmem:$0x1B640] =	vst v63  }
0x89: {  	_ = 	snop  }
0x8a: {  	[spmem:s2] =	stream.indirect.scatter.add.f32 [tilespmem:s16], [sflag:$0x5], $0x40, s24, s15, $0xb8;
	[tilespmem:$0x1B640] =	vst v63  }
0x8b: {  	_ =	swait.ge [sflag:s12], $0x3E80  }
0x8c: {  	[sflag:s12] =	ssyncset.done $0x0  }
0x8d: {  	[sflag:s12] =	ssyncadd.s32 $0xFFFFC180  }
0x8e: {  	_ =	swait.ge [sflag:s20], $0x3E80  }
0x8f: {  	[sflag:s20] =	ssyncset.done $0x0  }
0x90: {  	[sflag:s20] =	ssyncadd.s32 $0xFFFFC180  }
0x91: {  	[tilespmem:s21], [sflag:$0x4] =	stream.indirect.gather [hbm4b:s8+s15], $0x40, s25, s15, $0xb8;
	[tilespmem:$0x1B640] =	vst v63  }
0x92: {  	_ = 	snop  }
0x93: {  	[spmem:s2] =	stream.indirect.scatter.add.f32 [tilespmem:s17], [sflag:$0x5], $0x40, s26, s15, $0xb8;
	[tilespmem:$0x1B640] =	vst v63  }
0x94: {  	_ =	swait.ge [sflag:s12], $0x3E80  }
0x95: {  	[sflag:s12] =	ssyncset.done $0x0  }
0x96: {  	[sflag:s12] =	ssyncadd.s32 $0xFFFFC180  }
0x97: {  	_ =	swait.ge [sflag:s22], $0x3E80  }
0x98: {  	[sflag:s22] =	ssyncset.done $0x0  }
0x99: {  	[sflag:s22] =	ssyncadd.s32 $0xFFFFC180  }
0x9a: {  	[tilespmem:s16], [sflag:$0x1] =	stream.indirect.gather [hbm4b:s8+s15], $0x40, s28, s15, $0xb8;
	[tilespmem:$0x1B640] =	vst v63  }
0x9b: {  	_ = 	snop  }
0x9c: {  	[spmem:s2] =	stream.indirect.scatter.add.f32 [tilespmem:s19], [sflag:$0x5], $0x40, s29, s15, $0xb8;
	[tilespmem:$0x1B640] =	vst v63  }
0x9d: {  	_ =	swait.ge [sflag:s12], $0x3E80  }
0x9e: {  	[sflag:s12] =	ssyncset.done $0x0  }
0x9f: {  	[sflag:s12] =	ssyncadd.s32 $0xFFFFC180  }
0xa0: {  	_ =	swait.ge [sflag:s23], $0x3E80  }
0xa1: {  	[sflag:s23] =	ssyncset.done $0x0  }
0xa2: {  	[sflag:s23] =	ssyncadd.s32 $0xFFFFC180  }
0xa3: {  	[tilespmem:s17], [sflag:$0x2] =	stream.indirect.gather [hbm4b:s8+s15], $0x40, s30, s15, $0xb8;
	[tilespmem:$0x1B640] =	vst v63  }
0xa4: {  	_ = 	snop  }
0xa5: {  	[spmem:s2] =	stream.indirect.scatter.add.f32 [tilespmem:s21], [sflag:$0x5], $0x40, s31, s15, $0xb8;
	[tilespmem:$0x1B640] =	vst v63  }
0xa6: {  	_ =	swait.ge [sflag:s12], $0x3E80  }
0xa7: {  	[sflag:s12] =	ssyncset.done $0x0  }
0xa8: {  	[sflag:s12] =	ssyncadd.s32 $0xFFFFC180  }
0xa9: {  	_ =	swait.ge [sflag:s18], $0x3E80  }
0xaa: {  	[sflag:s18] =	ssyncset.done $0x0  }
0xab: {  	[sflag:s18] =	ssyncadd.s32 $0xFFFFC180  }
0xac: {  	[tilespmem:s19], [sflag:$0x3] =	stream.indirect.gather [hbm4b:s8+s15], $0x40, s0, s15, $0xb8;
	[tilespmem:$0x1B640] =	vst v63  }
0xad: {  	_ = 	snop  }
0xae: {  	[spmem:s2] =	stream.indirect.scatter.add.f32 [tilespmem:s16], [sflag:$0x5], $0x40, s1, s15, $0xb8;
	[tilespmem:$0x1B640] =	vst v63  }
0xaf: {  	_ =	swait.ge [sflag:s12], $0x3E80  }
0xb0: {  	[sflag:s12] =	ssyncset.done $0x0  }
0xb1: {  	[sflag:s12] =	ssyncadd.s32 $0xFFFFC180  }
0xb2: {  	_ =	swait.ge [sflag:s20], $0x3E80  }
0xb3: {  	[sflag:s20] =	ssyncset.done $0x0  }
0xb4: {  	[sflag:s20] =	ssyncadd.s32 $0xFFFFC180  }
0xb5: {  	[tilespmem:s21], [sflag:$0x4] =	stream.indirect.gather [hbm4b:s8+s15], $0x40, s5, s15, $0xb8;
	[tilespmem:$0x1B640] =	vst v63  }
0xb6: {  	_ = 	snop  }
0xb7: {  	[spmem:s2] =	stream.indirect.scatter.add.f32 [tilespmem:s17], [sflag:$0x5], $0x40, s7, s15, $0xb8;
	[tilespmem:$0x1B640] =	vst v63  }
0xb8: {  	_ =	swait.ge [sflag:s12], $0x3E80  }
0xb9: {  	[sflag:s12] =	ssyncset.done $0x0  }
0xba: {  	[sflag:s12] =	ssyncadd.s32 $0xFFFFC180  }
0xbb: {  	_ =	swait.ge [sflag:s22], $0x3E80  }
0xbc: {  	[sflag:s22] =	ssyncset.done $0x0  }
0xbd: {  	[sflag:s22] =	ssyncadd.s32 $0xFFFFC180  }
0xbe: {  	[spmem:s2] =	stream.indirect.scatter.add.f32 [tilespmem:s19], [sflag:$0x5], $0x40, s10, s15, $0xb8;
	[tilespmem:$0x1B640] =	vst v63  }
0xbf: {  	_ =	swait.ge [sflag:s12], $0x3E80  }
0xc0: {  	[sflag:s12] =	ssyncset.done $0x0  }
0xc1: {  	[sflag:s12] =	ssyncadd.s32 $0xFFFFC180  }
0xc2: {  	_ =	swait.ge [sflag:s23], $0x3E80  }
0xc3: {  	[sflag:s23] =	ssyncset.done $0x0  }
0xc4: {  	[sflag:s23] =	ssyncadd.s32 $0xFFFFC180  }
0xc5: {  	[spmem:s2] =	stream.indirect.scatter.add.f32 [tilespmem:s21], [sflag:$0x5], $0x40, s4, s15, $0xb8;
	[tilespmem:$0x1B640] =	vst v63  }
0xc6: {  	s11 =	simm.s32 $0x200;
	_ =	swait.ge [sflag:s12], $0x3E80  }
0xc7: {  	s13 =	simm.s32 $0x400;
	s6 =	rddreg [dreg:$0x5];
	[sflag:s12] =	ssyncset.done $0x0  }
.LBB2_2:
0xc8: {  	[sflag:s12] =	ssyncadd.s32 $0xFFFFC180;
	s6 =	sadd.s32 s11, s6  }
0xc9: {  	[tilespmem:s3], [sflag:$0x5] =	stream.linear.gather [hbm4b:s6+s3], $0x1000, $0x38;
	[tilespmem:$0x1B640] =	vst v63  }
0xca: {  	_ =	swait.ge [sflag:s12], $0x1000  }
0xcb: {  	s6 =	rddreg [dreg:$0x4];
	[sflag:s12] =	ssyncset.done $0x0  }
0xcc: {  	[sflag:s12] =	ssyncadd.s32 $0xFFFFF000;
	s6 =	sadd.s32 s11, s6  }
0xcd: {  	[tilespmem:s14], [sflag:$0x5] =	stream.linear.gather [hbm4b:s6+s3], $0x1000, $0x38;
	[tilespmem:$0x1B640] =	vst v63  }
0xce: {  	_ =	swait.ge [sflag:s12], $0x1000  }
0xcf: {  	[sflag:s12] =	ssyncset.done $0x0  }
0xd0: {  	s9 =	smov.u32 s13;
	[sflag:s12] =	ssyncadd.s32 $0xFFFFF000  }
0xd1: {  	[tilespmem:s16], [sflag:$0x1] =	stream.indirect.gather [hbm4b:s8+s15], $0x40, s3, s15, $0xb8;
	[tilespmem:$0x1B640] =	vst v63  }
0xd2: {  	s11 =	smov.u32 s9;
	s9 =	rddreg [dreg:$0x6]  }
0xd3: {  	[tilespmem:s17], [sflag:$0x2] =	stream.indirect.gather [hbm4b:s8+s15], $0x40, s9, s15, $0xb8;
	[tilespmem:$0x1B640] =	vst v63  }
0xd4: {  	_ =	swait.ge [sflag:s18], $0x3E80  }
0xd5: {  	[sflag:s18] =	ssyncset.done $0x0  }
0xd6: {  	s9 =	rddreg [dreg:$0x7];
	[sflag:s18] =	ssyncadd.s32 $0xFFFFC180  }
0xd7: {  	[tilespmem:s19], [sflag:$0x3] =	stream.indirect.gather [hbm4b:s8+s15], $0x40, s9, s15, $0xb8;
	[tilespmem:$0x1B640] =	vst v63  }
0xd8: {  	_ = 	snop  }
0xd9: {  	[spmem:s2] =	stream.indirect.scatter.add.f32 [tilespmem:s16], [sflag:$0x5], $0x40, s14, s15, $0xb8;
	[tilespmem:$0x1B640] =	vst v63  }
0xda: {  	_ =	swait.ge [sflag:s12], $0x3E80  }
0xdb: {  	[sflag:s12] =	ssyncset.done $0x0  }
0xdc: {  	[sflag:s12] =	ssyncadd.s32 $0xFFFFC180  }
0xdd: {  	_ =	swait.ge [sflag:s20], $0x3E80  }
0xde: {  	[sflag:s20] =	ssyncset.done $0x0  }
0xdf: {  	s6 =	rddreg [dreg:$0x8];
	[sflag:s20] =	ssyncadd.s32 $0xFFFFC180  }
0xe0: {  	[tilespmem:s21], [sflag:$0x4] =	stream.indirect.gather [hbm4b:s8+s15], $0x40, s6, s15, $0xb8;
	[tilespmem:$0x1B640] =	vst v63  }
0xe1: {  	s9 =	rddreg [dreg:$0x9]  }
0xe2: {  	[spmem:s2] =	stream.indirect.scatter.add.f32 [tilespmem:s17], [sflag:$0x5], $0x40, s9, s15, $0xb8;
	[tilespmem:$0x1B640] =	vst v63  }
0xe3: {  	_ =	swait.ge [sflag:s12], $0x3E80  }
0xe4: {  	[sflag:s12] =	ssyncset.done $0x0  }
0xe5: {  	[sflag:s12] =	ssyncadd.s32 $0xFFFFC180  }
0xe6: {  	_ =	swait.ge [sflag:s22], $0x3E80  }
0xe7: {  	[sflag:s22] =	ssyncset.done $0x0  }
0xe8: {  	s6 =	rddreg [dreg:$0xa];
	[sflag:s22] =	ssyncadd.s32 $0xFFFFC180  }
0xe9: {  	[tilespmem:s16], [sflag:$0x1] =	stream.indirect.gather [hbm4b:s8+s15], $0x40, s6, s15, $0xb8;
	[tilespmem:$0x1B640] =	vst v63  }
0xea: {  	s9 =	rddreg [dreg:$0xb]  }
0xeb: {  	[spmem:s2] =	stream.indirect.scatter.add.f32 [tilespmem:s19], [sflag:$0x5], $0x40, s9, s15, $0xb8;
	[tilespmem:$0x1B640] =	vst v63  }
0xec: {  	_ =	swait.ge [sflag:s12], $0x3E80  }
0xed: {  	[sflag:s12] =	ssyncset.done $0x0  }
0xee: {  	[sflag:s12] =	ssyncadd.s32 $0xFFFFC180  }
0xef: {  	_ =	swait.ge [sflag:s23], $0x3E80  }
0xf0: {  	[sflag:s23] =	ssyncset.done $0x0  }
0xf1: {  	s6 =	rddreg [dreg:$0xc];
	[sflag:s23] =	ssyncadd.s32 $0xFFFFC180  }
0xf2: {  	[tilespmem:s17], [sflag:$0x2] =	stream.indirect.gather [hbm4b:s8+s15], $0x40, s6, s15, $0xb8;
	[tilespmem:$0x1B640] =	vst v63  }
0xf3: {  	s9 =	rddreg [dreg:$0xd]  }
0xf4: {  	[spmem:s2] =	stream.indirect.scatter.add.f32 [tilespmem:s21], [sflag:$0x5], $0x40, s9, s15, $0xb8;
	[tilespmem:$0x1B640] =	vst v63  }
0xf5: {  	_ =	swait.ge [sflag:s12], $0x3E80  }
0xf6: {  	[sflag:s12] =	ssyncset.done $0x0  }
0xf7: {  	[sflag:s12] =	ssyncadd.s32 $0xFFFFC180  }
0xf8: {  	_ =	swait.ge [sflag:s18], $0x3E80  }
0xf9: {  	[sflag:s18] =	ssyncset.done $0x0  }
0xfa: {  	s6 =	rddreg [dreg:$0xe];
	[sflag:s18] =	ssyncadd.s32 $0xFFFFC180  }
0xfb: {  	[tilespmem:s19], [sflag:$0x3] =	stream.indirect.gather [hbm4b:s8+s15], $0x40, s6, s15, $0xb8;
	[tilespmem:$0x1B640] =	vst v63  }
0xfc: {  	s9 =	rddreg [dreg:$0xf]  }
0xfd: {  	[spmem:s2] =	stream.indirect.scatter.add.f32 [tilespmem:s16], [sflag:$0x5], $0x40, s9, s15, $0xb8;
	[tilespmem:$0x1B640] =	vst v63  }
0xfe: {  	_ =	swait.ge [sflag:s12], $0x3E80  }
0xff: {  	[sflag:s12] =	ssyncset.done $0x0  }
0x100: {  	[sflag:s12] =	ssyncadd.s32 $0xFFFFC180  }
0x101: {  	_ =	swait.ge [sflag:s20], $0x3E80  }
0x102: {  	[sflag:s20] =	ssyncset.done $0x0  }
0x103: {  	s6 =	rddreg [dreg:$0x10];
	[sflag:s20] =	ssyncadd.s32 $0xFFFFC180  }
0x104: {  	[tilespmem:s21], [sflag:$0x4] =	stream.indirect.gather [hbm4b:s8+s15], $0x40, s6, s15, $0xb8;
	[tilespmem:$0x1B640] =	vst v63  }
0x105: {  	s9 =	rddreg [dreg:$0x11]  }
0x106: {  	[spmem:s2] =	stream.indirect.scatter.add.f32 [tilespmem:s17], [sflag:$0x5], $0x40, s9, s15, $0xb8;
	[tilespmem:$0x1B640] =	vst v63  }
0x107: {  	_ =	swait.ge [sflag:s12], $0x3E80  }
0x108: {  	[sflag:s12] =	ssyncset.done $0x0  }
0x109: {  	[sflag:s12] =	ssyncadd.s32 $0xFFFFC180  }
0x10a: {  	_ =	swait.ge [sflag:s22], $0x3E80  }
0x10b: {  	[sflag:s22] =	ssyncset.done $0x0  }
0x10c: {  	s6 =	rddreg [dreg:$0x12];
	[sflag:s22] =	ssyncadd.s32 $0xFFFFC180  }
0x10d: {  	[tilespmem:s16], [sflag:$0x1] =	stream.indirect.gather [hbm4b:s8+s15], $0x40, s6, s15, $0xb8;
	[tilespmem:$0x1B640] =	vst v63  }
0x10e: {  	s9 =	rddreg [dreg:$0x13]  }
0x10f: {  	[spmem:s2] =	stream.indirect.scatter.add.f32 [tilespmem:s19], [sflag:$0x5], $0x40, s9, s15, $0xb8;
	[tilespmem:$0x1B640] =	vst v63  }
0x110: {  	_ =	swait.ge [sflag:s12], $0x3E80  }
0x111: {  	[sflag:s12] =	ssyncset.done $0x0  }
0x112: {  	[sflag:s12] =	ssyncadd.s32 $0xFFFFC180  }
0x113: {  	_ =	swait.ge [sflag:s23], $0x3E80  }
0x114: {  	[sflag:s23] =	ssyncset.done $0x0  }
0x115: {  	s6 =	rddreg [dreg:$0x14];
	[sflag:s23] =	ssyncadd.s32 $0xFFFFC180  }
0x116: {  	[tilespmem:s17], [sflag:$0x2] =	stream.indirect.gather [hbm4b:s8+s15], $0x40, s6, s15, $0xb8;
	[tilespmem:$0x1B640] =	vst v63  }
0x117: {  	s9 =	rddreg [dreg:$0x15]  }
0x118: {  	[spmem:s2] =	stream.indirect.scatter.add.f32 [tilespmem:s21], [sflag:$0x5], $0x40, s9, s15, $0xb8;
	[tilespmem:$0x1B640] =	vst v63  }
0x119: {  	_ =	swait.ge [sflag:s12], $0x3E80  }
0x11a: {  	[sflag:s12] =	ssyncset.done $0x0  }
0x11b: {  	[sflag:s12] =	ssyncadd.s32 $0xFFFFC180  }
0x11c: {  	_ =	swait.ge [sflag:s18], $0x3E80  }
0x11d: {  	[sflag:s18] =	ssyncset.done $0x0  }
0x11e: {  	s9 =	rddreg [dreg:$0x16];
	[sflag:s18] =	ssyncadd.s32 $0xFFFFC180  }
0x11f: {  	[tilespmem:s19], [sflag:$0x3] =	stream.indirect.gather [hbm4b:s8+s15], $0x40, s9, s15, $0xb8;
	[tilespmem:$0x1B640] =	vst v63  }
0x120: {  	_ = 	snop  }
0x121: {  	[spmem:s2] =	stream.indirect.scatter.add.f32 [tilespmem:s16], [sflag:$0x5], $0x40, s24, s15, $0xb8;
	[tilespmem:$0x1B640] =	vst v63  }
0x122: {  	_ =	swait.ge [sflag:s12], $0x3E80  }
0x123: {  	[sflag:s12] =	ssyncset.done $0x0  }
0x124: {  	[sflag:s12] =	ssyncadd.s32 $0xFFFFC180  }
0x125: {  	_ =	swait.ge [sflag:s20], $0x3E80  }
0x126: {  	[sflag:s20] =	ssyncset.done $0x0  }
0x127: {  	[sflag:s20] =	ssyncadd.s32 $0xFFFFC180  }
0x128: {  	[tilespmem:s21], [sflag:$0x4] =	stream.indirect.gather [hbm4b:s8+s15], $0x40, s25, s15, $0xb8;
	[tilespmem:$0x1B640] =	vst v63  }
0x129: {  	_ = 	snop  }
0x12a: {  	[spmem:s2] =	stream.indirect.scatter.add.f32 [tilespmem:s17], [sflag:$0x5], $0x40, s26, s15, $0xb8;
	[tilespmem:$0x1B640] =	vst v63  }
0x12b: {  	_ =	swait.ge [sflag:s12], $0x3E80  }
0x12c: {  	[sflag:s12] =	ssyncset.done $0x0  }
0x12d: {  	[sflag:s12] =	ssyncadd.s32 $0xFFFFC180  }
0x12e: {  	_ =	swait.ge [sflag:s22], $0x3E80  }
0x12f: {  	[sflag:s22] =	ssyncset.done $0x0  }
0x130: {  	[sflag:s22] =	ssyncadd.s32 $0xFFFFC180  }
0x131: {  	[tilespmem:s16], [sflag:$0x1] =	stream.indirect.gather [hbm4b:s8+s15], $0x40, s28, s15, $0xb8;
	[tilespmem:$0x1B640] =	vst v63  }
0x132: {  	_ = 	snop  }
0x133: {  	[spmem:s2] =	stream.indirect.scatter.add.f32 [tilespmem:s19], [sflag:$0x5], $0x40, s29, s15, $0xb8;
	[tilespmem:$0x1B640] =	vst v63  }
0x134: {  	_ =	swait.ge [sflag:s12], $0x3E80  }
0x135: {  	[sflag:s12] =	ssyncset.done $0x0  }
0x136: {  	[sflag:s12] =	ssyncadd.s32 $0xFFFFC180  }
0x137: {  	_ =	swait.ge [sflag:s23], $0x3E80  }
0x138: {  	[sflag:s23] =	ssyncset.done $0x0  }
0x139: {  	[sflag:s23] =	ssyncadd.s32 $0xFFFFC180  }
0x13a: {  	[tilespmem:s17], [sflag:$0x2] =	stream.indirect.gather [hbm4b:s8+s15], $0x40, s30, s15, $0xb8;
	[tilespmem:$0x1B640] =	vst v63  }
0x13b: {  	_ = 	snop  }
0x13c: {  	[spmem:s2] =	stream.indirect.scatter.add.f32 [tilespmem:s21], [sflag:$0x5], $0x40, s31, s15, $0xb8;
	[tilespmem:$0x1B640] =	vst v63  }
0x13d: {  	_ =	swait.ge [sflag:s12], $0x3E80  }
0x13e: {  	[sflag:s12] =	ssyncset.done $0x0  }
0x13f: {  	[sflag:s12] =	ssyncadd.s32 $0xFFFFC180  }
0x140: {  	_ =	swait.ge [sflag:s18], $0x3E80  }
0x141: {  	[sflag:s18] =	ssyncset.done $0x0  }
0x142: {  	[sflag:s18] =	ssyncadd.s32 $0xFFFFC180  }
0x143: {  	[tilespmem:s19], [sflag:$0x3] =	stream.indirect.gather [hbm4b:s8+s15], $0x40, s0, s15, $0xb8;
	[tilespmem:$0x1B640] =	vst v63  }
0x144: {  	_ = 	snop  }
0x145: {  	[spmem:s2] =	stream.indirect.scatter.add.f32 [tilespmem:s16], [sflag:$0x5], $0x40, s1, s15, $0xb8;
	[tilespmem:$0x1B640] =	vst v63  }
0x146: {  	_ =	swait.ge [sflag:s12], $0x3E80  }
0x147: {  	[sflag:s12] =	ssyncset.done $0x0  }
0x148: {  	[sflag:s12] =	ssyncadd.s32 $0xFFFFC180  }
0x149: {  	_ =	swait.ge [sflag:s20], $0x3E80  }
0x14a: {  	[sflag:s20] =	ssyncset.done $0x0  }
0x14b: {  	[sflag:s20] =	ssyncadd.s32 $0xFFFFC180  }
0x14c: {  	[tilespmem:s21], [sflag:$0x4] =	stream.indirect.gather [hbm4b:s8+s15], $0x40, s5, s15, $0xb8;
	[tilespmem:$0x1B640] =	vst v63  }
0x14d: {  	_ = 	snop  }
0x14e: {  	[spmem:s2] =	stream.indirect.scatter.add.f32 [tilespmem:s17], [sflag:$0x5], $0x40, s7, s15, $0xb8;
	[tilespmem:$0x1B640] =	vst v63  }
0x14f: {  	_ =	swait.ge [sflag:s12], $0x3E80  }
0x150: {  	[sflag:s12] =	ssyncset.done $0x0  }
0x151: {  	[sflag:s12] =	ssyncadd.s32 $0xFFFFC180  }
0x152: {  	_ =	swait.ge [sflag:s22], $0x3E80  }
0x153: {  	[sflag:s22] =	ssyncset.done $0x0  }
0x154: {  	[sflag:s22] =	ssyncadd.s32 $0xFFFFC180  }
0x155: {  	[spmem:s2] =	stream.indirect.scatter.add.f32 [tilespmem:s19], [sflag:$0x5], $0x40, s10, s15, $0xb8;
	[tilespmem:$0x1B640] =	vst v63  }
0x156: {  	_ =	swait.ge [sflag:s12], $0x3E80  }
0x157: {  	[sflag:s12] =	ssyncset.done $0x0  }
0x158: {  	[sflag:s12] =	ssyncadd.s32 $0xFFFFC180  }
0x159: {  	p1 =	sne.s32 s13, $0x800;
	_ =	swait.ge [sflag:s23], $0x3E80  }
.Ltmp0:
0x15a: {  	[sflag:s23] =	ssyncset.done $0x0;
	(pc) =	sbr.rel @p1 .LBB2_2-.Ltmp0, $4  }
0x15b: {  	[sflag:s23] =	ssyncadd.s32 $0xFFFFC180  }
0x15c: {  	[spmem:s2] =	stream.indirect.scatter.add.f32 [tilespmem:s21], [sflag:$0x5], $0x40, s4, s15, $0xb8;
	[tilespmem:$0x1B640] =	vst v63  }
0x15d: {  	_ =	swait.ge [sflag:s12], $0x3E80  }
0x15e: {  	s13 =	sadd.s32 $0x200, s13;
	s6 =	rddreg [dreg:$0x5];
	[sflag:s12] =	ssyncset.done $0x0  }
0x15f: {  	[sflag:s12] =	ssyncadd.s32 $0xFFFFC180;
	s6 =	sadd.s32 s11, s6  }
0x160: {  	[tilespmem:s3], [sflag:$0x5] =	stream.linear.gather [hbm4b:s6+s3], $0x1000, $0x38;
	[tilespmem:$0x1B640] =	vst v63  }
0x161: {  	_ =	swait.ge [sflag:s12], $0x1000  }
0x162: {  	s13 =	rddreg [dreg:$0x4];
	[sflag:s12] =	ssyncset.done $0x0  }
0x163: {  	[sflag:s12] =	ssyncadd.s32 $0xFFFFF000;
	s6 =	sadd.s32 s11, s13  }
0x164: {  	[tilespmem:s14], [sflag:$0x5] =	stream.linear.gather [hbm4b:s6+s3], $0x1000, $0x38;
	[tilespmem:$0x1B640] =	vst v63  }
0x165: {  	_ =	swait.ge [sflag:s12], $0x1000  }
0x166: {  	[sflag:s12] =	ssyncset.done $0x0  }
0x167: {  	[sflag:s12] =	ssyncadd.s32 $0xFFFFF000  }
0x168: {  	[tilespmem:s16], [sflag:$0x1] =	stream.indirect.gather [hbm4b:s8+s15], $0x40, s3, s15, $0xb8;
	[tilespmem:$0x1B640] =	vst v63  }
0x169: {  	s9 =	rddreg [dreg:$0x6]  }
0x16a: {  	[tilespmem:s17], [sflag:$0x2] =	stream.indirect.gather [hbm4b:s8+s15], $0x40, s9, s15, $0xb8;
	[tilespmem:$0x1B640] =	vst v63  }
0x16b: {  	_ =	swait.ge [sflag:s18], $0x3E80  }
0x16c: {  	[sflag:s18] =	ssyncset.done $0x0  }
0x16d: {  	s11 =	rddreg [dreg:$0x7];
	[sflag:s18] =	ssyncadd.s32 $0xFFFFC180  }
0x16e: {  	[tilespmem:s19], [sflag:$0x3] =	stream.indirect.gather [hbm4b:s8+s15], $0x40, s11, s15, $0xb8;
	[tilespmem:$0x1B640] =	vst v63  }
0x16f: {  	_ = 	snop  }
0x170: {  	[spmem:s2] =	stream.indirect.scatter.add.f32 [tilespmem:s16], [sflag:$0x5], $0x40, s14, s15, $0xb8;
	[tilespmem:$0x1B640] =	vst v63  }
0x171: {  	_ =	swait.ge [sflag:s12], $0x3E80  }
0x172: {  	[sflag:s12] =	ssyncset.done $0x0  }
0x173: {  	[sflag:s12] =	ssyncadd.s32 $0xFFFFC180  }
0x174: {  	_ =	swait.ge [sflag:s20], $0x3E80  }
0x175: {  	[sflag:s20] =	ssyncset.done $0x0  }
0x176: {  	s13 =	rddreg [dreg:$0x8];
	[sflag:s20] =	ssyncadd.s32 $0xFFFFC180  }
0x177: {  	[tilespmem:s21], [sflag:$0x4] =	stream.indirect.gather [hbm4b:s8+s15], $0x40, s13, s15, $0xb8;
	[tilespmem:$0x1B640] =	vst v63  }
0x178: {  	s9 =	rddreg [dreg:$0x9]  }
0x179: {  	[spmem:s2] =	stream.indirect.scatter.add.f32 [tilespmem:s17], [sflag:$0x5], $0x40, s9, s15, $0xb8;
	[tilespmem:$0x1B640] =	vst v63  }
0x17a: {  	_ =	swait.ge [sflag:s12], $0x3E80  }
0x17b: {  	[sflag:s12] =	ssyncset.done $0x0  }
0x17c: {  	[sflag:s12] =	ssyncadd.s32 $0xFFFFC180  }
0x17d: {  	_ =	swait.ge [sflag:s22], $0x3E80  }
0x17e: {  	[sflag:s22] =	ssyncset.done $0x0  }
0x17f: {  	s11 =	rddreg [dreg:$0xa];
	[sflag:s22] =	ssyncadd.s32 $0xFFFFC180  }
0x180: {  	[tilespmem:s16], [sflag:$0x1] =	stream.indirect.gather [hbm4b:s8+s15], $0x40, s11, s15, $0xb8;
	[tilespmem:$0x1B640] =	vst v63  }
0x181: {  	s13 =	rddreg [dreg:$0xb]  }
0x182: {  	[spmem:s2] =	stream.indirect.scatter.add.f32 [tilespmem:s19], [sflag:$0x5], $0x40, s13, s15, $0xb8;
	[tilespmem:$0x1B640] =	vst v63  }
0x183: {  	_ =	swait.ge [sflag:s12], $0x3E80  }
0x184: {  	[sflag:s12] =	ssyncset.done $0x0  }
0x185: {  	[sflag:s12] =	ssyncadd.s32 $0xFFFFC180  }
0x186: {  	_ =	swait.ge [sflag:s23], $0x3E80  }
0x187: {  	[sflag:s23] =	ssyncset.done $0x0  }
0x188: {  	s11 =	rddreg [dreg:$0xc];
	[sflag:s23] =	ssyncadd.s32 $0xFFFFC180  }
0x189: {  	[tilespmem:s17], [sflag:$0x2] =	stream.indirect.gather [hbm4b:s8+s15], $0x40, s11, s15, $0xb8;
	[tilespmem:$0x1B640] =	vst v63  }
0x18a: {  	s13 =	rddreg [dreg:$0xd]  }
0x18b: {  	[spmem:s2] =	stream.indirect.scatter.add.f32 [tilespmem:s21], [sflag:$0x5], $0x40, s13, s15, $0xb8;
	[tilespmem:$0x1B640] =	vst v63  }
0x18c: {  	_ =	swait.ge [sflag:s12], $0x3E80  }
0x18d: {  	[sflag:s12] =	ssyncset.done $0x0  }
0x18e: {  	[sflag:s12] =	ssyncadd.s32 $0xFFFFC180  }
0x18f: {  	_ =	swait.ge [sflag:s18], $0x3E80  }
0x190: {  	[sflag:s18] =	ssyncset.done $0x0  }
0x191: {  	s11 =	rddreg [dreg:$0xe];
	[sflag:s18] =	ssyncadd.s32 $0xFFFFC180  }
0x192: {  	[tilespmem:s19], [sflag:$0x3] =	stream.indirect.gather [hbm4b:s8+s15], $0x40, s11, s15, $0xb8;
	[tilespmem:$0x1B640] =	vst v63  }
0x193: {  	s13 =	rddreg [dreg:$0xf]  }
0x194: {  	[spmem:s2] =	stream.indirect.scatter.add.f32 [tilespmem:s16], [sflag:$0x5], $0x40, s13, s15, $0xb8;
	[tilespmem:$0x1B640] =	vst v63  }
0x195: {  	_ =	swait.ge [sflag:s12], $0x3E80  }
0x196: {  	[sflag:s12] =	ssyncset.done $0x0  }
0x197: {  	[sflag:s12] =	ssyncadd.s32 $0xFFFFC180  }
0x198: {  	_ =	swait.ge [sflag:s20], $0x3E80  }
0x199: {  	[sflag:s20] =	ssyncset.done $0x0  }
0x19a: {  	s11 =	rddreg [dreg:$0x10];
	[sflag:s20] =	ssyncadd.s32 $0xFFFFC180  }
0x19b: {  	[tilespmem:s21], [sflag:$0x4] =	stream.indirect.gather [hbm4b:s8+s15], $0x40, s11, s15, $0xb8;
	[tilespmem:$0x1B640] =	vst v63  }
0x19c: {  	s13 =	rddreg [dreg:$0x11]  }
0x19d: {  	[spmem:s2] =	stream.indirect.scatter.add.f32 [tilespmem:s17], [sflag:$0x5], $0x40, s13, s15, $0xb8;
	[tilespmem:$0x1B640] =	vst v63  }
0x19e: {  	_ =	swait.ge [sflag:s12], $0x3E80  }
0x19f: {  	[sflag:s12] =	ssyncset.done $0x0  }
0x1a0: {  	[sflag:s12] =	ssyncadd.s32 $0xFFFFC180  }
0x1a1: {  	_ =	swait.ge [sflag:s22], $0x3E80  }
0x1a2: {  	[sflag:s22] =	ssyncset.done $0x0  }
0x1a3: {  	s11 =	rddreg [dreg:$0x12];
	[sflag:s22] =	ssyncadd.s32 $0xFFFFC180  }
0x1a4: {  	[tilespmem:s16], [sflag:$0x1] =	stream.indirect.gather [hbm4b:s8+s15], $0x40, s11, s15, $0xb8;
	[tilespmem:$0x1B640] =	vst v63  }
0x1a5: {  	s13 =	rddreg [dreg:$0x13]  }
0x1a6: {  	[spmem:s2] =	stream.indirect.scatter.add.f32 [tilespmem:s19], [sflag:$0x5], $0x40, s13, s15, $0xb8;
	[tilespmem:$0x1B640] =	vst v63  }
0x1a7: {  	_ =	swait.ge [sflag:s12], $0x3E80  }
0x1a8: {  	[sflag:s12] =	ssyncset.done $0x0  }
0x1a9: {  	[sflag:s12] =	ssyncadd.s32 $0xFFFFC180  }
0x1aa: {  	_ =	swait.ge [sflag:s23], $0x3E80  }
0x1ab: {  	[sflag:s23] =	ssyncset.done $0x0  }
0x1ac: {  	s11 =	rddreg [dreg:$0x14];
	[sflag:s23] =	ssyncadd.s32 $0xFFFFC180  }
0x1ad: {  	[tilespmem:s17], [sflag:$0x2] =	stream.indirect.gather [hbm4b:s8+s15], $0x40, s11, s15, $0xb8;
	[tilespmem:$0x1B640] =	vst v63  }
0x1ae: {  	s13 =	rddreg [dreg:$0x15]  }
0x1af: {  	[spmem:s2] =	stream.indirect.scatter.add.f32 [tilespmem:s21], [sflag:$0x5], $0x40, s13, s15, $0xb8;
	[tilespmem:$0x1B640] =	vst v63  }
0x1b0: {  	_ =	swait.ge [sflag:s12], $0x3E80  }
0x1b1: {  	[sflag:s12] =	ssyncset.done $0x0  }
0x1b2: {  	[sflag:s12] =	ssyncadd.s32 $0xFFFFC180  }
0x1b3: {  	_ =	swait.ge [sflag:s18], $0x3E80  }
0x1b4: {  	[sflag:s18] =	ssyncset.done $0x0  }
0x1b5: {  	s11 =	rddreg [dreg:$0x16];
	[sflag:s18] =	ssyncadd.s32 $0xFFFFC180  }
0x1b6: {  	[tilespmem:s19], [sflag:$0x3] =	stream.indirect.gather [hbm4b:s8+s15], $0x40, s11, s15, $0xb8;
	[tilespmem:$0x1B640] =	vst v63  }
0x1b7: {  	_ = 	snop  }
0x1b8: {  	[spmem:s2] =	stream.indirect.scatter.add.f32 [tilespmem:s16], [sflag:$0x5], $0x40, s24, s15, $0xb8;
	[tilespmem:$0x1B640] =	vst v63  }
0x1b9: {  	_ =	swait.ge [sflag:s12], $0x3E80  }
0x1ba: {  	[sflag:s12] =	ssyncset.done $0x0  }
0x1bb: {  	[sflag:s12] =	ssyncadd.s32 $0xFFFFC180  }
0x1bc: {  	_ =	swait.ge [sflag:s20], $0x3E80  }
0x1bd: {  	[sflag:s20] =	ssyncset.done $0x0  }
0x1be: {  	[sflag:s20] =	ssyncadd.s32 $0xFFFFC180  }
0x1bf: {  	[tilespmem:s21], [sflag:$0x4] =	stream.indirect.gather [hbm4b:s8+s15], $0x40, s25, s15, $0xb8;
	[tilespmem:$0x1B640] =	vst v63  }
0x1c0: {  	_ = 	snop  }
0x1c1: {  	[spmem:s2] =	stream.indirect.scatter.add.f32 [tilespmem:s17], [sflag:$0x5], $0x40, s26, s15, $0xb8;
	[tilespmem:$0x1B640] =	vst v63  }
0x1c2: {  	_ =	swait.ge [sflag:s12], $0x3E80  }
0x1c3: {  	[sflag:s12] =	ssyncset.done $0x0  }
0x1c4: {  	[sflag:s12] =	ssyncadd.s32 $0xFFFFC180  }
0x1c5: {  	_ =	swait.ge [sflag:s22], $0x3E80  }
0x1c6: {  	[sflag:s22] =	ssyncset.done $0x0  }
0x1c7: {  	[sflag:s22] =	ssyncadd.s32 $0xFFFFC180  }
0x1c8: {  	[tilespmem:s16], [sflag:$0x1] =	stream.indirect.gather [hbm4b:s8+s15], $0x40, s28, s15, $0xb8;
	[tilespmem:$0x1B640] =	vst v63  }
0x1c9: {  	_ = 	snop  }
0x1ca: {  	[spmem:s2] =	stream.indirect.scatter.add.f32 [tilespmem:s19], [sflag:$0x5], $0x40, s29, s15, $0xb8;
	[tilespmem:$0x1B640] =	vst v63  }
0x1cb: {  	_ =	swait.ge [sflag:s12], $0x3E80  }
0x1cc: {  	[sflag:s12] =	ssyncset.done $0x0  }
0x1cd: {  	[sflag:s12] =	ssyncadd.s32 $0xFFFFC180  }
0x1ce: {  	_ =	swait.ge [sflag:s23], $0x3E80  }
0x1cf: {  	[sflag:s23] =	ssyncset.done $0x0  }
0x1d0: {  	[sflag:s23] =	ssyncadd.s32 $0xFFFFC180  }
0x1d1: {  	[tilespmem:s17], [sflag:$0x2] =	stream.indirect.gather [hbm4b:s8+s15], $0x40, s30, s15, $0xb8;
	[tilespmem:$0x1B640] =	vst v63  }
0x1d2: {  	_ = 	snop  }
0x1d3: {  	[spmem:s2] =	stream.indirect.scatter.add.f32 [tilespmem:s21], [sflag:$0x5], $0x40, s31, s15, $0xb8;
	[tilespmem:$0x1B640] =	vst v63  }
0x1d4: {  	_ =	swait.ge [sflag:s12], $0x3E80  }
0x1d5: {  	[sflag:s12] =	ssyncset.done $0x0  }
0x1d6: {  	[sflag:s12] =	ssyncadd.s32 $0xFFFFC180  }
0x1d7: {  	_ =	swait.ge [sflag:s18], $0x3E80  }
0x1d8: {  	[sflag:s18] =	ssyncset.done $0x0  }
0x1d9: {  	[sflag:s18] =	ssyncadd.s32 $0xFFFFC180  }
0x1da: {  	[tilespmem:s19], [sflag:$0x3] =	stream.indirect.gather [hbm4b:s8+s15], $0x40, s0, s15, $0xb8;
	[tilespmem:$0x1B640] =	vst v63  }
0x1db: {  	_ = 	snop  }
0x1dc: {  	[spmem:s2] =	stream.indirect.scatter.add.f32 [tilespmem:s16], [sflag:$0x5], $0x40, s1, s15, $0xb8;
	[tilespmem:$0x1B640] =	vst v63  }
0x1dd: {  	_ =	swait.ge [sflag:s12], $0x3E80  }
0x1de: {  	[sflag:s12] =	ssyncset.done $0x0  }
0x1df: {  	[sflag:s12] =	ssyncadd.s32 $0xFFFFC180  }
0x1e0: {  	_ =	swait.ge [sflag:s20], $0x3E80  }
0x1e1: {  	[sflag:s20] =	ssyncset.done $0x0  }
0x1e2: {  	[sflag:s20] =	ssyncadd.s32 $0xFFFFC180  }
0x1e3: {  	[tilespmem:s21], [sflag:$0x4] =	stream.indirect.gather [hbm4b:s8+s15], $0x40, s5, s15, $0xb8;
	[tilespmem:$0x1B640] =	vst v63  }
0x1e4: {  	_ = 	snop  }
0x1e5: {  	[spmem:s2] =	stream.indirect.scatter.add.f32 [tilespmem:s17], [sflag:$0x5], $0x40, s7, s15, $0xb8;
	[tilespmem:$0x1B640] =	vst v63  }
0x1e6: {  	_ =	swait.ge [sflag:s12], $0x3E80  }
0x1e7: {  	[sflag:s12] =	ssyncset.done $0x0  }
0x1e8: {  	[sflag:s12] =	ssyncadd.s32 $0xFFFFC180  }
0x1e9: {  	_ =	swait.ge [sflag:s22], $0x3E80  }
0x1ea: {  	[sflag:s22] =	ssyncset.done $0x0  }
0x1eb: {  	[sflag:s22] =	ssyncadd.s32 $0xFFFFC180  }
0x1ec: {  	[spmem:s2] =	stream.indirect.scatter.add.f32 [tilespmem:s19], [sflag:$0x5], $0x40, s10, s15, $0xb8;
	[tilespmem:$0x1B640] =	vst v63  }
0x1ed: {  	_ =	swait.ge [sflag:s12], $0x3E80  }
0x1ee: {  	[sflag:s12] =	ssyncset.done $0x0  }
0x1ef: {  	[sflag:s12] =	ssyncadd.s32 $0xFFFFC180  }
0x1f0: {  	_ =	swait.ge [sflag:s23], $0x3E80  }
0x1f1: {  	[sflag:s23] =	ssyncset.done $0x0  }
0x1f2: {  	[sflag:s23] =	ssyncadd.s32 $0xFFFFC180  }
0x1f3: {  	[spmem:s2] =	stream.indirect.scatter.add.f32 [tilespmem:s21], [sflag:$0x5], $0x40, s4, s15, $0xb8;
	[tilespmem:$0x1B640] =	vst v63  }
0x1f4: {  	_ =	swait.ge [sflag:s12], $0x3E80  }
0x1f5: {  	[sflag:s12] =	ssyncset.done $0x0  }
0x1f6: {  	[sflag:s12] =	ssyncadd.s32 $0xFFFFC180  }
0x1f7: {  	[bflag:$0x0] =	sbarrier.arrive $0xFFFF  }
0x1f8: {  	s13 =	rddreg [dreg:$0x17]  }
0x1f9: {  	s9 =	rddreg [dreg:$0x1b]  }
0x1fa: {  	s11 =	rddreg [dreg:$0x1d]  }
0x1fb: {  	s6 =	sadd.s32 s13, s9;
	s13 =	rddreg [dreg:$0x19]  }
0x1fc: {  	[hbm:s6], [sflag:s13] =	dma.local [spmem:s11], $0x1380  }
0x1fd: {  	_ =	swait.ge [sflag:s12], $0x1380  }
0x1fe: {  	s6 =	sadd.s32 @!p0 $0x13800, s9;
	[sflag:s12] =	ssyncset.done $0x0  }
0x1ff: {  	s9 =	simm.s32 @!p0 $0x5;
	s11 =	rddreg [dreg:$0x1e];
	[sflag:s12] =	ssyncadd.s32 $0xFFFFEC80  }
0x200: {  	[hbm:s6], [sflag:s13] =	dma.local @!p0 [spmem:s11], $0x80  }
0x201: {  	_ =	swait.ge @!p0 [sflag:s9], $0x80  }
0x202: {  	s6 =	rddreg [dreg:$0x1f]  }
0x203: {  	[sflag:s9] =	ssyncset.done @!p0 $0x0;
	s9 =	rddreg [dreg:$0x1c];
	s6 =	sadd.s32 $0x1, s6  }
0x204: {  	p1 =	sne.s32 s6, s9  }
.Ltmp1:
0x205: {  	_ = 	snop;
	(pc) =	sbr.rel @p1 .LBB2_1-.Ltmp1, $3  }
0x206: {  	_ =	sdelay $0x1  }
0x207: {  	[dreg:$0x1f] =	wrdreg s6;
	s6 =	simm.s32 @!p0 $0x5  }
0x208: {  	s9 =	smov.u32 s11;
	s11 =	rddreg [dreg:$0x1d];
	[sflag:s6] =	ssyncadd.s32 @!p0 $0xFFFFFF80  }
0x209: {  	_ =	sfence.sel $0x180000  }
0x20a: {  	[bflag:$0x0] =	sbarrier.arrive $0xFFFF  }
0x20b: {  	_ =	strace $0x9000004A  }
0x20c: {  	s0 =	stileid.u32;
	[bflag:$0x2] =	sbarrier.arrive $0xFFFF  }
0x20d: {  	p0 =	sne.s32 s0, $0x0;
	s0 =	rddreg [dreg:$0x3]  }
0x20e: {  	s0 =	sadd.s32 @!p0 $0x100000, s0  }
0x20f: {  	[sflag:s0] =	ssyncadd.tile.s32 @!p0 $0x1;
	_ =	shalt  }
.Lfunc_end2:
_tile_overlayer_lowered:
.L_overlay_start_2:
0x210: {  	(tag) =	ssettag $0x2  }
0x211: {  	s0 =	rddreg [dreg:$0x0];
	s2 =	stileid.u32  }
0x212: {  	s1 =	rddreg [dreg:$0x1];
	p0 =	sne.s32 s2, $0x0  }
0x213: {  	s3 =	rddreg [dreg:$0x2];
	[bflag:$0x3] =	sbarrier.arrive $0xFFFF;
	s2 =	simm.s32 @!p0 $0x1C05  }
0x214: {  	[timem:s3], [sflag:s2] =	dma.local @!p0 [hbm:s0], s1  }
0x215: {  	s0 =	simm.s32 @!p0 $0x5  }
0x216: {  	_ =	swait.ge @!p0 [sflag:s0], s1  }
0x217: {  	s1 =	ssub.s32 @!p0 $0x0, s1;
	[sflag:s0] =	ssyncset.done @!p0 $0x0  }
0x218: {  	[sflag:s0] =	ssyncadd.s32 @!p0 s1  }
0x219: {  	[bflag:$0x3] =	sbarrier.arrive $0xFFFF  }
0x21a: {  	_ =	shalt  }

</sc_bundles>
